<compile_context>
chip_gen: v7x
topology: tpu7x:2x2x1
jax: 0.10.2.dev20260603
libtpu: 0.0.44.dev20260713+nightly
codegen_flags: <defaults>
</compile_context>

<pallas_src>
import jax
import jax.numpy as jnp
from jax import lax
from jax.experimental import pallas as pl
from jax.experimental.pallas import tpu as pltpu
from jax.experimental.pallas import tpu_sc as plsc

NC, NS, L = 2, 16, 16
NW = NC * NS
B, C, H, W = 32, 3, 512, 512
GH, GW = 8, 8
TH, TW = H // GH, W // GW
NBINS = 256
NPIX = TH * TW
NIMG = B * C
IPW = NIMG // NW
CLIP_VAL = 64.0
HB = 32
NHB = H // HB
def _unpack_bins(w):
    return (w & 255,
            lax.shift_right_logical(w, 8) & 255,
            lax.shift_right_logical(w, 16) & 255,
            lax.shift_right_logical(w, 24))


def _clahe_body(x_hbm, out_hbm, xh_v, ob_v, bins_v, sub_v, hist_v, lut_v,
                co0_v, co1_v, wx_v):
    wid = lax.axis_index("s") * NC + lax.axis_index("c")
    lanes = lax.iota(jnp.int32, L)
    laneoff = lanes * NBINS
    ones = jnp.ones((L,), jnp.float32)
    zeros = jnp.zeros((L,), jnp.float32)

    def col_body(k, _):
        xpos = (k * L + lanes).astype(jnp.float32)
        tx = (xpos + 0.5) * (1.0 / TW) - 0.5
        x0i = (tx + 1.0).astype(jnp.int32) - 1
        x0 = jnp.clip(x0i, 0, GW - 1)
        x1 = jnp.clip(x0i + 1, 0, GW - 1)
        co0_v[pl.ds(k * L, L)] = x0 * NBINS
        co1_v[pl.ds(k * L, L)] = x1 * NBINS
        wx_v[pl.ds(k * L, L)] = tx - x0i.astype(jnp.float32)
        return 0
    lax.fori_loop(0, W // L, col_body, 0)

    def z_body(i, _):
        sub_v[pl.ds(i * L, L)] = zeros
        return 0
    lax.fori_loop(0, (NBINS * L) // L, z_body, 0)

    for il in range(IPW):
        img = wid * IPW + il
        bi = img // C
        ci = img % C

        def hb_in_body(hb, _):
            pltpu.sync_copy(x_hbm.at[bi, ci, pl.ds(hb * HB, HB), :], xh_v)

            @plsc.parallel_loop(0, HB * (W // 64), unroll=2)
            def _(i):
                r = i // (W // 64)
                g = i % (W // 64)
                base = g * 64
                bns = []
                for j in range(4):
                    xv = xh_v[r, pl.ds(base + j * L, L)]
                    t = xv * (1.0 / 255.0) * 256.0
                    bns.append(jnp.clip(t.astype(jnp.int32), 0, NBINS - 1))
                p = (bns[0]
                     | lax.shift_left(bns[1], 8)
                     | lax.shift_left(bns[2], 16)
                     | lax.shift_left(bns[3], 24))
                bins_v[pl.ds((hb * HB + r) * (W // 4) + g * L, L)] = p
            return 0
        lax.fori_loop(0, NHB, hb_in_body, 0)

        def band_body(band, _):
            def tile_body(tc, _):
                @plsc.parallel_loop(0, TH, unroll=2)
                def _(r):
                    off = (band * TH + r) * (W // 4) + tc * (TW // 4)
                    for bn in _unpack_bins(bins_v[pl.ds(off, L)]):
                        plsc.addupdate_scatter(sub_v, [bn + laneoff], ones)

                def red_body(cc, sacc):
                    acc = sub_v[pl.ds(cc * L, L)]
                    sub_v[pl.ds(cc * L, L)] = zeros
                    for l in range(1, L):
                        acc = acc + sub_v[pl.ds(l * NBINS + cc * L, L)]
                        sub_v[pl.ds(l * NBINS + cc * L, L)] = zeros
                    cl = jnp.minimum(acc, CLIP_VAL)
                    hist_v[pl.ds(cc * L, L)] = cl
                    return sacc + cl
                sacc = plsc.parallel_loop(
                    0, NBINS // L, carry=zeros)(
                        lambda cc, sacc: red_body(cc, sacc))
                exc = (jnp.float32(NPIX) - jnp.sum(sacc)) * (1.0 / NBINS)

                def lut_body(cc, carry):
                    h = hist_v[pl.ds(cc * L, L)] + exc
                    cs = plsc.cumsum(h) + carry
                    lut = (cs * 255.0 * (1.0 / NPIX)).astype(jnp.int32)
                    lutf = jnp.clip(lut.astype(jnp.float32), 0.0, 255.0)
                    lut_v[pl.ds((band * GW + tc) * NBINS + cc * L, L)] = lutf
                    return carry + jnp.sum(h)
                plsc.parallel_loop(
                    0, NBINS // L, carry=jnp.float32(0.0))(
                        lambda cc, carry: lut_body(cc, carry))
                return 0
            lax.fori_loop(0, GW, tile_body, 0)
            return 0
        lax.fori_loop(0, GH, band_body, 0)

        def hb_out_body(hb, _):
            def row_body(r, _):
                y = hb * HB + r
                ty = (y.astype(jnp.float32) + 0.5) * (1.0 / TH) - 0.5
                y0i = (ty + 1.0).astype(jnp.int32) - 1
                y0 = jnp.clip(y0i, 0, GH - 1)
                y1 = jnp.clip(y0i + 1, 0, GH - 1)
                wy = ty - y0i.astype(jnp.float32)
                ro0 = y0 * (GW * NBINS)
                ro1 = y1 * (GW * NBINS)

                @plsc.parallel_loop(0, W // 64, unroll=2)
                def _(g):
                    base = g * 64
                    bns = _unpack_bins(bins_v[pl.ds(y * (W // 4) + g * L, L)])
                    for j in range(4):
                        col = base + j * L
                        bn = bns[j]
                        s0 = bn + co0_v[pl.ds(col, L)]
                        s1 = bn + co1_v[pl.ds(col, L)]
                        wx = wx_v[pl.ds(col, L)]
                        v00 = plsc.load_gather(lut_v, [s0 + ro0])
                        v01 = plsc.load_gather(lut_v, [s1 + ro0])
                        v10 = plsc.load_gather(lut_v, [s0 + ro1])
                        v11 = plsc.load_gather(lut_v, [s1 + ro1])
                        omx = 1.0 - wx
                        interp = ((1.0 - wy) * (omx * v00 + wx * v01)
                                  + wy * (omx * v10 + wx * v11))
                        ob_v[r, pl.ds(col, L)] = interp * (1.0 / 255.0) * 255.0
                return 0
            lax.fori_loop(0, HB, row_body, 0)
            pltpu.sync_copy(ob_v, out_hbm.at[bi, ci, pl.ds(hb * HB, HB), :])
            return 0
        lax.fori_loop(0, NHB, hb_out_body, 0)


_calls = []


def _build_calls():
    mesh = plsc.VectorSubcoreMesh(core_axis_name="c", subcore_axis_name="s",
                                  num_cores=NC, num_subcores=NS)
    params = pltpu.CompilerParams(needs_layout_passes=False)
    clahe_call = pl.kernel(
        _clahe_body,
        out_type=jax.ShapeDtypeStruct((B, C, H, W), jnp.float32),
        mesh=mesh,
        compiler_params=params,
        scratch_types=[
            pltpu.VMEM((HB, W), jnp.float32),
            pltpu.VMEM((HB, W), jnp.float32),
            pltpu.VMEM((H * W // 4,), jnp.int32),
            pltpu.VMEM((NBINS * L,), jnp.float32),
            pltpu.VMEM((NBINS,), jnp.float32),
            pltpu.VMEM((GH * GW * NBINS,), jnp.float32),
            pltpu.VMEM((W,), jnp.int32),
            pltpu.VMEM((W,), jnp.int32),
            pltpu.VMEM((W,), jnp.float32),
        ],
    )
    _calls.append(clahe_call)


@jax.jit
def kernel(x):
    if not _calls:
        _build_calls()
    return _calls[0](x)

# --- scband reference (transcript-rebuilt; emitter-appended) ---
"""Pipeline reference for scband-clahe-40931038331422 (READ-ONLY COPY).

The authoritative reference and input builder live on the scoring server;
editing this copy changes nothing except your own understanding.
"""

import jax, jax.numpy as jnp
import numpy as np

CLIP_LIMIT = 4.0
GRID = (8, 8)
NBINS = 256


def clahe(x):
    # Faithful reimplementation of kornia.enhance.equalize_clahe semantics:
    # per-tile 256-bin histogram, clip + uniform redistribution, CDF -> LUT,
    # bilinear interpolation between the 4 neighboring tile LUTs per pixel.
    B, C, H, W = x.shape
    GH, GW = GRID
    th, tw = H // GH, W // GW
    npix = th * tw
    img = x / 255.0  # module does x / 255 before equalize_clahe
    bins = jnp.clip(jnp.floor(img * NBINS), 0, NBINS - 1).astype(jnp.int32)
    # ---- per-tile histograms via scatter-add ----
    tb = bins.reshape(B, C, GH, th, GW, tw).transpose(0, 2, 4, 1, 3, 5).reshape(-1, npix)
    T = tb.shape[0]  # B*GH*GW*C tiles
    tile_ids = jnp.arange(T, dtype=jnp.int32)[:, None]
    flat_idx = (tile_ids * NBINS + tb).reshape(-1)
    hist = jnp.zeros((T * NBINS,), jnp.float32).at[flat_idx].add(1.0).reshape(T, NBINS)
    # ---- clip + redistribute excess uniformly ----
    clip_val = jnp.maximum(CLIP_LIMIT * npix / NBINS, 1.0)
    clipped = jnp.minimum(hist, clip_val)
    excess = jnp.sum(hist - clipped, axis=-1, keepdims=True)
    hist_c = clipped + excess / NBINS
    # ---- CDF -> LUT ----
    cdf = jnp.cumsum(hist_c, axis=-1)
    luts = jnp.clip(jnp.floor((NBINS - 1) * cdf / npix), 0, NBINS - 1)
    luts = luts.reshape(B, GH, GW, C, NBINS)
    # ---- bilinear interpolation between neighboring tile LUTs ----
    ty = (jnp.arange(H, dtype=jnp.float32) + 0.5) / th - 0.5
    tx = (jnp.arange(W, dtype=jnp.float32) + 0.5) / tw - 0.5
    y0f = jnp.floor(ty)
    x0f = jnp.floor(tx)
    y0 = jnp.clip(y0f, 0, GH - 1).astype(jnp.int32)
    y1 = jnp.clip(y0f + 1, 0, GH - 1).astype(jnp.int32)
    x0 = jnp.clip(x0f, 0, GW - 1).astype(jnp.int32)
    x1 = jnp.clip(x0f + 1, 0, GW - 1).astype(jnp.int32)
    wy = (ty - y0f)[None, None, :, None]
    wx = (tx - x0f)[None, None, None, :]
    b_idx = jnp.arange(B)[:, None, None, None]
    c_idx = jnp.arange(C)[None, :, None, None]
    y0r = y0[None, None, :, None]
    y1r = y1[None, None, :, None]
    x0r = x0[None, None, None, :]
    x1r = x1[None, None, None, :]
    v00 = luts[b_idx, y0r, x0r, c_idx, bins]
    v01 = luts[b_idx, y0r, x1r, c_idx, bins]
    v10 = luts[b_idx, y1r, x0r, c_idx, bins]
    v11 = luts[b_idx, y1r, x1r, c_idx, bins]
    interp = (1.0 - wy) * ((1.0 - wx) * v00 + wx * v01) + wy * ((1.0 - wx) * v10 + wx * v11)
    out01 = interp / 255.0  # equalize_clahe returns image in [0, 1]
    return out01 * 255.0    # module multiplies back by 255


def setup_inputs(seed: int = 0) -> dict:
    key = jax.random.key(seed)
    # image intensities in [0, 255) matching fill=rand scaled by fill_max=255
    x = jax.random.uniform(key, (32, 3, 512, 512), dtype=jnp.float32) * 255.0
    return {"x": x}


def reference(x):
    return clahe(x)

if __name__ == "__main__":
    import jax
    _d = setup_inputs()
    print(jax.jit(kernel)(*tuple(_d.values())))

</pallas_src>

<mosaic_0001>
#map = affine_map<(d0, d1) -> (0, 0, 0, 0)>
module attributes {stable_mosaic.version = 14 : i64} {
  func.func @_clahe_body(%arg0: i32, %arg1: i32, %arg2: memref<32x3x512x512xf32, #tpu.memory_space<hbm>>, %arg3: memref<32x3x512x512xf32, #tpu.memory_space<hbm>>, %arg4: memref<32x512xf32, #tpu.memory_space<vmem>>, %arg5: memref<32x512xf32, #tpu.memory_space<vmem>>, %arg6: memref<65536xi32, #tpu.memory_space<vmem>>, %arg7: memref<4096xf32, #tpu.memory_space<vmem>>, %arg8: memref<256xf32, #tpu.memory_space<vmem>>, %arg9: memref<16384xf32, #tpu.memory_space<vmem>>, %arg10: memref<512xi32, #tpu.memory_space<vmem>>, %arg11: memref<512xi32, #tpu.memory_space<vmem>>, %arg12: memref<512xf32, #tpu.memory_space<vmem>>) attributes {dimension_semantics = [#tpu.dimension_semantics<core_parallel>, #tpu.dimension_semantics<subcore_parallel>], iteration_bounds = array<i64: 2, 16>, scalar_prefetch = 0 : i64, scratch_operands = 9 : i64, tpu.core_type = #tpu.core_type<sc_vector_subcore>, window_params = [{transform_indices = #map}, {transform_indices = #map}]} {
    %mul3A = arith.constant 2 : i32
    %mul3A_0 = arith.muli %arg1, %mul3A : i32
    %add3A = arith.addi %mul3A_0, %arg0 : i32
    %iota3A = tpu.iota {dimensions = array<i32: 0>} : vector<16xi32>
    %mul3A_1 = arith.constant 256 : i32
    %mul3A_2 = vector.broadcast %mul3A_1 : i32 to vector<16xi32>
    %mul3A_3 = arith.muli %iota3A, %mul3A_2 : vector<16xi32>
    %broadcast_in_dim3A = arith.constant 1.000000e+00 : f32
    %broadcast_in_dim3A_4 = vector.broadcast %broadcast_in_dim3A : f32 to vector<16xf32>
    %broadcast_in_dim3A_5 = arith.constant 0.000000e+00 : f32
    %broadcast_in_dim3A_6 = vector.broadcast %broadcast_in_dim3A_5 : f32 to vector<16xf32>
    %scan3A = arith.constant 0 : i32
    %scan3A_7 = arith.constant 0 : i32
    %scan3A_8 = arith.constant 32 : i32
    %scan3A_9 = arith.addi %scan3A_7, %scan3A_8 : i32
    %scan3A_10 = arith.constant 1 : i32
    %scan3A_11 = scf.for %scan3A_205 = %scan3A_7 to %scan3A_9 step %scan3A_10 iter_args(%scan3A_206 = %scan3A) -> (i32)  : i32 {
      %mul3A_207 = arith.constant 16 : i32
      %mul3A_208 = arith.muli %scan3A_205, %mul3A_207 : i32
      %add3A_209 = vector.broadcast %mul3A_208 : i32 to vector<16xi32>
      %add3A_210 = arith.addi %add3A_209, %iota3A : vector<16xi32>
      %convert_element_type3A = arith.sitofp %add3A_210 : vector<16xi32> to vector<16xf32>
      %add3A_211 = arith.constant 5.000000e-01 : f32
      %add3A_212 = vector.broadcast %add3A_211 : f32 to vector<16xf32>
      %add3A_213 = arith.addf %convert_element_type3A, %add3A_212 : vector<16xf32>
      %mul3A_214 = arith.constant 1.562500e-02 : f32
      %mul3A_215 = vector.broadcast %mul3A_214 : f32 to vector<16xf32>
      %mul3A_216 = arith.mulf %add3A_213, %mul3A_215 : vector<16xf32>
      %sub3A_217 = arith.constant 5.000000e-01 : f32
      %sub3A_218 = vector.broadcast %sub3A_217 : f32 to vector<16xf32>
      %sub3A_219 = arith.subf %mul3A_216, %sub3A_218 : vector<16xf32>
      %add3A_220 = arith.constant 1.000000e+00 : f32
      %add3A_221 = vector.broadcast %add3A_220 : f32 to vector<16xf32>
      %add3A_222 = arith.addf %sub3A_219, %add3A_221 : vector<16xf32>
      %convert_element_type3A_223 = arith.fptosi %add3A_222 : vector<16xf32> to vector<16xi32>
      %sub3A_224 = arith.constant 1 : i32
      %sub3A_225 = vector.broadcast %sub3A_224 : i32 to vector<16xi32>
      %sub3A_226 = arith.subi %convert_element_type3A_223, %sub3A_225 : vector<16xi32>
      %jit3A_227 = arith.constant 0 : i32
      %jit3A_228 = arith.constant 7 : i32
      %max3A = vector.broadcast %jit3A_227 : i32 to vector<16xi32>
      %max3A_229 = arith.maxsi %max3A, %sub3A_226 : vector<16xi32>
      %min3A = vector.broadcast %jit3A_228 : i32 to vector<16xi32>
      %min3A_230 = arith.minsi %min3A, %max3A_229 : vector<16xi32>
      %add3A_231 = arith.constant 1 : i32
      %add3A_232 = vector.broadcast %add3A_231 : i32 to vector<16xi32>
      %add3A_233 = arith.addi %sub3A_226, %add3A_232 : vector<16xi32>
      %jit3A_234 = arith.constant 0 : i32
      %jit3A_235 = arith.constant 7 : i32
      %max3A_236 = vector.broadcast %jit3A_234 : i32 to vector<16xi32>
      %max3A_237 = arith.maxsi %max3A_236, %add3A_233 : vector<16xi32>
      %min3A_238 = vector.broadcast %jit3A_235 : i32 to vector<16xi32>
      %min3A_239 = arith.minsi %min3A_238, %max3A_237 : vector<16xi32>
      %mul3A_240 = arith.constant 256 : i32
      %mul3A_241 = vector.broadcast %mul3A_240 : i32 to vector<16xi32>
      %mul3A_242 = arith.muli %min3A_230, %mul3A_241 : vector<16xi32>
      %mul3A_243 = arith.constant 16 : i32
      %mul3A_244 = arith.muli %scan3A_205, %mul3A_243 : i32
      %swap3A = arith.index_cast %mul3A_244 : i32 to index
      %swap3A_245 = tpu.vector_load %arg10[%swap3A] {strides = array<i32>} : memref<512xi32, #tpu.memory_space<vmem>>, vector<16xi32>,
      tpu.vector_store %arg10[%swap3A], %mul3A_242 {strides = array<i32>} : memref<512xi32, #tpu.memory_space<vmem>>, vector<16xi32>,
      %mul3A_246 = arith.constant 256 : i32
      %mul3A_247 = vector.broadcast %mul3A_246 : i32 to vector<16xi32>
      %mul3A_248 = arith.muli %min3A_239, %mul3A_247 : vector<16xi32>
      %mul3A_249 = arith.constant 16 : i32
      %mul3A_250 = arith.muli %scan3A_205, %mul3A_249 : i32
      %swap3A_251 = arith.index_cast %mul3A_250 : i32 to index
      %swap3A_252 = tpu.vector_load %arg11[%swap3A_251] {strides = array<i32>} : memref<512xi32, #tpu.memory_space<vmem>>, vector<16xi32>,
      tpu.vector_store %arg11[%swap3A_251], %mul3A_248 {strides = array<i32>} : memref<512xi32, #tpu.memory_space<vmem>>, vector<16xi32>,
      %convert_element_type3A_253 = arith.sitofp %sub3A_226 : vector<16xi32> to vector<16xf32>
      %sub3A_254 = arith.subf %sub3A_219, %convert_element_type3A_253 : vector<16xf32>
      %mul3A_255 = arith.constant 16 : i32
      %mul3A_256 = arith.muli %scan3A_205, %mul3A_255 : i32
      %swap3A_257 = arith.index_cast %mul3A_256 : i32 to index
      %swap3A_258 = tpu.vector_load %arg12[%swap3A_257] {strides = array<i32>} : memref<512xf32, #tpu.memory_space<vmem>>, vector<16xf32>,
      tpu.vector_store %arg12[%swap3A_257], %sub3A_254 {strides = array<i32>} : memref<512xf32, #tpu.memory_space<vmem>>, vector<16xf32>,
      %scan3A_259 = arith.constant 0 : i32
      scf.yield %scan3A_259 : i32
    }
    %scan3A_12 = arith.constant 32 : i32
    %scan3A_13 = arith.constant 0 : i32
    %scan3A_14 = arith.constant 0 : i32
    %scan3A_15 = arith.constant 256 : i32
    %scan3A_16 = arith.addi %scan3A_14, %scan3A_15 : i32
    %scan3A_17 = arith.constant 1 : i32
    %scan3A_18 = scf.for %scan3A_205 = %scan3A_14 to %scan3A_16 step %scan3A_17 iter_args(%scan3A_206 = %scan3A_13) -> (i32)  : i32 {
      %mul3A_207 = arith.constant 16 : i32
      %mul3A_208 = arith.muli %scan3A_205, %mul3A_207 : i32
      %swap3A = arith.index_cast %mul3A_208 : i32 to index
      %swap3A_209 = tpu.vector_load %arg7[%swap3A] {strides = array<i32>} : memref<4096xf32, #tpu.memory_space<vmem>>, vector<16xf32>,
      tpu.vector_store %arg7[%swap3A], %broadcast_in_dim3A_6 {strides = array<i32>} : memref<4096xf32, #tpu.memory_space<vmem>>, vector<16xf32>,
      %scan3A_210 = arith.constant 0 : i32
      scf.yield %scan3A_210 : i32
    }
    %scan3A_19 = arith.constant 256 : i32
    %mul3A_20 = arith.constant 3 : i32
    %mul3A_21 = arith.muli %add3A, %mul3A_20 : i32
    %add3A_22 = arith.constant 0 : i32
    %add3A_23 = arith.addi %mul3A_21, %add3A_22 : i32
    %jit3A = arith.constant 3 : i32
    %div3A = arith.divsi %add3A_23, %jit3A : i32
    %sign3A = arith.constant 0 : i32
    %sign3A_24 = arith.cmpi sgt, %add3A_23, %sign3A : i32
    %sign3A_25 = arith.extui %sign3A_24 : i1 to i32
    %sign3A_26 = arith.constant 0 : i32
    %sign3A_27 = arith.cmpi slt, %add3A_23, %sign3A_26 : i32
    %sign3A_28 = arith.extui %sign3A_27 : i1 to i32
    %sign3A_29 = arith.subi %sign3A_25, %sign3A_28 : i32
    %sign3A_30 = arith.constant 0 : i32
    %sign3A_31 = arith.cmpi sgt, %jit3A, %sign3A_30 : i32
    %sign3A_32 = arith.extui %sign3A_31 : i1 to i32
    %sign3A_33 = arith.constant 0 : i32
    %sign3A_34 = arith.cmpi slt, %jit3A, %sign3A_33 : i32
    %sign3A_35 = arith.extui %sign3A_34 : i1 to i32
    %sign3A_36 = arith.subi %sign3A_32, %sign3A_35 : i32
    %ne3A = arith.cmpi ne, %sign3A_29, %sign3A_36 : i32
    %rem3A = arith.remsi %add3A_23, %jit3A : i32
    %ne3A_37 = arith.constant 0 : i32
    %ne3A_38 = arith.cmpi ne, %rem3A, %ne3A_37 : i32
    %and3A = arith.andi %ne3A, %ne3A_38 : i1
    %sub3A = arith.constant 1 : i32
    %sub3A_39 = arith.subi %div3A, %sub3A : i32
    %select_n3A = arith.select %and3A, %sub3A_39, %div3A : i32
    %jit3A_40 = arith.constant 3 : i32
    %eq3A = arith.constant 0 : i32
    %eq3A_41 = arith.cmpi eq, %jit3A_40, %eq3A : i32
    %jit3A_42 = arith.constant 1 : i32
    %select_n3A_43 = arith.select %eq3A_41, %jit3A_42, %jit3A_40 : i32
    %rem3A_44 = arith.remsi %add3A_23, %select_n3A_43 : i32
    %ne3A_45 = arith.constant 0 : i32
    %ne3A_46 = arith.cmpi ne, %rem3A_44, %ne3A_45 : i32
    %lt3A = arith.constant 0 : i32
    %lt3A_47 = arith.cmpi slt, %rem3A_44, %lt3A : i32
    %lt3A_48 = arith.constant 0 : i32
    %lt3A_49 = arith.cmpi slt, %select_n3A_43, %lt3A_48 : i32
    %ne3A_50 = arith.xori %lt3A_47, %lt3A_49 : i1
    %and3A_51 = arith.andi %ne3A_50, %ne3A_46 : i1
    %add3A_52 = arith.addi %rem3A_44, %select_n3A_43 : i32
    %select_n3A_53 = arith.select %and3A_51, %add3A_52, %rem3A_44 : i32
    %scan3A_54 = arith.constant 0 : i32
    %scan3A_55 = arith.constant 0 : i32
    %scan3A_56 = arith.constant 16 : i32
    %scan3A_57 = arith.addi %scan3A_55, %scan3A_56 : i32
    %scan3A_58 = arith.constant 1 : i32
    %scan3A_59 = scf.for %scan3A_205 = %scan3A_55 to %scan3A_57 step %scan3A_58 iter_args(%scan3A_206 = %scan3A_54) -> (i32)  : i32 {
      %mul3A_207 = arith.constant 32 : i32
      %mul3A_208 = arith.muli %scan3A_205, %mul3A_207 : i32
      "tpu.region"() ({
        %run_scoped3A = tpu.sem_alloc : memref<!tpu.dma_semaphore, #tpu.memory_space<semaphore_mem>>
        %dma_start3A = arith.constant 0 : i32
        %dma_start3A_212 = tpu.memref_slice %arg2[%select_n3A, %select_n3A_53, %mul3A_208, %dma_start3A] : memref<32x3x512x512xf32, #tpu.memory_space<hbm>> -> memref<1x1x32x512xf32, #tpu.memory_space<hbm>>
        %dma_start3A_213 = tpu.memref_squeeze %dma_start3A_212 : memref<1x1x32x512xf32, #tpu.memory_space<hbm>> -> memref<32x512xf32, #tpu.memory_space<hbm>>
        %dma_start3A_214 = arith.constant 0 : i32
        %dma_start3A_215 = tpu.memref_slice %arg2[%select_n3A, %select_n3A_53, %mul3A_208, %dma_start3A_214] : memref<32x3x512x512xf32, #tpu.memory_space<hbm>> -> memref<1x1x32x512xf32, #tpu.memory_space<hbm>>
        %dma_start3A_216 = tpu.memref_squeeze %dma_start3A_215 : memref<1x1x32x512xf32, #tpu.memory_space<hbm>> -> memref<32x512xf32, #tpu.memory_space<hbm>>
        tpu.enqueue_dma source(%dma_start3A_216 : memref<32x512xf32, #tpu.memory_space<hbm>>) target(%arg4 : memref<32x512xf32, #tpu.memory_space<vmem>>) target_semaphore(%run_scoped3A : memref<!tpu.dma_semaphore, #tpu.memory_space<semaphore_mem>>)
        %dma_wait3A = arith.constant 0 : i32
        %dma_wait3A_217 = tpu.memref_slice %arg2[%select_n3A, %select_n3A_53, %mul3A_208, %dma_wait3A] : memref<32x3x512x512xf32, #tpu.memory_space<hbm>> -> memref<1x1x32x512xf32, #tpu.memory_space<hbm>>
        %dma_wait3A_218 = tpu.memref_squeeze %dma_wait3A_217 : memref<1x1x32x512xf32, #tpu.memory_space<hbm>> -> memref<32x512xf32, #tpu.memory_space<hbm>>
        %dma_wait3A_219 = arith.constant 0 : i32
        %dma_wait3A_220 = tpu.memref_slice %arg2[%select_n3A, %select_n3A_53, %mul3A_208, %dma_wait3A_219] : memref<32x3x512x512xf32, #tpu.memory_space<hbm>> -> memref<1x1x32x512xf32, #tpu.memory_space<hbm>>
        %dma_wait3A_221 = tpu.memref_squeeze %dma_wait3A_220 : memref<1x1x32x512xf32, #tpu.memory_space<hbm>> -> memref<32x512xf32, #tpu.memory_space<hbm>>
        tpu.wait_dma2 semaphore(%run_scoped3A : memref<!tpu.dma_semaphore, #tpu.memory_space<semaphore_mem>>) src(%dma_wait3A_221 : memref<32x512xf32, #tpu.memory_space<hbm>>) dst(%arg4 : memref<32x512xf32, #tpu.memory_space<vmem>>)
        tpu.yield
      }) : () -> ()
      %parallel_loop3A = arith.constant 0 : i32
      %parallel_loop3A_209 = arith.constant 256 : i32
      %parallel_loop3A_210 = arith.constant 1 : i32
      scf.for %parallel_loop3A_212 = %parallel_loop3A to %parallel_loop3A_209 step %parallel_loop3A_210  : i32 {
        %parallel_loop3A_213 = arith.constant 8 : i32
        %parallel_loop3A_214 = arith.divsi %parallel_loop3A_212, %parallel_loop3A_213 : i32
        %parallel_loop3A_215 = arith.constant 0 : i32
        %parallel_loop3A_216 = arith.cmpi sgt, %parallel_loop3A_212, %parallel_loop3A_215 : i32
        %parallel_loop3A_217 = arith.extui %parallel_loop3A_216 : i1 to i32
        %parallel_loop3A_218 = arith.constant 0 : i32
        %parallel_loop3A_219 = arith.cmpi slt, %parallel_loop3A_212, %parallel_loop3A_218 : i32
        %parallel_loop3A_220 = arith.extui %parallel_loop3A_219 : i1 to i32
        %parallel_loop3A_221 = arith.subi %parallel_loop3A_217, %parallel_loop3A_220 : i32
        %parallel_loop3A_222 = arith.constant 0 : i32
        %parallel_loop3A_223 = arith.cmpi sgt, %parallel_loop3A_213, %parallel_loop3A_222 : i32
        %parallel_loop3A_224 = arith.extui %parallel_loop3A_223 : i1 to i32
        %parallel_loop3A_225 = arith.constant 0 : i32
        %parallel_loop3A_226 = arith.cmpi slt, %parallel_loop3A_213, %parallel_loop3A_225 : i32
        %parallel_loop3A_227 = arith.extui %parallel_loop3A_226 : i1 to i32
        %parallel_loop3A_228 = arith.subi %parallel_loop3A_224, %parallel_loop3A_227 : i32
        %parallel_loop3A_229 = arith.cmpi ne, %parallel_loop3A_221, %parallel_loop3A_228 : i32
        %parallel_loop3A_230 = arith.remsi %parallel_loop3A_212, %parallel_loop3A_213 : i32
        %parallel_loop3A_231 = arith.constant 0 : i32
        %parallel_loop3A_232 = arith.cmpi ne, %parallel_loop3A_230, %parallel_loop3A_231 : i32
        %parallel_loop3A_233 = arith.andi %parallel_loop3A_229, %parallel_loop3A_232 : i1
        %parallel_loop3A_234 = arith.constant 1 : i32
        %parallel_loop3A_235 = arith.subi %parallel_loop3A_214, %parallel_loop3A_234 : i32
        %parallel_loop3A_236 = arith.select %parallel_loop3A_233, %parallel_loop3A_235, %parallel_loop3A_214 : i32
        %parallel_loop3A_237 = arith.constant 8 : i32
        %parallel_loop3A_238 = arith.constant 0 : i32
        %parallel_loop3A_239 = arith.cmpi eq, %parallel_loop3A_237, %parallel_loop3A_238 : i32
        %parallel_loop3A_240 = arith.constant 1 : i32
        %parallel_loop3A_241 = arith.select %parallel_loop3A_239, %parallel_loop3A_240, %parallel_loop3A_237 : i32
        %parallel_loop3A_242 = arith.remsi %parallel_loop3A_212, %parallel_loop3A_241 : i32
        %parallel_loop3A_243 = arith.constant 0 : i32
        %parallel_loop3A_244 = arith.cmpi ne, %parallel_loop3A_242, %parallel_loop3A_243 : i32
        %parallel_loop3A_245 = arith.constant 0 : i32
        %parallel_loop3A_246 = arith.cmpi slt, %parallel_loop3A_242, %parallel_loop3A_245 : i32
        %parallel_loop3A_247 = arith.constant 0 : i32
        %parallel_loop3A_248 = arith.cmpi slt, %parallel_loop3A_241, %parallel_loop3A_247 : i32
        %parallel_loop3A_249 = arith.xori %parallel_loop3A_246, %parallel_loop3A_248 : i1
        %parallel_loop3A_250 = arith.andi %parallel_loop3A_249, %parallel_loop3A_244 : i1
        %parallel_loop3A_251 = arith.addi %parallel_loop3A_242, %parallel_loop3A_241 : i32
        %parallel_loop3A_252 = arith.select %parallel_loop3A_250, %parallel_loop3A_251, %parallel_loop3A_242 : i32
        %parallel_loop3A_253 = arith.constant 64 : i32
        %parallel_loop3A_254 = arith.muli %parallel_loop3A_252, %parallel_loop3A_253 : i32
        %parallel_loop3A_255 = arith.constant 0 : i32
        %parallel_loop3A_256 = arith.addi %parallel_loop3A_254, %parallel_loop3A_255 : i32
        %parallel_loop3A_257 = arith.index_cast %parallel_loop3A_236 : i32 to index
        %parallel_loop3A_258 = arith.index_cast %parallel_loop3A_256 : i32 to index
        %parallel_loop3A_259 = tpu.vector_load %arg4[%parallel_loop3A_257, %parallel_loop3A_258] {strides = array<i32>} : memref<32x512xf32, #tpu.memory_space<vmem>>, vector<16xf32>,
        %parallel_loop3A_260 = arith.constant 0.00392156886 : f32
        %parallel_loop3A_261 = vector.broadcast %parallel_loop3A_260 : f32 to vector<16xf32>
        %parallel_loop3A_262 = arith.mulf %parallel_loop3A_259, %parallel_loop3A_261 : vector<16xf32>
        %parallel_loop3A_263 = arith.constant 2.560000e+02 : f32
        %parallel_loop3A_264 = vector.broadcast %parallel_loop3A_263 : f32 to vector<16xf32>
        %parallel_loop3A_265 = arith.mulf %parallel_loop3A_262, %parallel_loop3A_264 : vector<16xf32>
        %parallel_loop3A_266 = arith.fptosi %parallel_loop3A_265 : vector<16xf32> to vector<16xi32>
        %parallel_loop3A_267 = arith.constant 0 : i32
        %parallel_loop3A_268 = arith.constant 255 : i32
        %parallel_loop3A_269 = vector.broadcast %parallel_loop3A_267 : i32 to vector<16xi32>
        %parallel_loop3A_270 = arith.maxsi %parallel_loop3A_269, %parallel_loop3A_266 : vector<16xi32>
        %parallel_loop3A_271 = vector.broadcast %parallel_loop3A_268 : i32 to vector<16xi32>
        %parallel_loop3A_272 = arith.minsi %parallel_loop3A_271, %parallel_loop3A_270 : vector<16xi32>
        %parallel_loop3A_273 = arith.constant 16 : i32
        %parallel_loop3A_274 = arith.addi %parallel_loop3A_254, %parallel_loop3A_273 : i32
        %parallel_loop3A_275 = arith.index_cast %parallel_loop3A_236 : i32 to index
        %parallel_loop3A_276 = arith.index_cast %parallel_loop3A_274 : i32 to index
        %parallel_loop3A_277 = tpu.vector_load %arg4[%parallel_loop3A_275, %parallel_loop3A_276] {strides = array<i32>} : memref<32x512xf32, #tpu.memory_space<vmem>>, vector<16xf32>,
        %parallel_loop3A_278 = arith.constant 0.00392156886 : f32
        %parallel_loop3A_279 = vector.broadcast %parallel_loop3A_278 : f32 to vector<16xf32>
        %parallel_loop3A_280 = arith.mulf %parallel_loop3A_277, %parallel_loop3A_279 : vector<16xf32>
        %parallel_loop3A_281 = arith.constant 2.560000e+02 : f32
        %parallel_loop3A_282 = vector.broadcast %parallel_loop3A_281 : f32 to vector<16xf32>
        %parallel_loop3A_283 = arith.mulf %parallel_loop3A_280, %parallel_loop3A_282 : vector<16xf32>
        %parallel_loop3A_284 = arith.fptosi %parallel_loop3A_283 : vector<16xf32> to vector<16xi32>
        %parallel_loop3A_285 = arith.constant 0 : i32
        %parallel_loop3A_286 = arith.constant 255 : i32
        %parallel_loop3A_287 = vector.broadcast %parallel_loop3A_285 : i32 to vector<16xi32>
        %parallel_loop3A_288 = arith.maxsi %parallel_loop3A_287, %parallel_loop3A_284 : vector<16xi32>
        %parallel_loop3A_289 = vector.broadcast %parallel_loop3A_286 : i32 to vector<16xi32>
        %parallel_loop3A_290 = arith.minsi %parallel_loop3A_289, %parallel_loop3A_288 : vector<16xi32>
        %parallel_loop3A_291 = arith.constant 32 : i32
        %parallel_loop3A_292 = arith.addi %parallel_loop3A_254, %parallel_loop3A_291 : i32
        %parallel_loop3A_293 = arith.index_cast %parallel_loop3A_236 : i32 to index
        %parallel_loop3A_294 = arith.index_cast %parallel_loop3A_292 : i32 to index
        %parallel_loop3A_295 = tpu.vector_load %arg4[%parallel_loop3A_293, %parallel_loop3A_294] {strides = array<i32>} : memref<32x512xf32, #tpu.memory_space<vmem>>, vector<16xf32>,
        %parallel_loop3A_296 = arith.constant 0.00392156886 : f32
        %parallel_loop3A_297 = vector.broadcast %parallel_loop3A_296 : f32 to vector<16xf32>
        %parallel_loop3A_298 = arith.mulf %parallel_loop3A_295, %parallel_loop3A_297 : vector<16xf32>
        %parallel_loop3A_299 = arith.constant 2.560000e+02 : f32
        %parallel_loop3A_300 = vector.broadcast %parallel_loop3A_299 : f32 to vector<16xf32>
        %parallel_loop3A_301 = arith.mulf %parallel_loop3A_298, %parallel_loop3A_300 : vector<16xf32>
        %parallel_loop3A_302 = arith.fptosi %parallel_loop3A_301 : vector<16xf32> to vector<16xi32>
        %parallel_loop3A_303 = arith.constant 0 : i32
        %parallel_loop3A_304 = arith.constant 255 : i32
        %parallel_loop3A_305 = vector.broadcast %parallel_loop3A_303 : i32 to vector<16xi32>
        %parallel_loop3A_306 = arith.maxsi %parallel_loop3A_305, %parallel_loop3A_302 : vector<16xi32>
        %parallel_loop3A_307 = vector.broadcast %parallel_loop3A_304 : i32 to vector<16xi32>
        %parallel_loop3A_308 = arith.minsi %parallel_loop3A_307, %parallel_loop3A_306 : vector<16xi32>
        %parallel_loop3A_309 = arith.constant 48 : i32
        %parallel_loop3A_310 = arith.addi %parallel_loop3A_254, %parallel_loop3A_309 : i32
        %parallel_loop3A_311 = arith.index_cast %parallel_loop3A_236 : i32 to index
        %parallel_loop3A_312 = arith.index_cast %parallel_loop3A_310 : i32 to index
        %parallel_loop3A_313 = tpu.vector_load %arg4[%parallel_loop3A_311, %parallel_loop3A_312] {strides = array<i32>} : memref<32x512xf32, #tpu.memory_space<vmem>>, vector<16xf32>,
        %parallel_loop3A_314 = arith.constant 0.00392156886 : f32
        %parallel_loop3A_315 = vector.broadcast %parallel_loop3A_314 : f32 to vector<16xf32>
        %parallel_loop3A_316 = arith.mulf %parallel_loop3A_313, %parallel_loop3A_315 : vector<16xf32>
        %parallel_loop3A_317 = arith.constant 2.560000e+02 : f32
        %parallel_loop3A_318 = vector.broadcast %parallel_loop3A_317 : f32 to vector<16xf32>
        %parallel_loop3A_319 = arith.mulf %parallel_loop3A_316, %parallel_loop3A_318 : vector<16xf32>
        %parallel_loop3A_320 = arith.fptosi %parallel_loop3A_319 : vector<16xf32> to vector<16xi32>
        %parallel_loop3A_321 = arith.constant 0 : i32
        %parallel_loop3A_322 = arith.constant 255 : i32
        %parallel_loop3A_323 = vector.broadcast %parallel_loop3A_321 : i32 to vector<16xi32>
        %parallel_loop3A_324 = arith.maxsi %parallel_loop3A_323, %parallel_loop3A_320 : vector<16xi32>
        %parallel_loop3A_325 = vector.broadcast %parallel_loop3A_322 : i32 to vector<16xi32>
        %parallel_loop3A_326 = arith.minsi %parallel_loop3A_325, %parallel_loop3A_324 : vector<16xi32>
        %parallel_loop3A_327 = arith.constant 8 : i32
        %parallel_loop3A_328 = vector.broadcast %parallel_loop3A_327 : i32 to vector<16xi32>
        %parallel_loop3A_329 = arith.shli %parallel_loop3A_290, %parallel_loop3A_328 : vector<16xi32>
        %parallel_loop3A_330 = arith.ori %parallel_loop3A_272, %parallel_loop3A_329 : vector<16xi32>
        %parallel_loop3A_331 = arith.constant 16 : i32
        %parallel_loop3A_332 = vector.broadcast %parallel_loop3A_331 : i32 to vector<16xi32>
        %parallel_loop3A_333 = arith.shli %parallel_loop3A_308, %parallel_loop3A_332 : vector<16xi32>
        %parallel_loop3A_334 = arith.ori %parallel_loop3A_330, %parallel_loop3A_333 : vector<16xi32>
        %parallel_loop3A_335 = arith.constant 24 : i32
        %parallel_loop3A_336 = vector.broadcast %parallel_loop3A_335 : i32 to vector<16xi32>
        %parallel_loop3A_337 = arith.shli %parallel_loop3A_326, %parallel_loop3A_336 : vector<16xi32>
        %parallel_loop3A_338 = arith.ori %parallel_loop3A_334, %parallel_loop3A_337 : vector<16xi32>
        %parallel_loop3A_339 = arith.constant 32 : i32
        %parallel_loop3A_340 = arith.muli %scan3A_205, %parallel_loop3A_339 : i32
        %parallel_loop3A_341 = arith.addi %parallel_loop3A_340, %parallel_loop3A_236 : i32
        %parallel_loop3A_342 = arith.constant 128 : i32
        %parallel_loop3A_343 = arith.muli %parallel_loop3A_341, %parallel_loop3A_342 : i32
        %parallel_loop3A_344 = arith.constant 16 : i32
        %parallel_loop3A_345 = arith.muli %parallel_loop3A_252, %parallel_loop3A_344 : i32
        %parallel_loop3A_346 = arith.addi %parallel_loop3A_343, %parallel_loop3A_345 : i32
        %parallel_loop3A_347 = arith.index_cast %parallel_loop3A_346 : i32 to index
        %parallel_loop3A_348 = tpu.vector_load %arg6[%parallel_loop3A_347] {strides = array<i32>} : memref<65536xi32, #tpu.memory_space<vmem>>, vector<16xi32>,
        tpu.vector_store %arg6[%parallel_loop3A_347], %parallel_loop3A_338 {strides = array<i32>} : memref<65536xi32, #tpu.memory_space<vmem>>, vector<16xi32>,
      } {sc.loop_unroll_factor = 2 : i64, sc.parallel_access}
      %scan3A_211 = arith.constant 0 : i32
      scf.yield %scan3A_211 : i32
    }
    %scan3A_60 = arith.constant 16 : i32
    %scan3A_61 = arith.constant 0 : i32
    %scan3A_62 = arith.constant 0 : i32
    %scan3A_63 = arith.constant 8 : i32
    %scan3A_64 = arith.addi %scan3A_62, %scan3A_63 : i32
    %scan3A_65 = arith.constant 1 : i32
    %scan3A_66 = scf.for %scan3A_205 = %scan3A_62 to %scan3A_64 step %scan3A_65 iter_args(%scan3A_206 = %scan3A_61) -> (i32)  : i32 {
      %scan3A_207 = arith.constant 0 : i32
      %scan3A_208 = arith.constant 0 : i32
      %scan3A_209 = arith.constant 8 : i32
      %scan3A_210 = arith.addi %scan3A_208, %scan3A_209 : i32
      %scan3A_211 = arith.constant 1 : i32
      %scan3A_212 = scf.for %scan3A_215 = %scan3A_208 to %scan3A_210 step %scan3A_211 iter_args(%scan3A_216 = %scan3A_207) -> (i32)  : i32 {
        %parallel_loop3A = arith.constant 0 : i32
        %parallel_loop3A_217 = arith.constant 64 : i32
        %parallel_loop3A_218 = arith.constant 1 : i32
        scf.for %parallel_loop3A_236 = %parallel_loop3A to %parallel_loop3A_217 step %parallel_loop3A_218  : i32 {
          %parallel_loop3A_237 = arith.constant 64 : i32
          %parallel_loop3A_238 = arith.muli %scan3A_205, %parallel_loop3A_237 : i32
          %parallel_loop3A_239 = arith.addi %parallel_loop3A_238, %parallel_loop3A_236 : i32
          %parallel_loop3A_240 = arith.constant 128 : i32
          %parallel_loop3A_241 = arith.muli %parallel_loop3A_239, %parallel_loop3A_240 : i32
          %parallel_loop3A_242 = arith.constant 16 : i32
          %parallel_loop3A_243 = arith.muli %scan3A_215, %parallel_loop3A_242 : i32
          %parallel_loop3A_244 = arith.addi %parallel_loop3A_241, %parallel_loop3A_243 : i32
          %parallel_loop3A_245 = arith.index_cast %parallel_loop3A_244 : i32 to index
          %parallel_loop3A_246 = tpu.vector_load %arg6[%parallel_loop3A_245] {strides = array<i32>} : memref<65536xi32, #tpu.memory_space<vmem>>, vector<16xi32>,
          %parallel_loop3A_247 = arith.constant 255 : i32
          %parallel_loop3A_248 = vector.broadcast %parallel_loop3A_247 : i32 to vector<16xi32>
          %parallel_loop3A_249 = arith.andi %parallel_loop3A_246, %parallel_loop3A_248 : vector<16xi32>
          %parallel_loop3A_250 = arith.constant 8 : i32
          %parallel_loop3A_251 = vector.broadcast %parallel_loop3A_250 : i32 to vector<16xi32>
          %parallel_loop3A_252 = arith.shrui %parallel_loop3A_246, %parallel_loop3A_251 : vector<16xi32>
          %parallel_loop3A_253 = arith.constant 255 : i32
          %parallel_loop3A_254 = vector.broadcast %parallel_loop3A_253 : i32 to vector<16xi32>
          %parallel_loop3A_255 = arith.andi %parallel_loop3A_252, %parallel_loop3A_254 : vector<16xi32>
          %parallel_loop3A_256 = arith.constant 16 : i32
          %parallel_loop3A_257 = vector.broadcast %parallel_loop3A_256 : i32 to vector<16xi32>
          %parallel_loop3A_258 = arith.shrui %parallel_loop3A_246, %parallel_loop3A_257 : vector<16xi32>
          %parallel_loop3A_259 = arith.constant 255 : i32
          %parallel_loop3A_260 = vector.broadcast %parallel_loop3A_259 : i32 to vector<16xi32>
          %parallel_loop3A_261 = arith.andi %parallel_loop3A_258, %parallel_loop3A_260 : vector<16xi32>
          %parallel_loop3A_262 = arith.constant 24 : i32
          %parallel_loop3A_263 = vector.broadcast %parallel_loop3A_262 : i32 to vector<16xi32>
          %parallel_loop3A_264 = arith.shrui %parallel_loop3A_246, %parallel_loop3A_263 : vector<16xi32>
          %parallel_loop3A_265 = arith.addi %parallel_loop3A_249, %mul3A_3 : vector<16xi32>
          tpu.vector_store_idx %arg7[%parallel_loop3A_265], %broadcast_in_dim3A_4 {add = true} : memref<4096xf32, #tpu.memory_space<vmem>>[vector<16xi32>], vector<16xf32>,
          %parallel_loop3A_266 = arith.addi %parallel_loop3A_255, %mul3A_3 : vector<16xi32>
          tpu.vector_store_idx %arg7[%parallel_loop3A_266], %broadcast_in_dim3A_4 {add = true} : memref<4096xf32, #tpu.memory_space<vmem>>[vector<16xi32>], vector<16xf32>,
          %parallel_loop3A_267 = arith.addi %parallel_loop3A_261, %mul3A_3 : vector<16xi32>
          tpu.vector_store_idx %arg7[%parallel_loop3A_267], %broadcast_in_dim3A_4 {add = true} : memref<4096xf32, #tpu.memory_space<vmem>>[vector<16xi32>], vector<16xf32>,
          %parallel_loop3A_268 = arith.addi %parallel_loop3A_264, %mul3A_3 : vector<16xi32>
          tpu.vector_store_idx %arg7[%parallel_loop3A_268], %broadcast_in_dim3A_4 {add = true} : memref<4096xf32, #tpu.memory_space<vmem>>[vector<16xi32>], vector<16xf32>,
        } {sc.loop_unroll_factor = 2 : i64, sc.parallel_access}
        %parallel_loop3A_219 = arith.constant 0 : i32
        %parallel_loop3A_220 = arith.constant 16 : i32
        %parallel_loop3A_221 = arith.constant 1 : i32
        %parallel_loop3A_222 = scf.for %parallel_loop3A_236 = %parallel_loop3A_219 to %parallel_loop3A_220 step %parallel_loop3A_221 iter_args(%parallel_loop3A_237 = %broadcast_in_dim3A_6) -> (vector<16xf32>)  : i32 {
          %parallel_loop3A_238 = arith.constant 16 : i32
          %parallel_loop3A_239 = arith.muli %parallel_loop3A_236, %parallel_loop3A_238 : i32
          %parallel_loop3A_240 = arith.index_cast %parallel_loop3A_239 : i32 to index
          %parallel_loop3A_241 = tpu.vector_load %arg7[%parallel_loop3A_240] {strides = array<i32>} : memref<4096xf32, #tpu.memory_space<vmem>>, vector<16xf32>,
          %parallel_loop3A_242 = arith.constant 16 : i32
          %parallel_loop3A_243 = arith.muli %parallel_loop3A_236, %parallel_loop3A_242 : i32
          %parallel_loop3A_244 = arith.index_cast %parallel_loop3A_243 : i32 to index
          %parallel_loop3A_245 = tpu.vector_load %arg7[%parallel_loop3A_244] {strides = array<i32>} : memref<4096xf32, #tpu.memory_space<vmem>>, vector<16xf32>,
          tpu.vector_store %arg7[%parallel_loop3A_244], %broadcast_in_dim3A_6 {strides = array<i32>} : memref<4096xf32, #tpu.memory_space<vmem>>, vector<16xf32>,
          %parallel_loop3A_246 = arith.constant 16 : i32
          %parallel_loop3A_247 = arith.muli %parallel_loop3A_236, %parallel_loop3A_246 : i32
          %parallel_loop3A_248 = arith.constant 256 : i32
          %parallel_loop3A_249 = arith.addi %parallel_loop3A_248, %parallel_loop3A_247 : i32
          %parallel_loop3A_250 = arith.index_cast %parallel_loop3A_249 : i32 to index
          %parallel_loop3A_251 = tpu.vector_load %arg7[%parallel_loop3A_250] {strides = array<i32>} : memref<4096xf32, #tpu.memory_space<vmem>>, vector<16xf32>,
          %parallel_loop3A_252 = arith.addf %parallel_loop3A_241, %parallel_loop3A_251 : vector<16xf32>
          %parallel_loop3A_253 = arith.constant 16 : i32
          %parallel_loop3A_254 = arith.muli %parallel_loop3A_236, %parallel_loop3A_253 : i32
          %parallel_loop3A_255 = arith.constant 256 : i32
          %parallel_loop3A_256 = arith.addi %parallel_loop3A_255, %parallel_loop3A_254 : i32
          %parallel_loop3A_257 = arith.index_cast %parallel_loop3A_256 : i32 to index
          %parallel_loop3A_258 = tpu.vector_load %arg7[%parallel_loop3A_257] {strides = array<i32>} : memref<4096xf32, #tpu.memory_space<vmem>>, vector<16xf32>,
          tpu.vector_store %arg7[%parallel_loop3A_257], %broadcast_in_dim3A_6 {strides = array<i32>} : memref<4096xf32, #tpu.memory_space<vmem>>, vector<16xf32>,
          %parallel_loop3A_259 = arith.constant 16 : i32
          %parallel_loop3A_260 = arith.muli %parallel_loop3A_236, %parallel_loop3A_259 : i32
          %parallel_loop3A_261 = arith.constant 512 : i32
          %parallel_loop3A_262 = arith.addi %parallel_loop3A_261, %parallel_loop3A_260 : i32
          %parallel_loop3A_263 = arith.index_cast %parallel_loop3A_262 : i32 to index
          %parallel_loop3A_264 = tpu.vector_load %arg7[%parallel_loop3A_263] {strides = array<i32>} : memref<4096xf32, #tpu.memory_space<vmem>>, vector<16xf32>,
          %parallel_loop3A_265 = arith.addf %parallel_loop3A_252, %parallel_loop3A_264 : vector<16xf32>
          %parallel_loop3A_266 = arith.constant 16 : i32
          %parallel_loop3A_267 = arith.muli %parallel_loop3A_236, %parallel_loop3A_266 : i32
          %parallel_loop3A_268 = arith.constant 512 : i32
          %parallel_loop3A_269 = arith.addi %parallel_loop3A_268, %parallel_loop3A_267 : i32
          %parallel_loop3A_270 = arith.index_cast %parallel_loop3A_269 : i32 to index
          %parallel_loop3A_271 = tpu.vector_load %arg7[%parallel_loop3A_270] {strides = array<i32>} : memref<4096xf32, #tpu.memory_space<vmem>>, vector<16xf32>,
          tpu.vector_store %arg7[%parallel_loop3A_270], %broadcast_in_dim3A_6 {strides = array<i32>} : memref<4096xf32, #tpu.memory_space<vmem>>, vector<16xf32>,
          %parallel_loop3A_272 = arith.constant 16 : i32
          %parallel_loop3A_273 = arith.muli %parallel_loop3A_236, %parallel_loop3A_272 : i32
          %parallel_loop3A_274 = arith.constant 768 : i32
          %parallel_loop3A_275 = arith.addi %parallel_loop3A_274, %parallel_loop3A_273 : i32
          %parallel_loop3A_276 = arith.index_cast %parallel_loop3A_275 : i32 to index
          %parallel_loop3A_277 = tpu.vector_load %arg7[%parallel_loop3A_276] {strides = array<i32>} : memref<4096xf32, #tpu.memory_space<vmem>>, vector<16xf32>,
          %parallel_loop3A_278 = arith.addf %parallel_loop3A_265, %parallel_loop3A_277 : vector<16xf32>
          %parallel_loop3A_279 = arith.constant 16 : i32
          %parallel_loop3A_280 = arith.muli %parallel_loop3A_236, %parallel_loop3A_279 : i32
          %parallel_loop3A_281 = arith.constant 768 : i32
          %parallel_loop3A_282 = arith.addi %parallel_loop3A_281, %parallel_loop3A_280 : i32
          %parallel_loop3A_283 = arith.index_cast %parallel_loop3A_282 : i32 to index
          %parallel_loop3A_284 = tpu.vector_load %arg7[%parallel_loop3A_283] {strides = array<i32>} : memref<4096xf32, #tpu.memory_space<vmem>>, vector<16xf32>,
          tpu.vector_store %arg7[%parallel_loop3A_283], %broadcast_in_dim3A_6 {strides = array<i32>} : memref<4096xf32, #tpu.memory_space<vmem>>, vector<16xf32>,
          %parallel_loop3A_285 = arith.constant 16 : i32
          %parallel_loop3A_286 = arith.muli %parallel_loop3A_236, %parallel_loop3A_285 : i32
          %parallel_loop3A_287 = arith.constant 1024 : i32
          %parallel_loop3A_288 = arith.addi %parallel_loop3A_287, %parallel_loop3A_286 : i32
          %parallel_loop3A_289 = arith.index_cast %parallel_loop3A_288 : i32 to index
          %parallel_loop3A_290 = tpu.vector_load %arg7[%parallel_loop3A_289] {strides = array<i32>} : memref<4096xf32, #tpu.memory_space<vmem>>, vector<16xf32>,
          %parallel_loop3A_291 = arith.addf %parallel_loop3A_278, %parallel_loop3A_290 : vector<16xf32>
          %parallel_loop3A_292 = arith.constant 16 : i32
          %parallel_loop3A_293 = arith.muli %parallel_loop3A_236, %parallel_loop3A_292 : i32
          %parallel_loop3A_294 = arith.constant 1024 : i32
          %parallel_loop3A_295 = arith.addi %parallel_loop3A_294, %parallel_loop3A_293 : i32
          %parallel_loop3A_296 = arith.index_cast %parallel_loop3A_295 : i32 to index
          %parallel_loop3A_297 = tpu.vector_load %arg7[%parallel_loop3A_296] {strides = array<i32>} : memref<4096xf32, #tpu.memory_space<vmem>>, vector<16xf32>,
          tpu.vector_store %arg7[%parallel_loop3A_296], %broadcast_in_dim3A_6 {strides = array<i32>} : memref<4096xf32, #tpu.memory_space<vmem>>, vector<16xf32>,
          %parallel_loop3A_298 = arith.constant 16 : i32
          %parallel_loop3A_299 = arith.muli %parallel_loop3A_236, %parallel_loop3A_298 : i32
          %parallel_loop3A_300 = arith.constant 1280 : i32
          %parallel_loop3A_301 = arith.addi %parallel_loop3A_300, %parallel_loop3A_299 : i32
          %parallel_loop3A_302 = arith.index_cast %parallel_loop3A_301 : i32 to index
          %parallel_loop3A_303 = tpu.vector_load %arg7[%parallel_loop3A_302] {strides = array<i32>} : memref<4096xf32, #tpu.memory_space<vmem>>, vector<16xf32>,
          %parallel_loop3A_304 = arith.addf %parallel_loop3A_291, %parallel_loop3A_303 : vector<16xf32>
          %parallel_loop3A_305 = arith.constant 16 : i32
          %parallel_loop3A_306 = arith.muli %parallel_loop3A_236, %parallel_loop3A_305 : i32
          %parallel_loop3A_307 = arith.constant 1280 : i32
          %parallel_loop3A_308 = arith.addi %parallel_loop3A_307, %parallel_loop3A_306 : i32
          %parallel_loop3A_309 = arith.index_cast %parallel_loop3A_308 : i32 to index
          %parallel_loop3A_310 = tpu.vector_load %arg7[%parallel_loop3A_309] {strides = array<i32>} : memref<4096xf32, #tpu.memory_space<vmem>>, vector<16xf32>,
          tpu.vector_store %arg7[%parallel_loop3A_309], %broadcast_in_dim3A_6 {strides = array<i32>} : memref<4096xf32, #tpu.memory_space<vmem>>, vector<16xf32>,
          %parallel_loop3A_311 = arith.constant 16 : i32
          %parallel_loop3A_312 = arith.muli %parallel_loop3A_236, %parallel_loop3A_311 : i32
          %parallel_loop3A_313 = arith.constant 1536 : i32
          %parallel_loop3A_314 = arith.addi %parallel_loop3A_313, %parallel_loop3A_312 : i32
          %parallel_loop3A_315 = arith.index_cast %parallel_loop3A_314 : i32 to index
          %parallel_loop3A_316 = tpu.vector_load %arg7[%parallel_loop3A_315] {strides = array<i32>} : memref<4096xf32, #tpu.memory_space<vmem>>, vector<16xf32>,
          %parallel_loop3A_317 = arith.addf %parallel_loop3A_304, %parallel_loop3A_316 : vector<16xf32>
          %parallel_loop3A_318 = arith.constant 16 : i32
          %parallel_loop3A_319 = arith.muli %parallel_loop3A_236, %parallel_loop3A_318 : i32
          %parallel_loop3A_320 = arith.constant 1536 : i32
          %parallel_loop3A_321 = arith.addi %parallel_loop3A_320, %parallel_loop3A_319 : i32
          %parallel_loop3A_322 = arith.index_cast %parallel_loop3A_321 : i32 to index
          %parallel_loop3A_323 = tpu.vector_load %arg7[%parallel_loop3A_322] {strides = array<i32>} : memref<4096xf32, #tpu.memory_space<vmem>>, vector<16xf32>,
          tpu.vector_store %arg7[%parallel_loop3A_322], %broadcast_in_dim3A_6 {strides = array<i32>} : memref<4096xf32, #tpu.memory_space<vmem>>, vector<16xf32>,
          %parallel_loop3A_324 = arith.constant 16 : i32
          %parallel_loop3A_325 = arith.muli %parallel_loop3A_236, %parallel_loop3A_324 : i32
          %parallel_loop3A_326 = arith.constant 1792 : i32
          %parallel_loop3A_327 = arith.addi %parallel_loop3A_326, %parallel_loop3A_325 : i32
          %parallel_loop3A_328 = arith.index_cast %parallel_loop3A_327 : i32 to index
          %parallel_loop3A_329 = tpu.vector_load %arg7[%parallel_loop3A_328] {strides = array<i32>} : memref<4096xf32, #tpu.memory_space<vmem>>, vector<16xf32>,
          %parallel_loop3A_330 = arith.addf %parallel_loop3A_317, %parallel_loop3A_329 : vector<16xf32>
          %parallel_loop3A_331 = arith.constant 16 : i32
          %parallel_loop3A_332 = arith.muli %parallel_loop3A_236, %parallel_loop3A_331 : i32
          %parallel_loop3A_333 = arith.constant 1792 : i32
          %parallel_loop3A_334 = arith.addi %parallel_loop3A_333, %parallel_loop3A_332 : i32
          %parallel_loop3A_335 = arith.index_cast %parallel_loop3A_334 : i32 to index
          %parallel_loop3A_336 = tpu.vector_load %arg7[%parallel_loop3A_335] {strides = array<i32>} : memref<4096xf32, #tpu.memory_space<vmem>>, vector<16xf32>,
          tpu.vector_store %arg7[%parallel_loop3A_335], %broadcast_in_dim3A_6 {strides = array<i32>} : memref<4096xf32, #tpu.memory_space<vmem>>, vector<16xf32>,
          %parallel_loop3A_337 = arith.constant 16 : i32
          %parallel_loop3A_338 = arith.muli %parallel_loop3A_236, %parallel_loop3A_337 : i32
          %parallel_loop3A_339 = arith.constant 2048 : i32
          %parallel_loop3A_340 = arith.addi %parallel_loop3A_339, %parallel_loop3A_338 : i32
          %parallel_loop3A_341 = arith.index_cast %parallel_loop3A_340 : i32 to index
          %parallel_loop3A_342 = tpu.vector_load %arg7[%parallel_loop3A_341] {strides = array<i32>} : memref<4096xf32, #tpu.memory_space<vmem>>, vector<16xf32>,
          %parallel_loop3A_343 = arith.addf %parallel_loop3A_330, %parallel_loop3A_342 : vector<16xf32>
          %parallel_loop3A_344 = arith.constant 16 : i32
          %parallel_loop3A_345 = arith.muli %parallel_loop3A_236, %parallel_loop3A_344 : i32
          %parallel_loop3A_346 = arith.constant 2048 : i32
          %parallel_loop3A_347 = arith.addi %parallel_loop3A_346, %parallel_loop3A_345 : i32
          %parallel_loop3A_348 = arith.index_cast %parallel_loop3A_347 : i32 to index
          %parallel_loop3A_349 = tpu.vector_load %arg7[%parallel_loop3A_348] {strides = array<i32>} : memref<4096xf32, #tpu.memory_space<vmem>>, vector<16xf32>,
          tpu.vector_store %arg7[%parallel_loop3A_348], %broadcast_in_dim3A_6 {strides = array<i32>} : memref<4096xf32, #tpu.memory_space<vmem>>, vector<16xf32>,
          %parallel_loop3A_350 = arith.constant 16 : i32
          %parallel_loop3A_351 = arith.muli %parallel_loop3A_236, %parallel_loop3A_350 : i32
          %parallel_loop3A_352 = arith.constant 2304 : i32
          %parallel_loop3A_353 = arith.addi %parallel_loop3A_352, %parallel_loop3A_351 : i32
          %parallel_loop3A_354 = arith.index_cast %parallel_loop3A_353 : i32 to index
          %parallel_loop3A_355 = tpu.vector_load %arg7[%parallel_loop3A_354] {strides = array<i32>} : memref<4096xf32, #tpu.memory_space<vmem>>, vector<16xf32>,
          %parallel_loop3A_356 = arith.addf %parallel_loop3A_343, %parallel_loop3A_355 : vector<16xf32>
          %parallel_loop3A_357 = arith.constant 16 : i32
          %parallel_loop3A_358 = arith.muli %parallel_loop3A_236, %parallel_loop3A_357 : i32
          %parallel_loop3A_359 = arith.constant 2304 : i32
          %parallel_loop3A_360 = arith.addi %parallel_loop3A_359, %parallel_loop3A_358 : i32
          %parallel_loop3A_361 = arith.index_cast %parallel_loop3A_360 : i32 to index
          %parallel_loop3A_362 = tpu.vector_load %arg7[%parallel_loop3A_361] {strides = array<i32>} : memref<4096xf32, #tpu.memory_space<vmem>>, vector<16xf32>,
          tpu.vector_store %arg7[%parallel_loop3A_361], %broadcast_in_dim3A_6 {strides = array<i32>} : memref<4096xf32, #tpu.memory_space<vmem>>, vector<16xf32>,
          %parallel_loop3A_363 = arith.constant 16 : i32
          %parallel_loop3A_364 = arith.muli %parallel_loop3A_236, %parallel_loop3A_363 : i32
          %parallel_loop3A_365 = arith.constant 2560 : i32
          %parallel_loop3A_366 = arith.addi %parallel_loop3A_365, %parallel_loop3A_364 : i32
          %parallel_loop3A_367 = arith.index_cast %parallel_loop3A_366 : i32 to index
          %parallel_loop3A_368 = tpu.vector_load %arg7[%parallel_loop3A_367] {strides = array<i32>} : memref<4096xf32, #tpu.memory_space<vmem>>, vector<16xf32>,
          %parallel_loop3A_369 = arith.addf %parallel_loop3A_356, %parallel_loop3A_368 : vector<16xf32>
          %parallel_loop3A_370 = arith.constant 16 : i32
          %parallel_loop3A_371 = arith.muli %parallel_loop3A_236, %parallel_loop3A_370 : i32
          %parallel_loop3A_372 = arith.constant 2560 : i32
          %parallel_loop3A_373 = arith.addi %parallel_loop3A_372, %parallel_loop3A_371 : i32
          %parallel_loop3A_374 = arith.index_cast %parallel_loop3A_373 : i32 to index
          %parallel_loop3A_375 = tpu.vector_load %arg7[%parallel_loop3A_374] {strides = array<i32>} : memref<4096xf32, #tpu.memory_space<vmem>>, vector<16xf32>,
          tpu.vector_store %arg7[%parallel_loop3A_374], %broadcast_in_dim3A_6 {strides = array<i32>} : memref<4096xf32, #tpu.memory_space<vmem>>, vector<16xf32>,
          %parallel_loop3A_376 = arith.constant 16 : i32
          %parallel_loop3A_377 = arith.muli %parallel_loop3A_236, %parallel_loop3A_376 : i32
          %parallel_loop3A_378 = arith.constant 2816 : i32
          %parallel_loop3A_379 = arith.addi %parallel_loop3A_378, %parallel_loop3A_377 : i32
          %parallel_loop3A_380 = arith.index_cast %parallel_loop3A_379 : i32 to index
          %parallel_loop3A_381 = tpu.vector_load %arg7[%parallel_loop3A_380] {strides = array<i32>} : memref<4096xf32, #tpu.memory_space<vmem>>, vector<16xf32>,
          %parallel_loop3A_382 = arith.addf %parallel_loop3A_369, %parallel_loop3A_381 : vector<16xf32>
          %parallel_loop3A_383 = arith.constant 16 : i32
          %parallel_loop3A_384 = arith.muli %parallel_loop3A_236, %parallel_loop3A_383 : i32
          %parallel_loop3A_385 = arith.constant 2816 : i32
          %parallel_loop3A_386 = arith.addi %parallel_loop3A_385, %parallel_loop3A_384 : i32
          %parallel_loop3A_387 = arith.index_cast %parallel_loop3A_386 : i32 to index
          %parallel_loop3A_388 = tpu.vector_load %arg7[%parallel_loop3A_387] {strides = array<i32>} : memref<4096xf32, #tpu.memory_space<vmem>>, vector<16xf32>,
          tpu.vector_store %arg7[%parallel_loop3A_387], %broadcast_in_dim3A_6 {strides = array<i32>} : memref<4096xf32, #tpu.memory_space<vmem>>, vector<16xf32>,
          %parallel_loop3A_389 = arith.constant 16 : i32
          %parallel_loop3A_390 = arith.muli %parallel_loop3A_236, %parallel_loop3A_389 : i32
          %parallel_loop3A_391 = arith.constant 3072 : i32
          %parallel_loop3A_392 = arith.addi %parallel_loop3A_391, %parallel_loop3A_390 : i32
          %parallel_loop3A_393 = arith.index_cast %parallel_loop3A_392 : i32 to index
          %parallel_loop3A_394 = tpu.vector_load %arg7[%parallel_loop3A_393] {strides = array<i32>} : memref<4096xf32, #tpu.memory_space<vmem>>, vector<16xf32>,
          %parallel_loop3A_395 = arith.addf %parallel_loop3A_382, %parallel_loop3A_394 : vector<16xf32>
          %parallel_loop3A_396 = arith.constant 16 : i32
          %parallel_loop3A_397 = arith.muli %parallel_loop3A_236, %parallel_loop3A_396 : i32
          %parallel_loop3A_398 = arith.constant 3072 : i32
          %parallel_loop3A_399 = arith.addi %parallel_loop3A_398, %parallel_loop3A_397 : i32
          %parallel_loop3A_400 = arith.index_cast %parallel_loop3A_399 : i32 to index
          %parallel_loop3A_401 = tpu.vector_load %arg7[%parallel_loop3A_400] {strides = array<i32>} : memref<4096xf32, #tpu.memory_space<vmem>>, vector<16xf32>,
          tpu.vector_store %arg7[%parallel_loop3A_400], %broadcast_in_dim3A_6 {strides = array<i32>} : memref<4096xf32, #tpu.memory_space<vmem>>, vector<16xf32>,
          %parallel_loop3A_402 = arith.constant 16 : i32
          %parallel_loop3A_403 = arith.muli %parallel_loop3A_236, %parallel_loop3A_402 : i32
          %parallel_loop3A_404 = arith.constant 3328 : i32
          %parallel_loop3A_405 = arith.addi %parallel_loop3A_404, %parallel_loop3A_403 : i32
          %parallel_loop3A_406 = arith.index_cast %parallel_loop3A_405 : i32 to index
          %parallel_loop3A_407 = tpu.vector_load %arg7[%parallel_loop3A_406] {strides = array<i32>} : memref<4096xf32, #tpu.memory_space<vmem>>, vector<16xf32>,
          %parallel_loop3A_408 = arith.addf %parallel_loop3A_395, %parallel_loop3A_407 : vector<16xf32>
          %parallel_loop3A_409 = arith.constant 16 : i32
          %parallel_loop3A_410 = arith.muli %parallel_loop3A_236, %parallel_loop3A_409 : i32
          %parallel_loop3A_411 = arith.constant 3328 : i32
          %parallel_loop3A_412 = arith.addi %parallel_loop3A_411, %parallel_loop3A_410 : i32
          %parallel_loop3A_413 = arith.index_cast %parallel_loop3A_412 : i32 to index
          %parallel_loop3A_414 = tpu.vector_load %arg7[%parallel_loop3A_413] {strides = array<i32>} : memref<4096xf32, #tpu.memory_space<vmem>>, vector<16xf32>,
          tpu.vector_store %arg7[%parallel_loop3A_413], %broadcast_in_dim3A_6 {strides = array<i32>} : memref<4096xf32, #tpu.memory_space<vmem>>, vector<16xf32>,
          %parallel_loop3A_415 = arith.constant 16 : i32
          %parallel_loop3A_416 = arith.muli %parallel_loop3A_236, %parallel_loop3A_415 : i32
          %parallel_loop3A_417 = arith.constant 3584 : i32
          %parallel_loop3A_418 = arith.addi %parallel_loop3A_417, %parallel_loop3A_416 : i32
          %parallel_loop3A_419 = arith.index_cast %parallel_loop3A_418 : i32 to index
          %parallel_loop3A_420 = tpu.vector_load %arg7[%parallel_loop3A_419] {strides = array<i32>} : memref<4096xf32, #tpu.memory_space<vmem>>, vector<16xf32>,
          %parallel_loop3A_421 = arith.addf %parallel_loop3A_408, %parallel_loop3A_420 : vector<16xf32>
          %parallel_loop3A_422 = arith.constant 16 : i32
          %parallel_loop3A_423 = arith.muli %parallel_loop3A_236, %parallel_loop3A_422 : i32
          %parallel_loop3A_424 = arith.constant 3584 : i32
          %parallel_loop3A_425 = arith.addi %parallel_loop3A_424, %parallel_loop3A_423 : i32
          %parallel_loop3A_426 = arith.index_cast %parallel_loop3A_425 : i32 to index
          %parallel_loop3A_427 = tpu.vector_load %arg7[%parallel_loop3A_426] {strides = array<i32>} : memref<4096xf32, #tpu.memory_space<vmem>>, vector<16xf32>,
          tpu.vector_store %arg7[%parallel_loop3A_426], %broadcast_in_dim3A_6 {strides = array<i32>} : memref<4096xf32, #tpu.memory_space<vmem>>, vector<16xf32>,
          %parallel_loop3A_428 = arith.constant 16 : i32
          %parallel_loop3A_429 = arith.muli %parallel_loop3A_236, %parallel_loop3A_428 : i32
          %parallel_loop3A_430 = arith.constant 3840 : i32
          %parallel_loop3A_431 = arith.addi %parallel_loop3A_430, %parallel_loop3A_429 : i32
          %parallel_loop3A_432 = arith.index_cast %parallel_loop3A_431 : i32 to index
          %parallel_loop3A_433 = tpu.vector_load %arg7[%parallel_loop3A_432] {strides = array<i32>} : memref<4096xf32, #tpu.memory_space<vmem>>, vector<16xf32>,
          %parallel_loop3A_434 = arith.addf %parallel_loop3A_421, %parallel_loop3A_433 : vector<16xf32>
          %parallel_loop3A_435 = arith.constant 16 : i32
          %parallel_loop3A_436 = arith.muli %parallel_loop3A_236, %parallel_loop3A_435 : i32
          %parallel_loop3A_437 = arith.constant 3840 : i32
          %parallel_loop3A_438 = arith.addi %parallel_loop3A_437, %parallel_loop3A_436 : i32
          %parallel_loop3A_439 = arith.index_cast %parallel_loop3A_438 : i32 to index
          %parallel_loop3A_440 = tpu.vector_load %arg7[%parallel_loop3A_439] {strides = array<i32>} : memref<4096xf32, #tpu.memory_space<vmem>>, vector<16xf32>,
          tpu.vector_store %arg7[%parallel_loop3A_439], %broadcast_in_dim3A_6 {strides = array<i32>} : memref<4096xf32, #tpu.memory_space<vmem>>, vector<16xf32>,
          %parallel_loop3A_441 = arith.constant 6.400000e+01 : f32
          %parallel_loop3A_442 = vector.broadcast %parallel_loop3A_441 : f32 to vector<16xf32>
          %parallel_loop3A_443 = arith.minimumf %parallel_loop3A_434, %parallel_loop3A_442 : vector<16xf32>
          %parallel_loop3A_444 = arith.constant 16 : i32
          %parallel_loop3A_445 = arith.muli %parallel_loop3A_236, %parallel_loop3A_444 : i32
          %parallel_loop3A_446 = arith.index_cast %parallel_loop3A_445 : i32 to index
          %parallel_loop3A_447 = tpu.vector_load %arg8[%parallel_loop3A_446] {strides = array<i32>} : memref<256xf32, #tpu.memory_space<vmem>>, vector<16xf32>,
          tpu.vector_store %arg8[%parallel_loop3A_446], %parallel_loop3A_443 {strides = array<i32>} : memref<256xf32, #tpu.memory_space<vmem>>, vector<16xf32>,
          %parallel_loop3A_448 = arith.addf %parallel_loop3A_237, %parallel_loop3A_443 : vector<16xf32>
          scf.yield %parallel_loop3A_448 : vector<16xf32>
        } {sc.loop_unroll_factor = 1 : i64, sc.parallel_access}
        %reduce_sum3A = arith.constant true
        %reduce_sum3A_223 = vector.broadcast %reduce_sum3A : i1 to vector<16xi1>
        %reduce_sum3A_224 = tpu.scan <sum>, %parallel_loop3A_222 masked %reduce_sum3A_223 : vector<16xf32>, vector<16xi1> -> vector<16xf32>
        %reduce_sum3A_225 = vector.extract %reduce_sum3A_224[15] : f32 from vector<16xf32>
        %sub3A_226 = arith.constant 4.096000e+03 : f32
        %sub3A_227 = arith.subf %sub3A_226, %reduce_sum3A_225 : f32
        %mul3A_228 = arith.constant 3.906250e-03 : f32
        %mul3A_229 = arith.mulf %sub3A_227, %mul3A_228 : f32
        %parallel_loop3A_230 = arith.constant 0 : i32
        %parallel_loop3A_231 = arith.constant 16 : i32
        %parallel_loop3A_232 = arith.constant 1 : i32
        %parallel_loop3A_233 = arith.constant 0.000000e+00 : f32
        %parallel_loop3A_234 = scf.for %parallel_loop3A_236 = %parallel_loop3A_230 to %parallel_loop3A_231 step %parallel_loop3A_232 iter_args(%parallel_loop3A_237 = %parallel_loop3A_233) -> (f32)  : i32 {
          %parallel_loop3A_238 = arith.constant 16 : i32
          %parallel_loop3A_239 = arith.muli %parallel_loop3A_236, %parallel_loop3A_238 : i32
          %parallel_loop3A_240 = arith.index_cast %parallel_loop3A_239 : i32 to index
          %parallel_loop3A_241 = tpu.vector_load %arg8[%parallel_loop3A_240] {strides = array<i32>} : memref<256xf32, #tpu.memory_space<vmem>>, vector<16xf32>,
          %parallel_loop3A_242 = vector.broadcast %mul3A_229 : f32 to vector<16xf32>
          %parallel_loop3A_243 = arith.addf %parallel_loop3A_241, %parallel_loop3A_242 : vector<16xf32>
          %parallel_loop3A_244 = arith.constant true
          %parallel_loop3A_245 = vector.broadcast %parallel_loop3A_244 : i1 to vector<16xi1>
          %parallel_loop3A_246 = tpu.scan <sum>, %parallel_loop3A_243 masked %parallel_loop3A_245 : vector<16xf32>, vector<16xi1> -> vector<16xf32>
          %parallel_loop3A_247 = vector.broadcast %parallel_loop3A_237 : f32 to vector<16xf32>
          %parallel_loop3A_248 = arith.addf %parallel_loop3A_246, %parallel_loop3A_247 : vector<16xf32>
          %parallel_loop3A_249 = arith.constant 2.550000e+02 : f32
          %parallel_loop3A_250 = vector.broadcast %parallel_loop3A_249 : f32 to vector<16xf32>
          %parallel_loop3A_251 = arith.mulf %parallel_loop3A_248, %parallel_loop3A_250 : vector<16xf32>
          %parallel_loop3A_252 = arith.constant 2.44140625E-4 : f32
          %parallel_loop3A_253 = vector.broadcast %parallel_loop3A_252 : f32 to vector<16xf32>
          %parallel_loop3A_254 = arith.mulf %parallel_loop3A_251, %parallel_loop3A_253 : vector<16xf32>
          %parallel_loop3A_255 = arith.fptosi %parallel_loop3A_254 : vector<16xf32> to vector<16xi32>
          %parallel_loop3A_256 = arith.sitofp %parallel_loop3A_255 : vector<16xi32> to vector<16xf32>
          %parallel_loop3A_257 = arith.constant 0.000000e+00 : f32
          %parallel_loop3A_258 = arith.constant 2.550000e+02 : f32
          %parallel_loop3A_259 = vector.broadcast %parallel_loop3A_257 : f32 to vector<16xf32>
          %parallel_loop3A_260 = arith.maximumf %parallel_loop3A_259, %parallel_loop3A_256 : vector<16xf32>
          %parallel_loop3A_261 = vector.broadcast %parallel_loop3A_258 : f32 to vector<16xf32>
          %parallel_loop3A_262 = arith.minimumf %parallel_loop3A_261, %parallel_loop3A_260 : vector<16xf32>
          %parallel_loop3A_263 = arith.constant 8 : i32
          %parallel_loop3A_264 = arith.muli %scan3A_205, %parallel_loop3A_263 : i32
          %parallel_loop3A_265 = arith.addi %parallel_loop3A_264, %scan3A_215 : i32
          %parallel_loop3A_266 = arith.constant 256 : i32
          %parallel_loop3A_267 = arith.muli %parallel_loop3A_265, %parallel_loop3A_266 : i32
          %parallel_loop3A_268 = arith.constant 16 : i32
          %parallel_loop3A_269 = arith.muli %parallel_loop3A_236, %parallel_loop3A_268 : i32
          %parallel_loop3A_270 = arith.addi %parallel_loop3A_267, %parallel_loop3A_269 : i32
          %parallel_loop3A_271 = arith.index_cast %parallel_loop3A_270 : i32 to index
          %parallel_loop3A_272 = tpu.vector_load %arg9[%parallel_loop3A_271] {strides = array<i32>} : memref<16384xf32, #tpu.memory_space<vmem>>, vector<16xf32>,
          tpu.vector_store %arg9[%parallel_loop3A_271], %parallel_loop3A_262 {strides = array<i32>} : memref<16384xf32, #tpu.memory_space<vmem>>, vector<16xf32>,
          %parallel_loop3A_273 = arith.constant true
          %parallel_loop3A_274 = vector.broadcast %parallel_loop3A_273 : i1 to vector<16xi1>
          %parallel_loop3A_275 = tpu.scan <sum>, %parallel_loop3A_243 masked %parallel_loop3A_274 : vector<16xf32>, vector<16xi1> -> vector<16xf32>
          %parallel_loop3A_276 = vector.extract %parallel_loop3A_275[15] : f32 from vector<16xf32>
          %parallel_loop3A_277 = arith.addf %parallel_loop3A_237, %parallel_loop3A_276 : f32
          scf.yield %parallel_loop3A_277 : f32
        } {sc.loop_unroll_factor = 1 : i64, sc.parallel_access}
        %scan3A_235 = arith.constant 0 : i32
        scf.yield %scan3A_235 : i32
      }
      %scan3A_213 = arith.constant 8 : i32
      %scan3A_214 = arith.constant 0 : i32
      scf.yield %scan3A_214 : i32
    }
    %scan3A_67 = arith.constant 8 : i32
    %scan3A_68 = arith.constant 0 : i32
    %scan3A_69 = arith.constant 0 : i32
    %scan3A_70 = arith.constant 16 : i32
    %scan3A_71 = arith.addi %scan3A_69, %scan3A_70 : i32
    %scan3A_72 = arith.constant 1 : i32
    %scan3A_73 = scf.for %scan3A_205 = %scan3A_69 to %scan3A_71 step %scan3A_72 iter_args(%scan3A_206 = %scan3A_68) -> (i32)  : i32 {
      %scan3A_207 = arith.constant 0 : i32
      %scan3A_208 = arith.constant 0 : i32
      %scan3A_209 = arith.constant 32 : i32
      %scan3A_210 = arith.addi %scan3A_208, %scan3A_209 : i32
      %scan3A_211 = arith.constant 1 : i32
      %scan3A_212 = scf.for %scan3A_217 = %scan3A_208 to %scan3A_210 step %scan3A_211 iter_args(%scan3A_218 = %scan3A_207) -> (i32)  : i32 {
        %mul3A_219 = arith.constant 32 : i32
        %mul3A_220 = arith.muli %scan3A_205, %mul3A_219 : i32
        %add3A_221 = arith.addi %mul3A_220, %scan3A_217 : i32
        %convert_element_type3A = arith.sitofp %add3A_221 : i32 to f32
        %add3A_222 = arith.constant 5.000000e-01 : f32
        %add3A_223 = arith.addf %convert_element_type3A, %add3A_222 : f32
        %mul3A_224 = arith.constant 1.562500e-02 : f32
        %mul3A_225 = arith.mulf %add3A_223, %mul3A_224 : f32
        %sub3A_226 = arith.constant 5.000000e-01 : f32
        %sub3A_227 = arith.subf %mul3A_225, %sub3A_226 : f32
        %add3A_228 = arith.constant 1.000000e+00 : f32
        %add3A_229 = arith.addf %sub3A_227, %add3A_228 : f32
        %convert_element_type3A_230 = arith.fptosi %add3A_229 : f32 to i32
        %sub3A_231 = arith.constant 1 : i32
        %sub3A_232 = arith.subi %convert_element_type3A_230, %sub3A_231 : i32
        %jit3A_233 = arith.constant 0 : i32
        %jit3A_234 = arith.constant 7 : i32
        %max3A = arith.maxsi %jit3A_233, %sub3A_232 : i32
        %min3A = arith.minsi %jit3A_234, %max3A : i32
        %add3A_235 = arith.constant 1 : i32
        %add3A_236 = arith.addi %sub3A_232, %add3A_235 : i32
        %jit3A_237 = arith.constant 0 : i32
        %jit3A_238 = arith.constant 7 : i32
        %max3A_239 = arith.maxsi %jit3A_237, %add3A_236 : i32
        %min3A_240 = arith.minsi %jit3A_238, %max3A_239 : i32
        %convert_element_type3A_241 = arith.sitofp %sub3A_232 : i32 to f32
        %sub3A_242 = arith.subf %sub3A_227, %convert_element_type3A_241 : f32
        %mul3A_243 = arith.constant 2048 : i32
        %mul3A_244 = arith.muli %min3A, %mul3A_243 : i32
        %mul3A_245 = arith.constant 2048 : i32
        %mul3A_246 = arith.muli %min3A_240, %mul3A_245 : i32
        %parallel_loop3A = arith.constant 0 : i32
        %parallel_loop3A_247 = arith.constant 8 : i32
        %parallel_loop3A_248 = arith.constant 1 : i32
        scf.for %parallel_loop3A_250 = %parallel_loop3A to %parallel_loop3A_247 step %parallel_loop3A_248  : i32 {
          %parallel_loop3A_251 = arith.constant 64 : i32
          %parallel_loop3A_252 = arith.muli %parallel_loop3A_250, %parallel_loop3A_251 : i32
          %parallel_loop3A_253 = arith.constant 128 : i32
          %parallel_loop3A_254 = arith.muli %add3A_221, %parallel_loop3A_253 : i32
          %parallel_loop3A_255 = arith.constant 16 : i32
          %parallel_loop3A_256 = arith.muli %parallel_loop3A_250, %parallel_loop3A_255 : i32
          %parallel_loop3A_257 = arith.addi %parallel_loop3A_254, %parallel_loop3A_256 : i32
          %parallel_loop3A_258 = arith.index_cast %parallel_loop3A_257 : i32 to index
          %parallel_loop3A_259 = tpu.vector_load %arg6[%parallel_loop3A_258] {strides = array<i32>} : memref<65536xi32, #tpu.memory_space<vmem>>, vector<16xi32>,
          %parallel_loop3A_260 = arith.constant 255 : i32
          %parallel_loop3A_261 = vector.broadcast %parallel_loop3A_260 : i32 to vector<16xi32>
          %parallel_loop3A_262 = arith.andi %parallel_loop3A_259, %parallel_loop3A_261 : vector<16xi32>
          %parallel_loop3A_263 = arith.constant 8 : i32
          %parallel_loop3A_264 = vector.broadcast %parallel_loop3A_263 : i32 to vector<16xi32>
          %parallel_loop3A_265 = arith.shrui %parallel_loop3A_259, %parallel_loop3A_264 : vector<16xi32>
          %parallel_loop3A_266 = arith.constant 255 : i32
          %parallel_loop3A_267 = vector.broadcast %parallel_loop3A_266 : i32 to vector<16xi32>
          %parallel_loop3A_268 = arith.andi %parallel_loop3A_265, %parallel_loop3A_267 : vector<16xi32>
          %parallel_loop3A_269 = arith.constant 16 : i32
          %parallel_loop3A_270 = vector.broadcast %parallel_loop3A_269 : i32 to vector<16xi32>
          %parallel_loop3A_271 = arith.shrui %parallel_loop3A_259, %parallel_loop3A_270 : vector<16xi32>
          %parallel_loop3A_272 = arith.constant 255 : i32
          %parallel_loop3A_273 = vector.broadcast %parallel_loop3A_272 : i32 to vector<16xi32>
          %parallel_loop3A_274 = arith.andi %parallel_loop3A_271, %parallel_loop3A_273 : vector<16xi32>
          %parallel_loop3A_275 = arith.constant 24 : i32
          %parallel_loop3A_276 = vector.broadcast %parallel_loop3A_275 : i32 to vector<16xi32>
          %parallel_loop3A_277 = arith.shrui %parallel_loop3A_259, %parallel_loop3A_276 : vector<16xi32>
          %parallel_loop3A_278 = arith.constant 0 : i32
          %parallel_loop3A_279 = arith.addi %parallel_loop3A_252, %parallel_loop3A_278 : i32
          %parallel_loop3A_280 = arith.index_cast %parallel_loop3A_279 : i32 to index
          %parallel_loop3A_281 = tpu.vector_load %arg10[%parallel_loop3A_280] {strides = array<i32>} : memref<512xi32, #tpu.memory_space<vmem>>, vector<16xi32>,
          %parallel_loop3A_282 = arith.addi %parallel_loop3A_262, %parallel_loop3A_281 : vector<16xi32>
          %parallel_loop3A_283 = arith.index_cast %parallel_loop3A_279 : i32 to index
          %parallel_loop3A_284 = tpu.vector_load %arg11[%parallel_loop3A_283] {strides = array<i32>} : memref<512xi32, #tpu.memory_space<vmem>>, vector<16xi32>,
          %parallel_loop3A_285 = arith.addi %parallel_loop3A_262, %parallel_loop3A_284 : vector<16xi32>
          %parallel_loop3A_286 = arith.index_cast %parallel_loop3A_279 : i32 to index
          %parallel_loop3A_287 = tpu.vector_load %arg12[%parallel_loop3A_286] {strides = array<i32>} : memref<512xf32, #tpu.memory_space<vmem>>, vector<16xf32>,
          %parallel_loop3A_288 = vector.broadcast %mul3A_244 : i32 to vector<16xi32>
          %parallel_loop3A_289 = arith.addi %parallel_loop3A_282, %parallel_loop3A_288 : vector<16xi32>
          %parallel_loop3A_290 = tpu.vector_load_idx %arg9[%parallel_loop3A_289] : memref<16384xf32, #tpu.memory_space<vmem>>[vector<16xi32>], vector<16xf32>,
          %parallel_loop3A_291 = vector.broadcast %mul3A_244 : i32 to vector<16xi32>
          %parallel_loop3A_292 = arith.addi %parallel_loop3A_285, %parallel_loop3A_291 : vector<16xi32>
          %parallel_loop3A_293 = tpu.vector_load_idx %arg9[%parallel_loop3A_292] : memref<16384xf32, #tpu.memory_space<vmem>>[vector<16xi32>], vector<16xf32>,
          %parallel_loop3A_294 = vector.broadcast %mul3A_246 : i32 to vector<16xi32>
          %parallel_loop3A_295 = arith.addi %parallel_loop3A_282, %parallel_loop3A_294 : vector<16xi32>
          %parallel_loop3A_296 = tpu.vector_load_idx %arg9[%parallel_loop3A_295] : memref<16384xf32, #tpu.memory_space<vmem>>[vector<16xi32>], vector<16xf32>,
          %parallel_loop3A_297 = vector.broadcast %mul3A_246 : i32 to vector<16xi32>
          %parallel_loop3A_298 = arith.addi %parallel_loop3A_285, %parallel_loop3A_297 : vector<16xi32>
          %parallel_loop3A_299 = tpu.vector_load_idx %arg9[%parallel_loop3A_298] : memref<16384xf32, #tpu.memory_space<vmem>>[vector<16xi32>], vector<16xf32>,
          %parallel_loop3A_300 = arith.constant 1.000000e+00 : f32
          %parallel_loop3A_301 = vector.broadcast %parallel_loop3A_300 : f32 to vector<16xf32>
          %parallel_loop3A_302 = arith.subf %parallel_loop3A_301, %parallel_loop3A_287 : vector<16xf32>
          %parallel_loop3A_303 = arith.constant 1.000000e+00 : f32
          %parallel_loop3A_304 = arith.subf %parallel_loop3A_303, %sub3A_242 : f32
          %parallel_loop3A_305 = arith.mulf %parallel_loop3A_302, %parallel_loop3A_290 : vector<16xf32>
          %parallel_loop3A_306 = arith.mulf %parallel_loop3A_287, %parallel_loop3A_293 : vector<16xf32>
          %parallel_loop3A_307 = arith.addf %parallel_loop3A_305, %parallel_loop3A_306 : vector<16xf32>
          %parallel_loop3A_308 = vector.broadcast %parallel_loop3A_304 : f32 to vector<16xf32>
          %parallel_loop3A_309 = arith.mulf %parallel_loop3A_308, %parallel_loop3A_307 : vector<16xf32>
          %parallel_loop3A_310 = arith.mulf %parallel_loop3A_302, %parallel_loop3A_296 : vector<16xf32>
          %parallel_loop3A_311 = arith.mulf %parallel_loop3A_287, %parallel_loop3A_299 : vector<16xf32>
          %parallel_loop3A_312 = arith.addf %parallel_loop3A_310, %parallel_loop3A_311 : vector<16xf32>
          %parallel_loop3A_313 = vector.broadcast %sub3A_242 : f32 to vector<16xf32>
          %parallel_loop3A_314 = arith.mulf %parallel_loop3A_313, %parallel_loop3A_312 : vector<16xf32>
          %parallel_loop3A_315 = arith.addf %parallel_loop3A_309, %parallel_loop3A_314 : vector<16xf32>
          %parallel_loop3A_316 = arith.constant 0.00392156886 : f32
          %parallel_loop3A_317 = vector.broadcast %parallel_loop3A_316 : f32 to vector<16xf32>
          %parallel_loop3A_318 = arith.mulf %parallel_loop3A_315, %parallel_loop3A_317 : vector<16xf32>
          %parallel_loop3A_319 = arith.constant 2.550000e+02 : f32
          %parallel_loop3A_320 = vector.broadcast %parallel_loop3A_319 : f32 to vector<16xf32>
          %parallel_loop3A_321 = arith.mulf %parallel_loop3A_318, %parallel_loop3A_320 : vector<16xf32>
          %parallel_loop3A_322 = arith.index_cast %scan3A_217 : i32 to index
          %parallel_loop3A_323 = arith.index_cast %parallel_loop3A_279 : i32 to index
          %parallel_loop3A_324 = tpu.vector_load %arg5[%parallel_loop3A_322, %parallel_loop3A_323] {strides = array<i32>} : memref<32x512xf32, #tpu.memory_space<vmem>>, vector<16xf32>,
          tpu.vector_store %arg5[%parallel_loop3A_322, %parallel_loop3A_323], %parallel_loop3A_321 {strides = array<i32>} : memref<32x512xf32, #tpu.memory_space<vmem>>, vector<16xf32>,
          %parallel_loop3A_325 = arith.constant 16 : i32
          %parallel_loop3A_326 = arith.addi %parallel_loop3A_252, %parallel_loop3A_325 : i32
          %parallel_loop3A_327 = arith.index_cast %parallel_loop3A_326 : i32 to index
          %parallel_loop3A_328 = tpu.vector_load %arg10[%parallel_loop3A_327] {strides = array<i32>} : memref<512xi32, #tpu.memory_space<vmem>>, vector<16xi32>,
          %parallel_loop3A_329 = arith.addi %parallel_loop3A_268, %parallel_loop3A_328 : vector<16xi32>
          %parallel_loop3A_330 = arith.index_cast %parallel_loop3A_326 : i32 to index
          %parallel_loop3A_331 = tpu.vector_load %arg11[%parallel_loop3A_330] {strides = array<i32>} : memref<512xi32, #tpu.memory_space<vmem>>, vector<16xi32>,
          %parallel_loop3A_332 = arith.addi %parallel_loop3A_268, %parallel_loop3A_331 : vector<16xi32>
          %parallel_loop3A_333 = arith.index_cast %parallel_loop3A_326 : i32 to index
          %parallel_loop3A_334 = tpu.vector_load %arg12[%parallel_loop3A_333] {strides = array<i32>} : memref<512xf32, #tpu.memory_space<vmem>>, vector<16xf32>,
          %parallel_loop3A_335 = vector.broadcast %mul3A_244 : i32 to vector<16xi32>
          %parallel_loop3A_336 = arith.addi %parallel_loop3A_329, %parallel_loop3A_335 : vector<16xi32>
          %parallel_loop3A_337 = tpu.vector_load_idx %arg9[%parallel_loop3A_336] : memref<16384xf32, #tpu.memory_space<vmem>>[vector<16xi32>], vector<16xf32>,
          %parallel_loop3A_338 = vector.broadcast %mul3A_244 : i32 to vector<16xi32>
          %parallel_loop3A_339 = arith.addi %parallel_loop3A_332, %parallel_loop3A_338 : vector<16xi32>
          %parallel_loop3A_340 = tpu.vector_load_idx %arg9[%parallel_loop3A_339] : memref<16384xf32, #tpu.memory_space<vmem>>[vector<16xi32>], vector<16xf32>,
          %parallel_loop3A_341 = vector.broadcast %mul3A_246 : i32 to vector<16xi32>
          %parallel_loop3A_342 = arith.addi %parallel_loop3A_329, %parallel_loop3A_341 : vector<16xi32>
          %parallel_loop3A_343 = tpu.vector_load_idx %arg9[%parallel_loop3A_342] : memref<16384xf32, #tpu.memory_space<vmem>>[vector<16xi32>], vector<16xf32>,
          %parallel_loop3A_344 = vector.broadcast %mul3A_246 : i32 to vector<16xi32>
          %parallel_loop3A_345 = arith.addi %parallel_loop3A_332, %parallel_loop3A_344 : vector<16xi32>
          %parallel_loop3A_346 = tpu.vector_load_idx %arg9[%parallel_loop3A_345] : memref<16384xf32, #tpu.memory_space<vmem>>[vector<16xi32>], vector<16xf32>,
          %parallel_loop3A_347 = arith.constant 1.000000e+00 : f32
          %parallel_loop3A_348 = vector.broadcast %parallel_loop3A_347 : f32 to vector<16xf32>
          %parallel_loop3A_349 = arith.subf %parallel_loop3A_348, %parallel_loop3A_334 : vector<16xf32>
          %parallel_loop3A_350 = arith.constant 1.000000e+00 : f32
          %parallel_loop3A_351 = arith.subf %parallel_loop3A_350, %sub3A_242 : f32
          %parallel_loop3A_352 = arith.mulf %parallel_loop3A_349, %parallel_loop3A_337 : vector<16xf32>
          %parallel_loop3A_353 = arith.mulf %parallel_loop3A_334, %parallel_loop3A_340 : vector<16xf32>
          %parallel_loop3A_354 = arith.addf %parallel_loop3A_352, %parallel_loop3A_353 : vector<16xf32>
          %parallel_loop3A_355 = vector.broadcast %parallel_loop3A_351 : f32 to vector<16xf32>
          %parallel_loop3A_356 = arith.mulf %parallel_loop3A_355, %parallel_loop3A_354 : vector<16xf32>
          %parallel_loop3A_357 = arith.mulf %parallel_loop3A_349, %parallel_loop3A_343 : vector<16xf32>
          %parallel_loop3A_358 = arith.mulf %parallel_loop3A_334, %parallel_loop3A_346 : vector<16xf32>
          %parallel_loop3A_359 = arith.addf %parallel_loop3A_357, %parallel_loop3A_358 : vector<16xf32>
          %parallel_loop3A_360 = vector.broadcast %sub3A_242 : f32 to vector<16xf32>
          %parallel_loop3A_361 = arith.mulf %parallel_loop3A_360, %parallel_loop3A_359 : vector<16xf32>
          %parallel_loop3A_362 = arith.addf %parallel_loop3A_356, %parallel_loop3A_361 : vector<16xf32>
          %parallel_loop3A_363 = arith.constant 0.00392156886 : f32
          %parallel_loop3A_364 = vector.broadcast %parallel_loop3A_363 : f32 to vector<16xf32>
          %parallel_loop3A_365 = arith.mulf %parallel_loop3A_362, %parallel_loop3A_364 : vector<16xf32>
          %parallel_loop3A_366 = arith.constant 2.550000e+02 : f32
          %parallel_loop3A_367 = vector.broadcast %parallel_loop3A_366 : f32 to vector<16xf32>
          %parallel_loop3A_368 = arith.mulf %parallel_loop3A_365, %parallel_loop3A_367 : vector<16xf32>
          %parallel_loop3A_369 = arith.index_cast %scan3A_217 : i32 to index
          %parallel_loop3A_370 = arith.index_cast %parallel_loop3A_326 : i32 to index
          %parallel_loop3A_371 = tpu.vector_load %arg5[%parallel_loop3A_369, %parallel_loop3A_370] {strides = array<i32>} : memref<32x512xf32, #tpu.memory_space<vmem>>, vector<16xf32>,
          tpu.vector_store %arg5[%parallel_loop3A_369, %parallel_loop3A_370], %parallel_loop3A_368 {strides = array<i32>} : memref<32x512xf32, #tpu.memory_space<vmem>>, vector<16xf32>,
          %parallel_loop3A_372 = arith.constant 32 : i32
          %parallel_loop3A_373 = arith.addi %parallel_loop3A_252, %parallel_loop3A_372 : i32
          %parallel_loop3A_374 = arith.index_cast %parallel_loop3A_373 : i32 to index
          %parallel_loop3A_375 = tpu.vector_load %arg10[%parallel_loop3A_374] {strides = array<i32>} : memref<512xi32, #tpu.memory_space<vmem>>, vector<16xi32>,
          %parallel_loop3A_376 = arith.addi %parallel_loop3A_274, %parallel_loop3A_375 : vector<16xi32>
          %parallel_loop3A_377 = arith.index_cast %parallel_loop3A_373 : i32 to index
          %parallel_loop3A_378 = tpu.vector_load %arg11[%parallel_loop3A_377] {strides = array<i32>} : memref<512xi32, #tpu.memory_space<vmem>>, vector<16xi32>,
          %parallel_loop3A_379 = arith.addi %parallel_loop3A_274, %parallel_loop3A_378 : vector<16xi32>
          %parallel_loop3A_380 = arith.index_cast %parallel_loop3A_373 : i32 to index
          %parallel_loop3A_381 = tpu.vector_load %arg12[%parallel_loop3A_380] {strides = array<i32>} : memref<512xf32, #tpu.memory_space<vmem>>, vector<16xf32>,
          %parallel_loop3A_382 = vector.broadcast %mul3A_244 : i32 to vector<16xi32>
          %parallel_loop3A_383 = arith.addi %parallel_loop3A_376, %parallel_loop3A_382 : vector<16xi32>
          %parallel_loop3A_384 = tpu.vector_load_idx %arg9[%parallel_loop3A_383] : memref<16384xf32, #tpu.memory_space<vmem>>[vector<16xi32>], vector<16xf32>,
          %parallel_loop3A_385 = vector.broadcast %mul3A_244 : i32 to vector<16xi32>
          %parallel_loop3A_386 = arith.addi %parallel_loop3A_379, %parallel_loop3A_385 : vector<16xi32>
          %parallel_loop3A_387 = tpu.vector_load_idx %arg9[%parallel_loop3A_386] : memref<16384xf32, #tpu.memory_space<vmem>>[vector<16xi32>], vector<16xf32>,
          %parallel_loop3A_388 = vector.broadcast %mul3A_246 : i32 to vector<16xi32>
          %parallel_loop3A_389 = arith.addi %parallel_loop3A_376, %parallel_loop3A_388 : vector<16xi32>
          %parallel_loop3A_390 = tpu.vector_load_idx %arg9[%parallel_loop3A_389] : memref<16384xf32, #tpu.memory_space<vmem>>[vector<16xi32>], vector<16xf32>,
          %parallel_loop3A_391 = vector.broadcast %mul3A_246 : i32 to vector<16xi32>
          %parallel_loop3A_392 = arith.addi %parallel_loop3A_379, %parallel_loop3A_391 : vector<16xi32>
          %parallel_loop3A_393 = tpu.vector_load_idx %arg9[%parallel_loop3A_392] : memref<16384xf32, #tpu.memory_space<vmem>>[vector<16xi32>], vector<16xf32>,
          %parallel_loop3A_394 = arith.constant 1.000000e+00 : f32
          %parallel_loop3A_395 = vector.broadcast %parallel_loop3A_394 : f32 to vector<16xf32>
          %parallel_loop3A_396 = arith.subf %parallel_loop3A_395, %parallel_loop3A_381 : vector<16xf32>
          %parallel_loop3A_397 = arith.constant 1.000000e+00 : f32
          %parallel_loop3A_398 = arith.subf %parallel_loop3A_397, %sub3A_242 : f32
          %parallel_loop3A_399 = arith.mulf %parallel_loop3A_396, %parallel_loop3A_384 : vector<16xf32>
          %parallel_loop3A_400 = arith.mulf %parallel_loop3A_381, %parallel_loop3A_387 : vector<16xf32>
          %parallel_loop3A_401 = arith.addf %parallel_loop3A_399, %parallel_loop3A_400 : vector<16xf32>
          %parallel_loop3A_402 = vector.broadcast %parallel_loop3A_398 : f32 to vector<16xf32>
          %parallel_loop3A_403 = arith.mulf %parallel_loop3A_402, %parallel_loop3A_401 : vector<16xf32>
          %parallel_loop3A_404 = arith.mulf %parallel_loop3A_396, %parallel_loop3A_390 : vector<16xf32>
          %parallel_loop3A_405 = arith.mulf %parallel_loop3A_381, %parallel_loop3A_393 : vector<16xf32>
          %parallel_loop3A_406 = arith.addf %parallel_loop3A_404, %parallel_loop3A_405 : vector<16xf32>
          %parallel_loop3A_407 = vector.broadcast %sub3A_242 : f32 to vector<16xf32>
          %parallel_loop3A_408 = arith.mulf %parallel_loop3A_407, %parallel_loop3A_406 : vector<16xf32>
          %parallel_loop3A_409 = arith.addf %parallel_loop3A_403, %parallel_loop3A_408 : vector<16xf32>
          %parallel_loop3A_410 = arith.constant 0.00392156886 : f32
          %parallel_loop3A_411 = vector.broadcast %parallel_loop3A_410 : f32 to vector<16xf32>
          %parallel_loop3A_412 = arith.mulf %parallel_loop3A_409, %parallel_loop3A_411 : vector<16xf32>
          %parallel_loop3A_413 = arith.constant 2.550000e+02 : f32
          %parallel_loop3A_414 = vector.broadcast %parallel_loop3A_413 : f32 to vector<16xf32>
          %parallel_loop3A_415 = arith.mulf %parallel_loop3A_412, %parallel_loop3A_414 : vector<16xf32>
          %parallel_loop3A_416 = arith.index_cast %scan3A_217 : i32 to index
          %parallel_loop3A_417 = arith.index_cast %parallel_loop3A_373 : i32 to index
          %parallel_loop3A_418 = tpu.vector_load %arg5[%parallel_loop3A_416, %parallel_loop3A_417] {strides = array<i32>} : memref<32x512xf32, #tpu.memory_space<vmem>>, vector<16xf32>,
          tpu.vector_store %arg5[%parallel_loop3A_416, %parallel_loop3A_417], %parallel_loop3A_415 {strides = array<i32>} : memref<32x512xf32, #tpu.memory_space<vmem>>, vector<16xf32>,
          %parallel_loop3A_419 = arith.constant 48 : i32
          %parallel_loop3A_420 = arith.addi %parallel_loop3A_252, %parallel_loop3A_419 : i32
          %parallel_loop3A_421 = arith.index_cast %parallel_loop3A_420 : i32 to index
          %parallel_loop3A_422 = tpu.vector_load %arg10[%parallel_loop3A_421] {strides = array<i32>} : memref<512xi32, #tpu.memory_space<vmem>>, vector<16xi32>,
          %parallel_loop3A_423 = arith.addi %parallel_loop3A_277, %parallel_loop3A_422 : vector<16xi32>
          %parallel_loop3A_424 = arith.index_cast %parallel_loop3A_420 : i32 to index
          %parallel_loop3A_425 = tpu.vector_load %arg11[%parallel_loop3A_424] {strides = array<i32>} : memref<512xi32, #tpu.memory_space<vmem>>, vector<16xi32>,
          %parallel_loop3A_426 = arith.addi %parallel_loop3A_277, %parallel_loop3A_425 : vector<16xi32>
          %parallel_loop3A_427 = arith.index_cast %parallel_loop3A_420 : i32 to index
          %parallel_loop3A_428 = tpu.vector_load %arg12[%parallel_loop3A_427] {strides = array<i32>} : memref<512xf32, #tpu.memory_space<vmem>>, vector<16xf32>,
          %parallel_loop3A_429 = vector.broadcast %mul3A_244 : i32 to vector<16xi32>
          %parallel_loop3A_430 = arith.addi %parallel_loop3A_423, %parallel_loop3A_429 : vector<16xi32>
          %parallel_loop3A_431 = tpu.vector_load_idx %arg9[%parallel_loop3A_430] : memref<16384xf32, #tpu.memory_space<vmem>>[vector<16xi32>], vector<16xf32>,
          %parallel_loop3A_432 = vector.broadcast %mul3A_244 : i32 to vector<16xi32>
          %parallel_loop3A_433 = arith.addi %parallel_loop3A_426, %parallel_loop3A_432 : vector<16xi32>
          %parallel_loop3A_434 = tpu.vector_load_idx %arg9[%parallel_loop3A_433] : memref<16384xf32, #tpu.memory_space<vmem>>[vector<16xi32>], vector<16xf32>,
          %parallel_loop3A_435 = vector.broadcast %mul3A_246 : i32 to vector<16xi32>
          %parallel_loop3A_436 = arith.addi %parallel_loop3A_423, %parallel_loop3A_435 : vector<16xi32>
          %parallel_loop3A_437 = tpu.vector_load_idx %arg9[%parallel_loop3A_436] : memref<16384xf32, #tpu.memory_space<vmem>>[vector<16xi32>], vector<16xf32>,
          %parallel_loop3A_438 = vector.broadcast %mul3A_246 : i32 to vector<16xi32>
          %parallel_loop3A_439 = arith.addi %parallel_loop3A_426, %parallel_loop3A_438 : vector<16xi32>
          %parallel_loop3A_440 = tpu.vector_load_idx %arg9[%parallel_loop3A_439] : memref<16384xf32, #tpu.memory_space<vmem>>[vector<16xi32>], vector<16xf32>,
          %parallel_loop3A_441 = arith.constant 1.000000e+00 : f32
          %parallel_loop3A_442 = vector.broadcast %parallel_loop3A_441 : f32 to vector<16xf32>
          %parallel_loop3A_443 = arith.subf %parallel_loop3A_442, %parallel_loop3A_428 : vector<16xf32>
          %parallel_loop3A_444 = arith.constant 1.000000e+00 : f32
          %parallel_loop3A_445 = arith.subf %parallel_loop3A_444, %sub3A_242 : f32
          %parallel_loop3A_446 = arith.mulf %parallel_loop3A_443, %parallel_loop3A_431 : vector<16xf32>
          %parallel_loop3A_447 = arith.mulf %parallel_loop3A_428, %parallel_loop3A_434 : vector<16xf32>
          %parallel_loop3A_448 = arith.addf %parallel_loop3A_446, %parallel_loop3A_447 : vector<16xf32>
          %parallel_loop3A_449 = vector.broadcast %parallel_loop3A_445 : f32 to vector<16xf32>
          %parallel_loop3A_450 = arith.mulf %parallel_loop3A_449, %parallel_loop3A_448 : vector<16xf32>
          %parallel_loop3A_451 = arith.mulf %parallel_loop3A_443, %parallel_loop3A_437 : vector<16xf32>
          %parallel_loop3A_452 = arith.mulf %parallel_loop3A_428, %parallel_loop3A_440 : vector<16xf32>
          %parallel_loop3A_453 = arith.addf %parallel_loop3A_451, %parallel_loop3A_452 : vector<16xf32>
          %parallel_loop3A_454 = vector.broadcast %sub3A_242 : f32 to vector<16xf32>
          %parallel_loop3A_455 = arith.mulf %parallel_loop3A_454, %parallel_loop3A_453 : vector<16xf32>
          %parallel_loop3A_456 = arith.addf %parallel_loop3A_450, %parallel_loop3A_455 : vector<16xf32>
          %parallel_loop3A_457 = arith.constant 0.00392156886 : f32
          %parallel_loop3A_458 = vector.broadcast %parallel_loop3A_457 : f32 to vector<16xf32>
          %parallel_loop3A_459 = arith.mulf %parallel_loop3A_456, %parallel_loop3A_458 : vector<16xf32>
          %parallel_loop3A_460 = arith.constant 2.550000e+02 : f32
          %parallel_loop3A_461 = vector.broadcast %parallel_loop3A_460 : f32 to vector<16xf32>
          %parallel_loop3A_462 = arith.mulf %parallel_loop3A_459, %parallel_loop3A_461 : vector<16xf32>
          %parallel_loop3A_463 = arith.index_cast %scan3A_217 : i32 to index
          %parallel_loop3A_464 = arith.index_cast %parallel_loop3A_420 : i32 to index
          %parallel_loop3A_465 = tpu.vector_load %arg5[%parallel_loop3A_463, %parallel_loop3A_464] {strides = array<i32>} : memref<32x512xf32, #tpu.memory_space<vmem>>, vector<16xf32>,
          tpu.vector_store %arg5[%parallel_loop3A_463, %parallel_loop3A_464], %parallel_loop3A_462 {strides = array<i32>} : memref<32x512xf32, #tpu.memory_space<vmem>>, vector<16xf32>,
        } {sc.loop_unroll_factor = 2 : i64, sc.parallel_access}
        %scan3A_249 = arith.constant 0 : i32
        scf.yield %scan3A_249 : i32
      }
      %scan3A_213 = arith.constant 32 : i32
      %mul3A_214 = arith.constant 32 : i32
      %mul3A_215 = arith.muli %scan3A_205, %mul3A_214 : i32
      "tpu.region"() ({
        %run_scoped3A = tpu.sem_alloc : memref<!tpu.dma_semaphore, #tpu.memory_space<semaphore_mem>>
        %dma_start3A = arith.constant 0 : i32
        %dma_start3A_217 = tpu.memref_slice %arg3[%select_n3A, %select_n3A_53, %mul3A_215, %dma_start3A] : memref<32x3x512x512xf32, #tpu.memory_space<hbm>> -> memref<1x1x32x512xf32, #tpu.memory_space<hbm>>
        %dma_start3A_218 = tpu.memref_squeeze %dma_start3A_217 : memref<1x1x32x512xf32, #tpu.memory_space<hbm>> -> memref<32x512xf32, #tpu.memory_space<hbm>>
        %dma_start3A_219 = arith.constant 0 : i32
        %dma_start3A_220 = tpu.memref_slice %arg3[%select_n3A, %select_n3A_53, %mul3A_215, %dma_start3A_219] : memref<32x3x512x512xf32, #tpu.memory_space<hbm>> -> memref<1x1x32x512xf32, #tpu.memory_space<hbm>>
        %dma_start3A_221 = tpu.memref_squeeze %dma_start3A_220 : memref<1x1x32x512xf32, #tpu.memory_space<hbm>> -> memref<32x512xf32, #tpu.memory_space<hbm>>
        tpu.enqueue_dma source(%arg5 : memref<32x512xf32, #tpu.memory_space<vmem>>) target(%dma_start3A_221 : memref<32x512xf32, #tpu.memory_space<hbm>>) target_semaphore(%run_scoped3A : memref<!tpu.dma_semaphore, #tpu.memory_space<semaphore_mem>>)
        %dma_wait3A = arith.constant 0 : i32
        %dma_wait3A_222 = tpu.memref_slice %arg3[%select_n3A, %select_n3A_53, %mul3A_215, %dma_wait3A] : memref<32x3x512x512xf32, #tpu.memory_space<hbm>> -> memref<1x1x32x512xf32, #tpu.memory_space<hbm>>
        %dma_wait3A_223 = tpu.memref_squeeze %dma_wait3A_222 : memref<1x1x32x512xf32, #tpu.memory_space<hbm>> -> memref<32x512xf32, #tpu.memory_space<hbm>>
        %dma_wait3A_224 = arith.constant 0 : i32
        %dma_wait3A_225 = tpu.memref_slice %arg3[%select_n3A, %select_n3A_53, %mul3A_215, %dma_wait3A_224] : memref<32x3x512x512xf32, #tpu.memory_space<hbm>> -> memref<1x1x32x512xf32, #tpu.memory_space<hbm>>
        %dma_wait3A_226 = tpu.memref_squeeze %dma_wait3A_225 : memref<1x1x32x512xf32, #tpu.memory_space<hbm>> -> memref<32x512xf32, #tpu.memory_space<hbm>>
        tpu.wait_dma2 semaphore(%run_scoped3A : memref<!tpu.dma_semaphore, #tpu.memory_space<semaphore_mem>>) src(%arg5 : memref<32x512xf32, #tpu.memory_space<vmem>>) dst(%dma_wait3A_226 : memref<32x512xf32, #tpu.memory_space<hbm>>)
        tpu.yield
      }) : () -> ()
      %scan3A_216 = arith.constant 0 : i32
      scf.yield %scan3A_216 : i32
    }
    %scan3A_74 = arith.constant 16 : i32
    %mul3A_75 = arith.constant 3 : i32
    %mul3A_76 = arith.muli %add3A, %mul3A_75 : i32
    %add3A_77 = arith.constant 1 : i32
    %add3A_78 = arith.addi %mul3A_76, %add3A_77 : i32
    %jit3A_79 = arith.constant 3 : i32
    %div3A_80 = arith.divsi %add3A_78, %jit3A_79 : i32
    %sign3A_81 = arith.constant 0 : i32
    %sign3A_82 = arith.cmpi sgt, %add3A_78, %sign3A_81 : i32
    %sign3A_83 = arith.extui %sign3A_82 : i1 to i32
    %sign3A_84 = arith.constant 0 : i32
    %sign3A_85 = arith.cmpi slt, %add3A_78, %sign3A_84 : i32
    %sign3A_86 = arith.extui %sign3A_85 : i1 to i32
    %sign3A_87 = arith.subi %sign3A_83, %sign3A_86 : i32
    %sign3A_88 = arith.constant 0 : i32
    %sign3A_89 = arith.cmpi sgt, %jit3A_79, %sign3A_88 : i32
    %sign3A_90 = arith.extui %sign3A_89 : i1 to i32
    %sign3A_91 = arith.constant 0 : i32
    %sign3A_92 = arith.cmpi slt, %jit3A_79, %sign3A_91 : i32
    %sign3A_93 = arith.extui %sign3A_92 : i1 to i32
    %sign3A_94 = arith.subi %sign3A_90, %sign3A_93 : i32
    %ne3A_95 = arith.cmpi ne, %sign3A_87, %sign3A_94 : i32
    %rem3A_96 = arith.remsi %add3A_78, %jit3A_79 : i32
    %ne3A_97 = arith.constant 0 : i32
    %ne3A_98 = arith.cmpi ne, %rem3A_96, %ne3A_97 : i32
    %and3A_99 = arith.andi %ne3A_95, %ne3A_98 : i1
    %sub3A_100 = arith.constant 1 : i32
    %sub3A_101 = arith.subi %div3A_80, %sub3A_100 : i32
    %select_n3A_102 = arith.select %and3A_99, %sub3A_101, %div3A_80 : i32
    %jit3A_103 = arith.constant 3 : i32
    %eq3A_104 = arith.constant 0 : i32
    %eq3A_105 = arith.cmpi eq, %jit3A_103, %eq3A_104 : i32
    %jit3A_106 = arith.constant 1 : i32
    %select_n3A_107 = arith.select %eq3A_105, %jit3A_106, %jit3A_103 : i32
    %rem3A_108 = arith.remsi %add3A_78, %select_n3A_107 : i32
    %ne3A_109 = arith.constant 0 : i32
    %ne3A_110 = arith.cmpi ne, %rem3A_108, %ne3A_109 : i32
    %lt3A_111 = arith.constant 0 : i32
    %lt3A_112 = arith.cmpi slt, %rem3A_108, %lt3A_111 : i32
    %lt3A_113 = arith.constant 0 : i32
    %lt3A_114 = arith.cmpi slt, %select_n3A_107, %lt3A_113 : i32
    %ne3A_115 = arith.xori %lt3A_112, %lt3A_114 : i1
    %and3A_116 = arith.andi %ne3A_115, %ne3A_110 : i1
    %add3A_117 = arith.addi %rem3A_108, %select_n3A_107 : i32
    %select_n3A_118 = arith.select %and3A_116, %add3A_117, %rem3A_108 : i32
    %scan3A_119 = arith.constant 0 : i32
    %scan3A_120 = arith.constant 0 : i32
    %scan3A_121 = arith.constant 16 : i32
    %scan3A_122 = arith.addi %scan3A_120, %scan3A_121 : i32
    %scan3A_123 = arith.constant 1 : i32
    %scan3A_124 = scf.for %scan3A_205 = %scan3A_120 to %scan3A_122 step %scan3A_123 iter_args(%scan3A_206 = %scan3A_119) -> (i32)  : i32 {
      %mul3A_207 = arith.constant 32 : i32
      %mul3A_208 = arith.muli %scan3A_205, %mul3A_207 : i32
      "tpu.region"() ({
        %run_scoped3A = tpu.sem_alloc : memref<!tpu.dma_semaphore, #tpu.memory_space<semaphore_mem>>
        %dma_start3A = arith.constant 0 : i32
        %dma_start3A_212 = tpu.memref_slice %arg2[%select_n3A_102, %select_n3A_118, %mul3A_208, %dma_start3A] : memref<32x3x512x512xf32, #tpu.memory_space<hbm>> -> memref<1x1x32x512xf32, #tpu.memory_space<hbm>>
        %dma_start3A_213 = tpu.memref_squeeze %dma_start3A_212 : memref<1x1x32x512xf32, #tpu.memory_space<hbm>> -> memref<32x512xf32, #tpu.memory_space<hbm>>
        %dma_start3A_214 = arith.constant 0 : i32
        %dma_start3A_215 = tpu.memref_slice %arg2[%select_n3A_102, %select_n3A_118, %mul3A_208, %dma_start3A_214] : memref<32x3x512x512xf32, #tpu.memory_space<hbm>> -> memref<1x1x32x512xf32, #tpu.memory_space<hbm>>
        %dma_start3A_216 = tpu.memref_squeeze %dma_start3A_215 : memref<1x1x32x512xf32, #tpu.memory_space<hbm>> -> memref<32x512xf32, #tpu.memory_space<hbm>>
        tpu.enqueue_dma source(%dma_start3A_216 : memref<32x512xf32, #tpu.memory_space<hbm>>) target(%arg4 : memref<32x512xf32, #tpu.memory_space<vmem>>) target_semaphore(%run_scoped3A : memref<!tpu.dma_semaphore, #tpu.memory_space<semaphore_mem>>)
        %dma_wait3A = arith.constant 0 : i32
        %dma_wait3A_217 = tpu.memref_slice %arg2[%select_n3A_102, %select_n3A_118, %mul3A_208, %dma_wait3A] : memref<32x3x512x512xf32, #tpu.memory_space<hbm>> -> memref<1x1x32x512xf32, #tpu.memory_space<hbm>>
        %dma_wait3A_218 = tpu.memref_squeeze %dma_wait3A_217 : memref<1x1x32x512xf32, #tpu.memory_space<hbm>> -> memref<32x512xf32, #tpu.memory_space<hbm>>
        %dma_wait3A_219 = arith.constant 0 : i32
        %dma_wait3A_220 = tpu.memref_slice %arg2[%select_n3A_102, %select_n3A_118, %mul3A_208, %dma_wait3A_219] : memref<32x3x512x512xf32, #tpu.memory_space<hbm>> -> memref<1x1x32x512xf32, #tpu.memory_space<hbm>>
        %dma_wait3A_221 = tpu.memref_squeeze %dma_wait3A_220 : memref<1x1x32x512xf32, #tpu.memory_space<hbm>> -> memref<32x512xf32, #tpu.memory_space<hbm>>
        tpu.wait_dma2 semaphore(%run_scoped3A : memref<!tpu.dma_semaphore, #tpu.memory_space<semaphore_mem>>) src(%dma_wait3A_221 : memref<32x512xf32, #tpu.memory_space<hbm>>) dst(%arg4 : memref<32x512xf32, #tpu.memory_space<vmem>>)
        tpu.yield
      }) : () -> ()
      %parallel_loop3A = arith.constant 0 : i32
      %parallel_loop3A_209 = arith.constant 256 : i32
      %parallel_loop3A_210 = arith.constant 1 : i32
      scf.for %parallel_loop3A_212 = %parallel_loop3A to %parallel_loop3A_209 step %parallel_loop3A_210  : i32 {
        %parallel_loop3A_213 = arith.constant 8 : i32
        %parallel_loop3A_214 = arith.divsi %parallel_loop3A_212, %parallel_loop3A_213 : i32
        %parallel_loop3A_215 = arith.constant 0 : i32
        %parallel_loop3A_216 = arith.cmpi sgt, %parallel_loop3A_212, %parallel_loop3A_215 : i32
        %parallel_loop3A_217 = arith.extui %parallel_loop3A_216 : i1 to i32
        %parallel_loop3A_218 = arith.constant 0 : i32
        %parallel_loop3A_219 = arith.cmpi slt, %parallel_loop3A_212, %parallel_loop3A_218 : i32
        %parallel_loop3A_220 = arith.extui %parallel_loop3A_219 : i1 to i32
        %parallel_loop3A_221 = arith.subi %parallel_loop3A_217, %parallel_loop3A_220 : i32
        %parallel_loop3A_222 = arith.constant 0 : i32
        %parallel_loop3A_223 = arith.cmpi sgt, %parallel_loop3A_213, %parallel_loop3A_222 : i32
        %parallel_loop3A_224 = arith.extui %parallel_loop3A_223 : i1 to i32
        %parallel_loop3A_225 = arith.constant 0 : i32
        %parallel_loop3A_226 = arith.cmpi slt, %parallel_loop3A_213, %parallel_loop3A_225 : i32
        %parallel_loop3A_227 = arith.extui %parallel_loop3A_226 : i1 to i32
        %parallel_loop3A_228 = arith.subi %parallel_loop3A_224, %parallel_loop3A_227 : i32
        %parallel_loop3A_229 = arith.cmpi ne, %parallel_loop3A_221, %parallel_loop3A_228 : i32
        %parallel_loop3A_230 = arith.remsi %parallel_loop3A_212, %parallel_loop3A_213 : i32
        %parallel_loop3A_231 = arith.constant 0 : i32
        %parallel_loop3A_232 = arith.cmpi ne, %parallel_loop3A_230, %parallel_loop3A_231 : i32
        %parallel_loop3A_233 = arith.andi %parallel_loop3A_229, %parallel_loop3A_232 : i1
        %parallel_loop3A_234 = arith.constant 1 : i32
        %parallel_loop3A_235 = arith.subi %parallel_loop3A_214, %parallel_loop3A_234 : i32
        %parallel_loop3A_236 = arith.select %parallel_loop3A_233, %parallel_loop3A_235, %parallel_loop3A_214 : i32
        %parallel_loop3A_237 = arith.constant 8 : i32
        %parallel_loop3A_238 = arith.constant 0 : i32
        %parallel_loop3A_239 = arith.cmpi eq, %parallel_loop3A_237, %parallel_loop3A_238 : i32
        %parallel_loop3A_240 = arith.constant 1 : i32
        %parallel_loop3A_241 = arith.select %parallel_loop3A_239, %parallel_loop3A_240, %parallel_loop3A_237 : i32
        %parallel_loop3A_242 = arith.remsi %parallel_loop3A_212, %parallel_loop3A_241 : i32
        %parallel_loop3A_243 = arith.constant 0 : i32
        %parallel_loop3A_244 = arith.cmpi ne, %parallel_loop3A_242, %parallel_loop3A_243 : i32
        %parallel_loop3A_245 = arith.constant 0 : i32
        %parallel_loop3A_246 = arith.cmpi slt, %parallel_loop3A_242, %parallel_loop3A_245 : i32
        %parallel_loop3A_247 = arith.constant 0 : i32
        %parallel_loop3A_248 = arith.cmpi slt, %parallel_loop3A_241, %parallel_loop3A_247 : i32
        %parallel_loop3A_249 = arith.xori %parallel_loop3A_246, %parallel_loop3A_248 : i1
        %parallel_loop3A_250 = arith.andi %parallel_loop3A_249, %parallel_loop3A_244 : i1
        %parallel_loop3A_251 = arith.addi %parallel_loop3A_242, %parallel_loop3A_241 : i32
        %parallel_loop3A_252 = arith.select %parallel_loop3A_250, %parallel_loop3A_251, %parallel_loop3A_242 : i32
        %parallel_loop3A_253 = arith.constant 64 : i32
        %parallel_loop3A_254 = arith.muli %parallel_loop3A_252, %parallel_loop3A_253 : i32
        %parallel_loop3A_255 = arith.constant 0 : i32
        %parallel_loop3A_256 = arith.addi %parallel_loop3A_254, %parallel_loop3A_255 : i32
        %parallel_loop3A_257 = arith.index_cast %parallel_loop3A_236 : i32 to index
        %parallel_loop3A_258 = arith.index_cast %parallel_loop3A_256 : i32 to index
        %parallel_loop3A_259 = tpu.vector_load %arg4[%parallel_loop3A_257, %parallel_loop3A_258] {strides = array<i32>} : memref<32x512xf32, #tpu.memory_space<vmem>>, vector<16xf32>,
        %parallel_loop3A_260 = arith.constant 0.00392156886 : f32
        %parallel_loop3A_261 = vector.broadcast %parallel_loop3A_260 : f32 to vector<16xf32>
        %parallel_loop3A_262 = arith.mulf %parallel_loop3A_259, %parallel_loop3A_261 : vector<16xf32>
        %parallel_loop3A_263 = arith.constant 2.560000e+02 : f32
        %parallel_loop3A_264 = vector.broadcast %parallel_loop3A_263 : f32 to vector<16xf32>
        %parallel_loop3A_265 = arith.mulf %parallel_loop3A_262, %parallel_loop3A_264 : vector<16xf32>
        %parallel_loop3A_266 = arith.fptosi %parallel_loop3A_265 : vector<16xf32> to vector<16xi32>
        %parallel_loop3A_267 = arith.constant 0 : i32
        %parallel_loop3A_268 = arith.constant 255 : i32
        %parallel_loop3A_269 = vector.broadcast %parallel_loop3A_267 : i32 to vector<16xi32>
        %parallel_loop3A_270 = arith.maxsi %parallel_loop3A_269, %parallel_loop3A_266 : vector<16xi32>
        %parallel_loop3A_271 = vector.broadcast %parallel_loop3A_268 : i32 to vector<16xi32>
        %parallel_loop3A_272 = arith.minsi %parallel_loop3A_271, %parallel_loop3A_270 : vector<16xi32>
        %parallel_loop3A_273 = arith.constant 16 : i32
        %parallel_loop3A_274 = arith.addi %parallel_loop3A_254, %parallel_loop3A_273 : i32
        %parallel_loop3A_275 = arith.index_cast %parallel_loop3A_236 : i32 to index
        %parallel_loop3A_276 = arith.index_cast %parallel_loop3A_274 : i32 to index
        %parallel_loop3A_277 = tpu.vector_load %arg4[%parallel_loop3A_275, %parallel_loop3A_276] {strides = array<i32>} : memref<32x512xf32, #tpu.memory_space<vmem>>, vector<16xf32>,
        %parallel_loop3A_278 = arith.constant 0.00392156886 : f32
        %parallel_loop3A_279 = vector.broadcast %parallel_loop3A_278 : f32 to vector<16xf32>
        %parallel_loop3A_280 = arith.mulf %parallel_loop3A_277, %parallel_loop3A_279 : vector<16xf32>
        %parallel_loop3A_281 = arith.constant 2.560000e+02 : f32
        %parallel_loop3A_282 = vector.broadcast %parallel_loop3A_281 : f32 to vector<16xf32>
        %parallel_loop3A_283 = arith.mulf %parallel_loop3A_280, %parallel_loop3A_282 : vector<16xf32>
        %parallel_loop3A_284 = arith.fptosi %parallel_loop3A_283 : vector<16xf32> to vector<16xi32>
        %parallel_loop3A_285 = arith.constant 0 : i32
        %parallel_loop3A_286 = arith.constant 255 : i32
        %parallel_loop3A_287 = vector.broadcast %parallel_loop3A_285 : i32 to vector<16xi32>
        %parallel_loop3A_288 = arith.maxsi %parallel_loop3A_287, %parallel_loop3A_284 : vector<16xi32>
        %parallel_loop3A_289 = vector.broadcast %parallel_loop3A_286 : i32 to vector<16xi32>
        %parallel_loop3A_290 = arith.minsi %parallel_loop3A_289, %parallel_loop3A_288 : vector<16xi32>
        %parallel_loop3A_291 = arith.constant 32 : i32
        %parallel_loop3A_292 = arith.addi %parallel_loop3A_254, %parallel_loop3A_291 : i32
        %parallel_loop3A_293 = arith.index_cast %parallel_loop3A_236 : i32 to index
        %parallel_loop3A_294 = arith.index_cast %parallel_loop3A_292 : i32 to index
        %parallel_loop3A_295 = tpu.vector_load %arg4[%parallel_loop3A_293, %parallel_loop3A_294] {strides = array<i32>} : memref<32x512xf32, #tpu.memory_space<vmem>>, vector<16xf32>,
        %parallel_loop3A_296 = arith.constant 0.00392156886 : f32
        %parallel_loop3A_297 = vector.broadcast %parallel_loop3A_296 : f32 to vector<16xf32>
        %parallel_loop3A_298 = arith.mulf %parallel_loop3A_295, %parallel_loop3A_297 : vector<16xf32>
        %parallel_loop3A_299 = arith.constant 2.560000e+02 : f32
        %parallel_loop3A_300 = vector.broadcast %parallel_loop3A_299 : f32 to vector<16xf32>
        %parallel_loop3A_301 = arith.mulf %parallel_loop3A_298, %parallel_loop3A_300 : vector<16xf32>
        %parallel_loop3A_302 = arith.fptosi %parallel_loop3A_301 : vector<16xf32> to vector<16xi32>
        %parallel_loop3A_303 = arith.constant 0 : i32
        %parallel_loop3A_304 = arith.constant 255 : i32
        %parallel_loop3A_305 = vector.broadcast %parallel_loop3A_303 : i32 to vector<16xi32>
        %parallel_loop3A_306 = arith.maxsi %parallel_loop3A_305, %parallel_loop3A_302 : vector<16xi32>
        %parallel_loop3A_307 = vector.broadcast %parallel_loop3A_304 : i32 to vector<16xi32>
        %parallel_loop3A_308 = arith.minsi %parallel_loop3A_307, %parallel_loop3A_306 : vector<16xi32>
        %parallel_loop3A_309 = arith.constant 48 : i32
        %parallel_loop3A_310 = arith.addi %parallel_loop3A_254, %parallel_loop3A_309 : i32
        %parallel_loop3A_311 = arith.index_cast %parallel_loop3A_236 : i32 to index
        %parallel_loop3A_312 = arith.index_cast %parallel_loop3A_310 : i32 to index
        %parallel_loop3A_313 = tpu.vector_load %arg4[%parallel_loop3A_311, %parallel_loop3A_312] {strides = array<i32>} : memref<32x512xf32, #tpu.memory_space<vmem>>, vector<16xf32>,
        %parallel_loop3A_314 = arith.constant 0.00392156886 : f32
        %parallel_loop3A_315 = vector.broadcast %parallel_loop3A_314 : f32 to vector<16xf32>
        %parallel_loop3A_316 = arith.mulf %parallel_loop3A_313, %parallel_loop3A_315 : vector<16xf32>
        %parallel_loop3A_317 = arith.constant 2.560000e+02 : f32
        %parallel_loop3A_318 = vector.broadcast %parallel_loop3A_317 : f32 to vector<16xf32>
        %parallel_loop3A_319 = arith.mulf %parallel_loop3A_316, %parallel_loop3A_318 : vector<16xf32>
        %parallel_loop3A_320 = arith.fptosi %parallel_loop3A_319 : vector<16xf32> to vector<16xi32>
        %parallel_loop3A_321 = arith.constant 0 : i32
        %parallel_loop3A_322 = arith.constant 255 : i32
        %parallel_loop3A_323 = vector.broadcast %parallel_loop3A_321 : i32 to vector<16xi32>
        %parallel_loop3A_324 = arith.maxsi %parallel_loop3A_323, %parallel_loop3A_320 : vector<16xi32>
        %parallel_loop3A_325 = vector.broadcast %parallel_loop3A_322 : i32 to vector<16xi32>
        %parallel_loop3A_326 = arith.minsi %parallel_loop3A_325, %parallel_loop3A_324 : vector<16xi32>
        %parallel_loop3A_327 = arith.constant 8 : i32
        %parallel_loop3A_328 = vector.broadcast %parallel_loop3A_327 : i32 to vector<16xi32>
        %parallel_loop3A_329 = arith.shli %parallel_loop3A_290, %parallel_loop3A_328 : vector<16xi32>
        %parallel_loop3A_330 = arith.ori %parallel_loop3A_272, %parallel_loop3A_329 : vector<16xi32>
        %parallel_loop3A_331 = arith.constant 16 : i32
        %parallel_loop3A_332 = vector.broadcast %parallel_loop3A_331 : i32 to vector<16xi32>
        %parallel_loop3A_333 = arith.shli %parallel_loop3A_308, %parallel_loop3A_332 : vector<16xi32>
        %parallel_loop3A_334 = arith.ori %parallel_loop3A_330, %parallel_loop3A_333 : vector<16xi32>
        %parallel_loop3A_335 = arith.constant 24 : i32
        %parallel_loop3A_336 = vector.broadcast %parallel_loop3A_335 : i32 to vector<16xi32>
        %parallel_loop3A_337 = arith.shli %parallel_loop3A_326, %parallel_loop3A_336 : vector<16xi32>
        %parallel_loop3A_338 = arith.ori %parallel_loop3A_334, %parallel_loop3A_337 : vector<16xi32>
        %parallel_loop3A_339 = arith.constant 32 : i32
        %parallel_loop3A_340 = arith.muli %scan3A_205, %parallel_loop3A_339 : i32
        %parallel_loop3A_341 = arith.addi %parallel_loop3A_340, %parallel_loop3A_236 : i32
        %parallel_loop3A_342 = arith.constant 128 : i32
        %parallel_loop3A_343 = arith.muli %parallel_loop3A_341, %parallel_loop3A_342 : i32
        %parallel_loop3A_344 = arith.constant 16 : i32
        %parallel_loop3A_345 = arith.muli %parallel_loop3A_252, %parallel_loop3A_344 : i32
        %parallel_loop3A_346 = arith.addi %parallel_loop3A_343, %parallel_loop3A_345 : i32
        %parallel_loop3A_347 = arith.index_cast %parallel_loop3A_346 : i32 to index
        %parallel_loop3A_348 = tpu.vector_load %arg6[%parallel_loop3A_347] {strides = array<i32>} : memref<65536xi32, #tpu.memory_space<vmem>>, vector<16xi32>,
        tpu.vector_store %arg6[%parallel_loop3A_347], %parallel_loop3A_338 {strides = array<i32>} : memref<65536xi32, #tpu.memory_space<vmem>>, vector<16xi32>,
      } {sc.loop_unroll_factor = 2 : i64, sc.parallel_access}
      %scan3A_211 = arith.constant 0 : i32
      scf.yield %scan3A_211 : i32
    }
    %scan3A_125 = arith.constant 16 : i32
    %scan3A_126 = arith.constant 0 : i32
    %scan3A_127 = arith.constant 0 : i32
    %scan3A_128 = arith.constant 8 : i32
    %scan3A_129 = arith.addi %scan3A_127, %scan3A_128 : i32
    %scan3A_130 = arith.constant 1 : i32
    %scan3A_131 = scf.for %scan3A_205 = %scan3A_127 to %scan3A_129 step %scan3A_130 iter_args(%scan3A_206 = %scan3A_126) -> (i32)  : i32 {
      %scan3A_207 = arith.constant 0 : i32
      %scan3A_208 = arith.constant 0 : i32
      %scan3A_209 = arith.constant 8 : i32
      %scan3A_210 = arith.addi %scan3A_208, %scan3A_209 : i32
      %scan3A_211 = arith.constant 1 : i32
      %scan3A_212 = scf.for %scan3A_215 = %scan3A_208 to %scan3A_210 step %scan3A_211 iter_args(%scan3A_216 = %scan3A_207) -> (i32)  : i32 {
        %parallel_loop3A = arith.constant 0 : i32
        %parallel_loop3A_217 = arith.constant 64 : i32
        %parallel_loop3A_218 = arith.constant 1 : i32
        scf.for %parallel_loop3A_236 = %parallel_loop3A to %parallel_loop3A_217 step %parallel_loop3A_218  : i32 {
          %parallel_loop3A_237 = arith.constant 64 : i32
          %parallel_loop3A_238 = arith.muli %scan3A_205, %parallel_loop3A_237 : i32
          %parallel_loop3A_239 = arith.addi %parallel_loop3A_238, %parallel_loop3A_236 : i32
          %parallel_loop3A_240 = arith.constant 128 : i32
          %parallel_loop3A_241 = arith.muli %parallel_loop3A_239, %parallel_loop3A_240 : i32
          %parallel_loop3A_242 = arith.constant 16 : i32
          %parallel_loop3A_243 = arith.muli %scan3A_215, %parallel_loop3A_242 : i32
          %parallel_loop3A_244 = arith.addi %parallel_loop3A_241, %parallel_loop3A_243 : i32
          %parallel_loop3A_245 = arith.index_cast %parallel_loop3A_244 : i32 to index
          %parallel_loop3A_246 = tpu.vector_load %arg6[%parallel_loop3A_245] {strides = array<i32>} : memref<65536xi32, #tpu.memory_space<vmem>>, vector<16xi32>,
          %parallel_loop3A_247 = arith.constant 255 : i32
          %parallel_loop3A_248 = vector.broadcast %parallel_loop3A_247 : i32 to vector<16xi32>
          %parallel_loop3A_249 = arith.andi %parallel_loop3A_246, %parallel_loop3A_248 : vector<16xi32>
          %parallel_loop3A_250 = arith.constant 8 : i32
          %parallel_loop3A_251 = vector.broadcast %parallel_loop3A_250 : i32 to vector<16xi32>
          %parallel_loop3A_252 = arith.shrui %parallel_loop3A_246, %parallel_loop3A_251 : vector<16xi32>
          %parallel_loop3A_253 = arith.constant 255 : i32
          %parallel_loop3A_254 = vector.broadcast %parallel_loop3A_253 : i32 to vector<16xi32>
          %parallel_loop3A_255 = arith.andi %parallel_loop3A_252, %parallel_loop3A_254 : vector<16xi32>
          %parallel_loop3A_256 = arith.constant 16 : i32
          %parallel_loop3A_257 = vector.broadcast %parallel_loop3A_256 : i32 to vector<16xi32>
          %parallel_loop3A_258 = arith.shrui %parallel_loop3A_246, %parallel_loop3A_257 : vector<16xi32>
          %parallel_loop3A_259 = arith.constant 255 : i32
          %parallel_loop3A_260 = vector.broadcast %parallel_loop3A_259 : i32 to vector<16xi32>
          %parallel_loop3A_261 = arith.andi %parallel_loop3A_258, %parallel_loop3A_260 : vector<16xi32>
          %parallel_loop3A_262 = arith.constant 24 : i32
          %parallel_loop3A_263 = vector.broadcast %parallel_loop3A_262 : i32 to vector<16xi32>
          %parallel_loop3A_264 = arith.shrui %parallel_loop3A_246, %parallel_loop3A_263 : vector<16xi32>
          %parallel_loop3A_265 = arith.addi %parallel_loop3A_249, %mul3A_3 : vector<16xi32>
          tpu.vector_store_idx %arg7[%parallel_loop3A_265], %broadcast_in_dim3A_4 {add = true} : memref<4096xf32, #tpu.memory_space<vmem>>[vector<16xi32>], vector<16xf32>,
          %parallel_loop3A_266 = arith.addi %parallel_loop3A_255, %mul3A_3 : vector<16xi32>
          tpu.vector_store_idx %arg7[%parallel_loop3A_266], %broadcast_in_dim3A_4 {add = true} : memref<4096xf32, #tpu.memory_space<vmem>>[vector<16xi32>], vector<16xf32>,
          %parallel_loop3A_267 = arith.addi %parallel_loop3A_261, %mul3A_3 : vector<16xi32>
          tpu.vector_store_idx %arg7[%parallel_loop3A_267], %broadcast_in_dim3A_4 {add = true} : memref<4096xf32, #tpu.memory_space<vmem>>[vector<16xi32>], vector<16xf32>,
          %parallel_loop3A_268 = arith.addi %parallel_loop3A_264, %mul3A_3 : vector<16xi32>
          tpu.vector_store_idx %arg7[%parallel_loop3A_268], %broadcast_in_dim3A_4 {add = true} : memref<4096xf32, #tpu.memory_space<vmem>>[vector<16xi32>], vector<16xf32>,
        } {sc.loop_unroll_factor = 2 : i64, sc.parallel_access}
        %parallel_loop3A_219 = arith.constant 0 : i32
        %parallel_loop3A_220 = arith.constant 16 : i32
        %parallel_loop3A_221 = arith.constant 1 : i32
        %parallel_loop3A_222 = scf.for %parallel_loop3A_236 = %parallel_loop3A_219 to %parallel_loop3A_220 step %parallel_loop3A_221 iter_args(%parallel_loop3A_237 = %broadcast_in_dim3A_6) -> (vector<16xf32>)  : i32 {
          %parallel_loop3A_238 = arith.constant 16 : i32
          %parallel_loop3A_239 = arith.muli %parallel_loop3A_236, %parallel_loop3A_238 : i32
          %parallel_loop3A_240 = arith.index_cast %parallel_loop3A_239 : i32 to index
          %parallel_loop3A_241 = tpu.vector_load %arg7[%parallel_loop3A_240] {strides = array<i32>} : memref<4096xf32, #tpu.memory_space<vmem>>, vector<16xf32>,
          %parallel_loop3A_242 = arith.constant 16 : i32
          %parallel_loop3A_243 = arith.muli %parallel_loop3A_236, %parallel_loop3A_242 : i32
          %parallel_loop3A_244 = arith.index_cast %parallel_loop3A_243 : i32 to index
          %parallel_loop3A_245 = tpu.vector_load %arg7[%parallel_loop3A_244] {strides = array<i32>} : memref<4096xf32, #tpu.memory_space<vmem>>, vector<16xf32>,
          tpu.vector_store %arg7[%parallel_loop3A_244], %broadcast_in_dim3A_6 {strides = array<i32>} : memref<4096xf32, #tpu.memory_space<vmem>>, vector<16xf32>,
          %parallel_loop3A_246 = arith.constant 16 : i32
          %parallel_loop3A_247 = arith.muli %parallel_loop3A_236, %parallel_loop3A_246 : i32
          %parallel_loop3A_248 = arith.constant 256 : i32
          %parallel_loop3A_249 = arith.addi %parallel_loop3A_248, %parallel_loop3A_247 : i32
          %parallel_loop3A_250 = arith.index_cast %parallel_loop3A_249 : i32 to index
          %parallel_loop3A_251 = tpu.vector_load %arg7[%parallel_loop3A_250] {strides = array<i32>} : memref<4096xf32, #tpu.memory_space<vmem>>, vector<16xf32>,
          %parallel_loop3A_252 = arith.addf %parallel_loop3A_241, %parallel_loop3A_251 : vector<16xf32>
          %parallel_loop3A_253 = arith.constant 16 : i32
          %parallel_loop3A_254 = arith.muli %parallel_loop3A_236, %parallel_loop3A_253 : i32
          %parallel_loop3A_255 = arith.constant 256 : i32
          %parallel_loop3A_256 = arith.addi %parallel_loop3A_255, %parallel_loop3A_254 : i32
          %parallel_loop3A_257 = arith.index_cast %parallel_loop3A_256 : i32 to index
          %parallel_loop3A_258 = tpu.vector_load %arg7[%parallel_loop3A_257] {strides = array<i32>} : memref<4096xf32, #tpu.memory_space<vmem>>, vector<16xf32>,
          tpu.vector_store %arg7[%parallel_loop3A_257], %broadcast_in_dim3A_6 {strides = array<i32>} : memref<4096xf32, #tpu.memory_space<vmem>>, vector<16xf32>,
          %parallel_loop3A_259 = arith.constant 16 : i32
          %parallel_loop3A_260 = arith.muli %parallel_loop3A_236, %parallel_loop3A_259 : i32
          %parallel_loop3A_261 = arith.constant 512 : i32
          %parallel_loop3A_262 = arith.addi %parallel_loop3A_261, %parallel_loop3A_260 : i32
          %parallel_loop3A_263 = arith.index_cast %parallel_loop3A_262 : i32 to index
          %parallel_loop3A_264 = tpu.vector_load %arg7[%parallel_loop3A_263] {strides = array<i32>} : memref<4096xf32, #tpu.memory_space<vmem>>, vector<16xf32>,
          %parallel_loop3A_265 = arith.addf %parallel_loop3A_252, %parallel_loop3A_264 : vector<16xf32>
          %parallel_loop3A_266 = arith.constant 16 : i32
          %parallel_loop3A_267 = arith.muli %parallel_loop3A_236, %parallel_loop3A_266 : i32
          %parallel_loop3A_268 = arith.constant 512 : i32
          %parallel_loop3A_269 = arith.addi %parallel_loop3A_268, %parallel_loop3A_267 : i32
          %parallel_loop3A_270 = arith.index_cast %parallel_loop3A_269 : i32 to index
          %parallel_loop3A_271 = tpu.vector_load %arg7[%parallel_loop3A_270] {strides = array<i32>} : memref<4096xf32, #tpu.memory_space<vmem>>, vector<16xf32>,
          tpu.vector_store %arg7[%parallel_loop3A_270], %broadcast_in_dim3A_6 {strides = array<i32>} : memref<4096xf32, #tpu.memory_space<vmem>>, vector<16xf32>,
          %parallel_loop3A_272 = arith.constant 16 : i32
          %parallel_loop3A_273 = arith.muli %parallel_loop3A_236, %parallel_loop3A_272 : i32
          %parallel_loop3A_274 = arith.constant 768 : i32
          %parallel_loop3A_275 = arith.addi %parallel_loop3A_274, %parallel_loop3A_273 : i32
          %parallel_loop3A_276 = arith.index_cast %parallel_loop3A_275 : i32 to index
          %parallel_loop3A_277 = tpu.vector_load %arg7[%parallel_loop3A_276] {strides = array<i32>} : memref<4096xf32, #tpu.memory_space<vmem>>, vector<16xf32>,
          %parallel_loop3A_278 = arith.addf %parallel_loop3A_265, %parallel_loop3A_277 : vector<16xf32>
          %parallel_loop3A_279 = arith.constant 16 : i32
          %parallel_loop3A_280 = arith.muli %parallel_loop3A_236, %parallel_loop3A_279 : i32
          %parallel_loop3A_281 = arith.constant 768 : i32
          %parallel_loop3A_282 = arith.addi %parallel_loop3A_281, %parallel_loop3A_280 : i32
          %parallel_loop3A_283 = arith.index_cast %parallel_loop3A_282 : i32 to index
          %parallel_loop3A_284 = tpu.vector_load %arg7[%parallel_loop3A_283] {strides = array<i32>} : memref<4096xf32, #tpu.memory_space<vmem>>, vector<16xf32>,
          tpu.vector_store %arg7[%parallel_loop3A_283], %broadcast_in_dim3A_6 {strides = array<i32>} : memref<4096xf32, #tpu.memory_space<vmem>>, vector<16xf32>,
          %parallel_loop3A_285 = arith.constant 16 : i32
          %parallel_loop3A_286 = arith.muli %parallel_loop3A_236, %parallel_loop3A_285 : i32
          %parallel_loop3A_287 = arith.constant 1024 : i32
          %parallel_loop3A_288 = arith.addi %parallel_loop3A_287, %parallel_loop3A_286 : i32
          %parallel_loop3A_289 = arith.index_cast %parallel_loop3A_288 : i32 to index
          %parallel_loop3A_290 = tpu.vector_load %arg7[%parallel_loop3A_289] {strides = array<i32>} : memref<4096xf32, #tpu.memory_space<vmem>>, vector<16xf32>,
          %parallel_loop3A_291 = arith.addf %parallel_loop3A_278, %parallel_loop3A_290 : vector<16xf32>
          %parallel_loop3A_292 = arith.constant 16 : i32
          %parallel_loop3A_293 = arith.muli %parallel_loop3A_236, %parallel_loop3A_292 : i32
          %parallel_loop3A_294 = arith.constant 1024 : i32
          %parallel_loop3A_295 = arith.addi %parallel_loop3A_294, %parallel_loop3A_293 : i32
          %parallel_loop3A_296 = arith.index_cast %parallel_loop3A_295 : i32 to index
          %parallel_loop3A_297 = tpu.vector_load %arg7[%parallel_loop3A_296] {strides = array<i32>} : memref<4096xf32, #tpu.memory_space<vmem>>, vector<16xf32>,
          tpu.vector_store %arg7[%parallel_loop3A_296], %broadcast_in_dim3A_6 {strides = array<i32>} : memref<4096xf32, #tpu.memory_space<vmem>>, vector<16xf32>,
          %parallel_loop3A_298 = arith.constant 16 : i32
          %parallel_loop3A_299 = arith.muli %parallel_loop3A_236, %parallel_loop3A_298 : i32
          %parallel_loop3A_300 = arith.constant 1280 : i32
          %parallel_loop3A_301 = arith.addi %parallel_loop3A_300, %parallel_loop3A_299 : i32
          %parallel_loop3A_302 = arith.index_cast %parallel_loop3A_301 : i32 to index
          %parallel_loop3A_303 = tpu.vector_load %arg7[%parallel_loop3A_302] {strides = array<i32>} : memref<4096xf32, #tpu.memory_space<vmem>>, vector<16xf32>,
          %parallel_loop3A_304 = arith.addf %parallel_loop3A_291, %parallel_loop3A_303 : vector<16xf32>
          %parallel_loop3A_305 = arith.constant 16 : i32
          %parallel_loop3A_306 = arith.muli %parallel_loop3A_236, %parallel_loop3A_305 : i32
          %parallel_loop3A_307 = arith.constant 1280 : i32
          %parallel_loop3A_308 = arith.addi %parallel_loop3A_307, %parallel_loop3A_306 : i32
          %parallel_loop3A_309 = arith.index_cast %parallel_loop3A_308 : i32 to index
          %parallel_loop3A_310 = tpu.vector_load %arg7[%parallel_loop3A_309] {strides = array<i32>} : memref<4096xf32, #tpu.memory_space<vmem>>, vector<16xf32>,
          tpu.vector_store %arg7[%parallel_loop3A_309], %broadcast_in_dim3A_6 {strides = array<i32>} : memref<4096xf32, #tpu.memory_space<vmem>>, vector<16xf32>,
          %parallel_loop3A_311 = arith.constant 16 : i32
          %parallel_loop3A_312 = arith.muli %parallel_loop3A_236, %parallel_loop3A_311 : i32
          %parallel_loop3A_313 = arith.constant 1536 : i32
          %parallel_loop3A_314 = arith.addi %parallel_loop3A_313, %parallel_loop3A_312 : i32
          %parallel_loop3A_315 = arith.index_cast %parallel_loop3A_314 : i32 to index
          %parallel_loop3A_316 = tpu.vector_load %arg7[%parallel_loop3A_315] {strides = array<i32>} : memref<4096xf32, #tpu.memory_space<vmem>>, vector<16xf32>,
          %parallel_loop3A_317 = arith.addf %parallel_loop3A_304, %parallel_loop3A_316 : vector<16xf32>
          %parallel_loop3A_318 = arith.constant 16 : i32
          %parallel_loop3A_319 = arith.muli %parallel_loop3A_236, %parallel_loop3A_318 : i32
          %parallel_loop3A_320 = arith.constant 1536 : i32
          %parallel_loop3A_321 = arith.addi %parallel_loop3A_320, %parallel_loop3A_319 : i32
          %parallel_loop3A_322 = arith.index_cast %parallel_loop3A_321 : i32 to index
          %parallel_loop3A_323 = tpu.vector_load %arg7[%parallel_loop3A_322] {strides = array<i32>} : memref<4096xf32, #tpu.memory_space<vmem>>, vector<16xf32>,
          tpu.vector_store %arg7[%parallel_loop3A_322], %broadcast_in_dim3A_6 {strides = array<i32>} : memref<4096xf32, #tpu.memory_space<vmem>>, vector<16xf32>,
          %parallel_loop3A_324 = arith.constant 16 : i32
          %parallel_loop3A_325 = arith.muli %parallel_loop3A_236, %parallel_loop3A_324 : i32
          %parallel_loop3A_326 = arith.constant 1792 : i32
          %parallel_loop3A_327 = arith.addi %parallel_loop3A_326, %parallel_loop3A_325 : i32
          %parallel_loop3A_328 = arith.index_cast %parallel_loop3A_327 : i32 to index
          %parallel_loop3A_329 = tpu.vector_load %arg7[%parallel_loop3A_328] {strides = array<i32>} : memref<4096xf32, #tpu.memory_space<vmem>>, vector<16xf32>,
          %parallel_loop3A_330 = arith.addf %parallel_loop3A_317, %parallel_loop3A_329 : vector<16xf32>
          %parallel_loop3A_331 = arith.constant 16 : i32
          %parallel_loop3A_332 = arith.muli %parallel_loop3A_236, %parallel_loop3A_331 : i32
          %parallel_loop3A_333 = arith.constant 1792 : i32
          %parallel_loop3A_334 = arith.addi %parallel_loop3A_333, %parallel_loop3A_332 : i32
          %parallel_loop3A_335 = arith.index_cast %parallel_loop3A_334 : i32 to index
          %parallel_loop3A_336 = tpu.vector_load %arg7[%parallel_loop3A_335] {strides = array<i32>} : memref<4096xf32, #tpu.memory_space<vmem>>, vector<16xf32>,
          tpu.vector_store %arg7[%parallel_loop3A_335], %broadcast_in_dim3A_6 {strides = array<i32>} : memref<4096xf32, #tpu.memory_space<vmem>>, vector<16xf32>,
          %parallel_loop3A_337 = arith.constant 16 : i32
          %parallel_loop3A_338 = arith.muli %parallel_loop3A_236, %parallel_loop3A_337 : i32
          %parallel_loop3A_339 = arith.constant 2048 : i32
          %parallel_loop3A_340 = arith.addi %parallel_loop3A_339, %parallel_loop3A_338 : i32
          %parallel_loop3A_341 = arith.index_cast %parallel_loop3A_340 : i32 to index
          %parallel_loop3A_342 = tpu.vector_load %arg7[%parallel_loop3A_341] {strides = array<i32>} : memref<4096xf32, #tpu.memory_space<vmem>>, vector<16xf32>,
          %parallel_loop3A_343 = arith.addf %parallel_loop3A_330, %parallel_loop3A_342 : vector<16xf32>
          %parallel_loop3A_344 = arith.constant 16 : i32
          %parallel_loop3A_345 = arith.muli %parallel_loop3A_236, %parallel_loop3A_344 : i32
          %parallel_loop3A_346 = arith.constant 2048 : i32
          %parallel_loop3A_347 = arith.addi %parallel_loop3A_346, %parallel_loop3A_345 : i32
          %parallel_loop3A_348 = arith.index_cast %parallel_loop3A_347 : i32 to index
          %parallel_loop3A_349 = tpu.vector_load %arg7[%parallel_loop3A_348] {strides = array<i32>} : memref<4096xf32, #tpu.memory_space<vmem>>, vector<16xf32>,
          tpu.vector_store %arg7[%parallel_loop3A_348], %broadcast_in_dim3A_6 {strides = array<i32>} : memref<4096xf32, #tpu.memory_space<vmem>>, vector<16xf32>,
          %parallel_loop3A_350 = arith.constant 16 : i32
          %parallel_loop3A_351 = arith.muli %parallel_loop3A_236, %parallel_loop3A_350 : i32
          %parallel_loop3A_352 = arith.constant 2304 : i32
          %parallel_loop3A_353 = arith.addi %parallel_loop3A_352, %parallel_loop3A_351 : i32
          %parallel_loop3A_354 = arith.index_cast %parallel_loop3A_353 : i32 to index
          %parallel_loop3A_355 = tpu.vector_load %arg7[%parallel_loop3A_354] {strides = array<i32>} : memref<4096xf32, #tpu.memory_space<vmem>>, vector<16xf32>,
          %parallel_loop3A_356 = arith.addf %parallel_loop3A_343, %parallel_loop3A_355 : vector<16xf32>
          %parallel_loop3A_357 = arith.constant 16 : i32
          %parallel_loop3A_358 = arith.muli %parallel_loop3A_236, %parallel_loop3A_357 : i32
          %parallel_loop3A_359 = arith.constant 2304 : i32
          %parallel_loop3A_360 = arith.addi %parallel_loop3A_359, %parallel_loop3A_358 : i32
          %parallel_loop3A_361 = arith.index_cast %parallel_loop3A_360 : i32 to index
          %parallel_loop3A_362 = tpu.vector_load %arg7[%parallel_loop3A_361] {strides = array<i32>} : memref<4096xf32, #tpu.memory_space<vmem>>, vector<16xf32>,
          tpu.vector_store %arg7[%parallel_loop3A_361], %broadcast_in_dim3A_6 {strides = array<i32>} : memref<4096xf32, #tpu.memory_space<vmem>>, vector<16xf32>,
          %parallel_loop3A_363 = arith.constant 16 : i32
          %parallel_loop3A_364 = arith.muli %parallel_loop3A_236, %parallel_loop3A_363 : i32
          %parallel_loop3A_365 = arith.constant 2560 : i32
          %parallel_loop3A_366 = arith.addi %parallel_loop3A_365, %parallel_loop3A_364 : i32
          %parallel_loop3A_367 = arith.index_cast %parallel_loop3A_366 : i32 to index
          %parallel_loop3A_368 = tpu.vector_load %arg7[%parallel_loop3A_367] {strides = array<i32>} : memref<4096xf32, #tpu.memory_space<vmem>>, vector<16xf32>,
          %parallel_loop3A_369 = arith.addf %parallel_loop3A_356, %parallel_loop3A_368 : vector<16xf32>
          %parallel_loop3A_370 = arith.constant 16 : i32
          %parallel_loop3A_371 = arith.muli %parallel_loop3A_236, %parallel_loop3A_370 : i32
          %parallel_loop3A_372 = arith.constant 2560 : i32
          %parallel_loop3A_373 = arith.addi %parallel_loop3A_372, %parallel_loop3A_371 : i32
          %parallel_loop3A_374 = arith.index_cast %parallel_loop3A_373 : i32 to index
          %parallel_loop3A_375 = tpu.vector_load %arg7[%parallel_loop3A_374] {strides = array<i32>} : memref<4096xf32, #tpu.memory_space<vmem>>, vector<16xf32>,
          tpu.vector_store %arg7[%parallel_loop3A_374], %broadcast_in_dim3A_6 {strides = array<i32>} : memref<4096xf32, #tpu.memory_space<vmem>>, vector<16xf32>,
          %parallel_loop3A_376 = arith.constant 16 : i32
          %parallel_loop3A_377 = arith.muli %parallel_loop3A_236, %parallel_loop3A_376 : i32
          %parallel_loop3A_378 = arith.constant 2816 : i32
          %parallel_loop3A_379 = arith.addi %parallel_loop3A_378, %parallel_loop3A_377 : i32
          %parallel_loop3A_380 = arith.index_cast %parallel_loop3A_379 : i32 to index
          %parallel_loop3A_381 = tpu.vector_load %arg7[%parallel_loop3A_380] {strides = array<i32>} : memref<4096xf32, #tpu.memory_space<vmem>>, vector<16xf32>,
          %parallel_loop3A_382 = arith.addf %parallel_loop3A_369, %parallel_loop3A_381 : vector<16xf32>
          %parallel_loop3A_383 = arith.constant 16 : i32
          %parallel_loop3A_384 = arith.muli %parallel_loop3A_236, %parallel_loop3A_383 : i32
          %parallel_loop3A_385 = arith.constant 2816 : i32
          %parallel_loop3A_386 = arith.addi %parallel_loop3A_385, %parallel_loop3A_384 : i32
          %parallel_loop3A_387 = arith.index_cast %parallel_loop3A_386 : i32 to index
          %parallel_loop3A_388 = tpu.vector_load %arg7[%parallel_loop3A_387] {strides = array<i32>} : memref<4096xf32, #tpu.memory_space<vmem>>, vector<16xf32>,
          tpu.vector_store %arg7[%parallel_loop3A_387], %broadcast_in_dim3A_6 {strides = array<i32>} : memref<4096xf32, #tpu.memory_space<vmem>>, vector<16xf32>,
          %parallel_loop3A_389 = arith.constant 16 : i32
          %parallel_loop3A_390 = arith.muli %parallel_loop3A_236, %parallel_loop3A_389 : i32
          %parallel_loop3A_391 = arith.constant 3072 : i32
          %parallel_loop3A_392 = arith.addi %parallel_loop3A_391, %parallel_loop3A_390 : i32
          %parallel_loop3A_393 = arith.index_cast %parallel_loop3A_392 : i32 to index
          %parallel_loop3A_394 = tpu.vector_load %arg7[%parallel_loop3A_393] {strides = array<i32>} : memref<4096xf32, #tpu.memory_space<vmem>>, vector<16xf32>,
          %parallel_loop3A_395 = arith.addf %parallel_loop3A_382, %parallel_loop3A_394 : vector<16xf32>
          %parallel_loop3A_396 = arith.constant 16 : i32
          %parallel_loop3A_397 = arith.muli %parallel_loop3A_236, %parallel_loop3A_396 : i32
          %parallel_loop3A_398 = arith.constant 3072 : i32
          %parallel_loop3A_399 = arith.addi %parallel_loop3A_398, %parallel_loop3A_397 : i32
          %parallel_loop3A_400 = arith.index_cast %parallel_loop3A_399 : i32 to index
          %parallel_loop3A_401 = tpu.vector_load %arg7[%parallel_loop3A_400] {strides = array<i32>} : memref<4096xf32, #tpu.memory_space<vmem>>, vector<16xf32>,
          tpu.vector_store %arg7[%parallel_loop3A_400], %broadcast_in_dim3A_6 {strides = array<i32>} : memref<4096xf32, #tpu.memory_space<vmem>>, vector<16xf32>,
          %parallel_loop3A_402 = arith.constant 16 : i32
          %parallel_loop3A_403 = arith.muli %parallel_loop3A_236, %parallel_loop3A_402 : i32
          %parallel_loop3A_404 = arith.constant 3328 : i32
          %parallel_loop3A_405 = arith.addi %parallel_loop3A_404, %parallel_loop3A_403 : i32
          %parallel_loop3A_406 = arith.index_cast %parallel_loop3A_405 : i32 to index
          %parallel_loop3A_407 = tpu.vector_load %arg7[%parallel_loop3A_406] {strides = array<i32>} : memref<4096xf32, #tpu.memory_space<vmem>>, vector<16xf32>,
          %parallel_loop3A_408 = arith.addf %parallel_loop3A_395, %parallel_loop3A_407 : vector<16xf32>
          %parallel_loop3A_409 = arith.constant 16 : i32
          %parallel_loop3A_410 = arith.muli %parallel_loop3A_236, %parallel_loop3A_409 : i32
          %parallel_loop3A_411 = arith.constant 3328 : i32
          %parallel_loop3A_412 = arith.addi %parallel_loop3A_411, %parallel_loop3A_410 : i32
          %parallel_loop3A_413 = arith.index_cast %parallel_loop3A_412 : i32 to index
          %parallel_loop3A_414 = tpu.vector_load %arg7[%parallel_loop3A_413] {strides = array<i32>} : memref<4096xf32, #tpu.memory_space<vmem>>, vector<16xf32>,
          tpu.vector_store %arg7[%parallel_loop3A_413], %broadcast_in_dim3A_6 {strides = array<i32>} : memref<4096xf32, #tpu.memory_space<vmem>>, vector<16xf32>,
          %parallel_loop3A_415 = arith.constant 16 : i32
          %parallel_loop3A_416 = arith.muli %parallel_loop3A_236, %parallel_loop3A_415 : i32
          %parallel_loop3A_417 = arith.constant 3584 : i32
          %parallel_loop3A_418 = arith.addi %parallel_loop3A_417, %parallel_loop3A_416 : i32
          %parallel_loop3A_419 = arith.index_cast %parallel_loop3A_418 : i32 to index
          %parallel_loop3A_420 = tpu.vector_load %arg7[%parallel_loop3A_419] {strides = array<i32>} : memref<4096xf32, #tpu.memory_space<vmem>>, vector<16xf32>,
          %parallel_loop3A_421 = arith.addf %parallel_loop3A_408, %parallel_loop3A_420 : vector<16xf32>
          %parallel_loop3A_422 = arith.constant 16 : i32
          %parallel_loop3A_423 = arith.muli %parallel_loop3A_236, %parallel_loop3A_422 : i32
          %parallel_loop3A_424 = arith.constant 3584 : i32
          %parallel_loop3A_425 = arith.addi %parallel_loop3A_424, %parallel_loop3A_423 : i32
          %parallel_loop3A_426 = arith.index_cast %parallel_loop3A_425 : i32 to index
          %parallel_loop3A_427 = tpu.vector_load %arg7[%parallel_loop3A_426] {strides = array<i32>} : memref<4096xf32, #tpu.memory_space<vmem>>, vector<16xf32>,
          tpu.vector_store %arg7[%parallel_loop3A_426], %broadcast_in_dim3A_6 {strides = array<i32>} : memref<4096xf32, #tpu.memory_space<vmem>>, vector<16xf32>,
          %parallel_loop3A_428 = arith.constant 16 : i32
          %parallel_loop3A_429 = arith.muli %parallel_loop3A_236, %parallel_loop3A_428 : i32
          %parallel_loop3A_430 = arith.constant 3840 : i32
          %parallel_loop3A_431 = arith.addi %parallel_loop3A_430, %parallel_loop3A_429 : i32
          %parallel_loop3A_432 = arith.index_cast %parallel_loop3A_431 : i32 to index
          %parallel_loop3A_433 = tpu.vector_load %arg7[%parallel_loop3A_432] {strides = array<i32>} : memref<4096xf32, #tpu.memory_space<vmem>>, vector<16xf32>,
          %parallel_loop3A_434 = arith.addf %parallel_loop3A_421, %parallel_loop3A_433 : vector<16xf32>
          %parallel_loop3A_435 = arith.constant 16 : i32
          %parallel_loop3A_436 = arith.muli %parallel_loop3A_236, %parallel_loop3A_435 : i32
          %parallel_loop3A_437 = arith.constant 3840 : i32
          %parallel_loop3A_438 = arith.addi %parallel_loop3A_437, %parallel_loop3A_436 : i32
          %parallel_loop3A_439 = arith.index_cast %parallel_loop3A_438 : i32 to index
          %parallel_loop3A_440 = tpu.vector_load %arg7[%parallel_loop3A_439] {strides = array<i32>} : memref<4096xf32, #tpu.memory_space<vmem>>, vector<16xf32>,
          tpu.vector_store %arg7[%parallel_loop3A_439], %broadcast_in_dim3A_6 {strides = array<i32>} : memref<4096xf32, #tpu.memory_space<vmem>>, vector<16xf32>,
          %parallel_loop3A_441 = arith.constant 6.400000e+01 : f32
          %parallel_loop3A_442 = vector.broadcast %parallel_loop3A_441 : f32 to vector<16xf32>
          %parallel_loop3A_443 = arith.minimumf %parallel_loop3A_434, %parallel_loop3A_442 : vector<16xf32>
          %parallel_loop3A_444 = arith.constant 16 : i32
          %parallel_loop3A_445 = arith.muli %parallel_loop3A_236, %parallel_loop3A_444 : i32
          %parallel_loop3A_446 = arith.index_cast %parallel_loop3A_445 : i32 to index
          %parallel_loop3A_447 = tpu.vector_load %arg8[%parallel_loop3A_446] {strides = array<i32>} : memref<256xf32, #tpu.memory_space<vmem>>, vector<16xf32>,
          tpu.vector_store %arg8[%parallel_loop3A_446], %parallel_loop3A_443 {strides = array<i32>} : memref<256xf32, #tpu.memory_space<vmem>>, vector<16xf32>,
          %parallel_loop3A_448 = arith.addf %parallel_loop3A_237, %parallel_loop3A_443 : vector<16xf32>
          scf.yield %parallel_loop3A_448 : vector<16xf32>
        } {sc.loop_unroll_factor = 1 : i64, sc.parallel_access}
        %reduce_sum3A = arith.constant true
        %reduce_sum3A_223 = vector.broadcast %reduce_sum3A : i1 to vector<16xi1>
        %reduce_sum3A_224 = tpu.scan <sum>, %parallel_loop3A_222 masked %reduce_sum3A_223 : vector<16xf32>, vector<16xi1> -> vector<16xf32>
        %reduce_sum3A_225 = vector.extract %reduce_sum3A_224[15] : f32 from vector<16xf32>
        %sub3A_226 = arith.constant 4.096000e+03 : f32
        %sub3A_227 = arith.subf %sub3A_226, %reduce_sum3A_225 : f32
        %mul3A_228 = arith.constant 3.906250e-03 : f32
        %mul3A_229 = arith.mulf %sub3A_227, %mul3A_228 : f32
        %parallel_loop3A_230 = arith.constant 0 : i32
        %parallel_loop3A_231 = arith.constant 16 : i32
        %parallel_loop3A_232 = arith.constant 1 : i32
        %parallel_loop3A_233 = arith.constant 0.000000e+00 : f32
        %parallel_loop3A_234 = scf.for %parallel_loop3A_236 = %parallel_loop3A_230 to %parallel_loop3A_231 step %parallel_loop3A_232 iter_args(%parallel_loop3A_237 = %parallel_loop3A_233) -> (f32)  : i32 {
          %parallel_loop3A_238 = arith.constant 16 : i32
          %parallel_loop3A_239 = arith.muli %parallel_loop3A_236, %parallel_loop3A_238 : i32
          %parallel_loop3A_240 = arith.index_cast %parallel_loop3A_239 : i32 to index
          %parallel_loop3A_241 = tpu.vector_load %arg8[%parallel_loop3A_240] {strides = array<i32>} : memref<256xf32, #tpu.memory_space<vmem>>, vector<16xf32>,
          %parallel_loop3A_242 = vector.broadcast %mul3A_229 : f32 to vector<16xf32>
          %parallel_loop3A_243 = arith.addf %parallel_loop3A_241, %parallel_loop3A_242 : vector<16xf32>
          %parallel_loop3A_244 = arith.constant true
          %parallel_loop3A_245 = vector.broadcast %parallel_loop3A_244 : i1 to vector<16xi1>
          %parallel_loop3A_246 = tpu.scan <sum>, %parallel_loop3A_243 masked %parallel_loop3A_245 : vector<16xf32>, vector<16xi1> -> vector<16xf32>
          %parallel_loop3A_247 = vector.broadcast %parallel_loop3A_237 : f32 to vector<16xf32>
          %parallel_loop3A_248 = arith.addf %parallel_loop3A_246, %parallel_loop3A_247 : vector<16xf32>
          %parallel_loop3A_249 = arith.constant 2.550000e+02 : f32
          %parallel_loop3A_250 = vector.broadcast %parallel_loop3A_249 : f32 to vector<16xf32>
          %parallel_loop3A_251 = arith.mulf %parallel_loop3A_248, %parallel_loop3A_250 : vector<16xf32>
          %parallel_loop3A_252 = arith.constant 2.44140625E-4 : f32
          %parallel_loop3A_253 = vector.broadcast %parallel_loop3A_252 : f32 to vector<16xf32>
          %parallel_loop3A_254 = arith.mulf %parallel_loop3A_251, %parallel_loop3A_253 : vector<16xf32>
          %parallel_loop3A_255 = arith.fptosi %parallel_loop3A_254 : vector<16xf32> to vector<16xi32>
          %parallel_loop3A_256 = arith.sitofp %parallel_loop3A_255 : vector<16xi32> to vector<16xf32>
          %parallel_loop3A_257 = arith.constant 0.000000e+00 : f32
          %parallel_loop3A_258 = arith.constant 2.550000e+02 : f32
          %parallel_loop3A_259 = vector.broadcast %parallel_loop3A_257 : f32 to vector<16xf32>
          %parallel_loop3A_260 = arith.maximumf %parallel_loop3A_259, %parallel_loop3A_256 : vector<16xf32>
          %parallel_loop3A_261 = vector.broadcast %parallel_loop3A_258 : f32 to vector<16xf32>
          %parallel_loop3A_262 = arith.minimumf %parallel_loop3A_261, %parallel_loop3A_260 : vector<16xf32>
          %parallel_loop3A_263 = arith.constant 8 : i32
          %parallel_loop3A_264 = arith.muli %scan3A_205, %parallel_loop3A_263 : i32
          %parallel_loop3A_265 = arith.addi %parallel_loop3A_264, %scan3A_215 : i32
          %parallel_loop3A_266 = arith.constant 256 : i32
          %parallel_loop3A_267 = arith.muli %parallel_loop3A_265, %parallel_loop3A_266 : i32
          %parallel_loop3A_268 = arith.constant 16 : i32
          %parallel_loop3A_269 = arith.muli %parallel_loop3A_236, %parallel_loop3A_268 : i32
          %parallel_loop3A_270 = arith.addi %parallel_loop3A_267, %parallel_loop3A_269 : i32
          %parallel_loop3A_271 = arith.index_cast %parallel_loop3A_270 : i32 to index
          %parallel_loop3A_272 = tpu.vector_load %arg9[%parallel_loop3A_271] {strides = array<i32>} : memref<16384xf32, #tpu.memory_space<vmem>>, vector<16xf32>,
          tpu.vector_store %arg9[%parallel_loop3A_271], %parallel_loop3A_262 {strides = array<i32>} : memref<16384xf32, #tpu.memory_space<vmem>>, vector<16xf32>,
          %parallel_loop3A_273 = arith.constant true
          %parallel_loop3A_274 = vector.broadcast %parallel_loop3A_273 : i1 to vector<16xi1>
          %parallel_loop3A_275 = tpu.scan <sum>, %parallel_loop3A_243 masked %parallel_loop3A_274 : vector<16xf32>, vector<16xi1> -> vector<16xf32>
          %parallel_loop3A_276 = vector.extract %parallel_loop3A_275[15] : f32 from vector<16xf32>
          %parallel_loop3A_277 = arith.addf %parallel_loop3A_237, %parallel_loop3A_276 : f32
          scf.yield %parallel_loop3A_277 : f32
        } {sc.loop_unroll_factor = 1 : i64, sc.parallel_access}
        %scan3A_235 = arith.constant 0 : i32
        scf.yield %scan3A_235 : i32
      }
      %scan3A_213 = arith.constant 8 : i32
      %scan3A_214 = arith.constant 0 : i32
      scf.yield %scan3A_214 : i32
    }
    %scan3A_132 = arith.constant 8 : i32
    %scan3A_133 = arith.constant 0 : i32
    %scan3A_134 = arith.constant 0 : i32
    %scan3A_135 = arith.constant 16 : i32
    %scan3A_136 = arith.addi %scan3A_134, %scan3A_135 : i32
    %scan3A_137 = arith.constant 1 : i32
    %scan3A_138 = scf.for %scan3A_205 = %scan3A_134 to %scan3A_136 step %scan3A_137 iter_args(%scan3A_206 = %scan3A_133) -> (i32)  : i32 {
      %scan3A_207 = arith.constant 0 : i32
      %scan3A_208 = arith.constant 0 : i32
      %scan3A_209 = arith.constant 32 : i32
      %scan3A_210 = arith.addi %scan3A_208, %scan3A_209 : i32
      %scan3A_211 = arith.constant 1 : i32
      %scan3A_212 = scf.for %scan3A_217 = %scan3A_208 to %scan3A_210 step %scan3A_211 iter_args(%scan3A_218 = %scan3A_207) -> (i32)  : i32 {
        %mul3A_219 = arith.constant 32 : i32
        %mul3A_220 = arith.muli %scan3A_205, %mul3A_219 : i32
        %add3A_221 = arith.addi %mul3A_220, %scan3A_217 : i32
        %convert_element_type3A = arith.sitofp %add3A_221 : i32 to f32
        %add3A_222 = arith.constant 5.000000e-01 : f32
        %add3A_223 = arith.addf %convert_element_type3A, %add3A_222 : f32
        %mul3A_224 = arith.constant 1.562500e-02 : f32
        %mul3A_225 = arith.mulf %add3A_223, %mul3A_224 : f32
        %sub3A_226 = arith.constant 5.000000e-01 : f32
        %sub3A_227 = arith.subf %mul3A_225, %sub3A_226 : f32
        %add3A_228 = arith.constant 1.000000e+00 : f32
        %add3A_229 = arith.addf %sub3A_227, %add3A_228 : f32
        %convert_element_type3A_230 = arith.fptosi %add3A_229 : f32 to i32
        %sub3A_231 = arith.constant 1 : i32
        %sub3A_232 = arith.subi %convert_element_type3A_230, %sub3A_231 : i32
        %jit3A_233 = arith.constant 0 : i32
        %jit3A_234 = arith.constant 7 : i32
        %max3A = arith.maxsi %jit3A_233, %sub3A_232 : i32
        %min3A = arith.minsi %jit3A_234, %max3A : i32
        %add3A_235 = arith.constant 1 : i32
        %add3A_236 = arith.addi %sub3A_232, %add3A_235 : i32
        %jit3A_237 = arith.constant 0 : i32
        %jit3A_238 = arith.constant 7 : i32
        %max3A_239 = arith.maxsi %jit3A_237, %add3A_236 : i32
        %min3A_240 = arith.minsi %jit3A_238, %max3A_239 : i32
        %convert_element_type3A_241 = arith.sitofp %sub3A_232 : i32 to f32
        %sub3A_242 = arith.subf %sub3A_227, %convert_element_type3A_241 : f32
        %mul3A_243 = arith.constant 2048 : i32
        %mul3A_244 = arith.muli %min3A, %mul3A_243 : i32
        %mul3A_245 = arith.constant 2048 : i32
        %mul3A_246 = arith.muli %min3A_240, %mul3A_245 : i32
        %parallel_loop3A = arith.constant 0 : i32
        %parallel_loop3A_247 = arith.constant 8 : i32
        %parallel_loop3A_248 = arith.constant 1 : i32
        scf.for %parallel_loop3A_250 = %parallel_loop3A to %parallel_loop3A_247 step %parallel_loop3A_248  : i32 {
          %parallel_loop3A_251 = arith.constant 64 : i32
          %parallel_loop3A_252 = arith.muli %parallel_loop3A_250, %parallel_loop3A_251 : i32
          %parallel_loop3A_253 = arith.constant 128 : i32
          %parallel_loop3A_254 = arith.muli %add3A_221, %parallel_loop3A_253 : i32
          %parallel_loop3A_255 = arith.constant 16 : i32
          %parallel_loop3A_256 = arith.muli %parallel_loop3A_250, %parallel_loop3A_255 : i32
          %parallel_loop3A_257 = arith.addi %parallel_loop3A_254, %parallel_loop3A_256 : i32
          %parallel_loop3A_258 = arith.index_cast %parallel_loop3A_257 : i32 to index
          %parallel_loop3A_259 = tpu.vector_load %arg6[%parallel_loop3A_258] {strides = array<i32>} : memref<65536xi32, #tpu.memory_space<vmem>>, vector<16xi32>,
          %parallel_loop3A_260 = arith.constant 255 : i32
          %parallel_loop3A_261 = vector.broadcast %parallel_loop3A_260 : i32 to vector<16xi32>
          %parallel_loop3A_262 = arith.andi %parallel_loop3A_259, %parallel_loop3A_261 : vector<16xi32>
          %parallel_loop3A_263 = arith.constant 8 : i32
          %parallel_loop3A_264 = vector.broadcast %parallel_loop3A_263 : i32 to vector<16xi32>
          %parallel_loop3A_265 = arith.shrui %parallel_loop3A_259, %parallel_loop3A_264 : vector<16xi32>
          %parallel_loop3A_266 = arith.constant 255 : i32
          %parallel_loop3A_267 = vector.broadcast %parallel_loop3A_266 : i32 to vector<16xi32>
          %parallel_loop3A_268 = arith.andi %parallel_loop3A_265, %parallel_loop3A_267 : vector<16xi32>
          %parallel_loop3A_269 = arith.constant 16 : i32
          %parallel_loop3A_270 = vector.broadcast %parallel_loop3A_269 : i32 to vector<16xi32>
          %parallel_loop3A_271 = arith.shrui %parallel_loop3A_259, %parallel_loop3A_270 : vector<16xi32>
          %parallel_loop3A_272 = arith.constant 255 : i32
          %parallel_loop3A_273 = vector.broadcast %parallel_loop3A_272 : i32 to vector<16xi32>
          %parallel_loop3A_274 = arith.andi %parallel_loop3A_271, %parallel_loop3A_273 : vector<16xi32>
          %parallel_loop3A_275 = arith.constant 24 : i32
          %parallel_loop3A_276 = vector.broadcast %parallel_loop3A_275 : i32 to vector<16xi32>
          %parallel_loop3A_277 = arith.shrui %parallel_loop3A_259, %parallel_loop3A_276 : vector<16xi32>
          %parallel_loop3A_278 = arith.constant 0 : i32
          %parallel_loop3A_279 = arith.addi %parallel_loop3A_252, %parallel_loop3A_278 : i32
          %parallel_loop3A_280 = arith.index_cast %parallel_loop3A_279 : i32 to index
          %parallel_loop3A_281 = tpu.vector_load %arg10[%parallel_loop3A_280] {strides = array<i32>} : memref<512xi32, #tpu.memory_space<vmem>>, vector<16xi32>,
          %parallel_loop3A_282 = arith.addi %parallel_loop3A_262, %parallel_loop3A_281 : vector<16xi32>
          %parallel_loop3A_283 = arith.index_cast %parallel_loop3A_279 : i32 to index
          %parallel_loop3A_284 = tpu.vector_load %arg11[%parallel_loop3A_283] {strides = array<i32>} : memref<512xi32, #tpu.memory_space<vmem>>, vector<16xi32>,
          %parallel_loop3A_285 = arith.addi %parallel_loop3A_262, %parallel_loop3A_284 : vector<16xi32>
          %parallel_loop3A_286 = arith.index_cast %parallel_loop3A_279 : i32 to index
          %parallel_loop3A_287 = tpu.vector_load %arg12[%parallel_loop3A_286] {strides = array<i32>} : memref<512xf32, #tpu.memory_space<vmem>>, vector<16xf32>,
          %parallel_loop3A_288 = vector.broadcast %mul3A_244 : i32 to vector<16xi32>
          %parallel_loop3A_289 = arith.addi %parallel_loop3A_282, %parallel_loop3A_288 : vector<16xi32>
          %parallel_loop3A_290 = tpu.vector_load_idx %arg9[%parallel_loop3A_289] : memref<16384xf32, #tpu.memory_space<vmem>>[vector<16xi32>], vector<16xf32>,
          %parallel_loop3A_291 = vector.broadcast %mul3A_244 : i32 to vector<16xi32>
          %parallel_loop3A_292 = arith.addi %parallel_loop3A_285, %parallel_loop3A_291 : vector<16xi32>
          %parallel_loop3A_293 = tpu.vector_load_idx %arg9[%parallel_loop3A_292] : memref<16384xf32, #tpu.memory_space<vmem>>[vector<16xi32>], vector<16xf32>,
          %parallel_loop3A_294 = vector.broadcast %mul3A_246 : i32 to vector<16xi32>
          %parallel_loop3A_295 = arith.addi %parallel_loop3A_282, %parallel_loop3A_294 : vector<16xi32>
          %parallel_loop3A_296 = tpu.vector_load_idx %arg9[%parallel_loop3A_295] : memref<16384xf32, #tpu.memory_space<vmem>>[vector<16xi32>], vector<16xf32>,
          %parallel_loop3A_297 = vector.broadcast %mul3A_246 : i32 to vector<16xi32>
          %parallel_loop3A_298 = arith.addi %parallel_loop3A_285, %parallel_loop3A_297 : vector<16xi32>
          %parallel_loop3A_299 = tpu.vector_load_idx %arg9[%parallel_loop3A_298] : memref<16384xf32, #tpu.memory_space<vmem>>[vector<16xi32>], vector<16xf32>,
          %parallel_loop3A_300 = arith.constant 1.000000e+00 : f32
          %parallel_loop3A_301 = vector.broadcast %parallel_loop3A_300 : f32 to vector<16xf32>
          %parallel_loop3A_302 = arith.subf %parallel_loop3A_301, %parallel_loop3A_287 : vector<16xf32>
          %parallel_loop3A_303 = arith.constant 1.000000e+00 : f32
          %parallel_loop3A_304 = arith.subf %parallel_loop3A_303, %sub3A_242 : f32
          %parallel_loop3A_305 = arith.mulf %parallel_loop3A_302, %parallel_loop3A_290 : vector<16xf32>
          %parallel_loop3A_306 = arith.mulf %parallel_loop3A_287, %parallel_loop3A_293 : vector<16xf32>
          %parallel_loop3A_307 = arith.addf %parallel_loop3A_305, %parallel_loop3A_306 : vector<16xf32>
          %parallel_loop3A_308 = vector.broadcast %parallel_loop3A_304 : f32 to vector<16xf32>
          %parallel_loop3A_309 = arith.mulf %parallel_loop3A_308, %parallel_loop3A_307 : vector<16xf32>
          %parallel_loop3A_310 = arith.mulf %parallel_loop3A_302, %parallel_loop3A_296 : vector<16xf32>
          %parallel_loop3A_311 = arith.mulf %parallel_loop3A_287, %parallel_loop3A_299 : vector<16xf32>
          %parallel_loop3A_312 = arith.addf %parallel_loop3A_310, %parallel_loop3A_311 : vector<16xf32>
          %parallel_loop3A_313 = vector.broadcast %sub3A_242 : f32 to vector<16xf32>
          %parallel_loop3A_314 = arith.mulf %parallel_loop3A_313, %parallel_loop3A_312 : vector<16xf32>
          %parallel_loop3A_315 = arith.addf %parallel_loop3A_309, %parallel_loop3A_314 : vector<16xf32>
          %parallel_loop3A_316 = arith.constant 0.00392156886 : f32
          %parallel_loop3A_317 = vector.broadcast %parallel_loop3A_316 : f32 to vector<16xf32>
          %parallel_loop3A_318 = arith.mulf %parallel_loop3A_315, %parallel_loop3A_317 : vector<16xf32>
          %parallel_loop3A_319 = arith.constant 2.550000e+02 : f32
          %parallel_loop3A_320 = vector.broadcast %parallel_loop3A_319 : f32 to vector<16xf32>
          %parallel_loop3A_321 = arith.mulf %parallel_loop3A_318, %parallel_loop3A_320 : vector<16xf32>
          %parallel_loop3A_322 = arith.index_cast %scan3A_217 : i32 to index
          %parallel_loop3A_323 = arith.index_cast %parallel_loop3A_279 : i32 to index
          %parallel_loop3A_324 = tpu.vector_load %arg5[%parallel_loop3A_322, %parallel_loop3A_323] {strides = array<i32>} : memref<32x512xf32, #tpu.memory_space<vmem>>, vector<16xf32>,
          tpu.vector_store %arg5[%parallel_loop3A_322, %parallel_loop3A_323], %parallel_loop3A_321 {strides = array<i32>} : memref<32x512xf32, #tpu.memory_space<vmem>>, vector<16xf32>,
          %parallel_loop3A_325 = arith.constant 16 : i32
          %parallel_loop3A_326 = arith.addi %parallel_loop3A_252, %parallel_loop3A_325 : i32
          %parallel_loop3A_327 = arith.index_cast %parallel_loop3A_326 : i32 to index
          %parallel_loop3A_328 = tpu.vector_load %arg10[%parallel_loop3A_327] {strides = array<i32>} : memref<512xi32, #tpu.memory_space<vmem>>, vector<16xi32>,
          %parallel_loop3A_329 = arith.addi %parallel_loop3A_268, %parallel_loop3A_328 : vector<16xi32>
          %parallel_loop3A_330 = arith.index_cast %parallel_loop3A_326 : i32 to index
          %parallel_loop3A_331 = tpu.vector_load %arg11[%parallel_loop3A_330] {strides = array<i32>} : memref<512xi32, #tpu.memory_space<vmem>>, vector<16xi32>,
          %parallel_loop3A_332 = arith.addi %parallel_loop3A_268, %parallel_loop3A_331 : vector<16xi32>
          %parallel_loop3A_333 = arith.index_cast %parallel_loop3A_326 : i32 to index
          %parallel_loop3A_334 = tpu.vector_load %arg12[%parallel_loop3A_333] {strides = array<i32>} : memref<512xf32, #tpu.memory_space<vmem>>, vector<16xf32>,
          %parallel_loop3A_335 = vector.broadcast %mul3A_244 : i32 to vector<16xi32>
          %parallel_loop3A_336 = arith.addi %parallel_loop3A_329, %parallel_loop3A_335 : vector<16xi32>
          %parallel_loop3A_337 = tpu.vector_load_idx %arg9[%parallel_loop3A_336] : memref<16384xf32, #tpu.memory_space<vmem>>[vector<16xi32>], vector<16xf32>,
          %parallel_loop3A_338 = vector.broadcast %mul3A_244 : i32 to vector<16xi32>
          %parallel_loop3A_339 = arith.addi %parallel_loop3A_332, %parallel_loop3A_338 : vector<16xi32>
          %parallel_loop3A_340 = tpu.vector_load_idx %arg9[%parallel_loop3A_339] : memref<16384xf32, #tpu.memory_space<vmem>>[vector<16xi32>], vector<16xf32>,
          %parallel_loop3A_341 = vector.broadcast %mul3A_246 : i32 to vector<16xi32>
          %parallel_loop3A_342 = arith.addi %parallel_loop3A_329, %parallel_loop3A_341 : vector<16xi32>
          %parallel_loop3A_343 = tpu.vector_load_idx %arg9[%parallel_loop3A_342] : memref<16384xf32, #tpu.memory_space<vmem>>[vector<16xi32>], vector<16xf32>,
          %parallel_loop3A_344 = vector.broadcast %mul3A_246 : i32 to vector<16xi32>
          %parallel_loop3A_345 = arith.addi %parallel_loop3A_332, %parallel_loop3A_344 : vector<16xi32>
          %parallel_loop3A_346 = tpu.vector_load_idx %arg9[%parallel_loop3A_345] : memref<16384xf32, #tpu.memory_space<vmem>>[vector<16xi32>], vector<16xf32>,
          %parallel_loop3A_347 = arith.constant 1.000000e+00 : f32
          %parallel_loop3A_348 = vector.broadcast %parallel_loop3A_347 : f32 to vector<16xf32>
          %parallel_loop3A_349 = arith.subf %parallel_loop3A_348, %parallel_loop3A_334 : vector<16xf32>
          %parallel_loop3A_350 = arith.constant 1.000000e+00 : f32
          %parallel_loop3A_351 = arith.subf %parallel_loop3A_350, %sub3A_242 : f32
          %parallel_loop3A_352 = arith.mulf %parallel_loop3A_349, %parallel_loop3A_337 : vector<16xf32>
          %parallel_loop3A_353 = arith.mulf %parallel_loop3A_334, %parallel_loop3A_340 : vector<16xf32>
          %parallel_loop3A_354 = arith.addf %parallel_loop3A_352, %parallel_loop3A_353 : vector<16xf32>
          %parallel_loop3A_355 = vector.broadcast %parallel_loop3A_351 : f32 to vector<16xf32>
          %parallel_loop3A_356 = arith.mulf %parallel_loop3A_355, %parallel_loop3A_354 : vector<16xf32>
          %parallel_loop3A_357 = arith.mulf %parallel_loop3A_349, %parallel_loop3A_343 : vector<16xf32>
          %parallel_loop3A_358 = arith.mulf %parallel_loop3A_334, %parallel_loop3A_346 : vector<16xf32>
          %parallel_loop3A_359 = arith.addf %parallel_loop3A_357, %parallel_loop3A_358 : vector<16xf32>
          %parallel_loop3A_360 = vector.broadcast %sub3A_242 : f32 to vector<16xf32>
          %parallel_loop3A_361 = arith.mulf %parallel_loop3A_360, %parallel_loop3A_359 : vector<16xf32>
          %parallel_loop3A_362 = arith.addf %parallel_loop3A_356, %parallel_loop3A_361 : vector<16xf32>
          %parallel_loop3A_363 = arith.constant 0.00392156886 : f32
          %parallel_loop3A_364 = vector.broadcast %parallel_loop3A_363 : f32 to vector<16xf32>
          %parallel_loop3A_365 = arith.mulf %parallel_loop3A_362, %parallel_loop3A_364 : vector<16xf32>
          %parallel_loop3A_366 = arith.constant 2.550000e+02 : f32
          %parallel_loop3A_367 = vector.broadcast %parallel_loop3A_366 : f32 to vector<16xf32>
          %parallel_loop3A_368 = arith.mulf %parallel_loop3A_365, %parallel_loop3A_367 : vector<16xf32>
          %parallel_loop3A_369 = arith.index_cast %scan3A_217 : i32 to index
          %parallel_loop3A_370 = arith.index_cast %parallel_loop3A_326 : i32 to index
          %parallel_loop3A_371 = tpu.vector_load %arg5[%parallel_loop3A_369, %parallel_loop3A_370] {strides = array<i32>} : memref<32x512xf32, #tpu.memory_space<vmem>>, vector<16xf32>,
          tpu.vector_store %arg5[%parallel_loop3A_369, %parallel_loop3A_370], %parallel_loop3A_368 {strides = array<i32>} : memref<32x512xf32, #tpu.memory_space<vmem>>, vector<16xf32>,
          %parallel_loop3A_372 = arith.constant 32 : i32
          %parallel_loop3A_373 = arith.addi %parallel_loop3A_252, %parallel_loop3A_372 : i32
          %parallel_loop3A_374 = arith.index_cast %parallel_loop3A_373 : i32 to index
          %parallel_loop3A_375 = tpu.vector_load %arg10[%parallel_loop3A_374] {strides = array<i32>} : memref<512xi32, #tpu.memory_space<vmem>>, vector<16xi32>,
          %parallel_loop3A_376 = arith.addi %parallel_loop3A_274, %parallel_loop3A_375 : vector<16xi32>
          %parallel_loop3A_377 = arith.index_cast %parallel_loop3A_373 : i32 to index
          %parallel_loop3A_378 = tpu.vector_load %arg11[%parallel_loop3A_377] {strides = array<i32>} : memref<512xi32, #tpu.memory_space<vmem>>, vector<16xi32>,
          %parallel_loop3A_379 = arith.addi %parallel_loop3A_274, %parallel_loop3A_378 : vector<16xi32>
          %parallel_loop3A_380 = arith.index_cast %parallel_loop3A_373 : i32 to index
          %parallel_loop3A_381 = tpu.vector_load %arg12[%parallel_loop3A_380] {strides = array<i32>} : memref<512xf32, #tpu.memory_space<vmem>>, vector<16xf32>,
          %parallel_loop3A_382 = vector.broadcast %mul3A_244 : i32 to vector<16xi32>
          %parallel_loop3A_383 = arith.addi %parallel_loop3A_376, %parallel_loop3A_382 : vector<16xi32>
          %parallel_loop3A_384 = tpu.vector_load_idx %arg9[%parallel_loop3A_383] : memref<16384xf32, #tpu.memory_space<vmem>>[vector<16xi32>], vector<16xf32>,
          %parallel_loop3A_385 = vector.broadcast %mul3A_244 : i32 to vector<16xi32>
          %parallel_loop3A_386 = arith.addi %parallel_loop3A_379, %parallel_loop3A_385 : vector<16xi32>
          %parallel_loop3A_387 = tpu.vector_load_idx %arg9[%parallel_loop3A_386] : memref<16384xf32, #tpu.memory_space<vmem>>[vector<16xi32>], vector<16xf32>,
          %parallel_loop3A_388 = vector.broadcast %mul3A_246 : i32 to vector<16xi32>
          %parallel_loop3A_389 = arith.addi %parallel_loop3A_376, %parallel_loop3A_388 : vector<16xi32>
          %parallel_loop3A_390 = tpu.vector_load_idx %arg9[%parallel_loop3A_389] : memref<16384xf32, #tpu.memory_space<vmem>>[vector<16xi32>], vector<16xf32>,
          %parallel_loop3A_391 = vector.broadcast %mul3A_246 : i32 to vector<16xi32>
          %parallel_loop3A_392 = arith.addi %parallel_loop3A_379, %parallel_loop3A_391 : vector<16xi32>
          %parallel_loop3A_393 = tpu.vector_load_idx %arg9[%parallel_loop3A_392] : memref<16384xf32, #tpu.memory_space<vmem>>[vector<16xi32>], vector<16xf32>,
          %parallel_loop3A_394 = arith.constant 1.000000e+00 : f32
          %parallel_loop3A_395 = vector.broadcast %parallel_loop3A_394 : f32 to vector<16xf32>
          %parallel_loop3A_396 = arith.subf %parallel_loop3A_395, %parallel_loop3A_381 : vector<16xf32>
          %parallel_loop3A_397 = arith.constant 1.000000e+00 : f32
          %parallel_loop3A_398 = arith.subf %parallel_loop3A_397, %sub3A_242 : f32
          %parallel_loop3A_399 = arith.mulf %parallel_loop3A_396, %parallel_loop3A_384 : vector<16xf32>
          %parallel_loop3A_400 = arith.mulf %parallel_loop3A_381, %parallel_loop3A_387 : vector<16xf32>
          %parallel_loop3A_401 = arith.addf %parallel_loop3A_399, %parallel_loop3A_400 : vector<16xf32>
          %parallel_loop3A_402 = vector.broadcast %parallel_loop3A_398 : f32 to vector<16xf32>
          %parallel_loop3A_403 = arith.mulf %parallel_loop3A_402, %parallel_loop3A_401 : vector<16xf32>
          %parallel_loop3A_404 = arith.mulf %parallel_loop3A_396, %parallel_loop3A_390 : vector<16xf32>
          %parallel_loop3A_405 = arith.mulf %parallel_loop3A_381, %parallel_loop3A_393 : vector<16xf32>
          %parallel_loop3A_406 = arith.addf %parallel_loop3A_404, %parallel_loop3A_405 : vector<16xf32>
          %parallel_loop3A_407 = vector.broadcast %sub3A_242 : f32 to vector<16xf32>
          %parallel_loop3A_408 = arith.mulf %parallel_loop3A_407, %parallel_loop3A_406 : vector<16xf32>
          %parallel_loop3A_409 = arith.addf %parallel_loop3A_403, %parallel_loop3A_408 : vector<16xf32>
          %parallel_loop3A_410 = arith.constant 0.00392156886 : f32
          %parallel_loop3A_411 = vector.broadcast %parallel_loop3A_410 : f32 to vector<16xf32>
          %parallel_loop3A_412 = arith.mulf %parallel_loop3A_409, %parallel_loop3A_411 : vector<16xf32>
          %parallel_loop3A_413 = arith.constant 2.550000e+02 : f32
          %parallel_loop3A_414 = vector.broadcast %parallel_loop3A_413 : f32 to vector<16xf32>
          %parallel_loop3A_415 = arith.mulf %parallel_loop3A_412, %parallel_loop3A_414 : vector<16xf32>
          %parallel_loop3A_416 = arith.index_cast %scan3A_217 : i32 to index
          %parallel_loop3A_417 = arith.index_cast %parallel_loop3A_373 : i32 to index
          %parallel_loop3A_418 = tpu.vector_load %arg5[%parallel_loop3A_416, %parallel_loop3A_417] {strides = array<i32>} : memref<32x512xf32, #tpu.memory_space<vmem>>, vector<16xf32>,
          tpu.vector_store %arg5[%parallel_loop3A_416, %parallel_loop3A_417], %parallel_loop3A_415 {strides = array<i32>} : memref<32x512xf32, #tpu.memory_space<vmem>>, vector<16xf32>,
          %parallel_loop3A_419 = arith.constant 48 : i32
          %parallel_loop3A_420 = arith.addi %parallel_loop3A_252, %parallel_loop3A_419 : i32
          %parallel_loop3A_421 = arith.index_cast %parallel_loop3A_420 : i32 to index
          %parallel_loop3A_422 = tpu.vector_load %arg10[%parallel_loop3A_421] {strides = array<i32>} : memref<512xi32, #tpu.memory_space<vmem>>, vector<16xi32>,
          %parallel_loop3A_423 = arith.addi %parallel_loop3A_277, %parallel_loop3A_422 : vector<16xi32>
          %parallel_loop3A_424 = arith.index_cast %parallel_loop3A_420 : i32 to index
          %parallel_loop3A_425 = tpu.vector_load %arg11[%parallel_loop3A_424] {strides = array<i32>} : memref<512xi32, #tpu.memory_space<vmem>>, vector<16xi32>,
          %parallel_loop3A_426 = arith.addi %parallel_loop3A_277, %parallel_loop3A_425 : vector<16xi32>
          %parallel_loop3A_427 = arith.index_cast %parallel_loop3A_420 : i32 to index
          %parallel_loop3A_428 = tpu.vector_load %arg12[%parallel_loop3A_427] {strides = array<i32>} : memref<512xf32, #tpu.memory_space<vmem>>, vector<16xf32>,
          %parallel_loop3A_429 = vector.broadcast %mul3A_244 : i32 to vector<16xi32>
          %parallel_loop3A_430 = arith.addi %parallel_loop3A_423, %parallel_loop3A_429 : vector<16xi32>
          %parallel_loop3A_431 = tpu.vector_load_idx %arg9[%parallel_loop3A_430] : memref<16384xf32, #tpu.memory_space<vmem>>[vector<16xi32>], vector<16xf32>,
          %parallel_loop3A_432 = vector.broadcast %mul3A_244 : i32 to vector<16xi32>
          %parallel_loop3A_433 = arith.addi %parallel_loop3A_426, %parallel_loop3A_432 : vector<16xi32>
          %parallel_loop3A_434 = tpu.vector_load_idx %arg9[%parallel_loop3A_433] : memref<16384xf32, #tpu.memory_space<vmem>>[vector<16xi32>], vector<16xf32>,
          %parallel_loop3A_435 = vector.broadcast %mul3A_246 : i32 to vector<16xi32>
          %parallel_loop3A_436 = arith.addi %parallel_loop3A_423, %parallel_loop3A_435 : vector<16xi32>
          %parallel_loop3A_437 = tpu.vector_load_idx %arg9[%parallel_loop3A_436] : memref<16384xf32, #tpu.memory_space<vmem>>[vector<16xi32>], vector<16xf32>,
          %parallel_loop3A_438 = vector.broadcast %mul3A_246 : i32 to vector<16xi32>
          %parallel_loop3A_439 = arith.addi %parallel_loop3A_426, %parallel_loop3A_438 : vector<16xi32>
          %parallel_loop3A_440 = tpu.vector_load_idx %arg9[%parallel_loop3A_439] : memref<16384xf32, #tpu.memory_space<vmem>>[vector<16xi32>], vector<16xf32>,
          %parallel_loop3A_441 = arith.constant 1.000000e+00 : f32
          %parallel_loop3A_442 = vector.broadcast %parallel_loop3A_441 : f32 to vector<16xf32>
          %parallel_loop3A_443 = arith.subf %parallel_loop3A_442, %parallel_loop3A_428 : vector<16xf32>
          %parallel_loop3A_444 = arith.constant 1.000000e+00 : f32
          %parallel_loop3A_445 = arith.subf %parallel_loop3A_444, %sub3A_242 : f32
          %parallel_loop3A_446 = arith.mulf %parallel_loop3A_443, %parallel_loop3A_431 : vector<16xf32>
          %parallel_loop3A_447 = arith.mulf %parallel_loop3A_428, %parallel_loop3A_434 : vector<16xf32>
          %parallel_loop3A_448 = arith.addf %parallel_loop3A_446, %parallel_loop3A_447 : vector<16xf32>
          %parallel_loop3A_449 = vector.broadcast %parallel_loop3A_445 : f32 to vector<16xf32>
          %parallel_loop3A_450 = arith.mulf %parallel_loop3A_449, %parallel_loop3A_448 : vector<16xf32>
          %parallel_loop3A_451 = arith.mulf %parallel_loop3A_443, %parallel_loop3A_437 : vector<16xf32>
          %parallel_loop3A_452 = arith.mulf %parallel_loop3A_428, %parallel_loop3A_440 : vector<16xf32>
          %parallel_loop3A_453 = arith.addf %parallel_loop3A_451, %parallel_loop3A_452 : vector<16xf32>
          %parallel_loop3A_454 = vector.broadcast %sub3A_242 : f32 to vector<16xf32>
          %parallel_loop3A_455 = arith.mulf %parallel_loop3A_454, %parallel_loop3A_453 : vector<16xf32>
          %parallel_loop3A_456 = arith.addf %parallel_loop3A_450, %parallel_loop3A_455 : vector<16xf32>
          %parallel_loop3A_457 = arith.constant 0.00392156886 : f32
          %parallel_loop3A_458 = vector.broadcast %parallel_loop3A_457 : f32 to vector<16xf32>
          %parallel_loop3A_459 = arith.mulf %parallel_loop3A_456, %parallel_loop3A_458 : vector<16xf32>
          %parallel_loop3A_460 = arith.constant 2.550000e+02 : f32
          %parallel_loop3A_461 = vector.broadcast %parallel_loop3A_460 : f32 to vector<16xf32>
          %parallel_loop3A_462 = arith.mulf %parallel_loop3A_459, %parallel_loop3A_461 : vector<16xf32>
          %parallel_loop3A_463 = arith.index_cast %scan3A_217 : i32 to index
          %parallel_loop3A_464 = arith.index_cast %parallel_loop3A_420 : i32 to index
          %parallel_loop3A_465 = tpu.vector_load %arg5[%parallel_loop3A_463, %parallel_loop3A_464] {strides = array<i32>} : memref<32x512xf32, #tpu.memory_space<vmem>>, vector<16xf32>,
          tpu.vector_store %arg5[%parallel_loop3A_463, %parallel_loop3A_464], %parallel_loop3A_462 {strides = array<i32>} : memref<32x512xf32, #tpu.memory_space<vmem>>, vector<16xf32>,
        } {sc.loop_unroll_factor = 2 : i64, sc.parallel_access}
        %scan3A_249 = arith.constant 0 : i32
        scf.yield %scan3A_249 : i32
      }
      %scan3A_213 = arith.constant 32 : i32
      %mul3A_214 = arith.constant 32 : i32
      %mul3A_215 = arith.muli %scan3A_205, %mul3A_214 : i32
      "tpu.region"() ({
        %run_scoped3A = tpu.sem_alloc : memref<!tpu.dma_semaphore, #tpu.memory_space<semaphore_mem>>
        %dma_start3A = arith.constant 0 : i32
        %dma_start3A_217 = tpu.memref_slice %arg3[%select_n3A_102, %select_n3A_118, %mul3A_215, %dma_start3A] : memref<32x3x512x512xf32, #tpu.memory_space<hbm>> -> memref<1x1x32x512xf32, #tpu.memory_space<hbm>>
        %dma_start3A_218 = tpu.memref_squeeze %dma_start3A_217 : memref<1x1x32x512xf32, #tpu.memory_space<hbm>> -> memref<32x512xf32, #tpu.memory_space<hbm>>
        %dma_start3A_219 = arith.constant 0 : i32
        %dma_start3A_220 = tpu.memref_slice %arg3[%select_n3A_102, %select_n3A_118, %mul3A_215, %dma_start3A_219] : memref<32x3x512x512xf32, #tpu.memory_space<hbm>> -> memref<1x1x32x512xf32, #tpu.memory_space<hbm>>
        %dma_start3A_221 = tpu.memref_squeeze %dma_start3A_220 : memref<1x1x32x512xf32, #tpu.memory_space<hbm>> -> memref<32x512xf32, #tpu.memory_space<hbm>>
        tpu.enqueue_dma source(%arg5 : memref<32x512xf32, #tpu.memory_space<vmem>>) target(%dma_start3A_221 : memref<32x512xf32, #tpu.memory_space<hbm>>) target_semaphore(%run_scoped3A : memref<!tpu.dma_semaphore, #tpu.memory_space<semaphore_mem>>)
        %dma_wait3A = arith.constant 0 : i32
        %dma_wait3A_222 = tpu.memref_slice %arg3[%select_n3A_102, %select_n3A_118, %mul3A_215, %dma_wait3A] : memref<32x3x512x512xf32, #tpu.memory_space<hbm>> -> memref<1x1x32x512xf32, #tpu.memory_space<hbm>>
        %dma_wait3A_223 = tpu.memref_squeeze %dma_wait3A_222 : memref<1x1x32x512xf32, #tpu.memory_space<hbm>> -> memref<32x512xf32, #tpu.memory_space<hbm>>
        %dma_wait3A_224 = arith.constant 0 : i32
        %dma_wait3A_225 = tpu.memref_slice %arg3[%select_n3A_102, %select_n3A_118, %mul3A_215, %dma_wait3A_224] : memref<32x3x512x512xf32, #tpu.memory_space<hbm>> -> memref<1x1x32x512xf32, #tpu.memory_space<hbm>>
        %dma_wait3A_226 = tpu.memref_squeeze %dma_wait3A_225 : memref<1x1x32x512xf32, #tpu.memory_space<hbm>> -> memref<32x512xf32, #tpu.memory_space<hbm>>
        tpu.wait_dma2 semaphore(%run_scoped3A : memref<!tpu.dma_semaphore, #tpu.memory_space<semaphore_mem>>) src(%arg5 : memref<32x512xf32, #tpu.memory_space<vmem>>) dst(%dma_wait3A_226 : memref<32x512xf32, #tpu.memory_space<hbm>>)
        tpu.yield
      }) : () -> ()
      %scan3A_216 = arith.constant 0 : i32
      scf.yield %scan3A_216 : i32
    }
    %scan3A_139 = arith.constant 16 : i32
    %mul3A_140 = arith.constant 3 : i32
    %mul3A_141 = arith.muli %add3A, %mul3A_140 : i32
    %add3A_142 = arith.constant 2 : i32
    %add3A_143 = arith.addi %mul3A_141, %add3A_142 : i32
    %jit3A_144 = arith.constant 3 : i32
    %div3A_145 = arith.divsi %add3A_143, %jit3A_144 : i32
    %sign3A_146 = arith.constant 0 : i32
    %sign3A_147 = arith.cmpi sgt, %add3A_143, %sign3A_146 : i32
    %sign3A_148 = arith.extui %sign3A_147 : i1 to i32
    %sign3A_149 = arith.constant 0 : i32
    %sign3A_150 = arith.cmpi slt, %add3A_143, %sign3A_149 : i32
    %sign3A_151 = arith.extui %sign3A_150 : i1 to i32
    %sign3A_152 = arith.subi %sign3A_148, %sign3A_151 : i32
    %sign3A_153 = arith.constant 0 : i32
    %sign3A_154 = arith.cmpi sgt, %jit3A_144, %sign3A_153 : i32
    %sign3A_155 = arith.extui %sign3A_154 : i1 to i32
    %sign3A_156 = arith.constant 0 : i32
    %sign3A_157 = arith.cmpi slt, %jit3A_144, %sign3A_156 : i32
    %sign3A_158 = arith.extui %sign3A_157 : i1 to i32
    %sign3A_159 = arith.subi %sign3A_155, %sign3A_158 : i32
    %ne3A_160 = arith.cmpi ne, %sign3A_152, %sign3A_159 : i32
    %rem3A_161 = arith.remsi %add3A_143, %jit3A_144 : i32
    %ne3A_162 = arith.constant 0 : i32
    %ne3A_163 = arith.cmpi ne, %rem3A_161, %ne3A_162 : i32
    %and3A_164 = arith.andi %ne3A_160, %ne3A_163 : i1
    %sub3A_165 = arith.constant 1 : i32
    %sub3A_166 = arith.subi %div3A_145, %sub3A_165 : i32
    %select_n3A_167 = arith.select %and3A_164, %sub3A_166, %div3A_145 : i32
    %jit3A_168 = arith.constant 3 : i32
    %eq3A_169 = arith.constant 0 : i32
    %eq3A_170 = arith.cmpi eq, %jit3A_168, %eq3A_169 : i32
    %jit3A_171 = arith.constant 1 : i32
    %select_n3A_172 = arith.select %eq3A_170, %jit3A_171, %jit3A_168 : i32
    %rem3A_173 = arith.remsi %add3A_143, %select_n3A_172 : i32
    %ne3A_174 = arith.constant 0 : i32
    %ne3A_175 = arith.cmpi ne, %rem3A_173, %ne3A_174 : i32
    %lt3A_176 = arith.constant 0 : i32
    %lt3A_177 = arith.cmpi slt, %rem3A_173, %lt3A_176 : i32
    %lt3A_178 = arith.constant 0 : i32
    %lt3A_179 = arith.cmpi slt, %select_n3A_172, %lt3A_178 : i32
    %ne3A_180 = arith.xori %lt3A_177, %lt3A_179 : i1
    %and3A_181 = arith.andi %ne3A_180, %ne3A_175 : i1
    %add3A_182 = arith.addi %rem3A_173, %select_n3A_172 : i32
    %select_n3A_183 = arith.select %and3A_181, %add3A_182, %rem3A_173 : i32
    %scan3A_184 = arith.constant 0 : i32
    %scan3A_185 = arith.constant 0 : i32
    %scan3A_186 = arith.constant 16 : i32
    %scan3A_187 = arith.addi %scan3A_185, %scan3A_186 : i32
    %scan3A_188 = arith.constant 1 : i32
    %scan3A_189 = scf.for %scan3A_205 = %scan3A_185 to %scan3A_187 step %scan3A_188 iter_args(%scan3A_206 = %scan3A_184) -> (i32)  : i32 {
      %mul3A_207 = arith.constant 32 : i32
      %mul3A_208 = arith.muli %scan3A_205, %mul3A_207 : i32
      "tpu.region"() ({
        %run_scoped3A = tpu.sem_alloc : memref<!tpu.dma_semaphore, #tpu.memory_space<semaphore_mem>>
        %dma_start3A = arith.constant 0 : i32
        %dma_start3A_212 = tpu.memref_slice %arg2[%select_n3A_167, %select_n3A_183, %mul3A_208, %dma_start3A] : memref<32x3x512x512xf32, #tpu.memory_space<hbm>> -> memref<1x1x32x512xf32, #tpu.memory_space<hbm>>
        %dma_start3A_213 = tpu.memref_squeeze %dma_start3A_212 : memref<1x1x32x512xf32, #tpu.memory_space<hbm>> -> memref<32x512xf32, #tpu.memory_space<hbm>>
        %dma_start3A_214 = arith.constant 0 : i32
        %dma_start3A_215 = tpu.memref_slice %arg2[%select_n3A_167, %select_n3A_183, %mul3A_208, %dma_start3A_214] : memref<32x3x512x512xf32, #tpu.memory_space<hbm>> -> memref<1x1x32x512xf32, #tpu.memory_space<hbm>>
        %dma_start3A_216 = tpu.memref_squeeze %dma_start3A_215 : memref<1x1x32x512xf32, #tpu.memory_space<hbm>> -> memref<32x512xf32, #tpu.memory_space<hbm>>
        tpu.enqueue_dma source(%dma_start3A_216 : memref<32x512xf32, #tpu.memory_space<hbm>>) target(%arg4 : memref<32x512xf32, #tpu.memory_space<vmem>>) target_semaphore(%run_scoped3A : memref<!tpu.dma_semaphore, #tpu.memory_space<semaphore_mem>>)
        %dma_wait3A = arith.constant 0 : i32
        %dma_wait3A_217 = tpu.memref_slice %arg2[%select_n3A_167, %select_n3A_183, %mul3A_208, %dma_wait3A] : memref<32x3x512x512xf32, #tpu.memory_space<hbm>> -> memref<1x1x32x512xf32, #tpu.memory_space<hbm>>
        %dma_wait3A_218 = tpu.memref_squeeze %dma_wait3A_217 : memref<1x1x32x512xf32, #tpu.memory_space<hbm>> -> memref<32x512xf32, #tpu.memory_space<hbm>>
        %dma_wait3A_219 = arith.constant 0 : i32
        %dma_wait3A_220 = tpu.memref_slice %arg2[%select_n3A_167, %select_n3A_183, %mul3A_208, %dma_wait3A_219] : memref<32x3x512x512xf32, #tpu.memory_space<hbm>> -> memref<1x1x32x512xf32, #tpu.memory_space<hbm>>
        %dma_wait3A_221 = tpu.memref_squeeze %dma_wait3A_220 : memref<1x1x32x512xf32, #tpu.memory_space<hbm>> -> memref<32x512xf32, #tpu.memory_space<hbm>>
        tpu.wait_dma2 semaphore(%run_scoped3A : memref<!tpu.dma_semaphore, #tpu.memory_space<semaphore_mem>>) src(%dma_wait3A_221 : memref<32x512xf32, #tpu.memory_space<hbm>>) dst(%arg4 : memref<32x512xf32, #tpu.memory_space<vmem>>)
        tpu.yield
      }) : () -> ()
      %parallel_loop3A = arith.constant 0 : i32
      %parallel_loop3A_209 = arith.constant 256 : i32
      %parallel_loop3A_210 = arith.constant 1 : i32
      scf.for %parallel_loop3A_212 = %parallel_loop3A to %parallel_loop3A_209 step %parallel_loop3A_210  : i32 {
        %parallel_loop3A_213 = arith.constant 8 : i32
        %parallel_loop3A_214 = arith.divsi %parallel_loop3A_212, %parallel_loop3A_213 : i32
        %parallel_loop3A_215 = arith.constant 0 : i32
        %parallel_loop3A_216 = arith.cmpi sgt, %parallel_loop3A_212, %parallel_loop3A_215 : i32
        %parallel_loop3A_217 = arith.extui %parallel_loop3A_216 : i1 to i32
        %parallel_loop3A_218 = arith.constant 0 : i32
        %parallel_loop3A_219 = arith.cmpi slt, %parallel_loop3A_212, %parallel_loop3A_218 : i32
        %parallel_loop3A_220 = arith.extui %parallel_loop3A_219 : i1 to i32
        %parallel_loop3A_221 = arith.subi %parallel_loop3A_217, %parallel_loop3A_220 : i32
        %parallel_loop3A_222 = arith.constant 0 : i32
        %parallel_loop3A_223 = arith.cmpi sgt, %parallel_loop3A_213, %parallel_loop3A_222 : i32
        %parallel_loop3A_224 = arith.extui %parallel_loop3A_223 : i1 to i32
        %parallel_loop3A_225 = arith.constant 0 : i32
        %parallel_loop3A_226 = arith.cmpi slt, %parallel_loop3A_213, %parallel_loop3A_225 : i32
        %parallel_loop3A_227 = arith.extui %parallel_loop3A_226 : i1 to i32
        %parallel_loop3A_228 = arith.subi %parallel_loop3A_224, %parallel_loop3A_227 : i32
        %parallel_loop3A_229 = arith.cmpi ne, %parallel_loop3A_221, %parallel_loop3A_228 : i32
        %parallel_loop3A_230 = arith.remsi %parallel_loop3A_212, %parallel_loop3A_213 : i32
        %parallel_loop3A_231 = arith.constant 0 : i32
        %parallel_loop3A_232 = arith.cmpi ne, %parallel_loop3A_230, %parallel_loop3A_231 : i32
        %parallel_loop3A_233 = arith.andi %parallel_loop3A_229, %parallel_loop3A_232 : i1
        %parallel_loop3A_234 = arith.constant 1 : i32
        %parallel_loop3A_235 = arith.subi %parallel_loop3A_214, %parallel_loop3A_234 : i32
        %parallel_loop3A_236 = arith.select %parallel_loop3A_233, %parallel_loop3A_235, %parallel_loop3A_214 : i32
        %parallel_loop3A_237 = arith.constant 8 : i32
        %parallel_loop3A_238 = arith.constant 0 : i32
        %parallel_loop3A_239 = arith.cmpi eq, %parallel_loop3A_237, %parallel_loop3A_238 : i32
        %parallel_loop3A_240 = arith.constant 1 : i32
        %parallel_loop3A_241 = arith.select %parallel_loop3A_239, %parallel_loop3A_240, %parallel_loop3A_237 : i32
        %parallel_loop3A_242 = arith.remsi %parallel_loop3A_212, %parallel_loop3A_241 : i32
        %parallel_loop3A_243 = arith.constant 0 : i32
        %parallel_loop3A_244 = arith.cmpi ne, %parallel_loop3A_242, %parallel_loop3A_243 : i32
        %parallel_loop3A_245 = arith.constant 0 : i32
        %parallel_loop3A_246 = arith.cmpi slt, %parallel_loop3A_242, %parallel_loop3A_245 : i32
        %parallel_loop3A_247 = arith.constant 0 : i32
        %parallel_loop3A_248 = arith.cmpi slt, %parallel_loop3A_241, %parallel_loop3A_247 : i32
        %parallel_loop3A_249 = arith.xori %parallel_loop3A_246, %parallel_loop3A_248 : i1
        %parallel_loop3A_250 = arith.andi %parallel_loop3A_249, %parallel_loop3A_244 : i1
        %parallel_loop3A_251 = arith.addi %parallel_loop3A_242, %parallel_loop3A_241 : i32
        %parallel_loop3A_252 = arith.select %parallel_loop3A_250, %parallel_loop3A_251, %parallel_loop3A_242 : i32
        %parallel_loop3A_253 = arith.constant 64 : i32
        %parallel_loop3A_254 = arith.muli %parallel_loop3A_252, %parallel_loop3A_253 : i32
        %parallel_loop3A_255 = arith.constant 0 : i32
        %parallel_loop3A_256 = arith.addi %parallel_loop3A_254, %parallel_loop3A_255 : i32
        %parallel_loop3A_257 = arith.index_cast %parallel_loop3A_236 : i32 to index
        %parallel_loop3A_258 = arith.index_cast %parallel_loop3A_256 : i32 to index
        %parallel_loop3A_259 = tpu.vector_load %arg4[%parallel_loop3A_257, %parallel_loop3A_258] {strides = array<i32>} : memref<32x512xf32, #tpu.memory_space<vmem>>, vector<16xf32>,
        %parallel_loop3A_260 = arith.constant 0.00392156886 : f32
        %parallel_loop3A_261 = vector.broadcast %parallel_loop3A_260 : f32 to vector<16xf32>
        %parallel_loop3A_262 = arith.mulf %parallel_loop3A_259, %parallel_loop3A_261 : vector<16xf32>
        %parallel_loop3A_263 = arith.constant 2.560000e+02 : f32
        %parallel_loop3A_264 = vector.broadcast %parallel_loop3A_263 : f32 to vector<16xf32>
        %parallel_loop3A_265 = arith.mulf %parallel_loop3A_262, %parallel_loop3A_264 : vector<16xf32>
        %parallel_loop3A_266 = arith.fptosi %parallel_loop3A_265 : vector<16xf32> to vector<16xi32>
        %parallel_loop3A_267 = arith.constant 0 : i32
        %parallel_loop3A_268 = arith.constant 255 : i32
        %parallel_loop3A_269 = vector.broadcast %parallel_loop3A_267 : i32 to vector<16xi32>
        %parallel_loop3A_270 = arith.maxsi %parallel_loop3A_269, %parallel_loop3A_266 : vector<16xi32>
        %parallel_loop3A_271 = vector.broadcast %parallel_loop3A_268 : i32 to vector<16xi32>
        %parallel_loop3A_272 = arith.minsi %parallel_loop3A_271, %parallel_loop3A_270 : vector<16xi32>
        %parallel_loop3A_273 = arith.constant 16 : i32
        %parallel_loop3A_274 = arith.addi %parallel_loop3A_254, %parallel_loop3A_273 : i32
        %parallel_loop3A_275 = arith.index_cast %parallel_loop3A_236 : i32 to index
        %parallel_loop3A_276 = arith.index_cast %parallel_loop3A_274 : i32 to index
        %parallel_loop3A_277 = tpu.vector_load %arg4[%parallel_loop3A_275, %parallel_loop3A_276] {strides = array<i32>} : memref<32x512xf32, #tpu.memory_space<vmem>>, vector<16xf32>,
        %parallel_loop3A_278 = arith.constant 0.00392156886 : f32
        %parallel_loop3A_279 = vector.broadcast %parallel_loop3A_278 : f32 to vector<16xf32>
        %parallel_loop3A_280 = arith.mulf %parallel_loop3A_277, %parallel_loop3A_279 : vector<16xf32>
        %parallel_loop3A_281 = arith.constant 2.560000e+02 : f32
        %parallel_loop3A_282 = vector.broadcast %parallel_loop3A_281 : f32 to vector<16xf32>
        %parallel_loop3A_283 = arith.mulf %parallel_loop3A_280, %parallel_loop3A_282 : vector<16xf32>
        %parallel_loop3A_284 = arith.fptosi %parallel_loop3A_283 : vector<16xf32> to vector<16xi32>
        %parallel_loop3A_285 = arith.constant 0 : i32
        %parallel_loop3A_286 = arith.constant 255 : i32
        %parallel_loop3A_287 = vector.broadcast %parallel_loop3A_285 : i32 to vector<16xi32>
        %parallel_loop3A_288 = arith.maxsi %parallel_loop3A_287, %parallel_loop3A_284 : vector<16xi32>
        %parallel_loop3A_289 = vector.broadcast %parallel_loop3A_286 : i32 to vector<16xi32>
        %parallel_loop3A_290 = arith.minsi %parallel_loop3A_289, %parallel_loop3A_288 : vector<16xi32>
        %parallel_loop3A_291 = arith.constant 32 : i32
        %parallel_loop3A_292 = arith.addi %parallel_loop3A_254, %parallel_loop3A_291 : i32
        %parallel_loop3A_293 = arith.index_cast %parallel_loop3A_236 : i32 to index
        %parallel_loop3A_294 = arith.index_cast %parallel_loop3A_292 : i32 to index
        %parallel_loop3A_295 = tpu.vector_load %arg4[%parallel_loop3A_293, %parallel_loop3A_294] {strides = array<i32>} : memref<32x512xf32, #tpu.memory_space<vmem>>, vector<16xf32>,
        %parallel_loop3A_296 = arith.constant 0.00392156886 : f32
        %parallel_loop3A_297 = vector.broadcast %parallel_loop3A_296 : f32 to vector<16xf32>
        %parallel_loop3A_298 = arith.mulf %parallel_loop3A_295, %parallel_loop3A_297 : vector<16xf32>
        %parallel_loop3A_299 = arith.constant 2.560000e+02 : f32
        %parallel_loop3A_300 = vector.broadcast %parallel_loop3A_299 : f32 to vector<16xf32>
        %parallel_loop3A_301 = arith.mulf %parallel_loop3A_298, %parallel_loop3A_300 : vector<16xf32>
        %parallel_loop3A_302 = arith.fptosi %parallel_loop3A_301 : vector<16xf32> to vector<16xi32>
        %parallel_loop3A_303 = arith.constant 0 : i32
        %parallel_loop3A_304 = arith.constant 255 : i32
        %parallel_loop3A_305 = vector.broadcast %parallel_loop3A_303 : i32 to vector<16xi32>
        %parallel_loop3A_306 = arith.maxsi %parallel_loop3A_305, %parallel_loop3A_302 : vector<16xi32>
        %parallel_loop3A_307 = vector.broadcast %parallel_loop3A_304 : i32 to vector<16xi32>
        %parallel_loop3A_308 = arith.minsi %parallel_loop3A_307, %parallel_loop3A_306 : vector<16xi32>
        %parallel_loop3A_309 = arith.constant 48 : i32
        %parallel_loop3A_310 = arith.addi %parallel_loop3A_254, %parallel_loop3A_309 : i32
        %parallel_loop3A_311 = arith.index_cast %parallel_loop3A_236 : i32 to index
        %parallel_loop3A_312 = arith.index_cast %parallel_loop3A_310 : i32 to index
        %parallel_loop3A_313 = tpu.vector_load %arg4[%parallel_loop3A_311, %parallel_loop3A_312] {strides = array<i32>} : memref<32x512xf32, #tpu.memory_space<vmem>>, vector<16xf32>,
        %parallel_loop3A_314 = arith.constant 0.00392156886 : f32
        %parallel_loop3A_315 = vector.broadcast %parallel_loop3A_314 : f32 to vector<16xf32>
        %parallel_loop3A_316 = arith.mulf %parallel_loop3A_313, %parallel_loop3A_315 : vector<16xf32>
        %parallel_loop3A_317 = arith.constant 2.560000e+02 : f32
        %parallel_loop3A_318 = vector.broadcast %parallel_loop3A_317 : f32 to vector<16xf32>
        %parallel_loop3A_319 = arith.mulf %parallel_loop3A_316, %parallel_loop3A_318 : vector<16xf32>
        %parallel_loop3A_320 = arith.fptosi %parallel_loop3A_319 : vector<16xf32> to vector<16xi32>
        %parallel_loop3A_321 = arith.constant 0 : i32
        %parallel_loop3A_322 = arith.constant 255 : i32
        %parallel_loop3A_323 = vector.broadcast %parallel_loop3A_321 : i32 to vector<16xi32>
        %parallel_loop3A_324 = arith.maxsi %parallel_loop3A_323, %parallel_loop3A_320 : vector<16xi32>
        %parallel_loop3A_325 = vector.broadcast %parallel_loop3A_322 : i32 to vector<16xi32>
        %parallel_loop3A_326 = arith.minsi %parallel_loop3A_325, %parallel_loop3A_324 : vector<16xi32>
        %parallel_loop3A_327 = arith.constant 8 : i32
        %parallel_loop3A_328 = vector.broadcast %parallel_loop3A_327 : i32 to vector<16xi32>
        %parallel_loop3A_329 = arith.shli %parallel_loop3A_290, %parallel_loop3A_328 : vector<16xi32>
        %parallel_loop3A_330 = arith.ori %parallel_loop3A_272, %parallel_loop3A_329 : vector<16xi32>
        %parallel_loop3A_331 = arith.constant 16 : i32
        %parallel_loop3A_332 = vector.broadcast %parallel_loop3A_331 : i32 to vector<16xi32>
        %parallel_loop3A_333 = arith.shli %parallel_loop3A_308, %parallel_loop3A_332 : vector<16xi32>
        %parallel_loop3A_334 = arith.ori %parallel_loop3A_330, %parallel_loop3A_333 : vector<16xi32>
        %parallel_loop3A_335 = arith.constant 24 : i32
        %parallel_loop3A_336 = vector.broadcast %parallel_loop3A_335 : i32 to vector<16xi32>
        %parallel_loop3A_337 = arith.shli %parallel_loop3A_326, %parallel_loop3A_336 : vector<16xi32>
        %parallel_loop3A_338 = arith.ori %parallel_loop3A_334, %parallel_loop3A_337 : vector<16xi32>
        %parallel_loop3A_339 = arith.constant 32 : i32
        %parallel_loop3A_340 = arith.muli %scan3A_205, %parallel_loop3A_339 : i32
        %parallel_loop3A_341 = arith.addi %parallel_loop3A_340, %parallel_loop3A_236 : i32
        %parallel_loop3A_342 = arith.constant 128 : i32
        %parallel_loop3A_343 = arith.muli %parallel_loop3A_341, %parallel_loop3A_342 : i32
        %parallel_loop3A_344 = arith.constant 16 : i32
        %parallel_loop3A_345 = arith.muli %parallel_loop3A_252, %parallel_loop3A_344 : i32
        %parallel_loop3A_346 = arith.addi %parallel_loop3A_343, %parallel_loop3A_345 : i32
        %parallel_loop3A_347 = arith.index_cast %parallel_loop3A_346 : i32 to index
        %parallel_loop3A_348 = tpu.vector_load %arg6[%parallel_loop3A_347] {strides = array<i32>} : memref<65536xi32, #tpu.memory_space<vmem>>, vector<16xi32>,
        tpu.vector_store %arg6[%parallel_loop3A_347], %parallel_loop3A_338 {strides = array<i32>} : memref<65536xi32, #tpu.memory_space<vmem>>, vector<16xi32>,
      } {sc.loop_unroll_factor = 2 : i64, sc.parallel_access}
      %scan3A_211 = arith.constant 0 : i32
      scf.yield %scan3A_211 : i32
    }
    %scan3A_190 = arith.constant 16 : i32
    %scan3A_191 = arith.constant 0 : i32
    %scan3A_192 = arith.constant 0 : i32
    %scan3A_193 = arith.constant 8 : i32
    %scan3A_194 = arith.addi %scan3A_192, %scan3A_193 : i32
    %scan3A_195 = arith.constant 1 : i32
    %scan3A_196 = scf.for %scan3A_205 = %scan3A_192 to %scan3A_194 step %scan3A_195 iter_args(%scan3A_206 = %scan3A_191) -> (i32)  : i32 {
      %scan3A_207 = arith.constant 0 : i32
      %scan3A_208 = arith.constant 0 : i32
      %scan3A_209 = arith.constant 8 : i32
      %scan3A_210 = arith.addi %scan3A_208, %scan3A_209 : i32
      %scan3A_211 = arith.constant 1 : i32
      %scan3A_212 = scf.for %scan3A_215 = %scan3A_208 to %scan3A_210 step %scan3A_211 iter_args(%scan3A_216 = %scan3A_207) -> (i32)  : i32 {
        %parallel_loop3A = arith.constant 0 : i32
        %parallel_loop3A_217 = arith.constant 64 : i32
        %parallel_loop3A_218 = arith.constant 1 : i32
        scf.for %parallel_loop3A_236 = %parallel_loop3A to %parallel_loop3A_217 step %parallel_loop3A_218  : i32 {
          %parallel_loop3A_237 = arith.constant 64 : i32
          %parallel_loop3A_238 = arith.muli %scan3A_205, %parallel_loop3A_237 : i32
          %parallel_loop3A_239 = arith.addi %parallel_loop3A_238, %parallel_loop3A_236 : i32
          %parallel_loop3A_240 = arith.constant 128 : i32
          %parallel_loop3A_241 = arith.muli %parallel_loop3A_239, %parallel_loop3A_240 : i32
          %parallel_loop3A_242 = arith.constant 16 : i32
          %parallel_loop3A_243 = arith.muli %scan3A_215, %parallel_loop3A_242 : i32
          %parallel_loop3A_244 = arith.addi %parallel_loop3A_241, %parallel_loop3A_243 : i32
          %parallel_loop3A_245 = arith.index_cast %parallel_loop3A_244 : i32 to index
          %parallel_loop3A_246 = tpu.vector_load %arg6[%parallel_loop3A_245] {strides = array<i32>} : memref<65536xi32, #tpu.memory_space<vmem>>, vector<16xi32>,
          %parallel_loop3A_247 = arith.constant 255 : i32
          %parallel_loop3A_248 = vector.broadcast %parallel_loop3A_247 : i32 to vector<16xi32>
          %parallel_loop3A_249 = arith.andi %parallel_loop3A_246, %parallel_loop3A_248 : vector<16xi32>
          %parallel_loop3A_250 = arith.constant 8 : i32
          %parallel_loop3A_251 = vector.broadcast %parallel_loop3A_250 : i32 to vector<16xi32>
          %parallel_loop3A_252 = arith.shrui %parallel_loop3A_246, %parallel_loop3A_251 : vector<16xi32>
          %parallel_loop3A_253 = arith.constant 255 : i32
          %parallel_loop3A_254 = vector.broadcast %parallel_loop3A_253 : i32 to vector<16xi32>
          %parallel_loop3A_255 = arith.andi %parallel_loop3A_252, %parallel_loop3A_254 : vector<16xi32>
          %parallel_loop3A_256 = arith.constant 16 : i32
          %parallel_loop3A_257 = vector.broadcast %parallel_loop3A_256 : i32 to vector<16xi32>
          %parallel_loop3A_258 = arith.shrui %parallel_loop3A_246, %parallel_loop3A_257 : vector<16xi32>
          %parallel_loop3A_259 = arith.constant 255 : i32
          %parallel_loop3A_260 = vector.broadcast %parallel_loop3A_259 : i32 to vector<16xi32>
          %parallel_loop3A_261 = arith.andi %parallel_loop3A_258, %parallel_loop3A_260 : vector<16xi32>
          %parallel_loop3A_262 = arith.constant 24 : i32
          %parallel_loop3A_263 = vector.broadcast %parallel_loop3A_262 : i32 to vector<16xi32>
          %parallel_loop3A_264 = arith.shrui %parallel_loop3A_246, %parallel_loop3A_263 : vector<16xi32>
          %parallel_loop3A_265 = arith.addi %parallel_loop3A_249, %mul3A_3 : vector<16xi32>
          tpu.vector_store_idx %arg7[%parallel_loop3A_265], %broadcast_in_dim3A_4 {add = true} : memref<4096xf32, #tpu.memory_space<vmem>>[vector<16xi32>], vector<16xf32>,
          %parallel_loop3A_266 = arith.addi %parallel_loop3A_255, %mul3A_3 : vector<16xi32>
          tpu.vector_store_idx %arg7[%parallel_loop3A_266], %broadcast_in_dim3A_4 {add = true} : memref<4096xf32, #tpu.memory_space<vmem>>[vector<16xi32>], vector<16xf32>,
          %parallel_loop3A_267 = arith.addi %parallel_loop3A_261, %mul3A_3 : vector<16xi32>
          tpu.vector_store_idx %arg7[%parallel_loop3A_267], %broadcast_in_dim3A_4 {add = true} : memref<4096xf32, #tpu.memory_space<vmem>>[vector<16xi32>], vector<16xf32>,
          %parallel_loop3A_268 = arith.addi %parallel_loop3A_264, %mul3A_3 : vector<16xi32>
          tpu.vector_store_idx %arg7[%parallel_loop3A_268], %broadcast_in_dim3A_4 {add = true} : memref<4096xf32, #tpu.memory_space<vmem>>[vector<16xi32>], vector<16xf32>,
        } {sc.loop_unroll_factor = 2 : i64, sc.parallel_access}
        %parallel_loop3A_219 = arith.constant 0 : i32
        %parallel_loop3A_220 = arith.constant 16 : i32
        %parallel_loop3A_221 = arith.constant 1 : i32
        %parallel_loop3A_222 = scf.for %parallel_loop3A_236 = %parallel_loop3A_219 to %parallel_loop3A_220 step %parallel_loop3A_221 iter_args(%parallel_loop3A_237 = %broadcast_in_dim3A_6) -> (vector<16xf32>)  : i32 {
          %parallel_loop3A_238 = arith.constant 16 : i32
          %parallel_loop3A_239 = arith.muli %parallel_loop3A_236, %parallel_loop3A_238 : i32
          %parallel_loop3A_240 = arith.index_cast %parallel_loop3A_239 : i32 to index
          %parallel_loop3A_241 = tpu.vector_load %arg7[%parallel_loop3A_240] {strides = array<i32>} : memref<4096xf32, #tpu.memory_space<vmem>>, vector<16xf32>,
          %parallel_loop3A_242 = arith.constant 16 : i32
          %parallel_loop3A_243 = arith.muli %parallel_loop3A_236, %parallel_loop3A_242 : i32
          %parallel_loop3A_244 = arith.index_cast %parallel_loop3A_243 : i32 to index
          %parallel_loop3A_245 = tpu.vector_load %arg7[%parallel_loop3A_244] {strides = array<i32>} : memref<4096xf32, #tpu.memory_space<vmem>>, vector<16xf32>,
          tpu.vector_store %arg7[%parallel_loop3A_244], %broadcast_in_dim3A_6 {strides = array<i32>} : memref<4096xf32, #tpu.memory_space<vmem>>, vector<16xf32>,
          %parallel_loop3A_246 = arith.constant 16 : i32
          %parallel_loop3A_247 = arith.muli %parallel_loop3A_236, %parallel_loop3A_246 : i32
          %parallel_loop3A_248 = arith.constant 256 : i32
          %parallel_loop3A_249 = arith.addi %parallel_loop3A_248, %parallel_loop3A_247 : i32
          %parallel_loop3A_250 = arith.index_cast %parallel_loop3A_249 : i32 to index
          %parallel_loop3A_251 = tpu.vector_load %arg7[%parallel_loop3A_250] {strides = array<i32>} : memref<4096xf32, #tpu.memory_space<vmem>>, vector<16xf32>,
          %parallel_loop3A_252 = arith.addf %parallel_loop3A_241, %parallel_loop3A_251 : vector<16xf32>
          %parallel_loop3A_253 = arith.constant 16 : i32
          %parallel_loop3A_254 = arith.muli %parallel_loop3A_236, %parallel_loop3A_253 : i32
          %parallel_loop3A_255 = arith.constant 256 : i32
          %parallel_loop3A_256 = arith.addi %parallel_loop3A_255, %parallel_loop3A_254 : i32
          %parallel_loop3A_257 = arith.index_cast %parallel_loop3A_256 : i32 to index
          %parallel_loop3A_258 = tpu.vector_load %arg7[%parallel_loop3A_257] {strides = array<i32>} : memref<4096xf32, #tpu.memory_space<vmem>>, vector<16xf32>,
          tpu.vector_store %arg7[%parallel_loop3A_257], %broadcast_in_dim3A_6 {strides = array<i32>} : memref<4096xf32, #tpu.memory_space<vmem>>, vector<16xf32>,
          %parallel_loop3A_259 = arith.constant 16 : i32
          %parallel_loop3A_260 = arith.muli %parallel_loop3A_236, %parallel_loop3A_259 : i32
          %parallel_loop3A_261 = arith.constant 512 : i32
          %parallel_loop3A_262 = arith.addi %parallel_loop3A_261, %parallel_loop3A_260 : i32
          %parallel_loop3A_263 = arith.index_cast %parallel_loop3A_262 : i32 to index
          %parallel_loop3A_264 = tpu.vector_load %arg7[%parallel_loop3A_263] {strides = array<i32>} : memref<4096xf32, #tpu.memory_space<vmem>>, vector<16xf32>,
          %parallel_loop3A_265 = arith.addf %parallel_loop3A_252, %parallel_loop3A_264 : vector<16xf32>
          %parallel_loop3A_266 = arith.constant 16 : i32
          %parallel_loop3A_267 = arith.muli %parallel_loop3A_236, %parallel_loop3A_266 : i32
          %parallel_loop3A_268 = arith.constant 512 : i32
          %parallel_loop3A_269 = arith.addi %parallel_loop3A_268, %parallel_loop3A_267 : i32
          %parallel_loop3A_270 = arith.index_cast %parallel_loop3A_269 : i32 to index
          %parallel_loop3A_271 = tpu.vector_load %arg7[%parallel_loop3A_270] {strides = array<i32>} : memref<4096xf32, #tpu.memory_space<vmem>>, vector<16xf32>,
          tpu.vector_store %arg7[%parallel_loop3A_270], %broadcast_in_dim3A_6 {strides = array<i32>} : memref<4096xf32, #tpu.memory_space<vmem>>, vector<16xf32>,
          %parallel_loop3A_272 = arith.constant 16 : i32
          %parallel_loop3A_273 = arith.muli %parallel_loop3A_236, %parallel_loop3A_272 : i32
          %parallel_loop3A_274 = arith.constant 768 : i32
          %parallel_loop3A_275 = arith.addi %parallel_loop3A_274, %parallel_loop3A_273 : i32
          %parallel_loop3A_276 = arith.index_cast %parallel_loop3A_275 : i32 to index
          %parallel_loop3A_277 = tpu.vector_load %arg7[%parallel_loop3A_276] {strides = array<i32>} : memref<4096xf32, #tpu.memory_space<vmem>>, vector<16xf32>,
          %parallel_loop3A_278 = arith.addf %parallel_loop3A_265, %parallel_loop3A_277 : vector<16xf32>
          %parallel_loop3A_279 = arith.constant 16 : i32
          %parallel_loop3A_280 = arith.muli %parallel_loop3A_236, %parallel_loop3A_279 : i32
          %parallel_loop3A_281 = arith.constant 768 : i32
          %parallel_loop3A_282 = arith.addi %parallel_loop3A_281, %parallel_loop3A_280 : i32
          %parallel_loop3A_283 = arith.index_cast %parallel_loop3A_282 : i32 to index
          %parallel_loop3A_284 = tpu.vector_load %arg7[%parallel_loop3A_283] {strides = array<i32>} : memref<4096xf32, #tpu.memory_space<vmem>>, vector<16xf32>,
          tpu.vector_store %arg7[%parallel_loop3A_283], %broadcast_in_dim3A_6 {strides = array<i32>} : memref<4096xf32, #tpu.memory_space<vmem>>, vector<16xf32>,
          %parallel_loop3A_285 = arith.constant 16 : i32
          %parallel_loop3A_286 = arith.muli %parallel_loop3A_236, %parallel_loop3A_285 : i32
          %parallel_loop3A_287 = arith.constant 1024 : i32
          %parallel_loop3A_288 = arith.addi %parallel_loop3A_287, %parallel_loop3A_286 : i32
          %parallel_loop3A_289 = arith.index_cast %parallel_loop3A_288 : i32 to index
          %parallel_loop3A_290 = tpu.vector_load %arg7[%parallel_loop3A_289] {strides = array<i32>} : memref<4096xf32, #tpu.memory_space<vmem>>, vector<16xf32>,
          %parallel_loop3A_291 = arith.addf %parallel_loop3A_278, %parallel_loop3A_290 : vector<16xf32>
          %parallel_loop3A_292 = arith.constant 16 : i32
          %parallel_loop3A_293 = arith.muli %parallel_loop3A_236, %parallel_loop3A_292 : i32
          %parallel_loop3A_294 = arith.constant 1024 : i32
          %parallel_loop3A_295 = arith.addi %parallel_loop3A_294, %parallel_loop3A_293 : i32
          %parallel_loop3A_296 = arith.index_cast %parallel_loop3A_295 : i32 to index
          %parallel_loop3A_297 = tpu.vector_load %arg7[%parallel_loop3A_296] {strides = array<i32>} : memref<4096xf32, #tpu.memory_space<vmem>>, vector<16xf32>,
          tpu.vector_store %arg7[%parallel_loop3A_296], %broadcast_in_dim3A_6 {strides = array<i32>} : memref<4096xf32, #tpu.memory_space<vmem>>, vector<16xf32>,
          %parallel_loop3A_298 = arith.constant 16 : i32
          %parallel_loop3A_299 = arith.muli %parallel_loop3A_236, %parallel_loop3A_298 : i32
          %parallel_loop3A_300 = arith.constant 1280 : i32
          %parallel_loop3A_301 = arith.addi %parallel_loop3A_300, %parallel_loop3A_299 : i32
          %parallel_loop3A_302 = arith.index_cast %parallel_loop3A_301 : i32 to index
          %parallel_loop3A_303 = tpu.vector_load %arg7[%parallel_loop3A_302] {strides = array<i32>} : memref<4096xf32, #tpu.memory_space<vmem>>, vector<16xf32>,
          %parallel_loop3A_304 = arith.addf %parallel_loop3A_291, %parallel_loop3A_303 : vector<16xf32>
          %parallel_loop3A_305 = arith.constant 16 : i32
          %parallel_loop3A_306 = arith.muli %parallel_loop3A_236, %parallel_loop3A_305 : i32
          %parallel_loop3A_307 = arith.constant 1280 : i32
          %parallel_loop3A_308 = arith.addi %parallel_loop3A_307, %parallel_loop3A_306 : i32
          %parallel_loop3A_309 = arith.index_cast %parallel_loop3A_308 : i32 to index
          %parallel_loop3A_310 = tpu.vector_load %arg7[%parallel_loop3A_309] {strides = array<i32>} : memref<4096xf32, #tpu.memory_space<vmem>>, vector<16xf32>,
          tpu.vector_store %arg7[%parallel_loop3A_309], %broadcast_in_dim3A_6 {strides = array<i32>} : memref<4096xf32, #tpu.memory_space<vmem>>, vector<16xf32>,
          %parallel_loop3A_311 = arith.constant 16 : i32
          %parallel_loop3A_312 = arith.muli %parallel_loop3A_236, %parallel_loop3A_311 : i32
          %parallel_loop3A_313 = arith.constant 1536 : i32
          %parallel_loop3A_314 = arith.addi %parallel_loop3A_313, %parallel_loop3A_312 : i32
          %parallel_loop3A_315 = arith.index_cast %parallel_loop3A_314 : i32 to index
          %parallel_loop3A_316 = tpu.vector_load %arg7[%parallel_loop3A_315] {strides = array<i32>} : memref<4096xf32, #tpu.memory_space<vmem>>, vector<16xf32>,
          %parallel_loop3A_317 = arith.addf %parallel_loop3A_304, %parallel_loop3A_316 : vector<16xf32>
          %parallel_loop3A_318 = arith.constant 16 : i32
          %parallel_loop3A_319 = arith.muli %parallel_loop3A_236, %parallel_loop3A_318 : i32
          %parallel_loop3A_320 = arith.constant 1536 : i32
          %parallel_loop3A_321 = arith.addi %parallel_loop3A_320, %parallel_loop3A_319 : i32
          %parallel_loop3A_322 = arith.index_cast %parallel_loop3A_321 : i32 to index
          %parallel_loop3A_323 = tpu.vector_load %arg7[%parallel_loop3A_322] {strides = array<i32>} : memref<4096xf32, #tpu.memory_space<vmem>>, vector<16xf32>,
          tpu.vector_store %arg7[%parallel_loop3A_322], %broadcast_in_dim3A_6 {strides = array<i32>} : memref<4096xf32, #tpu.memory_space<vmem>>, vector<16xf32>,
          %parallel_loop3A_324 = arith.constant 16 : i32
          %parallel_loop3A_325 = arith.muli %parallel_loop3A_236, %parallel_loop3A_324 : i32
          %parallel_loop3A_326 = arith.constant 1792 : i32
          %parallel_loop3A_327 = arith.addi %parallel_loop3A_326, %parallel_loop3A_325 : i32
          %parallel_loop3A_328 = arith.index_cast %parallel_loop3A_327 : i32 to index
          %parallel_loop3A_329 = tpu.vector_load %arg7[%parallel_loop3A_328] {strides = array<i32>} : memref<4096xf32, #tpu.memory_space<vmem>>, vector<16xf32>,
          %parallel_loop3A_330 = arith.addf %parallel_loop3A_317, %parallel_loop3A_329 : vector<16xf32>
          %parallel_loop3A_331 = arith.constant 16 : i32
          %parallel_loop3A_332 = arith.muli %parallel_loop3A_236, %parallel_loop3A_331 : i32
          %parallel_loop3A_333 = arith.constant 1792 : i32
          %parallel_loop3A_334 = arith.addi %parallel_loop3A_333, %parallel_loop3A_332 : i32
          %parallel_loop3A_335 = arith.index_cast %parallel_loop3A_334 : i32 to index
          %parallel_loop3A_336 = tpu.vector_load %arg7[%parallel_loop3A_335] {strides = array<i32>} : memref<4096xf32, #tpu.memory_space<vmem>>, vector<16xf32>,
          tpu.vector_store %arg7[%parallel_loop3A_335], %broadcast_in_dim3A_6 {strides = array<i32>} : memref<4096xf32, #tpu.memory_space<vmem>>, vector<16xf32>,
          %parallel_loop3A_337 = arith.constant 16 : i32
          %parallel_loop3A_338 = arith.muli %parallel_loop3A_236, %parallel_loop3A_337 : i32
          %parallel_loop3A_339 = arith.constant 2048 : i32
          %parallel_loop3A_340 = arith.addi %parallel_loop3A_339, %parallel_loop3A_338 : i32
          %parallel_loop3A_341 = arith.index_cast %parallel_loop3A_340 : i32 to index
          %parallel_loop3A_342 = tpu.vector_load %arg7[%parallel_loop3A_341] {strides = array<i32>} : memref<4096xf32, #tpu.memory_space<vmem>>, vector<16xf32>,
          %parallel_loop3A_343 = arith.addf %parallel_loop3A_330, %parallel_loop3A_342 : vector<16xf32>
          %parallel_loop3A_344 = arith.constant 16 : i32
          %parallel_loop3A_345 = arith.muli %parallel_loop3A_236, %parallel_loop3A_344 : i32
          %parallel_loop3A_346 = arith.constant 2048 : i32
          %parallel_loop3A_347 = arith.addi %parallel_loop3A_346, %parallel_loop3A_345 : i32
          %parallel_loop3A_348 = arith.index_cast %parallel_loop3A_347 : i32 to index
          %parallel_loop3A_349 = tpu.vector_load %arg7[%parallel_loop3A_348] {strides = array<i32>} : memref<4096xf32, #tpu.memory_space<vmem>>, vector<16xf32>,
          tpu.vector_store %arg7[%parallel_loop3A_348], %broadcast_in_dim3A_6 {strides = array<i32>} : memref<4096xf32, #tpu.memory_space<vmem>>, vector<16xf32>,
          %parallel_loop3A_350 = arith.constant 16 : i32
          %parallel_loop3A_351 = arith.muli %parallel_loop3A_236, %parallel_loop3A_350 : i32
          %parallel_loop3A_352 = arith.constant 2304 : i32
          %parallel_loop3A_353 = arith.addi %parallel_loop3A_352, %parallel_loop3A_351 : i32
          %parallel_loop3A_354 = arith.index_cast %parallel_loop3A_353 : i32 to index
          %parallel_loop3A_355 = tpu.vector_load %arg7[%parallel_loop3A_354] {strides = array<i32>} : memref<4096xf32, #tpu.memory_space<vmem>>, vector<16xf32>,
          %parallel_loop3A_356 = arith.addf %parallel_loop3A_343, %parallel_loop3A_355 : vector<16xf32>
          %parallel_loop3A_357 = arith.constant 16 : i32
          %parallel_loop3A_358 = arith.muli %parallel_loop3A_236, %parallel_loop3A_357 : i32
          %parallel_loop3A_359 = arith.constant 2304 : i32
          %parallel_loop3A_360 = arith.addi %parallel_loop3A_359, %parallel_loop3A_358 : i32
          %parallel_loop3A_361 = arith.index_cast %parallel_loop3A_360 : i32 to index
          %parallel_loop3A_362 = tpu.vector_load %arg7[%parallel_loop3A_361] {strides = array<i32>} : memref<4096xf32, #tpu.memory_space<vmem>>, vector<16xf32>,
          tpu.vector_store %arg7[%parallel_loop3A_361], %broadcast_in_dim3A_6 {strides = array<i32>} : memref<4096xf32, #tpu.memory_space<vmem>>, vector<16xf32>,
          %parallel_loop3A_363 = arith.constant 16 : i32
          %parallel_loop3A_364 = arith.muli %parallel_loop3A_236, %parallel_loop3A_363 : i32
          %parallel_loop3A_365 = arith.constant 2560 : i32
          %parallel_loop3A_366 = arith.addi %parallel_loop3A_365, %parallel_loop3A_364 : i32
          %parallel_loop3A_367 = arith.index_cast %parallel_loop3A_366 : i32 to index
          %parallel_loop3A_368 = tpu.vector_load %arg7[%parallel_loop3A_367] {strides = array<i32>} : memref<4096xf32, #tpu.memory_space<vmem>>, vector<16xf32>,
          %parallel_loop3A_369 = arith.addf %parallel_loop3A_356, %parallel_loop3A_368 : vector<16xf32>
          %parallel_loop3A_370 = arith.constant 16 : i32
          %parallel_loop3A_371 = arith.muli %parallel_loop3A_236, %parallel_loop3A_370 : i32
          %parallel_loop3A_372 = arith.constant 2560 : i32
          %parallel_loop3A_373 = arith.addi %parallel_loop3A_372, %parallel_loop3A_371 : i32
          %parallel_loop3A_374 = arith.index_cast %parallel_loop3A_373 : i32 to index
          %parallel_loop3A_375 = tpu.vector_load %arg7[%parallel_loop3A_374] {strides = array<i32>} : memref<4096xf32, #tpu.memory_space<vmem>>, vector<16xf32>,
          tpu.vector_store %arg7[%parallel_loop3A_374], %broadcast_in_dim3A_6 {strides = array<i32>} : memref<4096xf32, #tpu.memory_space<vmem>>, vector<16xf32>,
          %parallel_loop3A_376 = arith.constant 16 : i32
          %parallel_loop3A_377 = arith.muli %parallel_loop3A_236, %parallel_loop3A_376 : i32
          %parallel_loop3A_378 = arith.constant 2816 : i32
          %parallel_loop3A_379 = arith.addi %parallel_loop3A_378, %parallel_loop3A_377 : i32
          %parallel_loop3A_380 = arith.index_cast %parallel_loop3A_379 : i32 to index
          %parallel_loop3A_381 = tpu.vector_load %arg7[%parallel_loop3A_380] {strides = array<i32>} : memref<4096xf32, #tpu.memory_space<vmem>>, vector<16xf32>,
          %parallel_loop3A_382 = arith.addf %parallel_loop3A_369, %parallel_loop3A_381 : vector<16xf32>
          %parallel_loop3A_383 = arith.constant 16 : i32
          %parallel_loop3A_384 = arith.muli %parallel_loop3A_236, %parallel_loop3A_383 : i32
          %parallel_loop3A_385 = arith.constant 2816 : i32
          %parallel_loop3A_386 = arith.addi %parallel_loop3A_385, %parallel_loop3A_384 : i32
          %parallel_loop3A_387 = arith.index_cast %parallel_loop3A_386 : i32 to index
          %parallel_loop3A_388 = tpu.vector_load %arg7[%parallel_loop3A_387] {strides = array<i32>} : memref<4096xf32, #tpu.memory_space<vmem>>, vector<16xf32>,
          tpu.vector_store %arg7[%parallel_loop3A_387], %broadcast_in_dim3A_6 {strides = array<i32>} : memref<4096xf32, #tpu.memory_space<vmem>>, vector<16xf32>,
          %parallel_loop3A_389 = arith.constant 16 : i32
          %parallel_loop3A_390 = arith.muli %parallel_loop3A_236, %parallel_loop3A_389 : i32
          %parallel_loop3A_391 = arith.constant 3072 : i32
          %parallel_loop3A_392 = arith.addi %parallel_loop3A_391, %parallel_loop3A_390 : i32
          %parallel_loop3A_393 = arith.index_cast %parallel_loop3A_392 : i32 to index
          %parallel_loop3A_394 = tpu.vector_load %arg7[%parallel_loop3A_393] {strides = array<i32>} : memref<4096xf32, #tpu.memory_space<vmem>>, vector<16xf32>,
          %parallel_loop3A_395 = arith.addf %parallel_loop3A_382, %parallel_loop3A_394 : vector<16xf32>
          %parallel_loop3A_396 = arith.constant 16 : i32
          %parallel_loop3A_397 = arith.muli %parallel_loop3A_236, %parallel_loop3A_396 : i32
          %parallel_loop3A_398 = arith.constant 3072 : i32
          %parallel_loop3A_399 = arith.addi %parallel_loop3A_398, %parallel_loop3A_397 : i32
          %parallel_loop3A_400 = arith.index_cast %parallel_loop3A_399 : i32 to index
          %parallel_loop3A_401 = tpu.vector_load %arg7[%parallel_loop3A_400] {strides = array<i32>} : memref<4096xf32, #tpu.memory_space<vmem>>, vector<16xf32>,
          tpu.vector_store %arg7[%parallel_loop3A_400], %broadcast_in_dim3A_6 {strides = array<i32>} : memref<4096xf32, #tpu.memory_space<vmem>>, vector<16xf32>,
          %parallel_loop3A_402 = arith.constant 16 : i32
          %parallel_loop3A_403 = arith.muli %parallel_loop3A_236, %parallel_loop3A_402 : i32
          %parallel_loop3A_404 = arith.constant 3328 : i32
          %parallel_loop3A_405 = arith.addi %parallel_loop3A_404, %parallel_loop3A_403 : i32
          %parallel_loop3A_406 = arith.index_cast %parallel_loop3A_405 : i32 to index
          %parallel_loop3A_407 = tpu.vector_load %arg7[%parallel_loop3A_406] {strides = array<i32>} : memref<4096xf32, #tpu.memory_space<vmem>>, vector<16xf32>,
          %parallel_loop3A_408 = arith.addf %parallel_loop3A_395, %parallel_loop3A_407 : vector<16xf32>
          %parallel_loop3A_409 = arith.constant 16 : i32
          %parallel_loop3A_410 = arith.muli %parallel_loop3A_236, %parallel_loop3A_409 : i32
          %parallel_loop3A_411 = arith.constant 3328 : i32
          %parallel_loop3A_412 = arith.addi %parallel_loop3A_411, %parallel_loop3A_410 : i32
          %parallel_loop3A_413 = arith.index_cast %parallel_loop3A_412 : i32 to index
          %parallel_loop3A_414 = tpu.vector_load %arg7[%parallel_loop3A_413] {strides = array<i32>} : memref<4096xf32, #tpu.memory_space<vmem>>, vector<16xf32>,
          tpu.vector_store %arg7[%parallel_loop3A_413], %broadcast_in_dim3A_6 {strides = array<i32>} : memref<4096xf32, #tpu.memory_space<vmem>>, vector<16xf32>,
          %parallel_loop3A_415 = arith.constant 16 : i32
          %parallel_loop3A_416 = arith.muli %parallel_loop3A_236, %parallel_loop3A_415 : i32
          %parallel_loop3A_417 = arith.constant 3584 : i32
          %parallel_loop3A_418 = arith.addi %parallel_loop3A_417, %parallel_loop3A_416 : i32
          %parallel_loop3A_419 = arith.index_cast %parallel_loop3A_418 : i32 to index
          %parallel_loop3A_420 = tpu.vector_load %arg7[%parallel_loop3A_419] {strides = array<i32>} : memref<4096xf32, #tpu.memory_space<vmem>>, vector<16xf32>,
          %parallel_loop3A_421 = arith.addf %parallel_loop3A_408, %parallel_loop3A_420 : vector<16xf32>
          %parallel_loop3A_422 = arith.constant 16 : i32
          %parallel_loop3A_423 = arith.muli %parallel_loop3A_236, %parallel_loop3A_422 : i32
          %parallel_loop3A_424 = arith.constant 3584 : i32
          %parallel_loop3A_425 = arith.addi %parallel_loop3A_424, %parallel_loop3A_423 : i32
          %parallel_loop3A_426 = arith.index_cast %parallel_loop3A_425 : i32 to index
          %parallel_loop3A_427 = tpu.vector_load %arg7[%parallel_loop3A_426] {strides = array<i32>} : memref<4096xf32, #tpu.memory_space<vmem>>, vector<16xf32>,
          tpu.vector_store %arg7[%parallel_loop3A_426], %broadcast_in_dim3A_6 {strides = array<i32>} : memref<4096xf32, #tpu.memory_space<vmem>>, vector<16xf32>,
          %parallel_loop3A_428 = arith.constant 16 : i32
          %parallel_loop3A_429 = arith.muli %parallel_loop3A_236, %parallel_loop3A_428 : i32
          %parallel_loop3A_430 = arith.constant 3840 : i32
          %parallel_loop3A_431 = arith.addi %parallel_loop3A_430, %parallel_loop3A_429 : i32
          %parallel_loop3A_432 = arith.index_cast %parallel_loop3A_431 : i32 to index
          %parallel_loop3A_433 = tpu.vector_load %arg7[%parallel_loop3A_432] {strides = array<i32>} : memref<4096xf32, #tpu.memory_space<vmem>>, vector<16xf32>,
          %parallel_loop3A_434 = arith.addf %parallel_loop3A_421, %parallel_loop3A_433 : vector<16xf32>
          %parallel_loop3A_435 = arith.constant 16 : i32
          %parallel_loop3A_436 = arith.muli %parallel_loop3A_236, %parallel_loop3A_435 : i32
          %parallel_loop3A_437 = arith.constant 3840 : i32
          %parallel_loop3A_438 = arith.addi %parallel_loop3A_437, %parallel_loop3A_436 : i32
          %parallel_loop3A_439 = arith.index_cast %parallel_loop3A_438 : i32 to index
          %parallel_loop3A_440 = tpu.vector_load %arg7[%parallel_loop3A_439] {strides = array<i32>} : memref<4096xf32, #tpu.memory_space<vmem>>, vector<16xf32>,
          tpu.vector_store %arg7[%parallel_loop3A_439], %broadcast_in_dim3A_6 {strides = array<i32>} : memref<4096xf32, #tpu.memory_space<vmem>>, vector<16xf32>,
          %parallel_loop3A_441 = arith.constant 6.400000e+01 : f32
          %parallel_loop3A_442 = vector.broadcast %parallel_loop3A_441 : f32 to vector<16xf32>
          %parallel_loop3A_443 = arith.minimumf %parallel_loop3A_434, %parallel_loop3A_442 : vector<16xf32>
          %parallel_loop3A_444 = arith.constant 16 : i32
          %parallel_loop3A_445 = arith.muli %parallel_loop3A_236, %parallel_loop3A_444 : i32
          %parallel_loop3A_446 = arith.index_cast %parallel_loop3A_445 : i32 to index
          %parallel_loop3A_447 = tpu.vector_load %arg8[%parallel_loop3A_446] {strides = array<i32>} : memref<256xf32, #tpu.memory_space<vmem>>, vector<16xf32>,
          tpu.vector_store %arg8[%parallel_loop3A_446], %parallel_loop3A_443 {strides = array<i32>} : memref<256xf32, #tpu.memory_space<vmem>>, vector<16xf32>,
          %parallel_loop3A_448 = arith.addf %parallel_loop3A_237, %parallel_loop3A_443 : vector<16xf32>
          scf.yield %parallel_loop3A_448 : vector<16xf32>
        } {sc.loop_unroll_factor = 1 : i64, sc.parallel_access}
        %reduce_sum3A = arith.constant true
        %reduce_sum3A_223 = vector.broadcast %reduce_sum3A : i1 to vector<16xi1>
        %reduce_sum3A_224 = tpu.scan <sum>, %parallel_loop3A_222 masked %reduce_sum3A_223 : vector<16xf32>, vector<16xi1> -> vector<16xf32>
        %reduce_sum3A_225 = vector.extract %reduce_sum3A_224[15] : f32 from vector<16xf32>
        %sub3A_226 = arith.constant 4.096000e+03 : f32
        %sub3A_227 = arith.subf %sub3A_226, %reduce_sum3A_225 : f32
        %mul3A_228 = arith.constant 3.906250e-03 : f32
        %mul3A_229 = arith.mulf %sub3A_227, %mul3A_228 : f32
        %parallel_loop3A_230 = arith.constant 0 : i32
        %parallel_loop3A_231 = arith.constant 16 : i32
        %parallel_loop3A_232 = arith.constant 1 : i32
        %parallel_loop3A_233 = arith.constant 0.000000e+00 : f32
        %parallel_loop3A_234 = scf.for %parallel_loop3A_236 = %parallel_loop3A_230 to %parallel_loop3A_231 step %parallel_loop3A_232 iter_args(%parallel_loop3A_237 = %parallel_loop3A_233) -> (f32)  : i32 {
          %parallel_loop3A_238 = arith.constant 16 : i32
          %parallel_loop3A_239 = arith.muli %parallel_loop3A_236, %parallel_loop3A_238 : i32
          %parallel_loop3A_240 = arith.index_cast %parallel_loop3A_239 : i32 to index
          %parallel_loop3A_241 = tpu.vector_load %arg8[%parallel_loop3A_240] {strides = array<i32>} : memref<256xf32, #tpu.memory_space<vmem>>, vector<16xf32>,
          %parallel_loop3A_242 = vector.broadcast %mul3A_229 : f32 to vector<16xf32>
          %parallel_loop3A_243 = arith.addf %parallel_loop3A_241, %parallel_loop3A_242 : vector<16xf32>
          %parallel_loop3A_244 = arith.constant true
          %parallel_loop3A_245 = vector.broadcast %parallel_loop3A_244 : i1 to vector<16xi1>
          %parallel_loop3A_246 = tpu.scan <sum>, %parallel_loop3A_243 masked %parallel_loop3A_245 : vector<16xf32>, vector<16xi1> -> vector<16xf32>
          %parallel_loop3A_247 = vector.broadcast %parallel_loop3A_237 : f32 to vector<16xf32>
          %parallel_loop3A_248 = arith.addf %parallel_loop3A_246, %parallel_loop3A_247 : vector<16xf32>
          %parallel_loop3A_249 = arith.constant 2.550000e+02 : f32
          %parallel_loop3A_250 = vector.broadcast %parallel_loop3A_249 : f32 to vector<16xf32>
          %parallel_loop3A_251 = arith.mulf %parallel_loop3A_248, %parallel_loop3A_250 : vector<16xf32>
          %parallel_loop3A_252 = arith.constant 2.44140625E-4 : f32
          %parallel_loop3A_253 = vector.broadcast %parallel_loop3A_252 : f32 to vector<16xf32>
          %parallel_loop3A_254 = arith.mulf %parallel_loop3A_251, %parallel_loop3A_253 : vector<16xf32>
          %parallel_loop3A_255 = arith.fptosi %parallel_loop3A_254 : vector<16xf32> to vector<16xi32>
          %parallel_loop3A_256 = arith.sitofp %parallel_loop3A_255 : vector<16xi32> to vector<16xf32>
          %parallel_loop3A_257 = arith.constant 0.000000e+00 : f32
          %parallel_loop3A_258 = arith.constant 2.550000e+02 : f32
          %parallel_loop3A_259 = vector.broadcast %parallel_loop3A_257 : f32 to vector<16xf32>
          %parallel_loop3A_260 = arith.maximumf %parallel_loop3A_259, %parallel_loop3A_256 : vector<16xf32>
          %parallel_loop3A_261 = vector.broadcast %parallel_loop3A_258 : f32 to vector<16xf32>
          %parallel_loop3A_262 = arith.minimumf %parallel_loop3A_261, %parallel_loop3A_260 : vector<16xf32>
          %parallel_loop3A_263 = arith.constant 8 : i32
          %parallel_loop3A_264 = arith.muli %scan3A_205, %parallel_loop3A_263 : i32
          %parallel_loop3A_265 = arith.addi %parallel_loop3A_264, %scan3A_215 : i32
          %parallel_loop3A_266 = arith.constant 256 : i32
          %parallel_loop3A_267 = arith.muli %parallel_loop3A_265, %parallel_loop3A_266 : i32
          %parallel_loop3A_268 = arith.constant 16 : i32
          %parallel_loop3A_269 = arith.muli %parallel_loop3A_236, %parallel_loop3A_268 : i32
          %parallel_loop3A_270 = arith.addi %parallel_loop3A_267, %parallel_loop3A_269 : i32
          %parallel_loop3A_271 = arith.index_cast %parallel_loop3A_270 : i32 to index
          %parallel_loop3A_272 = tpu.vector_load %arg9[%parallel_loop3A_271] {strides = array<i32>} : memref<16384xf32, #tpu.memory_space<vmem>>, vector<16xf32>,
          tpu.vector_store %arg9[%parallel_loop3A_271], %parallel_loop3A_262 {strides = array<i32>} : memref<16384xf32, #tpu.memory_space<vmem>>, vector<16xf32>,
          %parallel_loop3A_273 = arith.constant true
          %parallel_loop3A_274 = vector.broadcast %parallel_loop3A_273 : i1 to vector<16xi1>
          %parallel_loop3A_275 = tpu.scan <sum>, %parallel_loop3A_243 masked %parallel_loop3A_274 : vector<16xf32>, vector<16xi1> -> vector<16xf32>
          %parallel_loop3A_276 = vector.extract %parallel_loop3A_275[15] : f32 from vector<16xf32>
          %parallel_loop3A_277 = arith.addf %parallel_loop3A_237, %parallel_loop3A_276 : f32
          scf.yield %parallel_loop3A_277 : f32
        } {sc.loop_unroll_factor = 1 : i64, sc.parallel_access}
        %scan3A_235 = arith.constant 0 : i32
        scf.yield %scan3A_235 : i32
      }
      %scan3A_213 = arith.constant 8 : i32
      %scan3A_214 = arith.constant 0 : i32
      scf.yield %scan3A_214 : i32
    }
    %scan3A_197 = arith.constant 8 : i32
    %scan3A_198 = arith.constant 0 : i32
    %scan3A_199 = arith.constant 0 : i32
    %scan3A_200 = arith.constant 16 : i32
    %scan3A_201 = arith.addi %scan3A_199, %scan3A_200 : i32
    %scan3A_202 = arith.constant 1 : i32
    %scan3A_203 = scf.for %scan3A_205 = %scan3A_199 to %scan3A_201 step %scan3A_202 iter_args(%scan3A_206 = %scan3A_198) -> (i32)  : i32 {
      %scan3A_207 = arith.constant 0 : i32
      %scan3A_208 = arith.constant 0 : i32
      %scan3A_209 = arith.constant 32 : i32
      %scan3A_210 = arith.addi %scan3A_208, %scan3A_209 : i32
      %scan3A_211 = arith.constant 1 : i32
      %scan3A_212 = scf.for %scan3A_217 = %scan3A_208 to %scan3A_210 step %scan3A_211 iter_args(%scan3A_218 = %scan3A_207) -> (i32)  : i32 {
        %mul3A_219 = arith.constant 32 : i32
        %mul3A_220 = arith.muli %scan3A_205, %mul3A_219 : i32
        %add3A_221 = arith.addi %mul3A_220, %scan3A_217 : i32
        %convert_element_type3A = arith.sitofp %add3A_221 : i32 to f32
        %add3A_222 = arith.constant 5.000000e-01 : f32
        %add3A_223 = arith.addf %convert_element_type3A, %add3A_222 : f32
        %mul3A_224 = arith.constant 1.562500e-02 : f32
        %mul3A_225 = arith.mulf %add3A_223, %mul3A_224 : f32
        %sub3A_226 = arith.constant 5.000000e-01 : f32
        %sub3A_227 = arith.subf %mul3A_225, %sub3A_226 : f32
        %add3A_228 = arith.constant 1.000000e+00 : f32
        %add3A_229 = arith.addf %sub3A_227, %add3A_228 : f32
        %convert_element_type3A_230 = arith.fptosi %add3A_229 : f32 to i32
        %sub3A_231 = arith.constant 1 : i32
        %sub3A_232 = arith.subi %convert_element_type3A_230, %sub3A_231 : i32
        %jit3A_233 = arith.constant 0 : i32
        %jit3A_234 = arith.constant 7 : i32
        %max3A = arith.maxsi %jit3A_233, %sub3A_232 : i32
        %min3A = arith.minsi %jit3A_234, %max3A : i32
        %add3A_235 = arith.constant 1 : i32
        %add3A_236 = arith.addi %sub3A_232, %add3A_235 : i32
        %jit3A_237 = arith.constant 0 : i32
        %jit3A_238 = arith.constant 7 : i32
        %max3A_239 = arith.maxsi %jit3A_237, %add3A_236 : i32
        %min3A_240 = arith.minsi %jit3A_238, %max3A_239 : i32
        %convert_element_type3A_241 = arith.sitofp %sub3A_232 : i32 to f32
        %sub3A_242 = arith.subf %sub3A_227, %convert_element_type3A_241 : f32
        %mul3A_243 = arith.constant 2048 : i32
        %mul3A_244 = arith.muli %min3A, %mul3A_243 : i32
        %mul3A_245 = arith.constant 2048 : i32
        %mul3A_246 = arith.muli %min3A_240, %mul3A_245 : i32
        %parallel_loop3A = arith.constant 0 : i32
        %parallel_loop3A_247 = arith.constant 8 : i32
        %parallel_loop3A_248 = arith.constant 1 : i32
        scf.for %parallel_loop3A_250 = %parallel_loop3A to %parallel_loop3A_247 step %parallel_loop3A_248  : i32 {
          %parallel_loop3A_251 = arith.constant 64 : i32
          %parallel_loop3A_252 = arith.muli %parallel_loop3A_250, %parallel_loop3A_251 : i32
          %parallel_loop3A_253 = arith.constant 128 : i32
          %parallel_loop3A_254 = arith.muli %add3A_221, %parallel_loop3A_253 : i32
          %parallel_loop3A_255 = arith.constant 16 : i32
          %parallel_loop3A_256 = arith.muli %parallel_loop3A_250, %parallel_loop3A_255 : i32
          %parallel_loop3A_257 = arith.addi %parallel_loop3A_254, %parallel_loop3A_256 : i32
          %parallel_loop3A_258 = arith.index_cast %parallel_loop3A_257 : i32 to index
          %parallel_loop3A_259 = tpu.vector_load %arg6[%parallel_loop3A_258] {strides = array<i32>} : memref<65536xi32, #tpu.memory_space<vmem>>, vector<16xi32>,
          %parallel_loop3A_260 = arith.constant 255 : i32
          %parallel_loop3A_261 = vector.broadcast %parallel_loop3A_260 : i32 to vector<16xi32>
          %parallel_loop3A_262 = arith.andi %parallel_loop3A_259, %parallel_loop3A_261 : vector<16xi32>
          %parallel_loop3A_263 = arith.constant 8 : i32
          %parallel_loop3A_264 = vector.broadcast %parallel_loop3A_263 : i32 to vector<16xi32>
          %parallel_loop3A_265 = arith.shrui %parallel_loop3A_259, %parallel_loop3A_264 : vector<16xi32>
          %parallel_loop3A_266 = arith.constant 255 : i32
          %parallel_loop3A_267 = vector.broadcast %parallel_loop3A_266 : i32 to vector<16xi32>
          %parallel_loop3A_268 = arith.andi %parallel_loop3A_265, %parallel_loop3A_267 : vector<16xi32>
          %parallel_loop3A_269 = arith.constant 16 : i32
          %parallel_loop3A_270 = vector.broadcast %parallel_loop3A_269 : i32 to vector<16xi32>
          %parallel_loop3A_271 = arith.shrui %parallel_loop3A_259, %parallel_loop3A_270 : vector<16xi32>
          %parallel_loop3A_272 = arith.constant 255 : i32
          %parallel_loop3A_273 = vector.broadcast %parallel_loop3A_272 : i32 to vector<16xi32>
          %parallel_loop3A_274 = arith.andi %parallel_loop3A_271, %parallel_loop3A_273 : vector<16xi32>
          %parallel_loop3A_275 = arith.constant 24 : i32
          %parallel_loop3A_276 = vector.broadcast %parallel_loop3A_275 : i32 to vector<16xi32>
          %parallel_loop3A_277 = arith.shrui %parallel_loop3A_259, %parallel_loop3A_276 : vector<16xi32>
          %parallel_loop3A_278 = arith.constant 0 : i32
          %parallel_loop3A_279 = arith.addi %parallel_loop3A_252, %parallel_loop3A_278 : i32
          %parallel_loop3A_280 = arith.index_cast %parallel_loop3A_279 : i32 to index
          %parallel_loop3A_281 = tpu.vector_load %arg10[%parallel_loop3A_280] {strides = array<i32>} : memref<512xi32, #tpu.memory_space<vmem>>, vector<16xi32>,
          %parallel_loop3A_282 = arith.addi %parallel_loop3A_262, %parallel_loop3A_281 : vector<16xi32>
          %parallel_loop3A_283 = arith.index_cast %parallel_loop3A_279 : i32 to index
          %parallel_loop3A_284 = tpu.vector_load %arg11[%parallel_loop3A_283] {strides = array<i32>} : memref<512xi32, #tpu.memory_space<vmem>>, vector<16xi32>,
          %parallel_loop3A_285 = arith.addi %parallel_loop3A_262, %parallel_loop3A_284 : vector<16xi32>
          %parallel_loop3A_286 = arith.index_cast %parallel_loop3A_279 : i32 to index
          %parallel_loop3A_287 = tpu.vector_load %arg12[%parallel_loop3A_286] {strides = array<i32>} : memref<512xf32, #tpu.memory_space<vmem>>, vector<16xf32>,
          %parallel_loop3A_288 = vector.broadcast %mul3A_244 : i32 to vector<16xi32>
          %parallel_loop3A_289 = arith.addi %parallel_loop3A_282, %parallel_loop3A_288 : vector<16xi32>
          %parallel_loop3A_290 = tpu.vector_load_idx %arg9[%parallel_loop3A_289] : memref<16384xf32, #tpu.memory_space<vmem>>[vector<16xi32>], vector<16xf32>,
          %parallel_loop3A_291 = vector.broadcast %mul3A_244 : i32 to vector<16xi32>
          %parallel_loop3A_292 = arith.addi %parallel_loop3A_285, %parallel_loop3A_291 : vector<16xi32>
          %parallel_loop3A_293 = tpu.vector_load_idx %arg9[%parallel_loop3A_292] : memref<16384xf32, #tpu.memory_space<vmem>>[vector<16xi32>], vector<16xf32>,
          %parallel_loop3A_294 = vector.broadcast %mul3A_246 : i32 to vector<16xi32>
          %parallel_loop3A_295 = arith.addi %parallel_loop3A_282, %parallel_loop3A_294 : vector<16xi32>
          %parallel_loop3A_296 = tpu.vector_load_idx %arg9[%parallel_loop3A_295] : memref<16384xf32, #tpu.memory_space<vmem>>[vector<16xi32>], vector<16xf32>,
          %parallel_loop3A_297 = vector.broadcast %mul3A_246 : i32 to vector<16xi32>
          %parallel_loop3A_298 = arith.addi %parallel_loop3A_285, %parallel_loop3A_297 : vector<16xi32>
          %parallel_loop3A_299 = tpu.vector_load_idx %arg9[%parallel_loop3A_298] : memref<16384xf32, #tpu.memory_space<vmem>>[vector<16xi32>], vector<16xf32>,
          %parallel_loop3A_300 = arith.constant 1.000000e+00 : f32
          %parallel_loop3A_301 = vector.broadcast %parallel_loop3A_300 : f32 to vector<16xf32>
          %parallel_loop3A_302 = arith.subf %parallel_loop3A_301, %parallel_loop3A_287 : vector<16xf32>
          %parallel_loop3A_303 = arith.constant 1.000000e+00 : f32
          %parallel_loop3A_304 = arith.subf %parallel_loop3A_303, %sub3A_242 : f32
          %parallel_loop3A_305 = arith.mulf %parallel_loop3A_302, %parallel_loop3A_290 : vector<16xf32>
          %parallel_loop3A_306 = arith.mulf %parallel_loop3A_287, %parallel_loop3A_293 : vector<16xf32>
          %parallel_loop3A_307 = arith.addf %parallel_loop3A_305, %parallel_loop3A_306 : vector<16xf32>
          %parallel_loop3A_308 = vector.broadcast %parallel_loop3A_304 : f32 to vector<16xf32>
          %parallel_loop3A_309 = arith.mulf %parallel_loop3A_308, %parallel_loop3A_307 : vector<16xf32>
          %parallel_loop3A_310 = arith.mulf %parallel_loop3A_302, %parallel_loop3A_296 : vector<16xf32>
          %parallel_loop3A_311 = arith.mulf %parallel_loop3A_287, %parallel_loop3A_299 : vector<16xf32>
          %parallel_loop3A_312 = arith.addf %parallel_loop3A_310, %parallel_loop3A_311 : vector<16xf32>
          %parallel_loop3A_313 = vector.broadcast %sub3A_242 : f32 to vector<16xf32>
          %parallel_loop3A_314 = arith.mulf %parallel_loop3A_313, %parallel_loop3A_312 : vector<16xf32>
          %parallel_loop3A_315 = arith.addf %parallel_loop3A_309, %parallel_loop3A_314 : vector<16xf32>
          %parallel_loop3A_316 = arith.constant 0.00392156886 : f32
          %parallel_loop3A_317 = vector.broadcast %parallel_loop3A_316 : f32 to vector<16xf32>
          %parallel_loop3A_318 = arith.mulf %parallel_loop3A_315, %parallel_loop3A_317 : vector<16xf32>
          %parallel_loop3A_319 = arith.constant 2.550000e+02 : f32
          %parallel_loop3A_320 = vector.broadcast %parallel_loop3A_319 : f32 to vector<16xf32>
          %parallel_loop3A_321 = arith.mulf %parallel_loop3A_318, %parallel_loop3A_320 : vector<16xf32>
          %parallel_loop3A_322 = arith.index_cast %scan3A_217 : i32 to index
          %parallel_loop3A_323 = arith.index_cast %parallel_loop3A_279 : i32 to index
          %parallel_loop3A_324 = tpu.vector_load %arg5[%parallel_loop3A_322, %parallel_loop3A_323] {strides = array<i32>} : memref<32x512xf32, #tpu.memory_space<vmem>>, vector<16xf32>,
          tpu.vector_store %arg5[%parallel_loop3A_322, %parallel_loop3A_323], %parallel_loop3A_321 {strides = array<i32>} : memref<32x512xf32, #tpu.memory_space<vmem>>, vector<16xf32>,
          %parallel_loop3A_325 = arith.constant 16 : i32
          %parallel_loop3A_326 = arith.addi %parallel_loop3A_252, %parallel_loop3A_325 : i32
          %parallel_loop3A_327 = arith.index_cast %parallel_loop3A_326 : i32 to index
          %parallel_loop3A_328 = tpu.vector_load %arg10[%parallel_loop3A_327] {strides = array<i32>} : memref<512xi32, #tpu.memory_space<vmem>>, vector<16xi32>,
          %parallel_loop3A_329 = arith.addi %parallel_loop3A_268, %parallel_loop3A_328 : vector<16xi32>
          %parallel_loop3A_330 = arith.index_cast %parallel_loop3A_326 : i32 to index
          %parallel_loop3A_331 = tpu.vector_load %arg11[%parallel_loop3A_330] {strides = array<i32>} : memref<512xi32, #tpu.memory_space<vmem>>, vector<16xi32>,
          %parallel_loop3A_332 = arith.addi %parallel_loop3A_268, %parallel_loop3A_331 : vector<16xi32>
          %parallel_loop3A_333 = arith.index_cast %parallel_loop3A_326 : i32 to index
          %parallel_loop3A_334 = tpu.vector_load %arg12[%parallel_loop3A_333] {strides = array<i32>} : memref<512xf32, #tpu.memory_space<vmem>>, vector<16xf32>,
          %parallel_loop3A_335 = vector.broadcast %mul3A_244 : i32 to vector<16xi32>
          %parallel_loop3A_336 = arith.addi %parallel_loop3A_329, %parallel_loop3A_335 : vector<16xi32>
          %parallel_loop3A_337 = tpu.vector_load_idx %arg9[%parallel_loop3A_336] : memref<16384xf32, #tpu.memory_space<vmem>>[vector<16xi32>], vector<16xf32>,
          %parallel_loop3A_338 = vector.broadcast %mul3A_244 : i32 to vector<16xi32>
          %parallel_loop3A_339 = arith.addi %parallel_loop3A_332, %parallel_loop3A_338 : vector<16xi32>
          %parallel_loop3A_340 = tpu.vector_load_idx %arg9[%parallel_loop3A_339] : memref<16384xf32, #tpu.memory_space<vmem>>[vector<16xi32>], vector<16xf32>,
          %parallel_loop3A_341 = vector.broadcast %mul3A_246 : i32 to vector<16xi32>
          %parallel_loop3A_342 = arith.addi %parallel_loop3A_329, %parallel_loop3A_341 : vector<16xi32>
          %parallel_loop3A_343 = tpu.vector_load_idx %arg9[%parallel_loop3A_342] : memref<16384xf32, #tpu.memory_space<vmem>>[vector<16xi32>], vector<16xf32>,
          %parallel_loop3A_344 = vector.broadcast %mul3A_246 : i32 to vector<16xi32>
          %parallel_loop3A_345 = arith.addi %parallel_loop3A_332, %parallel_loop3A_344 : vector<16xi32>
          %parallel_loop3A_346 = tpu.vector_load_idx %arg9[%parallel_loop3A_345] : memref<16384xf32, #tpu.memory_space<vmem>>[vector<16xi32>], vector<16xf32>,
          %parallel_loop3A_347 = arith.constant 1.000000e+00 : f32
          %parallel_loop3A_348 = vector.broadcast %parallel_loop3A_347 : f32 to vector<16xf32>
          %parallel_loop3A_349 = arith.subf %parallel_loop3A_348, %parallel_loop3A_334 : vector<16xf32>
          %parallel_loop3A_350 = arith.constant 1.000000e+00 : f32
          %parallel_loop3A_351 = arith.subf %parallel_loop3A_350, %sub3A_242 : f32
          %parallel_loop3A_352 = arith.mulf %parallel_loop3A_349, %parallel_loop3A_337 : vector<16xf32>
          %parallel_loop3A_353 = arith.mulf %parallel_loop3A_334, %parallel_loop3A_340 : vector<16xf32>
          %parallel_loop3A_354 = arith.addf %parallel_loop3A_352, %parallel_loop3A_353 : vector<16xf32>
          %parallel_loop3A_355 = vector.broadcast %parallel_loop3A_351 : f32 to vector<16xf32>
          %parallel_loop3A_356 = arith.mulf %parallel_loop3A_355, %parallel_loop3A_354 : vector<16xf32>
          %parallel_loop3A_357 = arith.mulf %parallel_loop3A_349, %parallel_loop3A_343 : vector<16xf32>
          %parallel_loop3A_358 = arith.mulf %parallel_loop3A_334, %parallel_loop3A_346 : vector<16xf32>
          %parallel_loop3A_359 = arith.addf %parallel_loop3A_357, %parallel_loop3A_358 : vector<16xf32>
          %parallel_loop3A_360 = vector.broadcast %sub3A_242 : f32 to vector<16xf32>
          %parallel_loop3A_361 = arith.mulf %parallel_loop3A_360, %parallel_loop3A_359 : vector<16xf32>
          %parallel_loop3A_362 = arith.addf %parallel_loop3A_356, %parallel_loop3A_361 : vector<16xf32>
          %parallel_loop3A_363 = arith.constant 0.00392156886 : f32
          %parallel_loop3A_364 = vector.broadcast %parallel_loop3A_363 : f32 to vector<16xf32>
          %parallel_loop3A_365 = arith.mulf %parallel_loop3A_362, %parallel_loop3A_364 : vector<16xf32>
          %parallel_loop3A_366 = arith.constant 2.550000e+02 : f32
          %parallel_loop3A_367 = vector.broadcast %parallel_loop3A_366 : f32 to vector<16xf32>
          %parallel_loop3A_368 = arith.mulf %parallel_loop3A_365, %parallel_loop3A_367 : vector<16xf32>
          %parallel_loop3A_369 = arith.index_cast %scan3A_217 : i32 to index
          %parallel_loop3A_370 = arith.index_cast %parallel_loop3A_326 : i32 to index
          %parallel_loop3A_371 = tpu.vector_load %arg5[%parallel_loop3A_369, %parallel_loop3A_370] {strides = array<i32>} : memref<32x512xf32, #tpu.memory_space<vmem>>, vector<16xf32>,
          tpu.vector_store %arg5[%parallel_loop3A_369, %parallel_loop3A_370], %parallel_loop3A_368 {strides = array<i32>} : memref<32x512xf32, #tpu.memory_space<vmem>>, vector<16xf32>,
          %parallel_loop3A_372 = arith.constant 32 : i32
          %parallel_loop3A_373 = arith.addi %parallel_loop3A_252, %parallel_loop3A_372 : i32
          %parallel_loop3A_374 = arith.index_cast %parallel_loop3A_373 : i32 to index
          %parallel_loop3A_375 = tpu.vector_load %arg10[%parallel_loop3A_374] {strides = array<i32>} : memref<512xi32, #tpu.memory_space<vmem>>, vector<16xi32>,
          %parallel_loop3A_376 = arith.addi %parallel_loop3A_274, %parallel_loop3A_375 : vector<16xi32>
          %parallel_loop3A_377 = arith.index_cast %parallel_loop3A_373 : i32 to index
          %parallel_loop3A_378 = tpu.vector_load %arg11[%parallel_loop3A_377] {strides = array<i32>} : memref<512xi32, #tpu.memory_space<vmem>>, vector<16xi32>,
          %parallel_loop3A_379 = arith.addi %parallel_loop3A_274, %parallel_loop3A_378 : vector<16xi32>
          %parallel_loop3A_380 = arith.index_cast %parallel_loop3A_373 : i32 to index
          %parallel_loop3A_381 = tpu.vector_load %arg12[%parallel_loop3A_380] {strides = array<i32>} : memref<512xf32, #tpu.memory_space<vmem>>, vector<16xf32>,
          %parallel_loop3A_382 = vector.broadcast %mul3A_244 : i32 to vector<16xi32>
          %parallel_loop3A_383 = arith.addi %parallel_loop3A_376, %parallel_loop3A_382 : vector<16xi32>
          %parallel_loop3A_384 = tpu.vector_load_idx %arg9[%parallel_loop3A_383] : memref<16384xf32, #tpu.memory_space<vmem>>[vector<16xi32>], vector<16xf32>,
          %parallel_loop3A_385 = vector.broadcast %mul3A_244 : i32 to vector<16xi32>
          %parallel_loop3A_386 = arith.addi %parallel_loop3A_379, %parallel_loop3A_385 : vector<16xi32>
          %parallel_loop3A_387 = tpu.vector_load_idx %arg9[%parallel_loop3A_386] : memref<16384xf32, #tpu.memory_space<vmem>>[vector<16xi32>], vector<16xf32>,
          %parallel_loop3A_388 = vector.broadcast %mul3A_246 : i32 to vector<16xi32>
          %parallel_loop3A_389 = arith.addi %parallel_loop3A_376, %parallel_loop3A_388 : vector<16xi32>
          %parallel_loop3A_390 = tpu.vector_load_idx %arg9[%parallel_loop3A_389] : memref<16384xf32, #tpu.memory_space<vmem>>[vector<16xi32>], vector<16xf32>,
          %parallel_loop3A_391 = vector.broadcast %mul3A_246 : i32 to vector<16xi32>
          %parallel_loop3A_392 = arith.addi %parallel_loop3A_379, %parallel_loop3A_391 : vector<16xi32>
          %parallel_loop3A_393 = tpu.vector_load_idx %arg9[%parallel_loop3A_392] : memref<16384xf32, #tpu.memory_space<vmem>>[vector<16xi32>], vector<16xf32>,
          %parallel_loop3A_394 = arith.constant 1.000000e+00 : f32
          %parallel_loop3A_395 = vector.broadcast %parallel_loop3A_394 : f32 to vector<16xf32>
          %parallel_loop3A_396 = arith.subf %parallel_loop3A_395, %parallel_loop3A_381 : vector<16xf32>
          %parallel_loop3A_397 = arith.constant 1.000000e+00 : f32
          %parallel_loop3A_398 = arith.subf %parallel_loop3A_397, %sub3A_242 : f32
          %parallel_loop3A_399 = arith.mulf %parallel_loop3A_396, %parallel_loop3A_384 : vector<16xf32>
          %parallel_loop3A_400 = arith.mulf %parallel_loop3A_381, %parallel_loop3A_387 : vector<16xf32>
          %parallel_loop3A_401 = arith.addf %parallel_loop3A_399, %parallel_loop3A_400 : vector<16xf32>
          %parallel_loop3A_402 = vector.broadcast %parallel_loop3A_398 : f32 to vector<16xf32>
          %parallel_loop3A_403 = arith.mulf %parallel_loop3A_402, %parallel_loop3A_401 : vector<16xf32>
          %parallel_loop3A_404 = arith.mulf %parallel_loop3A_396, %parallel_loop3A_390 : vector<16xf32>
          %parallel_loop3A_405 = arith.mulf %parallel_loop3A_381, %parallel_loop3A_393 : vector<16xf32>
          %parallel_loop3A_406 = arith.addf %parallel_loop3A_404, %parallel_loop3A_405 : vector<16xf32>
          %parallel_loop3A_407 = vector.broadcast %sub3A_242 : f32 to vector<16xf32>
          %parallel_loop3A_408 = arith.mulf %parallel_loop3A_407, %parallel_loop3A_406 : vector<16xf32>
          %parallel_loop3A_409 = arith.addf %parallel_loop3A_403, %parallel_loop3A_408 : vector<16xf32>
          %parallel_loop3A_410 = arith.constant 0.00392156886 : f32
          %parallel_loop3A_411 = vector.broadcast %parallel_loop3A_410 : f32 to vector<16xf32>
          %parallel_loop3A_412 = arith.mulf %parallel_loop3A_409, %parallel_loop3A_411 : vector<16xf32>
          %parallel_loop3A_413 = arith.constant 2.550000e+02 : f32
          %parallel_loop3A_414 = vector.broadcast %parallel_loop3A_413 : f32 to vector<16xf32>
          %parallel_loop3A_415 = arith.mulf %parallel_loop3A_412, %parallel_loop3A_414 : vector<16xf32>
          %parallel_loop3A_416 = arith.index_cast %scan3A_217 : i32 to index
          %parallel_loop3A_417 = arith.index_cast %parallel_loop3A_373 : i32 to index
          %parallel_loop3A_418 = tpu.vector_load %arg5[%parallel_loop3A_416, %parallel_loop3A_417] {strides = array<i32>} : memref<32x512xf32, #tpu.memory_space<vmem>>, vector<16xf32>,
          tpu.vector_store %arg5[%parallel_loop3A_416, %parallel_loop3A_417], %parallel_loop3A_415 {strides = array<i32>} : memref<32x512xf32, #tpu.memory_space<vmem>>, vector<16xf32>,
          %parallel_loop3A_419 = arith.constant 48 : i32
          %parallel_loop3A_420 = arith.addi %parallel_loop3A_252, %parallel_loop3A_419 : i32
          %parallel_loop3A_421 = arith.index_cast %parallel_loop3A_420 : i32 to index
          %parallel_loop3A_422 = tpu.vector_load %arg10[%parallel_loop3A_421] {strides = array<i32>} : memref<512xi32, #tpu.memory_space<vmem>>, vector<16xi32>,
          %parallel_loop3A_423 = arith.addi %parallel_loop3A_277, %parallel_loop3A_422 : vector<16xi32>
          %parallel_loop3A_424 = arith.index_cast %parallel_loop3A_420 : i32 to index
          %parallel_loop3A_425 = tpu.vector_load %arg11[%parallel_loop3A_424] {strides = array<i32>} : memref<512xi32, #tpu.memory_space<vmem>>, vector<16xi32>,
          %parallel_loop3A_426 = arith.addi %parallel_loop3A_277, %parallel_loop3A_425 : vector<16xi32>
          %parallel_loop3A_427 = arith.index_cast %parallel_loop3A_420 : i32 to index
          %parallel_loop3A_428 = tpu.vector_load %arg12[%parallel_loop3A_427] {strides = array<i32>} : memref<512xf32, #tpu.memory_space<vmem>>, vector<16xf32>,
          %parallel_loop3A_429 = vector.broadcast %mul3A_244 : i32 to vector<16xi32>
          %parallel_loop3A_430 = arith.addi %parallel_loop3A_423, %parallel_loop3A_429 : vector<16xi32>
          %parallel_loop3A_431 = tpu.vector_load_idx %arg9[%parallel_loop3A_430] : memref<16384xf32, #tpu.memory_space<vmem>>[vector<16xi32>], vector<16xf32>,
          %parallel_loop3A_432 = vector.broadcast %mul3A_244 : i32 to vector<16xi32>
          %parallel_loop3A_433 = arith.addi %parallel_loop3A_426, %parallel_loop3A_432 : vector<16xi32>
          %parallel_loop3A_434 = tpu.vector_load_idx %arg9[%parallel_loop3A_433] : memref<16384xf32, #tpu.memory_space<vmem>>[vector<16xi32>], vector<16xf32>,
          %parallel_loop3A_435 = vector.broadcast %mul3A_246 : i32 to vector<16xi32>
          %parallel_loop3A_436 = arith.addi %parallel_loop3A_423, %parallel_loop3A_435 : vector<16xi32>
          %parallel_loop3A_437 = tpu.vector_load_idx %arg9[%parallel_loop3A_436] : memref<16384xf32, #tpu.memory_space<vmem>>[vector<16xi32>], vector<16xf32>,
          %parallel_loop3A_438 = vector.broadcast %mul3A_246 : i32 to vector<16xi32>
          %parallel_loop3A_439 = arith.addi %parallel_loop3A_426, %parallel_loop3A_438 : vector<16xi32>
          %parallel_loop3A_440 = tpu.vector_load_idx %arg9[%parallel_loop3A_439] : memref<16384xf32, #tpu.memory_space<vmem>>[vector<16xi32>], vector<16xf32>,
          %parallel_loop3A_441 = arith.constant 1.000000e+00 : f32
          %parallel_loop3A_442 = vector.broadcast %parallel_loop3A_441 : f32 to vector<16xf32>
          %parallel_loop3A_443 = arith.subf %parallel_loop3A_442, %parallel_loop3A_428 : vector<16xf32>
          %parallel_loop3A_444 = arith.constant 1.000000e+00 : f32
          %parallel_loop3A_445 = arith.subf %parallel_loop3A_444, %sub3A_242 : f32
          %parallel_loop3A_446 = arith.mulf %parallel_loop3A_443, %parallel_loop3A_431 : vector<16xf32>
          %parallel_loop3A_447 = arith.mulf %parallel_loop3A_428, %parallel_loop3A_434 : vector<16xf32>
          %parallel_loop3A_448 = arith.addf %parallel_loop3A_446, %parallel_loop3A_447 : vector<16xf32>
          %parallel_loop3A_449 = vector.broadcast %parallel_loop3A_445 : f32 to vector<16xf32>
          %parallel_loop3A_450 = arith.mulf %parallel_loop3A_449, %parallel_loop3A_448 : vector<16xf32>
          %parallel_loop3A_451 = arith.mulf %parallel_loop3A_443, %parallel_loop3A_437 : vector<16xf32>
          %parallel_loop3A_452 = arith.mulf %parallel_loop3A_428, %parallel_loop3A_440 : vector<16xf32>
          %parallel_loop3A_453 = arith.addf %parallel_loop3A_451, %parallel_loop3A_452 : vector<16xf32>
          %parallel_loop3A_454 = vector.broadcast %sub3A_242 : f32 to vector<16xf32>
          %parallel_loop3A_455 = arith.mulf %parallel_loop3A_454, %parallel_loop3A_453 : vector<16xf32>
          %parallel_loop3A_456 = arith.addf %parallel_loop3A_450, %parallel_loop3A_455 : vector<16xf32>
          %parallel_loop3A_457 = arith.constant 0.00392156886 : f32
          %parallel_loop3A_458 = vector.broadcast %parallel_loop3A_457 : f32 to vector<16xf32>
          %parallel_loop3A_459 = arith.mulf %parallel_loop3A_456, %parallel_loop3A_458 : vector<16xf32>
          %parallel_loop3A_460 = arith.constant 2.550000e+02 : f32
          %parallel_loop3A_461 = vector.broadcast %parallel_loop3A_460 : f32 to vector<16xf32>
          %parallel_loop3A_462 = arith.mulf %parallel_loop3A_459, %parallel_loop3A_461 : vector<16xf32>
          %parallel_loop3A_463 = arith.index_cast %scan3A_217 : i32 to index
          %parallel_loop3A_464 = arith.index_cast %parallel_loop3A_420 : i32 to index
          %parallel_loop3A_465 = tpu.vector_load %arg5[%parallel_loop3A_463, %parallel_loop3A_464] {strides = array<i32>} : memref<32x512xf32, #tpu.memory_space<vmem>>, vector<16xf32>,
          tpu.vector_store %arg5[%parallel_loop3A_463, %parallel_loop3A_464], %parallel_loop3A_462 {strides = array<i32>} : memref<32x512xf32, #tpu.memory_space<vmem>>, vector<16xf32>,
        } {sc.loop_unroll_factor = 2 : i64, sc.parallel_access}
        %scan3A_249 = arith.constant 0 : i32
        scf.yield %scan3A_249 : i32
      }
      %scan3A_213 = arith.constant 32 : i32
      %mul3A_214 = arith.constant 32 : i32
      %mul3A_215 = arith.muli %scan3A_205, %mul3A_214 : i32
      "tpu.region"() ({
        %run_scoped3A = tpu.sem_alloc : memref<!tpu.dma_semaphore, #tpu.memory_space<semaphore_mem>>
        %dma_start3A = arith.constant 0 : i32
        %dma_start3A_217 = tpu.memref_slice %arg3[%select_n3A_167, %select_n3A_183, %mul3A_215, %dma_start3A] : memref<32x3x512x512xf32, #tpu.memory_space<hbm>> -> memref<1x1x32x512xf32, #tpu.memory_space<hbm>>
        %dma_start3A_218 = tpu.memref_squeeze %dma_start3A_217 : memref<1x1x32x512xf32, #tpu.memory_space<hbm>> -> memref<32x512xf32, #tpu.memory_space<hbm>>
        %dma_start3A_219 = arith.constant 0 : i32
        %dma_start3A_220 = tpu.memref_slice %arg3[%select_n3A_167, %select_n3A_183, %mul3A_215, %dma_start3A_219] : memref<32x3x512x512xf32, #tpu.memory_space<hbm>> -> memref<1x1x32x512xf32, #tpu.memory_space<hbm>>
        %dma_start3A_221 = tpu.memref_squeeze %dma_start3A_220 : memref<1x1x32x512xf32, #tpu.memory_space<hbm>> -> memref<32x512xf32, #tpu.memory_space<hbm>>
        tpu.enqueue_dma source(%arg5 : memref<32x512xf32, #tpu.memory_space<vmem>>) target(%dma_start3A_221 : memref<32x512xf32, #tpu.memory_space<hbm>>) target_semaphore(%run_scoped3A : memref<!tpu.dma_semaphore, #tpu.memory_space<semaphore_mem>>)
        %dma_wait3A = arith.constant 0 : i32
        %dma_wait3A_222 = tpu.memref_slice %arg3[%select_n3A_167, %select_n3A_183, %mul3A_215, %dma_wait3A] : memref<32x3x512x512xf32, #tpu.memory_space<hbm>> -> memref<1x1x32x512xf32, #tpu.memory_space<hbm>>
        %dma_wait3A_223 = tpu.memref_squeeze %dma_wait3A_222 : memref<1x1x32x512xf32, #tpu.memory_space<hbm>> -> memref<32x512xf32, #tpu.memory_space<hbm>>
        %dma_wait3A_224 = arith.constant 0 : i32
        %dma_wait3A_225 = tpu.memref_slice %arg3[%select_n3A_167, %select_n3A_183, %mul3A_215, %dma_wait3A_224] : memref<32x3x512x512xf32, #tpu.memory_space<hbm>> -> memref<1x1x32x512xf32, #tpu.memory_space<hbm>>
        %dma_wait3A_226 = tpu.memref_squeeze %dma_wait3A_225 : memref<1x1x32x512xf32, #tpu.memory_space<hbm>> -> memref<32x512xf32, #tpu.memory_space<hbm>>
        tpu.wait_dma2 semaphore(%run_scoped3A : memref<!tpu.dma_semaphore, #tpu.memory_space<semaphore_mem>>) src(%arg5 : memref<32x512xf32, #tpu.memory_space<vmem>>) dst(%dma_wait3A_226 : memref<32x512xf32, #tpu.memory_space<hbm>>)
        tpu.yield
      }) : () -> ()
      %scan3A_216 = arith.constant 0 : i32
      scf.yield %scan3A_216 : i32
    }
    %scan3A_204 = arith.constant 16 : i32
    return
  }
}

</mosaic_0001>

<sc_bundles>
// kernel: kernel.3.cloned.1.call-start
scs
__scs_entry_jumppad:
0x0: {  	(pc) =	sbr.rel $0x88, $3  }
0x1: {  	(tag) =	ssettag $0x0;
	lr =	simm.s32 $0x1  }
0x2: {  	[smem:$0x3FA0] =	sst lr;
	_ =	strace $0xD0000000  }
0x3: {  	_ = 	snop  }
0x4: {  	_ = 	snop  }
0x5: {  	_ = 	snop  }
0x6: {  	_ = 	snop  }
0x7: {  	_ = 	snop  }
__scs_overlays_trampoline_lowered:
0x8: {  	[smem:$0x3FAF] =	sst s0  }
0x9: {  	[smem:$0x3FB0] =	sst s1  }
0xa: {  	[smem:$0x3FB1] =	sst s2  }
0xb: {  	[smem:$0x3FB2] =	sst s3  }
0xc: {  	[smem:$0x3FB3] =	sst s4  }
0xd: {  	[smem:$0x3FB4] =	sst s5  }
0xe: {  	[smem:$0x3FB5] =	sst s6  }
0xf: {  	[smem:$0x3FB6] =	sst s7  }
0x10: {  	[smem:$0x3FB7] =	sst s8  }
0x11: {  	[smem:$0x3FB8] =	sst s9;
	s0 =	simm.s32 @!p0 $0x0  }
0x12: {  	s1 =	sld [smem:$0x3F9E];
	s0 =	simm.s32 @p0 $0x1  }
0x13: {  	[smem:$0x3FB9] =	sst s0;
	s0 =	simm.s32 @!p1 $0x0  }
0x14: {  	s2 =	sld [smem:$0x3F9D];
	s0 =	simm.s32 @p1 $0x1  }
0x15: {  	[smem:$0x3FBA] =	sst s0;
	s0 =	simm.s32 @!p2 $0x0  }
0x16: {  	s3 =	sld [smem:$0x3FDB];
	s0 =	simm.s32 @p2 $0x1  }
0x17: {  	s4 =	simm.s32 $0x1BF5;
	[smem:$0x3FBC] =	sst s0  }
0x18: {  	s0 =	sld [smem:$0x3F9F];
	_ =	swait.ge [sflag:s4], $0x0  }
0x19: {  	s7 =	sld [smem:$0x3FA0]  }
0x1a: {  	s8 =	sadd.s32 $0xFFFFE003, lr  }
0x1b: {  	s9 =	sadd.s32 $0xFFFFFEF7, lr;
	s5 =	simm.s32 $0xFFFFFFFF;
	p2 =	slt.u32 s8, $0xFFFFF086  }
0x1c: {  	p1 =	slt.u32 s9, $0xF7A;
	s5 =	simm.s32 @!p2 $0x0  }
0x1d: {  	s5 =	simm.s32 @p1 $0x1;
	p0 =	seq.s32 s7, s2  }
0x1e: {  	s7 =	smul.u32 @!p0 $0xF7A, s2;
	p2 =	seq.s32 @!p0 s5, $0x0  }
0x1f: {  	s9 =	smul.u32 $0xF7A, s1;
	s8 =	simm.s32 @!p0 $0x1BF5;
	p2 =	por !p2, p0  }
0x20: {  	[sflag:s8] =	ssyncset.s32 @!p0 $0xFFFFF086;
	s6 =	sadd.s32 @!p0 s3, s7;
	s7 =	simm.s32 @!p0 $0x108  }
0x21: {  	s3 =	sadd.s32 s3, s9;
	s6 =	sadd.s32 @!p0 $0x88, s6;
	s7 =	simm.s32 @p2 $0x1082  }
0x22: {  	[simem:s7], [sflag:s8] =	dma.local @!p0 [hbm:s6], $0xF7A  }
0x23: {  	s9 =	sor.u32 $0xD0000000, s2;
	s6 =	simm.s32 $0x108;
	_ =	swait.ge @!p0 [sflag:s8], $0x0  }
0x24: {  	s3 =	sadd.s32 $0x88, s3;
	s6 =	simm.s32 @!p1 $0x1082;
	[sflag:s4] =	ssyncset.s32 $0xFFFFF086  }
0x25: {  	[simem:s6], [sflag:s4] =	dma.local [hbm:s3], $0xF7A  }
0x26: {  	[smem:$0x3FA0] =	sst s1;
	(tag) =	ssettag s2;
	_ =	strace s9  }
0x27: {  	s1 =	sld [smem:$0x3FB0]  }
0x28: {  	s2 =	sld [smem:$0x3FB1]  }
0x29: {  	s4 =	sld [smem:$0x3FB3]  }
0x2a: {  	p0 =	seq.s32 s5, $0x0;
	s5 =	sld [smem:$0x3FB4]  }
0x2b: {  	s6 =	sld [smem:$0x3FB5]  }
0x2c: {  	s7 =	sld [smem:$0x3FB6]  }
0x2d: {  	s3 =	simm.s32 $0x108;
	s8 =	sld [smem:$0x3FB7]  }
0x2e: {  	s3 =	simm.s32 @!p0 $0x1082;
	s9 =	sld [smem:$0x3FB8]  }
0x2f: {  	lr =	sadd.s32 s0, s3;
	s0 =	sld [smem:$0x3FAF]  }
0x30: {  	s3 =	sld [smem:$0x3FB2]  }
0x31: {  	[smem:$0x3FBB] =	sst s10  }
0x32: {  	s10 =	sld [smem:$0x3FB9];
	_ =	sdelay $0x3  }
0x33: {  	p0 =	seq.s32 s10, $0x1;
	s10 =	sld [smem:$0x3FBB];
	_ =	sdelay $0x3  }
0x34: {  	[smem:$0x3FBB] =	sst s10  }
0x35: {  	s10 =	sld [smem:$0x3FBA];
	_ =	sdelay $0x3  }
0x36: {  	p1 =	seq.s32 s10, $0x1;
	s10 =	sld [smem:$0x3FBB];
	_ =	sdelay $0x3  }
0x37: {  	[smem:$0x3FBB] =	sst s10  }
0x38: {  	s10 =	sld [smem:$0x3FBC]  }
0x39: {  	_ = 	snop;
	(pc) =	sbr.ind lr, $3  }
0x3a: {  	_ = 	snop  }
0x3b: {  	_ = 	snop  }
0x3c: {  	p2 =	seq.s32 s10, $0x1;
	s10 =	sld [smem:$0x3FBB]  }
0x3d: {  	_ =	shalt  }
0x3e: {  	_ =	shalt  }
0x3f: {  	_ =	shalt  }
0x40: {  	_ =	shalt  }
0x41: {  	_ =	shalt  }
0x42: {  	_ =	shalt  }
0x43: {  	_ =	shalt  }
0x44: {  	_ =	shalt  }
0x45: {  	_ =	shalt  }
0x46: {  	_ =	shalt  }
0x47: {  	_ =	shalt  }
0x48: {  	_ =	shalt  }
0x49: {  	_ =	shalt  }
0x4a: {  	_ =	shalt  }
0x4b: {  	_ =	shalt  }
0x4c: {  	_ =	shalt  }
0x4d: {  	_ =	shalt  }
0x4e: {  	_ =	shalt  }
0x4f: {  	_ =	shalt  }
0x50: {  	_ =	shalt  }
0x51: {  	_ =	shalt  }
0x52: {  	_ =	shalt  }
0x53: {  	_ =	shalt  }
0x54: {  	_ =	shalt  }
0x55: {  	_ =	shalt  }
0x56: {  	_ =	shalt  }
0x57: {  	_ =	shalt  }
0x58: {  	_ =	shalt  }
0x59: {  	_ =	shalt  }
0x5a: {  	_ =	shalt  }
0x5b: {  	_ =	shalt  }
0x5c: {  	_ =	shalt  }
0x5d: {  	_ =	shalt  }
0x5e: {  	_ =	shalt  }
0x5f: {  	_ =	shalt  }
0x60: {  	_ =	shalt  }
0x61: {  	_ =	shalt  }
0x62: {  	_ =	shalt  }
0x63: {  	_ =	shalt  }
0x64: {  	_ =	shalt  }
0x65: {  	_ =	shalt  }
0x66: {  	_ =	shalt  }
0x67: {  	_ =	shalt  }
0x68: {  	_ =	shalt  }
0x69: {  	_ =	shalt  }
0x6a: {  	_ =	shalt  }
0x6b: {  	_ =	shalt  }
0x6c: {  	_ =	shalt  }
0x6d: {  	_ =	shalt  }
0x6e: {  	_ =	shalt  }
0x6f: {  	_ =	shalt  }
0x70: {  	_ =	shalt  }
0x71: {  	_ =	shalt  }
0x72: {  	_ =	shalt  }
0x73: {  	_ =	shalt  }
0x74: {  	_ =	shalt  }
0x75: {  	_ =	shalt  }
0x76: {  	_ =	shalt  }
0x77: {  	_ =	shalt  }
0x78: {  	_ =	shalt  }
0x79: {  	_ =	shalt  }
0x7a: {  	_ =	shalt  }
0x7b: {  	_ =	shalt  }
0x7c: {  	_ =	shalt  }
0x7d: {  	_ =	shalt  }
0x7e: {  	_ =	shalt  }
0x7f: {  	_ =	shalt  }
0x80: {  	_ =	shalt  }
0x81: {  	_ =	shalt  }
0x82: {  	_ =	shalt  }
0x83: {  	_ =	shalt  }
0x84: {  	_ =	shalt  }
0x85: {  	_ =	shalt  }
0x86: {  	_ =	shalt  }
0x87: {  	_ =	shalt  }
.Lfunc_end0:
.L_simem_size_0:
called_computation_lowered:
.L_overlay_start_0:
0x88: {  	s2 =	sld [smem:$0x3FD9]  }
0x89: {  	s3 =	sld [smem:$0x3FFE];
	_ =	sdelay $0x1  }
0x8a: {  	s1 =	srdreg.scid  }
0x8b: {  	s0 =	sand.u32 $0x1, s1  }
0x8c: {  	s18 =	sshll.u32 s0, $0xA;
	s2 =	sadd.s32 s3, s2  }
0x8d: {  	s2 =	sadd.s32 s2, s18  }
0x8e: {  	[smem:$0x3FC7] =	sst s2  }
0x8f: {  	_ = 	snop  }
0x90: {  	s2 =	sld [smem:$0x3FC9]  }
0x91: {  	s19 =	sld [smem:$0x3FD0];
	(tm) =	ssettm $0x1  }
0x92: {  	s4 =	sld [smem:$0x3FFB];
	_ =	sdelay $0x3  }
0x93: {  	_ =	strace s4  }
0x94: {  	s4 =	sld [smem:$0x3FFC];
	_ =	sdelay $0x3  }
0x95: {  	_ =	strace s4  }
0x96: {  	s4 =	sld [smem:$0x3FFD];
	_ =	sdelay $0x3  }
0x97: {  	_ =	strace s4  }
0x98: {  	_ =	strace $0x8FFFFFFF  }
0x99: {  	s20 =	sld [smem:$0x3FDB];
	_ =	sdelay $0x1  }
0x9a: {  	s5 =	simm.s32 $_scs_section_size  }
0x9b: {  	s6 =	simm.s32 $_size__tile_overlayer_lowered;
	s7 =	simm.s32 $_tile_overlayer_lowered  }
0x9c: {  	s23 =	simm.s32 $0x1BFF;
	s22 =	sshll.u32 s7, $0x1;
	s4 =	sadd.s32 s5, s20  }
0x9d: {  	s8 =	simm.s32 $0x0;
	s21 =	sshll.u32 s6, $0x1;
	s6 =	sadd.s32 s22, s4  }
0x9e: {  	[timem:s8], [sflag:s23] =	dma.local [hbm:s6], s21  }
0x9f: {  	_ =	swait.ge [sflag:s23], s21  }
0xa0: {  	s5 =	ssub.s32 $0x0, s21;
	[sflag:s23] =	ssyncset.done $0x0  }
0xa1: {  	[sflag:s23] =	ssyncadd.s32 s5;
	_ =	sdelay $0x1  }
0xa2: {  	s24 =	simm.s32 $0x1B8B  }
0xa3: {  	_ =	swait.ge [sflag:s24], $0x1  }
0xa4: {  	[sflag:s24] =	ssyncset.done $0x0  }
0xa5: {  	s25 =	simm.s32 $0x1B8E;
	[sflag:s24] =	ssyncadd.s32 $0xFFFFFFFF  }
0xa6: {  	s26 =	simm.s32 $execute0_lowered;
	[smem:$0x3FD2] =	sst s25  }
0xa7: {  	s5 =	sshll.u32 s26, $0x1;
	_ =	strace $0x80000046;
	[dreg:$0x1] =	wrdreg $0xFFFFFFFF  }
0xa8: {  	s28 =	simm.s32 $_size_execute0_lowered;
	s4 =	sadd.s32 s4, s5;
	[dreg:$0x0] =	wrdreg $0x0  }
0xa9: {  	s5 =	sshll.u32 s28, $0x1;
	[dreg:$0x2] =	wrdreg s4  }
0xaa: {  	[dreg:$0x3] =	wrdreg s5  }
0xab: {  	[dreg:$0x4] =	wrdreg $0xC0  }
0xac: {  	_ =	task [dreg:s8], $0x5FFFF  }
0xad: {  	[dreg:$0x1] =	wrdreg $0xFFFFFFFF  }
0xae: {  	[dreg:$0x0] =	wrdreg $0x60  }
0xaf: {  	[dreg:$0x2] =	wrdreg s2  }
0xb0: {  	[dreg:$0x3] =	wrdreg s19  }
0xb1: {  	[dreg:$0x4] =	wrdreg $0x9  }
0xb2: {  	_ =	task.clear_ibuf [dreg:s8], $0x5FFFF;
	_ =	strace $0x90000046  }
0xb3: {  	s29 =	simm.s32 $0x9;
	_ =	strace $0x80000048  }
0xb4: {  	_ =	swait.ge [sflag:s29], $0x1  }
0xb5: {  	[sflag:s29] =	ssyncadd.s32 $0xFFFFFFFF  }
0xb6: {  	_ =	strace $0x90000048  }
0xb7: {  	_ =	sfence  }
0xb8: {  	s30 =	sld [smem:$0x0];
	_ =	sdelay $0x2  }
0xb9: {  	s31 =	sshll.u32 s1, $0xD;
	s1 =	sshrl.u32 s1, $0x2  }
0xba: {  	s3 =	sand.u32 $0x4000, s31;
	s1 =	sadd.s32 s1, s30  }
0xbb: {  	s0 =	sor.u32 s3, s0;
	s1 =	sshll.u32 s1, $0x11  }
0xbc: {  	s0 =	sor.u32 s1, s0  }
0xbd: {  	s0 =	sadd.s32 $0x8F2B, s0  }
0xbe: {  	[sflag:s0] =	ssyncadd.remote.s32 $0x1  }
0xbf: {  	_ =	sfence.sel $0xFFFF  }
0xc0: {  	[dreg:$0x0] =	wrdreg $0xFFFFFFFF;
	(pc) =	sbr.abs _section_cstart, $3  }
0xc1: {  	[dreg:$0x1] =	wrdreg $0xFFFFFFFF  }
0xc2: {  	_ =	task.clear_ibuf [dreg:s8], $0x2FFFF;
	_ =	strace $0x9FFFFFFF  }
0xc3: {  	(tm) =	ssettm $0x7FFFFFFF  }
tec
execute0_lowered:
.L_overlay_start_1:
0x0: {  	(tag) =	ssettag $0x1  }
0x1: {  	s0 =	srdreg.scid;
	s1 =	stileid.u32  }
0x2: {  	s0 =	sand.u32 $0x1, s0;
	s1 =	sshll.u32 s1, $0x1  }
0x3: {  	s1 =	sor.u32 s0, s1  }
0x4: {  	s5 =	smul.u32 $0x3, s1  }
0x5: {  	s9 =	simm.s32 $0x1;
	s2 =	smul.u32 $0x201, s1  }
0x6: {  	s10 =	simm.s32 $0x19100;
	s0 =	ssub.s32 $0x2, s0;
	s6 =	sadd.s32 $0x2, s5  }
0x7: {  	s29 =	sshrl.u32 s0, $0x1;
	s3 =	sadd.s32 $0xAB, s2;
	s7 =	smul.u32 $0xAB, s6  }
0x8: {  	s11 =	simm.s32 $0x4000;
	s0 =	ssub.s32 s0, s29;
	s4 =	sshrl.u32 s3, $0x9  }
0x9: {  	s2 =	rddreg [dreg:$0x0];
	s8 =	smul.u32 $0x3, s4;
	s7 =	sshrl.u32 s7, $0x9  }
0xa: {  	s3 =	rddreg [dreg:$0x1];
	s4 =	simm.s32 $0x0;
	s7 =	smul.u32 $0x3, s7  }
0xb: {  	s0 =	smax.u32 s0, $0x1;
	[smem:$0x7FF] =	sst s4;
	s5 =	ssub.s32 s5, s8  }
0xc: {  	_ =	strace $0x80000047;
	s8 =	sadd.s32 $0x1, s5;
	s6 =	ssub.s32 s6, s7  }
0xd: {  	s5 =	smul.u32 $0xC0000, s1;
	s28 =	sand.u32 $0xFF, s8;
	s30 =	sand.u32 $0xFF, s6  }
0xe: {  	v0 =	vlaneseq.u32;
	[dreg:$0x3] =	wrdreg s0;
	s1 =	sshll.u32 s28, $0x12;
	s31 =	sshll.u32 s30, $0x12  }
0xf: {  	v1 =	vimm.f32 $0.0e+00;
	v3 =	vimm.f32 $1.000000000e+00;
	v2 =	vmul.u32 $0x100, v0;
	s6 =	sadd.s32 s5, s1;
	s1 =	simm.s32 $0x0;
	s7 =	sadd.s32 s5, s31  }
.LBB2_1:
0x10: {  	v4 =	vor.u32 s4, v0  }
0x11: {  	v4 =	vcvt.s32.f32 v4;
	_ =	sdelay $0x1  }
0x12: {  	v4 =	vadd.f32 $5.000000000e-01, v4;
	_ =	sdelay $0x1  }
0x13: {  	v4 =	vmul.f32 $1.562500000e-02, v4;
	_ =	sdelay $0x1  }
0x14: {  	s0 =	simm.s32 $0x10;
	v6 =	vadd.f32 $-5.000000000e-01, v4  }
0x15: {  	v4 =	vor.u32 s0, v0  }
0x16: {  	v4 =	vcvt.s32.f32 v4;
	v5 =	vadd.f32 $1.000000000e+00, v6;
	_ =	sdelay $0x1  }
0x17: {  	v4 =	vadd.f32 $5.000000000e-01, v4;
	v5 =	vtrunc.f32 v5  }
0x18: {  	v5 =	vcvt.f32.s32 v5  }
0x19: {  	s31 =	simm.s32 $0x20;
	v4 =	vmul.f32 $1.562500000e-02, v4  }
0x1a: {  	v7 =	vor.u32 s31, v0;
	v8 =	vadd.s32 $0xFFFFFFFF, v5  }
0x1b: {  	v7 =	vcvt.s32.f32 v7;
	v4 =	vadd.f32 $-5.000000000e-01, v4;
	vm0 =	vgt.s32 v8, $0x0  }
0x1c: {  	vm15 =	vgt.s32 v5, $0x0;
	v9 =	vcvt.s32.f32 v8;
	v8 =	vnsel vm0, $0x0, v8  }
0x1d: {  	v5 =	vnsel vm15, $0x0, v5;
	v10 =	vadd.f32 $1.000000000e+00, v4;
	v8 =	vmin.u32 v8, $0x7  }
0x1e: {  	s8 =	simm.s32 $0x1D100;
	v7 =	vadd.f32 $5.000000000e-01, v7;
	v5 =	vmin.u32 v5, $0x7;
	v8 =	vshll.u32 v8, $0x8  }
0x1f: {  	[dreg:$0x4] =	wrdreg s1;
	s1 =	simm.s32 $0x1D300;
	s12 =	simm.s32 $0x1D500;
	v10 =	vtrunc.f32 v10;
	[tilespmem:s8+$0x0] =	vst v8;
	v8 =	vshll.u32 v5, $0x8  }
0x20: {  	s13 =	simm.s32 $0x30;
	s14 =	simm.s32 $0x40;
	v7 =	vmul.f32 $1.562500000e-02, v7;
	s0 =	simm.s32 $0x1D510;
	v6 =	vsub.f32 v6, v9;
	v5 =	vcvt.f32.s32 v10;
	[tilespmem:s1+$0x0] =	vst v8  }
.LBB2_2:
0x21: {  	s8 =	sadd.s32 $0x10, s8  }
0x22: {  	v8 =	vor.u32 s13, v0;
	v9 =	vadd.f32 $-5.000000000e-01, v7;
	v7 =	vadd.s32 $0xFFFFFFFF, v5;
	s1 =	sadd.s32 $0x10, s1;
	s13 =	smov.u32 s14;
	s15 =	sadd.s32 $0x10, s14  }
0x23: {  	p0 =	sne.s32 s14, $0x1F0;
	v8 =	vcvt.s32.f32 v8;
	vm0 =	vgt.s32 v7, $0x0;
	v10 =	vcvt.s32.f32 v7;
	[tilespmem:s12+$0x0] =	vst v6;
	s12 =	smov.u32 s0  }
.Ltmp0:
0x24: {  	v6 =	vadd.f32 $1.000000000e+00, v9;
	v7 =	vnsel vm0, $0x0, v7;
	vm0 =	vgt.s32 v5, $0x0;
	(pc) =	sbr.rel @p0 .LBB2_2-.Ltmp0, $4  }
0x25: {  	v8 =	vadd.f32 $5.000000000e-01, v8;
	v7 =	vmin.u32 v7, $0x7;
	v5 =	vnsel vm0, $0x0, v5  }
0x26: {  	v6 =	vtrunc.f32 v6;
	v11 =	vmin.u32 v5, $0x7;
	v12 =	vshll.u32 v7, $0x8  }
0x27: {  	v7 =	vmul.f32 $1.562500000e-02, v8;
	v5 =	vcvt.f32.s32 v6;
	[tilespmem:s8+$0x0] =	vst v12;
	v6 =	vshll.u32 v11, $0x8  }
0x28: {  	s0 =	sadd.s32 $0x10, s0;
	s14 =	smov.u32 s15;
	[tilespmem:s1+$0x0] =	vst v6;
	v6 =	vsub.f32 v4, v10;
	v4 =	vmov v9  }
0x29: {  	v8 =	vor.u32 s13, v0  }
0x2a: {  	v8 =	vcvt.s32.f32 v8;
	_ =	sdelay $0x1  }
0x2b: {  	v8 =	vadd.f32 $5.000000000e-01, v8  }
0x2c: {  	v7 =	vadd.f32 $-5.000000000e-01, v7  }
0x2d: {  	v8 =	vmul.f32 $1.562500000e-02, v8  }
0x2e: {  	v9 =	vadd.s32 $0xFFFFFFFF, v5;
	vm11 =	vgt.s32 v5, $0x0;
	v10 =	vadd.f32 $1.000000000e+00, v7  }
0x2f: {  	vm0 =	vgt.s32 v9, $0x0;
	v11 =	vcvt.s32.f32 v9;
	v8 =	vadd.f32 $-5.000000000e-01, v8  }
0x30: {  	v5 =	vnsel vm11, $0x0, v5;
	v9 =	vnsel vm0, $0x0, v9;
	v10 =	vtrunc.f32 v10  }
0x31: {  	v5 =	vmin.u32 v5, $0x7;
	v10 =	vcvt.f32.s32 v10;
	v12 =	vadd.f32 $1.000000000e+00, v8  }
0x32: {  	v9 =	vmin.u32 v9, $0x7;
	v4 =	vsub.f32 v4, v11;
	v5 =	vshll.u32 v5, $0x8  }
0x33: {  	v9 =	vshll.u32 v9, $0x8;
	v57 =	vadd.s32 $0xFFFFFFFF, v10;
	v12 =	vtrunc.f32 v12  }
0x34: {  	s8 =	sadd.s32 $0x10, s8;
	[tilespmem:s12+$0x0] =	vst v6;
	vm12 =	vgt.s32 v10, $0x0;
	vm13 =	vgt.s32 v57, $0x0;
	v59 =	vcvt.f32.s32 v12  }
0x35: {  	s1 =	sadd.s32 $0x10, s1;
	[tilespmem:s8+$0x0] =	vst v9;
	v58 =	vnsel vm12, $0x0, v10;
	v11 =	vcvt.s32.f32 v57;
	v60 =	vnsel vm13, $0x0, v57  }
0x36: {  	[tilespmem:s1+$0x0] =	vst v5;
	v6 =	vmin.u32 v58, $0x7;
	v5 =	vmin.u32 v60, $0x7;
	v61 =	vadd.s32 $0xFFFFFFFF, v59  }
0x37: {  	s8 =	sadd.s32 $0x10, s8;
	[tilespmem:s0+$0x0] =	vst v4;
	v4 =	vshll.u32 v5, $0x8;
	v5 =	vshll.u32 v6, $0x8;
	vm14 =	vgt.s32 v61, $0x0  }
0x38: {  	p0 =	por $0x1, $0x1;
	s1 =	sadd.s32 $0x10, s1;
	[tilespmem:s8+$0x0] =	vst v4;
	v4 =	vsub.f32 v7, v11;
	vm15 =	vgt.s32 v59, $0x0;
	v62 =	vnsel vm14, $0x0, v61  }
.Ltmp1:
0x39: {  	s30 =	sadd.s32 $0x10, s0;
	[tilespmem:s1+$0x0] =	vst v5;
	v5 =	vcvt.s32.f32 v61;
	v63 =	vnsel vm15, $0x0, v59;
	v6 =	vmin.u32 v62, $0x7;
	(pc) =	sbr.rel @!p0 .LBB2_5-.Ltmp1, $4  }
0x3a: {  	s8 =	sadd.s32 $0x10, s8;
	[tilespmem:s30+$0x0] =	vst v4;
	v4 =	vmin.u32 v63, $0x7;
	v6 =	vshll.u32 v6, $0x8  }
0x3b: {  	s1 =	sadd.s32 $0x10, s1;
	v4 =	vshll.u32 v4, $0x8;
	v5 =	vsub.f32 v8, v5;
	[tilespmem:s8+$0x0] =	vst v6  }
0x3c: {  	s31 =	sadd.s32 $0x10, s30;
	[tilespmem:s1+$0x0] =	vst v4  }
0x3d: {  	s0 =	simm.s32 $0x0;
	s8 =	simm.s32 $0x0;
	s1 =	simm.s32 $0x40;
	[tilespmem:s31+$0x0] =	vst v5  }
.LBB2_4:
0x3e: {  	p0 =	sne.s32 s1, $0x3FC0;
	[tilespmem:s8+$0x18000] =	vst v1;
	s8 =	smov.u32 s1;
	s1 =	sadd.s32 $0x40, s1  }
.Ltmp2:
0x3f: {  	(pc) =	sbr.rel @p0 .LBB2_4-.Ltmp2, $2  }
0x40: {  	_ =	sdelay $0x2  }
0x41: {  	s8 =	sshra.s32 s8, $0x2  }
.LBB2_5:
0x42: {  	[tilespmem:s8+$0x18000] =	vst v1  }
.LBB2_6:
0x43: {  	s8 =	sshll.u32 s0, $0xE  }
0x44: {  	s1 =	sadd.s32 s5, s8  }
0x45: {  	s12 =	simm.s32 $0x0;
	s1 =	sshrl.u32 s1, $0x3  }
0x46: {  	s24 =	simm.s32 $0x0;
	s14 =	simm.s32 $0x0;
	s1 =	sadd.s32 s2, s1  }
0x47: {  	[tilespmem:s12], [sflag:$0x1] =	stream.linear.gather [hbm4b:s1+s12], $0x4000, $0x38;
	[tilespmem:$0x1D700] =	vst v63  }
0x48: {  	s13 =	sand.u32 $0xC00, s12;
	s1 =	sand.u32 $0x3000, s24;
	_ =	swait.ge [sflag:s9], $0x4000  }
0x49: {  	s16 =	sand.u32 $0x380, s14;
	s13 =	sor.u32 s13, s1;
	[sflag:s9] =	ssyncset.done $0x0  }
0x4a: {  	s13 =	sor.u32 s16, s13;
	[sflag:s9] =	ssyncadd.s32 $0xFFFFC000  }
0x4b: {  	v4 =	vld [tilespmem:s13+$0x70]  }
0x4c: {  	s25 =	simm.s32 $0x0;
	v5 =	vld [tilespmem:s13+$0x40]  }
0x4d: {  	s15 =	sand.u32 $0x6, s25;
	v6 =	vld [tilespmem:s13+$0x50]  }
0x4e: {  	v7 =	vld [tilespmem:s13+$0x60];
	s13 =	sshll.u32 s15, $0x9  }
0x4f: {  	s1 =	sor.u32 s13, s1  }
0x50: {  	s1 =	sor.u32 s16, s1  }
0x51: {  	v8 =	vld [tilespmem:s1+$0x10]  }
0x52: {  	v9 =	vld [tilespmem:s1+$0x0]  }
0x53: {  	v10 =	vld [tilespmem:s1+$0x20];
	v4 =	vmul.f32 $3.921568860e-03, v4  }
0x54: {  	v5 =	vmul.f32 $3.921568860e-03, v5;
	v6 =	vmul.f32 $3.921568860e-03, v6  }
0x55: {  	v7 =	vmul.f32 $3.921568860e-03, v7;
	v4 =	vmul.f32 $2.560000000e+02, v4  }
0x56: {  	v5 =	vmul.f32 $2.560000000e+02, v5;
	v6 =	vmul.f32 $2.560000000e+02, v6  }
0x57: {  	v7 =	vmul.f32 $2.560000000e+02, v7;
	v8 =	vmul.f32 $3.921568860e-03, v8  }
0x58: {  	v9 =	vmul.f32 $3.921568860e-03, v9;
	v10 =	vmul.f32 $3.921568860e-03, v10  }
0x59: {  	v4 =	vtrunc.f32 v4;
	v5 =	vtrunc.f32 v5  }
0x5a: {  	v6 =	vtrunc.f32 v6;
	v7 =	vtrunc.f32 v7  }
0x5b: {  	v6 =	vcvt.f32.s32 v6;
	v4 =	vcvt.f32.s32 v4  }
0x5c: {  	v5 =	vcvt.f32.s32 v5;
	v7 =	vcvt.f32.s32 v7  }
0x5d: {  	v8 =	vmul.f32 $2.560000000e+02, v8;
	v10 =	vmul.f32 $2.560000000e+02, v10  }
0x5e: {  	vm0 =	vgt.s32 v6, $0x0;
	vm1 =	vgt.s32 v5, $0x0;
	vm2 =	vgt.s32 v4, $0x0  }
0x5f: {  	s26 =	simm.s32 $0x400;
	s28 =	simm.s32 $0x80;
	v11 =	vld [tilespmem:s1+$0x30];
	vm7 =	vgt.s32 v7, $0x0;
	v8 =	vtrunc.f32 v8;
	v10 =	vtrunc.f32 v10  }
0x60: {  	s29 =	sand.u32 $0xC00, s26;
	s17 =	sand.u32 $0x3000, s28;
	s1 =	simm.s32 $0x20;
	v6 =	vnsel vm0, $0x0, v6;
	v4 =	vnsel vm2, $0x0, v4;
	v5 =	vnsel vm1, $0x0, v5  }
0x61: {  	s13 =	sor.u32 s29, s17;
	s18 =	sand.u32 $0x380, s1;
	v7 =	vnsel vm7, $0x0, v7;
	v8 =	vcvt.f32.s32 v8;
	v10 =	vcvt.f32.s32 v10  }
0x62: {  	s13 =	sor.u32 s18, s13;
	v6 =	vmin.u32 v6, $0xFF;
	v5 =	vmin.u32 v5, $0xFF;
	v7 =	vmin.u32 v7, $0xFF  }
0x63: {  	v12 =	vld [tilespmem:s13+$0x60];
	v4 =	vmin.u32 v4, $0xFF;
	v6 =	vshll.u32 v6, $0x8;
	v7 =	vshll.u32 v7, $0x10  }
0x64: {  	v13 =	vld [tilespmem:s13+$0x50];
	v5 =	vor.u32 v5, v6;
	v6 =	vmul.f32 $2.560000000e+02, v9;
	v9 =	vmul.f32 $3.921568860e-03, v11  }
0x65: {  	v4 =	vshll.u32 v4, $0x18;
	vm8 =	vgt.s32 v8, $0x0;
	vm10 =	vgt.s32 v10, $0x0;
	v11 =	vld [tilespmem:s13+$0x70]  }
0x66: {  	v10 =	vnsel vm10, $0x0, v10;
	v5 =	vor.u32 v7, v5;
	v7 =	vld [tilespmem:s13+$0x40];
	v9 =	vmul.f32 $2.560000000e+02, v9  }
0x67: {  	s13 =	simm.s32 $0x2;
	v6 =	vtrunc.f32 v6;
	v14 =	vor.u32 v4, v5;
	v4 =	vnsel vm8, $0x0, v8  }
0x68: {  	s30 =	sand.u32 $0x6, s13;
	v6 =	vcvt.f32.s32 v6;
	v4 =	vmin.u32 v4, $0xFF;
	v5 =	vtrunc.f32 v9  }
0x69: {  	s19 =	sshll.u32 s30, $0x9;
	v9 =	vmul.f32 $3.921568860e-03, v12;
	v4 =	vshll.u32 v4, $0x8;
	v5 =	vcvt.f32.s32 v5  }
0x6a: {  	s17 =	sor.u32 s19, s17;
	vm9 =	vgt.s32 v6, $0x0;
	v8 =	vmul.f32 $3.921568860e-03, v11;
	v11 =	vmul.f32 $3.921568860e-03, v13  }
0x6b: {  	s17 =	sor.u32 s18, s17;
	v13 =	vmin.u32 v10, $0xFF;
	v7 =	vmul.f32 $3.921568860e-03, v7;
	v9 =	vmul.f32 $2.560000000e+02, v9  }
0x6c: {  	v6 =	vnsel vm9, $0x0, v6;
	v12 =	vld [tilespmem:s17+$0x10];
	v8 =	vmul.f32 $2.560000000e+02, v8;
	v11 =	vmul.f32 $2.560000000e+02, v11  }
0x6d: {  	vm11 =	vgt.s32 v5, $0x0;
	v7 =	vmul.f32 $2.560000000e+02, v7;
	v9 =	vtrunc.f32 v9  }
0x6e: {  	v6 =	vmin.u32 v6, $0xFF;
	v8 =	vtrunc.f32 v8;
	v10 =	vtrunc.f32 v11  }
0x6f: {  	s8 =	sshrl.u32 s8, $0x2;
	v5 =	vnsel vm11, $0x0, v5;
	v16 =	vcvt.f32.s32 v9;
	v7 =	vtrunc.f32 v7  }
0x70: {  	s14 =	sand.u32 $0x3FFFFF80, s14;
	s8 =	sadd.s32 $0x8000, s8;
	s12 =	sand.u32 $0x180, s12;
	v4 =	vor.u32 v6, v4;
	v8 =	vcvt.f32.s32 v8;
	v11 =	vcvt.f32.s32 v10  }
0x71: {  	s14 =	sadd.s32 s14, s8;
	s12 =	sshrl.u32 s12, $0x2;
	v15 =	vcvt.f32.s32 v7;
	v10 =	vmul.f32 $3.921568860e-03, v12;
	v7 =	vshll.u32 v13, $0x10  }
0x72: {  	s31 =	sadd.s32 s12, s14;
	s15 =	sshll.u32 s15, $0x4;
	v9 =	vld [tilespmem:s17+$0x0];
	vm15 =	vgt.s32 v16, $0x0;
	vm13 =	vgt.s32 v11, $0x0;
	vm14 =	vgt.s32 v8, $0x0  }
0x73: {  	s12 =	sadd.s32 s15, s14;
	[tilespmem:s31+$0x10] =	vst v14;
	v6 =	vld [tilespmem:s17+$0x20];
	v14 =	vnsel vm15, $0x0, v16;
	vm12 =	vgt.s32 v15, $0x0;
	v12 =	vnsel vm13, $0x0, v11  }
0x74: {  	s15 =	simm.s32 $0x80;
	s16 =	simm.s32 $0x800;
	s14 =	sshll.u32 s30, $0x4;
	v11 =	vnsel vm14, $0x0, v8;
	v8 =	vld [tilespmem:s17+$0x30];
	v13 =	vnsel vm12, $0x0, v15;
	v12 =	vmin.u32 v12, $0xFF  }
.LBB2_7:
0x75: {  	s13 =	sadd.s32 $0x2, s13;
	s17 =	sand.u32 $0xC00, s16;
	v13 =	vmin.u32 v13, $0xFF;
	v14 =	vmin.u32 v14, $0xFF;
	v12 =	vshll.u32 v12, $0x8;
	s18 =	sand.u32 $0x180, s15  }
0x76: {  	s20 =	sand.u32 $0x3FFFFF80, s1;
	v11 =	vmin.u32 v11, $0xFF;
	s19 =	sshll.u32 s13, $0x6;
	s1 =	sshll.u32 s13, $0x4;
	v12 =	vor.u32 v13, v12;
	v13 =	vshll.u32 v14, $0x10  }
0x77: {  	v9 =	vmul.f32 $3.921568860e-03, v9;
	s20 =	sadd.s32 s20, s8;
	v11 =	vshll.u32 v11, $0x18;
	s18 =	sshrl.u32 s18, $0x2;
	s19 =	sand.u32 $0x3000, s19;
	v12 =	vor.u32 v13, v12  }
0x78: {  	v10 =	vmul.f32 $2.560000000e+02, v10;
	v6 =	vmul.f32 $3.921568860e-03, v6;
	s21 =	sand.u32 $0x380, s1;
	s18 =	sadd.s32 s18, s20;
	s17 =	sor.u32 s17, s19;
	v11 =	vor.u32 v11, v12  }
0x79: {  	v8 =	vmul.f32 $3.921568860e-03, v8;
	v5 =	vmin.u32 v5, $0xFF;
	s22 =	sand.u32 $0x6, s13;
	v9 =	vmul.f32 $2.560000000e+02, v9;
	s20 =	sadd.s32 s14, s20;
	s17 =	sor.u32 s21, s17;
	[tilespmem:s18+$0x10] =	vst v11  }
0x7a: {  	v4 =	vor.u32 v7, v4;
	p0 =	slt.u32 s13, $0xFE;
	s14 =	sshll.u32 s22, $0x4;
	v10 =	vtrunc.f32 v10;
	v6 =	vmul.f32 $2.560000000e+02, v6;
	s18 =	sshll.u32 s22, $0x9;
	v11 =	vld [tilespmem:s17+$0x70]  }
0x7b: {  	v5 =	vshll.u32 v5, $0x18;
	v8 =	vmul.f32 $2.560000000e+02, v8;
	v10 =	vcvt.f32.s32 v10;
	s18 =	sor.u32 s18, s19;
	v7 =	vld [tilespmem:s17+$0x40]  }
0x7c: {  	v4 =	vor.u32 v5, v4;
	v9 =	vtrunc.f32 v9;
	v6 =	vtrunc.f32 v6;
	s18 =	sor.u32 s21, s18;
	v12 =	vld [tilespmem:s17+$0x60]  }
0x7d: {  	v13 =	vcvt.f32.s32 v9;
	vm0 =	vgt.s32 v10, $0x0;
	v14 =	vcvt.f32.s32 v6;
	v5 =	vld [tilespmem:s17+$0x50];
	[tilespmem:s12+$0x0] =	vst v4;
	s12 =	smov.u32 s20  }
0x7e: {  	v6 =	vtrunc.f32 v8;
	v4 =	vnsel vm0, $0x0, v10;
	v15 =	vld [tilespmem:s18+$0x10]  }
0x7f: {  	vm1 =	vgt.s32 v14, $0x0;
	vm0 =	vgt.s32 v13, $0x0;
	v10 =	vcvt.f32.s32 v6;
	v9 =	vld [tilespmem:s18+$0x0]  }
0x80: {  	v13 =	vnsel vm0, $0x0, v13;
	v4 =	vmin.u32 v4, $0xFF;
	v11 =	vmul.f32 $3.921568860e-03, v11;
	v6 =	vld [tilespmem:s18+$0x20]  }
0x81: {  	v14 =	vnsel vm1, $0x0, v14;
	v7 =	vmul.f32 $3.921568860e-03, v7;
	v8 =	vld [tilespmem:s18+$0x30];
	v12 =	vmul.f32 $3.921568860e-03, v12  }
0x82: {  	vm0 =	vgt.s32 v10, $0x0;
	v11 =	vmul.f32 $2.560000000e+02, v11;
	v5 =	vmul.f32 $3.921568860e-03, v5  }
0x83: {  	v4 =	vshll.u32 v4, $0x8;
	v7 =	vmul.f32 $2.560000000e+02, v7;
	v12 =	vmul.f32 $2.560000000e+02, v12  }
0x84: {  	v13 =	vmin.u32 v13, $0xFF;
	v11 =	vtrunc.f32 v11;
	v5 =	vmul.f32 $2.560000000e+02, v5  }
0x85: {  	v14 =	vmin.u32 v14, $0xFF;
	v7 =	vtrunc.f32 v7;
	v12 =	vtrunc.f32 v12  }
0x86: {  	v11 =	vcvt.f32.s32 v11;
	v16 =	vtrunc.f32 v5;
	v5 =	vnsel vm0, $0x0, v10  }
.Ltmp3:
0x87: {  	v4 =	vor.u32 v13, v4;
	v17 =	vcvt.f32.s32 v7;
	v16 =	vcvt.f32.s32 v16;
	(pc) =	sbr.rel @p0 .LBB2_7-.Ltmp3, $4  }
0x88: {  	v7 =	vshll.u32 v14, $0x10;
	v10 =	vmul.f32 $3.921568860e-03, v15;
	v15 =	vcvt.f32.s32 v12  }
0x89: {  	vm2 =	vgt.s32 v11, $0x0;
	vm0 =	vgt.s32 v17, $0x0;
	vm1 =	vgt.s32 v16, $0x0  }
0x8a: {  	v11 =	vnsel vm2, $0x0, v11;
	v12 =	vnsel vm1, $0x0, v16;
	vm1 =	vgt.s32 v15, $0x0  }
0x8b: {  	s16 =	sadd.s32 $0x400, s16;
	s15 =	sadd.s32 $0x80, s15;
	v13 =	vnsel vm0, $0x0, v17;
	v12 =	vmin.u32 v12, $0xFF;
	v14 =	vnsel vm1, $0x0, v15  }
0x8c: {  	v13 =	vmin.u32 v13, $0xFF;
	v14 =	vmin.u32 v14, $0xFF;
	v12 =	vshll.u32 v12, $0x8  }
0x8d: {  	v9 =	vmul.f32 $3.921568860e-03, v9;
	v11 =	vmin.u32 v11, $0xFF;
	v10 =	vmul.f32 $2.560000000e+02, v10  }
0x8e: {  	v6 =	vmul.f32 $3.921568860e-03, v6;
	v8 =	vmul.f32 $3.921568860e-03, v8;
	v5 =	vmin.u32 v5, $0xFF  }
0x8f: {  	v4 =	vor.u32 v7, v4;
	v12 =	vor.u32 v13, v12;
	v9 =	vmul.f32 $2.560000000e+02, v9  }
0x90: {  	v59 =	vshll.u32 v14, $0x10;
	v10 =	vtrunc.f32 v10;
	v6 =	vmul.f32 $2.560000000e+02, v6  }
0x91: {  	v11 =	vshll.u32 v11, $0x18;
	v60 =	vmul.f32 $2.560000000e+02, v8;
	v10 =	vcvt.f32.s32 v10  }
0x92: {  	v5 =	vshll.u32 v5, $0x18;
	v61 =	vtrunc.f32 v9;
	v6 =	vtrunc.f32 v6  }
0x93: {  	v12 =	vor.u32 v59, v12;
	v7 =	vtrunc.f32 v60;
	v8 =	vcvt.f32.s32 v61  }
0x94: {  	vm0 =	vgt.s32 v10, $0x0;
	v6 =	vcvt.f32.s32 v6;
	v7 =	vcvt.f32.s32 v7  }
0x95: {  	v4 =	vor.u32 v5, v4;
	v62 =	vnsel vm0, $0x0, v10;
	vm14 =	vgt.s32 v8, $0x0  }
0x96: {  	s0 =	sadd.s32 $0x1, s0;
	vm1 =	vgt.s32 v6, $0x0;
	v9 =	vmin.u32 v62, $0xFF;
	vm15 =	vgt.s32 v7, $0x0  }
0x97: {  	p0 =	sne.s32 s0, $0x10;
	v8 =	vnsel vm14, $0x0, v8;
	v6 =	vnsel vm1, $0x0, v6;
	v9 =	vshll.u32 v9, $0x8  }
.Ltmp4:
0x98: {  	s13 =	sand.u32 $0x180, s15;
	s1 =	sand.u32 $0x3FFFFF80, s1;
	v7 =	vnsel vm15, $0x0, v7;
	v8 =	vmin.u32 v8, $0xFF;
	v6 =	vmin.u32 v6, $0xFF;
	(pc) =	sbr.rel @p0 .LBB2_6-.Ltmp4, $4  }
0x99: {  	s1 =	sadd.s32 s1, s8;
	s31 =	sshrl.u32 s13, $0x2;
	v7 =	vmin.u32 v7, $0xFF;
	v8 =	vor.u32 v8, v9;
	v6 =	vshll.u32 v6, $0x10  }
0x9a: {  	s8 =	sadd.s32 s31, s1;
	v11 =	vor.u32 v11, v12;
	[tilespmem:s12+$0x0] =	vst v4;
	v63 =	vshll.u32 v7, $0x18;
	v5 =	vor.u32 v6, v8  }
0x9b: {  	s1 =	sadd.s32 s14, s1;
	[tilespmem:s8+$0x10] =	vst v11;
	v4 =	vor.u32 v63, v5  }
0x9c: {  	[tilespmem:s1+$0x0] =	vst v4  }
.Ltmp5:
0x9d: {  	(pc) =	sbr.rel .LBB2_10-.Ltmp5, $2  }
0x9e: {  	_ =	sdelay $0x2  }
0x9f: {  	s13 =	simm.s32 $0x0;
	s14 =	simm.s32 $0x8080  }
.LBB2_25:
0xa0: {  	s13 =	sadd.s32 $0x1, s13  }
0xa1: {  	p0 =	sne.s32 s13, $0x8  }
.Ltmp6:
0xa2: {  	_ = 	snop;
	(pc) =	sbr.rel @!p0 .LBB2_26-.Ltmp6, $2  }
0xa3: {  	_ =	sdelay $0x2  }
0xa4: {  	s14 =	sadd.s32 $0x2000, s14  }
.LBB2_10:
0xa5: {  	s0 =	sshll.u32 s13, $0xB  }
0xa6: {  	s0 =	sand.u32 $0x3FFFF800, s0  }
0xa7: {  	s16 =	smov.u32 s14;
	s17 =	simm.s32 $0x0;
	s15 =	sadd.s32 $0x19100, s0  }
.LBB2_11:
0xa8: {  	v4 =	vld [tilespmem:s16+$0x0];
	_ =	sdelay $0x4  }
0xa9: {  	v6 =	vshrl.u32 v4, $0x8;
	v7 =	vand.u32 $0xFF, v4  }
0xaa: {  	v5 =	vld [tilespmem:s16+$0xFFFFFF80];
	v7 =	vor.u32 v2, v7;
	v6 =	vand.u32 $0xFF, v6  }
0xab: {  	v8 =	vshrl.u32 v4, $0x10;
	v6 =	vor.u32 v2, v6  }
0xac: {  	s1 =	sadd.s32 $0x100, s16;
	v8 =	vand.u32 $0xFF, v8  }
0xad: {  	v10 =	vld [tilespmem:s1+$0x0];
	v4 =	vshrl.u32 v4, $0x18;
	v8 =	vor.u32 v2, v8  }
0xae: {  	s0 =	simm.s32 $0x18000;
	v9 =	vor.u32 v2, v4  }
0xaf: {  	v11 =	vand.u32 $0xFF, v5;
	v4 =	vshrl.u32 v5, $0x8;
	[tilespmem:v7+s0+$0x0] =	vst.idx.add.f32.msk $0xffff, v3  }
0xb0: {  	v12 =	vshrl.u32 v5, $0x10;
	v11 =	vor.u32 v2, v11;
	v4 =	vand.u32 $0xFF, v4;
	[tilespmem:v6+s0+$0x0] =	vst.idx.add.f32.msk $0xffff, v3  }
0xb1: {  	v63 =	vor.u32 v2, v4;
	v7 =	vand.u32 $0xFF, v12;
	v6 =	vld [tilespmem:s1+$0xFFFFFF80]  }
0xb2: {  	v4 =	vor.u32 v2, v7;
	v7 =	vshrl.u32 v10, $0x8;
	[tilespmem:v8+s0+$0x0] =	vst.idx.add.f32.msk $0xffff, v3;
	v8 =	vand.u32 $0xFF, v10  }
0xb3: {  	v7 =	vand.u32 $0xFF, v7;
	[tilespmem:v9+s0+$0x0] =	vst.idx.add.f32.msk $0xffff, v3;
	v9 =	vshrl.u32 v10, $0x10;
	v8 =	vor.u32 v2, v8  }
0xb4: {  	v7 =	vor.u32 v2, v7;
	v9 =	vand.u32 $0xFF, v9  }
0xb5: {  	v5 =	vshrl.u32 v5, $0x18;
	v13 =	vshrl.u32 v10, $0x18;
	[tilespmem:v11+s0+$0x0] =	vst.idx.add.f32.msk $0xffff, v3;
	v10 =	vor.u32 v2, v9  }
0xb6: {  	s8 =	simm.s32 $0x2;
	s12 =	sadd.s32 $0x100, s1;
	v5 =	vor.u32 v2, v5;
	s1 =	simm.s32 $0x18000;
	[tilespmem:v63+s0+$0x0] =	vst.idx.add.f32.msk $0xffff, v3;
	v9 =	vor.u32 v2, v13  }
.LBB2_12:
0xb7: {  	v11 =	vld [tilespmem:s12+$0x0];
	v12 =	vshrl.u32 v6, $0x8;
	v13 =	vshrl.u32 v6, $0x10;
	v14 =	vshrl.u32 v6, $0x18  }
0xb8: {  	v6 =	vand.u32 $0xFF, v6;
	v12 =	vand.u32 $0xFF, v12;
	v13 =	vand.u32 $0xFF, v13;
	[tilespmem:v8+s0+$0x0] =	vst.idx.add.f32.msk $0xffff, v3  }
0xb9: {  	s8 =	sadd.s32 $0x2, s8;
	v12 =	vor.u32 v2, v12;
	v13 =	vor.u32 v2, v13;
	[tilespmem:v7+s0+$0x0] =	vst.idx.add.f32.msk $0xffff, v3  }
0xba: {  	p0 =	slt.u32 s8, $0x3E;
	v15 =	vor.u32 v2, v6;
	v14 =	vor.u32 v2, v14;
	[tilespmem:v10+s0+$0x0] =	vst.idx.add.f32.msk $0xffff, v3  }
0xbb: {  	[tilespmem:v9+s0+$0x0] =	vst.idx.add.f32.msk $0xffff, v3  }
.Ltmp7:
0xbc: {  	v6 =	vld [tilespmem:s12+$0xFFFFFF80];
	v7 =	vshrl.u32 v11, $0x8;
	v8 =	vand.u32 $0xFF, v11;
	(pc) =	sbr.rel @p0 .LBB2_12-.Ltmp7, $4  }
0xbd: {  	v9 =	vshrl.u32 v11, $0x10;
	v8 =	vor.u32 v2, v8;
	v7 =	vand.u32 $0xFF, v7;
	[tilespmem:v4+s1+$0x0] =	vst.idx.add.f32.msk $0xffff, v3;
	v4 =	vmovc v13  }
0xbe: {  	v9 =	vand.u32 $0xFF, v9;
	v7 =	vor.u32 v2, v7;
	[tilespmem:v5+s1+$0x0] =	vst.idx.add.f32.msk $0xffff, v3;
	v5 =	vmov v14;
	s1 =	smov.u32 s0  }
0xbf: {  	v11 =	vshrl.u32 v11, $0x18;
	v10 =	vor.u32 v2, v9;
	[tilespmem:v15+s1+$0x0] =	vst.idx.add.f32.msk $0xffff, v3  }
0xc0: {  	s12 =	sadd.s32 $0x100, s12;
	v9 =	vor.u32 v2, v11;
	[tilespmem:v12+s1+$0x0] =	vst.idx.add.f32.msk $0xffff, v3  }
0xc1: {  	_ =	sdelay $0x2  }
0xc2: {  	s8 =	simm.s32 $0x18000  }
0xc3: {  	v11 =	vshrl.u32 v6, $0x8;
	v12 =	vand.u32 $0xFF, v6;
	[tilespmem:v8+s8+$0x0] =	vst.idx.add.f32.msk $0xffff, v3  }
0xc4: {  	v8 =	vshrl.u32 v6, $0x10;
	v11 =	vand.u32 $0xFF, v11;
	[tilespmem:v7+s8+$0x0] =	vst.idx.add.f32.msk $0xffff, v3;
	v7 =	vor.u32 v2, v12  }
0xc5: {  	[tilespmem:v4+s1+$0x0] =	vst.idx.add.f32.msk $0xffff, v3;
	v8 =	vand.u32 $0xFF, v8;
	v11 =	vor.u32 v2, v11  }
0xc6: {  	v6 =	vshrl.u32 v6, $0x18;
	[tilespmem:v5+s1+$0x0] =	vst.idx.add.f32.msk $0xffff, v3;
	v8 =	vor.u32 v2, v8  }
0xc7: {  	v6 =	vor.u32 v2, v6;
	[tilespmem:v10+s8+$0x0] =	vst.idx.add.f32.msk $0xffff, v3  }
0xc8: {  	p3 =	por $0x1, $0x1;
	[tilespmem:v9+s8+$0x0] =	vst.idx.add.f32.msk $0xffff, v3  }
.Ltmp8:
0xc9: {  	[tilespmem:v7+s8+$0x0] =	vst.idx.add.f32.msk $0xffff, v3;
	(pc) =	sbr.rel @!p3 .LBB2_14-.Ltmp8, $4  }
0xca: {  	[tilespmem:v11+s8+$0x0] =	vst.idx.add.f32.msk $0xffff, v3  }
0xcb: {  	s19 =	simm.s32 $0x0;
	[tilespmem:v8+s8+$0x0] =	vst.idx.add.f32.msk $0xffff, v3  }
0xcc: {  	s0 =	simm.s32 $0x19000;
	s18 =	simm.s32 $0x10;
	p0 =	por $0x0, $0x0;
	[tilespmem:v6+s8+$0x0] =	vst.idx.add.f32.msk $0xffff, v3  }
0xcd: {  	v4 =	vimm.f32 $0.0e+00;
	p1 =	por $0x0, $0x0;
	p2 =	por $0x0, $0x0;
	s1 =	sand.u32 $0xF0, s19;
	v7 =	vld [tilespmem:s8+$0x0];
	[tilespmem:s8+$0x0] =	vst v1  }
0xce: {  	v5 =	vld [tilespmem:s1+$0x18100];
	_ =	sdelay $0x1  }
0xcf: {  	v6 =	vld [tilespmem:s1+$0x18200];
	_ =	sdelay $0x1  }
0xd0: {  	v8 =	vld [tilespmem:s1+$0x18300]  }
0xd1: {  	v5 =	vadd.f32 v5, v7  }
0xd2: {  	v7 =	vld [tilespmem:s1+$0x18400]  }
0xd3: {  	[tilespmem:s1+$0x18100] =	vst v1;
	v5 =	vadd.f32 v6, v5  }
0xd4: {  	[tilespmem:s1+$0x18200] =	vst v1;
	v6 =	vld [tilespmem:s1+$0x18500]  }
0xd5: {  	[tilespmem:s1+$0x18300] =	vst v1;
	v5 =	vadd.f32 v8, v5  }
0xd6: {  	v10 =	vld [tilespmem:s1+$0x18600];
	[tilespmem:s1+$0x18600] =	vst v1;
	p3 =	por $0x1, $0x1  }
.Ltmp9:
0xd7: {  	v9 =	vld [tilespmem:s1+$0x18800];
	[tilespmem:s1+$0x18800] =	vst v1;
	v5 =	vadd.f32 v7, v5;
	(pc) =	sbr.rel @!p3 .LBB2_16-.Ltmp9, $4  }
0xd8: {  	[tilespmem:s1+$0x18400] =	vst v1  }
0xd9: {  	s8 =	simm.s32 $0x18010;
	[tilespmem:s1+$0x18500] =	vst v1;
	v8 =	vld [tilespmem:s1+$0x18700];
	v5 =	vadd.f32 v6, v5  }
0xda: {  	[tilespmem:s1+$0x18700] =	vst v1;
	v7 =	vld [tilespmem:s8+$0x0]  }
0xdb: {  	s12 =	sand.u32 $0xF0, s18;
	p0 =	por $0x1, $0x1;
	[tilespmem:s8+$0x0] =	vst v1;
	s8 =	simm.s32 $0x20;
	v12 =	vadd.f32 v10, v5;
	v10 =	vld [tilespmem:s1+$0x18900]  }
0xdc: {  	v5 =	vld [tilespmem:s12+$0x18100]  }
0xdd: {  	v11 =	vld [tilespmem:s12+$0x18200]  }
0xde: {  	v13 =	vld [tilespmem:s1+$0x18D00];
	v6 =	vadd.f32 v8, v12  }
0xdf: {  	[tilespmem:s1+$0x18900] =	vst v1;
	v8 =	vld [tilespmem:s1+$0x18A00]  }
0xe0: {  	[tilespmem:s12+$0x18100] =	vst v1;
	v14 =	vld [tilespmem:s1+$0x18E00];
	v6 =	vadd.f32 v9, v6  }
0xe1: {  	[tilespmem:s12+$0x18200] =	vst v1;
	v9 =	vld [tilespmem:s1+$0x18B00]  }
0xe2: {  	[tilespmem:s1+$0x18D00] =	vst v1;
	v12 =	vld [tilespmem:s12+$0x18300];
	v6 =	vadd.f32 v10, v6  }
0xe3: {  	[tilespmem:s1+$0x18E00] =	vst v1;
	v10 =	vld [tilespmem:s1+$0x18C00]  }
0xe4: {  	v15 =	vld [tilespmem:s1+$0x18F00];
	[tilespmem:s1+$0x18F00] =	vst v1;
	v5 =	vadd.f32 v5, v7;
	v6 =	vadd.f32 v8, v6  }
0xe5: {  	[tilespmem:s1+$0x18A00] =	vst v1;
	v7 =	vld [tilespmem:s12+$0x18400]  }
0xe6: {  	[tilespmem:s12+$0x18300] =	vst v1;
	v5 =	vadd.f32 v11, v5;
	v6 =	vadd.f32 v9, v6  }
0xe7: {  	[tilespmem:s1+$0x18B00] =	vst v1;
	v11 =	vld [tilespmem:s12+$0x18500]  }
0xe8: {  	[tilespmem:s12+$0x18400] =	vst v1;
	v5 =	vadd.f32 v12, v5;
	v6 =	vadd.f32 v10, v6  }
0xe9: {  	p3 =	por $0x1, $0x1;
	[tilespmem:s1+$0x18C00] =	vst v1;
	v12 =	vld [tilespmem:s12+$0x18600]  }
.Ltmp10:
0xea: {  	[tilespmem:s12+$0x18500] =	vst v1;
	v5 =	vadd.f32 v7, v5;
	v6 =	vadd.f32 v13, v6;
	(pc) =	sbr.rel @!p3 .LBB2_18-.Ltmp10, $4  }
0xeb: {  	v8 =	vld [tilespmem:s12+$0x18700];
	[tilespmem:s12+$0x18700] =	vst v1  }
0xec: {  	s31 =	simm.s32 $0x18020;
	[tilespmem:s12+$0x18600] =	vst v1;
	v9 =	vld [tilespmem:s12+$0x18800];
	v5 =	vadd.f32 v11, v5;
	v6 =	vadd.f32 v14, v6  }
0xed: {  	[tilespmem:s12+$0x18800] =	vst v1;
	v7 =	vld [tilespmem:s31+$0x0]  }
0xee: {  	p1 =	por $0x1, $0x1;
	s1 =	sand.u32 $0xF0, s8;
	s8 =	simm.s32 $0x30;
	[tilespmem:s31+$0x0] =	vst v1;
	v10 =	vld [tilespmem:s12+$0x18900];
	v12 =	vadd.f32 v12, v5;
	v5 =	vadd.f32 v15, v6  }
0xef: {  	v6 =	vld [tilespmem:s1+$0x18100]  }
0xf0: {  	v11 =	vld [tilespmem:s12+$0x18A00]  }
0xf1: {  	[tilespmem:s1+$0x18100] =	vst v1;
	v13 =	vld [tilespmem:s1+$0x18300];
	v8 =	vadd.f32 v8, v12  }
0xf2: {  	[tilespmem:s12+$0x18900] =	vst v1;
	v14 =	vld [tilespmem:s1+$0x18400]  }
0xf3: {  	[tilespmem:s12+$0x18A00] =	vst v1;
	v12 =	vld [tilespmem:s1+$0x18200];
	v8 =	vadd.f32 v9, v8  }
0xf4: {  	[tilespmem:s1+$0x18300] =	vst v1;
	v9 =	vld [tilespmem:s12+$0x18B00]  }
0xf5: {  	[tilespmem:s1+$0x18400] =	vst v1;
	v15 =	vld [tilespmem:s1+$0x18500];
	v8 =	vadd.f32 v10, v8  }
0xf6: {  	[tilespmem:s1+$0x18500] =	vst v1;
	v10 =	vld [tilespmem:s12+$0x18C00];
	v6 =	vadd.f32 v6, v7  }
0xf7: {  	v16 =	vld [tilespmem:s1+$0x18600];
	[tilespmem:s1+$0x18600] =	vst v1;
	v7 =	vadd.f32 v11, v8  }
0xf8: {  	[tilespmem:s1+$0x18200] =	vst v1;
	v11 =	vld [tilespmem:s12+$0x18D00];
	v6 =	vadd.f32 v12, v6  }
0xf9: {  	[tilespmem:s12+$0x18B00] =	vst v1;
	v7 =	vadd.f32 v9, v7  }
0xfa: {  	[tilespmem:s12+$0x18C00] =	vst v1;
	v12 =	vld [tilespmem:s12+$0x18E00];
	v6 =	vadd.f32 v13, v6  }
0xfb: {  	[tilespmem:s12+$0x18D00] =	vst v1;
	v7 =	vadd.f32 v10, v7  }
0xfc: {  	p3 =	por $0x1, $0x1;
	[tilespmem:s12+$0x18E00] =	vst v1;
	v13 =	vld [tilespmem:s12+$0x18F00];
	v6 =	vadd.f32 v14, v6  }
.Ltmp11:
0xfd: {  	v8 =	vld [tilespmem:s1+$0x18700];
	[tilespmem:s1+$0x18700] =	vst v1;
	v7 =	vadd.f32 v11, v7;
	(pc) =	sbr.rel @!p3 .LBB2_20-.Ltmp11, $4  }
0xfe: {  	[tilespmem:s12+$0x18F00] =	vst v1;
	v11 =	vadd.f32 v15, v6  }
0xff: {  	v9 =	vld [tilespmem:s1+$0x18800];
	[tilespmem:s1+$0x18800] =	vst v1;
	v10 =	vmin.f32 v5, $6.400000000e+01;
	v14 =	vadd.f32 v12, v7  }
0x100: {  	s20 =	simm.s32 $0x18030;
	s8 =	sand.u32 $0xF0, s8;
	[tilespmem:s0+$0x0] =	vst v10;
	v6 =	vadd.f32 v10, v4;
	v10 =	vld [tilespmem:s1+$0x18900];
	v12 =	vadd.f32 v16, v11  }
0x101: {  	s21 =	simm.s32 $0x40;
	p2 =	por $0x1, $0x1;
	s12 =	simm.s32 $0x19000;
	v7 =	vld [tilespmem:s20+$0x0];
	[tilespmem:s20+$0x0] =	vst v1;
	v11 =	vadd.f32 v13, v14  }
.LBB2_21:
0x102: {  	p3 =	sne.s32 s21, $0xF0;
	v13 =	vld [tilespmem:s8+$0x18100];
	[tilespmem:s8+$0x18100] =	vst v1;
	v8 =	vadd.f32 v8, v12  }
0x103: {  	[tilespmem:s1+$0x18900] =	vst v1;
	v12 =	vld [tilespmem:s1+$0x18A00];
	v11 =	vmin.f32 v11, $6.400000000e+01  }
0x104: {  	v14 =	vld [tilespmem:s8+$0x18200];
	[tilespmem:s8+$0x18200] =	vst v1;
	v8 =	vadd.f32 v9, v8;
	v6 =	vadd.f32 v11, v6  }
0x105: {  	[tilespmem:s1+$0x18A00] =	vst v1;
	v9 =	vld [tilespmem:s1+$0x18B00]  }
0x106: {  	v15 =	vld [tilespmem:s8+$0x18300];
	[tilespmem:s8+$0x18300] =	vst v1;
	v8 =	vadd.f32 v10, v8  }
0x107: {  	v7 =	vadd.f32 v13, v7;
	[tilespmem:s1+$0x18B00] =	vst v1;
	v10 =	vld [tilespmem:s1+$0x18C00]  }
0x108: {  	v13 =	vld [tilespmem:s8+$0x18400];
	[tilespmem:s8+$0x18400] =	vst v1;
	v8 =	vadd.f32 v12, v8  }
0x109: {  	v7 =	vadd.f32 v14, v7;
	[tilespmem:s1+$0x18C00] =	vst v1;
	v12 =	vld [tilespmem:s1+$0x18D00]  }
0x10a: {  	v14 =	vld [tilespmem:s8+$0x18500];
	[tilespmem:s8+$0x18500] =	vst v1;
	v8 =	vadd.f32 v9, v8  }
0x10b: {  	v7 =	vadd.f32 v15, v7;
	[tilespmem:s1+$0x18D00] =	vst v1;
	v15 =	vld [tilespmem:s1+$0x18E00]  }
0x10c: {  	v16 =	vld [tilespmem:s8+$0x18600];
	[tilespmem:s8+$0x18600] =	vst v1;
	v9 =	vadd.f32 v10, v8  }
0x10d: {  	v7 =	vadd.f32 v13, v7;
	[tilespmem:s1+$0x18E00] =	vst v1;
	v13 =	vld [tilespmem:s1+$0x18F00]  }
.Ltmp12:
0x10e: {  	v8 =	vld [tilespmem:s8+$0x18700];
	[tilespmem:s8+$0x18700] =	vst v1;
	v10 =	vadd.f32 v12, v9;
	(pc) =	sbr.rel @p3 .LBB2_21-.Ltmp12, $4  }
0x10f: {  	v12 =	vadd.f32 v14, v7;
	[tilespmem:s1+$0x18F00] =	vst v1;
	s1 =	smov.u32 s8  }
0x110: {  	s20 =	sadd.s32 $0x10, s20;
	s12 =	sadd.s32 $0x10, s12;
	v9 =	vld [tilespmem:s1+$0x18800];
	[tilespmem:s1+$0x18800] =	vst v1;
	v14 =	vadd.f32 v15, v10  }
0x111: {  	v7 =	vld [tilespmem:s20+$0x0];
	v12 =	vadd.f32 v16, v12;
	[tilespmem:s12+$0x0] =	vst v11  }
0x112: {  	s8 =	sand.u32 $0xF0, s21;
	s21 =	sadd.s32 $0x10, s21;
	[tilespmem:s20+$0x0] =	vst v1;
	v10 =	vld [tilespmem:s1+$0x18900];
	v11 =	vadd.f32 v13, v14  }
.LBB2_22:
0x113: {  	v13 =	vld [tilespmem:s8+$0x18100];
	_ =	sdelay $0x1  }
0x114: {  	v14 =	vld [tilespmem:s8+$0x18200];
	_ =	sdelay $0x1  }
0x115: {  	v15 =	vld [tilespmem:s8+$0x18300]  }
0x116: {  	v7 =	vadd.f32 v13, v7  }
0x117: {  	v53 =	vld [tilespmem:s8+$0x18400]  }
0x118: {  	v7 =	vadd.f32 v14, v7  }
0x119: {  	v54 =	vld [tilespmem:s8+$0x18500]  }
0x11a: {  	v7 =	vadd.f32 v15, v7  }
0x11b: {  	v55 =	vld [tilespmem:s8+$0x18600]  }
0x11c: {  	v7 =	vadd.f32 v53, v7  }
0x11d: {  	v56 =	vld [tilespmem:s8+$0x18700]  }
0x11e: {  	v8 =	vadd.f32 @p0 v8, v12;
	v12 =	vld @p0 [tilespmem:s1+$0x18A00];
	v7 =	vadd.f32 v54, v7  }
0x11f: {  	v57 =	vld [tilespmem:s8+$0x18800]  }
0x120: {  	v58 =	vld [tilespmem:s8+$0x18900];
	v8 =	vadd.f32 @p0 v9, v8;
	v7 =	vadd.f32 v55, v7  }
0x121: {  	v9 =	vld @p0 [tilespmem:s1+$0x18B00]  }
0x122: {  	v59 =	vld [tilespmem:s8+$0x18A00];
	v8 =	vadd.f32 @p0 v10, v8;
	v7 =	vadd.f32 v56, v7  }
0x123: {  	v10 =	vld @p0 [tilespmem:s1+$0x18C00]  }
0x124: {  	v60 =	vld [tilespmem:s8+$0x18B00];
	v8 =	vadd.f32 @p0 v12, v8;
	v7 =	vadd.f32 v57, v7  }
0x125: {  	v12 =	vld @p0 [tilespmem:s1+$0x18D00]  }
0x126: {  	v61 =	vld [tilespmem:s8+$0x18C00];
	v8 =	vadd.f32 @p0 v9, v8;
	v7 =	vadd.f32 v58, v7  }
0x127: {  	v9 =	vld @p0 [tilespmem:s1+$0x18E00]  }
0x128: {  	v62 =	vld [tilespmem:s8+$0x18D00];
	v8 =	vadd.f32 @p0 v10, v8;
	v7 =	vadd.f32 v59, v7  }
0x129: {  	v10 =	vld @p0 [tilespmem:s1+$0x18F00]  }
0x12a: {  	v8 =	vadd.f32 @p0 v12, v8;
	v7 =	vadd.f32 v60, v7  }
0x12b: {  	v63 =	vld [tilespmem:s8+$0x18E00]  }
0x12c: {  	v8 =	vadd.f32 @p0 v9, v8;
	v7 =	vadd.f32 v61, v7  }
0x12d: {  	v9 =	vld [tilespmem:s8+$0x18F00]  }
0x12e: {  	v11 =	vmin.f32 @p1 v11, $6.400000000e+01;
	v8 =	vadd.f32 @p0 v10, v8;
	v7 =	vadd.f32 v62, v7  }
0x12f: {  	v6 =	vadd.f32 @p1 v11, v6  }
0x130: {  	v5 =	vpsel p0, v8, v5;
	v7 =	vadd.f32 v63, v7  }
0x131: {  	v6 =	vpsel p1, v6, v4;
	v5 =	vmin.f32 @p0 v5, $6.400000000e+01  }
0x132: {  	v6 =	vadd.f32 @p0 v5, v6;
	v7 =	vadd.f32 v9, v7;
	_ =	sdelay $0x1  }
0x133: {  	v4 =	vpsel p0, v6, v4;
	v6 =	vmin.f32 v7, $6.400000000e+01  }
0x134: {  	v4 =	vadd.f32 v6, v4;
	_ =	sdelay $0x1  }
0x135: {  	(xrf2) =	vadd.scan.msk.f32 $0xffff, v4;
	_ =	sdelay $0x1  }
0x136: {  	[tilespmem:s8+$0x18100] =	vst v1  }
0x137: {  	[tilespmem:s8+$0x18200] =	vst v1  }
0x138: {  	[tilespmem:s8+$0x18300] =	vst v1  }
0x139: {  	[tilespmem:s8+$0x18400] =	vst v1  }
0x13a: {  	[tilespmem:s8+$0x18500] =	vst v1  }
0x13b: {  	[tilespmem:s8+$0x18600] =	vst v1  }
0x13c: {  	[tilespmem:s1+$0x18900] =	vst @p0 v1  }
0x13d: {  	[tilespmem:s8+$0x18700] =	vst v1  }
0x13e: {  	[tilespmem:s1+$0x18A00] =	vst @p0 v1;
	v4, _, _ =	vpop (xrf2)  }
0x13f: {  	[tilespmem:s8+$0x18800] =	vst v1;
	(v2sf) =	vpush v4, $0xF  }
0x140: {  	[tilespmem:s8+$0x18900] =	vst v1  }
0x141: {  	[tilespmem:s8+$0x18A00] =	vst v1  }
0x142: {  	[tilespmem:s8+$0x18B00] =	vst v1  }
0x143: {  	[tilespmem:s8+$0x18C00] =	vst v1  }
0x144: {  	[tilespmem:s8+$0x18D00] =	vst v1  }
0x145: {  	[tilespmem:s8+$0x18E00] =	vst v1  }
0x146: {  	[tilespmem:s1+$0x18B00] =	vst @p0 v1  }
0x147: {  	[tilespmem:s1+$0x18C00] =	vst @p0 v1  }
0x148: {  	s12 =	sadd.s32 @p2 $0x10, s12;
	s20 =	simm.s32 $0x19000;
	[tilespmem:s1+$0x18D00] =	vst @p0 v1  }
0x149: {  	s20 =	smov.u32 @p2 s12;
	[tilespmem:s1+$0x18E00] =	vst @p0 v1  }
0x14a: {  	s12 =	simm.s32 $0x19000;
	[tilespmem:s1+$0x18F00] =	vst @p0 v1;
	s1 =	sadd.s32 @p1 $0x10, s20  }
0x14b: {  	[tilespmem:s20+$0x0] =	vst @p1 v11;
	s12 =	smov.u32 @p1 s1  }
0x14c: {  	s1 =	sadd.s32 @p0 $0x10, s12;
	[tilespmem:s8+$0x18F00] =	vst v1;
	s8 =	simm.s32 $0x19000  }
0x14d: {  	s8 =	smov.u32 @p0 s1;
	[tilespmem:s12+$0x0] =	vst @p0 v5  }
0x14e: {  	[tilespmem:s8+$0x0] =	vst v6;
	s24 =	spop (v2sf)  }
0x14f: {  	v5 =	vld [tilespmem:s0+$0x0];
	s1 =	ssub.f32 $4.096000000e+03, s24;
	_ =	sdelay $0x1  }
0x150: {  	s25 =	smul.f32 $3.906250000e-03, s1;
	_ =	sdelay $0x1  }
0x151: {  	v4 =	vmov s25  }
0x152: {  	v5 =	vadd.f32 v5, v4;
	_ =	sdelay $0x1  }
0x153: {  	(xrf2) =	vadd.scan.msk.f32 $0xffff, v5;
	_ =	sdelay $0x4  }
0x154: {  	s26 =	simm.s32 $0x19010  }
0x155: {  	v5 =	vld [tilespmem:s26+$0x0]  }
0x156: {  	s28 =	simm.s32 $0x19020  }
0x157: {  	v6 =	vld [tilespmem:s28+$0x0];
	_ =	sdelay $0x1  }
0x158: {  	v7, _, _ =	vpop (xrf2)  }
0x159: {  	v5 =	vadd.f32 v5, v4;
	(v2sf) =	vpush v7, $0xF;
	_ =	sdelay $0x1  }
0x15a: {  	v6 =	vadd.f32 v6, v4;
	(xrf2) =	vadd.scan.msk.f32 $0xffff, v5;
	_ =	sdelay $0x1  }
0x15b: {  	(xrf2) =	vadd.scan.msk.f32 $0xffff, v6;
	_ =	sdelay $0x1  }
0x15c: {  	s29 =	simm.s32 $0x19030  }
0x15d: {  	v5 =	vld [tilespmem:s29+$0x0]  }
0x15e: {  	s30 =	simm.s32 $0x19040  }
0x15f: {  	v6 =	vld [tilespmem:s30+$0x0];
	_ =	sdelay $0x2  }
0x160: {  	v8 =	vadd.f32 v5, v4;
	v5, _, _ =	vpop (xrf2)  }
0x161: {  	(v2sf) =	vpush v5, $0xF  }
0x162: {  	v9 =	vadd.f32 v6, v4;
	v6, _, _ =	vpop (xrf2)  }
0x163: {  	s23 =	spop (v2sf);
	(v2sf) =	vpush v6, $0xF  }
0x164: {  	s21 =	simm.f32 $0.0e+00;
	(xrf2) =	vadd.scan.msk.f32 $0xffff, v8  }
0x165: {  	v7 =	vadd.f32 s21, v7;
	_ =	sdelay $0x1  }
0x166: {  	v7 =	vmul.f32 $2.550000000e+02, v7  }
0x167: {  	s31 =	sshll.u32 s17, $0x8;
	(xrf2) =	vadd.scan.msk.f32 $0xffff, v9  }
0x168: {  	s22 =	simm.s32 $0x19050;
	s20 =	simm.s32 $0x20;
	s12 =	simm.s32 $0x30;
	v10 =	vmul.f32 $2.441406250e-04, v7  }
0x169: {  	s8 =	simm.s32 $0x40;
	s0 =	sand.u32 $0x3FFFFF00, s31;
	s21 =	sadd.f32 s23, s21  }
0x16a: {  	s0 =	sadd.s32 s0, s15;
	s1 =	simm.s32 $0x50;
	v7 =	vld [tilespmem:s22+$0x0];
	v8 =	vtrunc.f32 v10;
	s23 =	simm.s32 $0x60  }
.LBB2_23:
0x16b: {  	p0 =	sne.s32 s23, $0xF0;
	v9 =	vadd.f32 s21, v5;
	v8 =	vcvt.f32.s32 v8;
	v5 =	vmov v6;
	s24 =	smov.u32 s20;
	s20 =	smov.u32 s12  }
0x16c: {  	s12 =	smov.u32 s8;
	s8 =	smov.u32 s1;
	s1 =	smov.u32 s23  }
.Ltmp13:
0x16d: {  	v6, _, _ =	vpop (xrf2);
	v9 =	vmul.f32 $2.550000000e+02, v9;
	v8 =	vcvt.s32.f32 v8;
	(pc) =	sbr.rel @p0 .LBB2_23-.Ltmp13, $4  }
0x16e: {  	s25 =	sand.u32 $0x80, s19;
	(v2sf) =	vpush v6, $0xF  }
0x16f: {  	s19 =	sand.u32 $0x70, s19;
	s25 =	sadd.s32 s25, s0;
	v10 =	vadd.f32 v7, v4;
	v9 =	vmul.f32 $2.441406250e-04, v9;
	s26 =	spop (v2sf);
	v7 =	vmax.f32 v8, $0.0e+00  }
0x170: {  	s22 =	sadd.s32 $0x10, s22;
	s19 =	sadd.s32 s19, s25;
	s21 =	sadd.f32 s26, s21;
	v11 =	vmin.f32 v7, $2.550000000e+02  }
0x171: {  	s23 =	sadd.s32 $0x10, s23;
	v7 =	vld [tilespmem:s22+$0x0];
	(xrf2) =	vadd.scan.msk.f32 $0xffff, v10;
	v8 =	vtrunc.f32 v9;
	[tilespmem:s19+$0x0] =	vst v11;
	s19 =	smov.u32 s18;
	s18 =	smov.u32 s24  }
0x172: {  	_ =	sdelay $0x6  }
0x173: {  	v9, _, _ =	vpop (xrf2)  }
0x174: {  	(v2sf) =	vpush v9, $0xF  }
0x175: {  	v10, _, _ =	vpop (xrf2)  }
0x176: {  	(v2sf) =	vpush v10, $0xF;
	_ =	sdelay $0x2  }
0x177: {  	v4 =	vadd.f32 v7, v4;
	_ =	sdelay $0x1  }
0x178: {  	(xrf2) =	vadd.scan.msk.f32 $0xffff, v4;
	_ =	sdelay $0x2  }
0x179: {  	s22 =	spop (v2sf)  }
0x17a: {  	s30 =	sadd.f32 s22, s21  }
0x17b: {  	v4 =	vadd.f32 s21, v5  }
0x17c: {  	v5 =	vadd.f32 s30, v6;
	s31 =	spop (v2sf)  }
0x17d: {  	v4 =	vmul.f32 $2.550000000e+02, v4;
	s21 =	sadd.f32 s31, s30  }
0x17e: {  	v59 =	vcvt.f32.s32 v8;
	v5 =	vmul.f32 $2.550000000e+02, v5;
	s23 =	spop (v2sf)  }
0x17f: {  	v4 =	vmul.f32 $2.441406250e-04, v4;
	s22 =	sadd.f32 s23, s21  }
0x180: {  	v6 =	vcvt.s32.f32 v59;
	v5 =	vmul.f32 $2.441406250e-04, v5;
	v60, _, _ =	vpop (xrf2);
	s23 =	spop (v2sf)  }
0x181: {  	v4 =	vtrunc.f32 v4;
	v61 =	vadd.f32 s21, v9;
	(v2sf) =	vpush v60, $0xF;
	s24 =	sadd.f32 s23, s22  }
0x182: {  	v5 =	vtrunc.f32 v5;
	v4 =	vcvt.f32.s32 v4;
	v62 =	vadd.f32 s22, v10  }
0x183: {  	v5 =	vcvt.f32.s32 v5;
	v8 =	vmul.f32 $2.550000000e+02, v61;
	v7 =	vadd.f32 s24, v60  }
0x184: {  	v4 =	vcvt.s32.f32 v4;
	v9 =	vmul.f32 $2.550000000e+02, v62  }
0x185: {  	v8 =	vmul.f32 $2.441406250e-04, v8;
	v7 =	vmul.f32 $2.550000000e+02, v7  }
0x186: {  	s25 =	sand.u32 $0x80, s19;
	s26 =	sand.u32 $0x70, s19;
	s17 =	sadd.s32 $0x1, s17;
	v5 =	vcvt.s32.f32 v5;
	v9 =	vmul.f32 $2.441406250e-04, v9  }
0x187: {  	s28 =	sand.u32 $0x80, s18;
	s29 =	sand.u32 $0x70, s18;
	p0 =	sne.s32 s17, $0x8;
	v8 =	vtrunc.f32 v8;
	v7 =	vmul.f32 $2.441406250e-04, v7  }
0x188: {  	v6 =	vmax.f32 v6, $0.0e+00;
	s30 =	sand.u32 $0x80, s20;
	s31 =	sand.u32 $0x70, s20;
	s21 =	sadd.s32 s25, s0;
	v8 =	vcvt.f32.s32 v8;
	v9 =	vtrunc.f32 v9  }
0x189: {  	v6 =	vmin.f32 v6, $2.550000000e+02;
	s25 =	sand.u32 $0x70, s8;
	s19 =	sadd.s32 s26, s21;
	s21 =	sand.u32 $0x80, s12;
	v9 =	vcvt.f32.s32 v9;
	v7 =	vtrunc.f32 v7  }
0x18a: {  	v4 =	vmax.f32 v4, $0.0e+00;
	v8 =	vcvt.s32.f32 v8;
	s22 =	sadd.s32 s28, s0;
	s23 =	sadd.s32 s30, s0;
	s28 =	sand.u32 $0x80, s1;
	v7 =	vcvt.f32.s32 v7  }
0x18b: {  	v5 =	vmax.f32 v5, $0.0e+00;
	v4 =	vmin.f32 v4, $2.550000000e+02;
	[tilespmem:s19+$0x0] =	vst v6;
	s18 =	sadd.s32 s29, s22;
	s20 =	sadd.s32 s31, s23;
	s22 =	sand.u32 $0x70, s12;
	v63 =	vcvt.s32.f32 v9  }
.Ltmp14:
0x18c: {  	s23 =	sand.u32 $0x80, s8;
	[tilespmem:s18+$0x0] =	vst v4;
	v4 =	vmin.f32 v5, $2.550000000e+02;
	v5 =	vmax.f32 v8, $0.0e+00;
	s24 =	sadd.s32 s21, s0;
	v7 =	vcvt.s32.f32 v7;
	(pc) =	sbr.rel @p0 .LBB2_11-.Ltmp14, $4  }
.Ltmp15:
0x18d: {  	s26 =	sadd.s32 s23, s0;
	[tilespmem:s20+$0x0] =	vst v4;
	v4 =	vmin.f32 v5, $2.550000000e+02;
	s12 =	sadd.s32 s22, s24;
	v5 =	vmax.f32 v63, $0.0e+00;
	(pc) =	sbr.rel @!p0 .LBB2_25-.Ltmp15, $4  }
0x18e: {  	s29 =	sand.u32 $0x70, s1;
	s30 =	sadd.s32 s28, s0;
	s8 =	sadd.s32 s25, s26;
	[tilespmem:s12+$0x0] =	vst v4;
	v4 =	vmin.f32 v5, $2.550000000e+02;
	v5 =	vmax.f32 v7, $0.0e+00  }
0x18f: {  	s0 =	sadd.s32 s29, s30;
	[tilespmem:s8+$0x0] =	vst v4;
	v4 =	vmin.f32 v5, $2.550000000e+02  }
0x190: {  	s16 =	sadd.s32 $0x10, s16;
	s31 =	spop (v2sf);
	[tilespmem:s0+$0x0] =	vst v4  }
0x191: {  	_ = 	snop  }
.LBB2_14:
.Ltmp16:
0x192: {  	(pc) =	sbr.rel .LBB2_22-.Ltmp16, $2  }
0x193: {  	_ =	sdelay $0x2  }
0x194: {  	s8 =	smov.u32 s1;
	v6 =	vimm.f32 $0.0e+00;
	s12 =	simm.s32 $0x19000  }
.LBB2_16:
.Ltmp17:
0x195: {  	(pc) =	sbr.rel .LBB2_22-.Ltmp17, $2  }
0x196: {  	_ =	sdelay $0x2  }
0x197: {  	s8 =	smov.u32 s12;
	v6 =	vimm.f32 $0.0e+00;
	s12 =	simm.s32 $0x19000  }
.LBB2_18:
.Ltmp18:
0x198: {  	(pc) =	sbr.rel .LBB2_22-.Ltmp18, $2  }
0x199: {  	_ =	sdelay $0x2  }
0x19a: {  	s8 =	smov.u32 s1;
	s1 =	smov.u32 s12;
	v6 =	vimm.f32 $0.0e+00;
	s12 =	simm.s32 $0x19000;
	v11 =	vmov v5  }
.LBB2_20:
.Ltmp19:
0x19b: {  	(pc) =	sbr.rel .LBB2_22-.Ltmp19, $2  }
0x19c: {  	_ =	sdelay $0x2  }
0x19d: {  	s12 =	simm.s32 $0x19000  }
.LBB2_26:
0x19e: {  	s13 =	simm.s32 $0x0;
	s14 =	simm.s32 $0x8010  }
.LBB2_27:
0x19f: {  	s15 =	sshll.u32 s13, $0x5;
	s16 =	simm.s32 $0x0  }
0x1a0: {  	s17 =	simm.s32 $0x0;
	s18 =	smov.u32 s14;
	s19 =	simm.s32 $0x0  }
.LBB2_28:
0x1a1: {  	s0 =	sadd.s32 s15, s19  }
0x1a2: {  	s0 =	scvt.s32.f32 s0;
	_ =	sdelay $0x1  }
0x1a3: {  	s0 =	sadd.f32 $5.000000000e-01, s0;
	_ =	sdelay $0x1  }
0x1a4: {  	s0 =	smul.f32 $1.562500000e-02, s0;
	_ =	sdelay $0x1  }
0x1a5: {  	s0 =	sadd.f32 $-5.000000000e-01, s0;
	_ =	sdelay $0x1  }
0x1a6: {  	s1 =	sadd.f32 $1.000000000e+00, s0;
	_ =	sdelay $0x1  }
0x1a7: {  	s1 =	scvt.f32.s32 s1  }
0x1a8: {  	s22 =	simm.s32 $0x1D340;
	v8 =	vld [tilespmem:s18+$0x0]  }
0x1a9: {  	s25 =	simm.s32 $0x1D140;
	v4 =	vld [tilespmem:s22+$0x0];
	s8 =	sadd.s32 $0xFFFFFFFF, s1  }
0x1aa: {  	v5 =	vld [tilespmem:s25+$0x0];
	p0 =	sgt.s32 s8, $0x0  }
0x1ab: {  	s12 =	scvt.s32.f32 s8;
	s8 =	simm.s32 @!p0 $0x0;
	p0 =	sgt.s32 s1, $0x0  }
0x1ac: {  	v11 =	vld [tilespmem:s18+$0xFFFFFFF0];
	s8 =	smin.u32 s8, $0x7;
	s1 =	simm.s32 @!p0 $0x0  }
0x1ad: {  	v10 =	vld [tilespmem:s22+$0xFFFFFFC0];
	v9 =	vand.u32 $0xFF, v8;
	s1 =	smin.u32 s1, $0x7;
	s8 =	sshll.u32 s8, $0xB  }
0x1ae: {  	v4 =	vadd.s32 v9, v4;
	s1 =	sshll.u32 s1, $0xB;
	v7 =	vmov s8  }
0x1af: {  	v5 =	vadd.s32 v5, v9;
	v6 =	vmov s1;
	v9 =	vadd.s32 v7, v4  }
0x1b0: {  	v12 =	vld [tilespmem:s25+$0xFFFFFFC0];
	v13 =	vadd.s32 v6, v5  }
0x1b1: {  	s21 =	simm.s32 $0x1D540;
	v14 =	vand.u32 $0xFF, v11;
	v5 =	vadd.s32 v7, v5  }
0x1b2: {  	v15 =	vld [tilespmem:s21+$0x0];
	v10 =	vadd.s32 v14, v10;
	v4 =	vadd.s32 v6, v4  }
0x1b3: {  	v17 =	vld [tilespmem:s21+$0xFFFFFFC0];
	v16 =	vadd.s32 v7, v10  }
0x1b4: {  	v9 =	vld.idx.msk [tilespmem:v9+s10+$0x0], $0xffff  }
0x1b5: {  	v12 =	vadd.s32 v12, v14;
	v10 =	vadd.s32 v6, v10;
	v13 =	vld.idx.msk [tilespmem:v13+s10+$0x0], $0xffff  }
0x1b6: {  	v14 =	vadd.s32 v6, v12;
	v5 =	vld.idx.msk [tilespmem:v5+s10+$0x0], $0xffff  }
0x1b7: {  	v12 =	vadd.s32 v7, v12;
	v4 =	vld.idx.msk [tilespmem:v4+s10+$0x0], $0xffff  }
0x1b8: {  	v16 =	vld.idx.msk [tilespmem:v16+s10+$0x0], $0xffff  }
0x1b9: {  	v18 =	vsub.f32 $1.000000000e+00, v15  }
0x1ba: {  	s0 =	ssub.f32 s0, s12;
	v10 =	vld.idx.msk [tilespmem:v10+s10+$0x0], $0xffff  }
0x1bb: {  	v14 =	vld.idx.msk [tilespmem:v14+s10+$0x0], $0xffff;
	v9 =	vmul.f32 v9, v15;
	v13 =	vmul.f32 v13, v18  }
0x1bc: {  	s20 =	ssub.f32 $1.000000000e+00, s0;
	v12 =	vld.idx.msk [tilespmem:v12+s10+$0x0], $0xffff;
	v18 =	vmul.f32 v5, v18;
	v15 =	vmul.f32 v4, v15  }
0x1bd: {  	v16 =	vmul.f32 v16, v17  }
0x1be: {  	v4 =	vmov s20;
	v9 =	vadd.f32 v9, v18;
	v13 =	vadd.f32 v15, v13  }
0x1bf: {  	v5 =	vmov s0;
	v10 =	vmul.f32 v10, v17;
	v15 =	vsub.f32 $1.000000000e+00, v17  }
0x1c0: {  	v9 =	vmul.f32 v9, v4;
	v13 =	vmul.f32 v13, v5  }
0x1c1: {  	v12 =	vmul.f32 v12, v15;
	v14 =	vmul.f32 v14, v15  }
0x1c2: {  	v9 =	vadd.f32 v13, v9  }
0x1c3: {  	s23 =	sshll.u32 s17, $0x2;
	s24 =	sand.u32 $0x7, s16;
	v12 =	vadd.f32 v16, v12;
	v10 =	vadd.f32 v10, v14  }
0x1c4: {  	s1 =	sshll.u32 s24, $0x9;
	s0 =	sand.u32 $0xFFFFC000, s23;
	v9 =	vmul.f32 $3.921568860e-03, v9  }
0x1c5: {  	s0 =	sor.u32 s1, s0;
	v10 =	vmul.f32 v10, v5;
	v12 =	vmul.f32 v12, v4  }
0x1c6: {  	s0 =	sshrl.u32 s0, $0x2;
	v9 =	vmul.f32 $2.550000000e+02, v9  }
0x1c7: {  	s20 =	sadd.s32 $0x4040, s0;
	v10 =	vadd.f32 v10, v12  }
0x1c8: {  	[tilespmem:s20+$0x0] =	vst v9  }
0x1c9: {  	v9 =	vmul.f32 $3.921568860e-03, v10;
	v10 =	vld [tilespmem:s22+$0x10]  }
0x1ca: {  	v12 =	vld [tilespmem:s25+$0x10]  }
0x1cb: {  	v9 =	vmul.f32 $2.550000000e+02, v9  }
0x1cc: {  	s24 =	simm.s32 $0x1D1C0;
	v13 =	vshrl.u32 v8, $0x8  }
0x1cd: {  	v15 =	vld [tilespmem:s24+$0x0];
	v13 =	vand.u32 $0xFF, v13;
	[tilespmem:s20+$0xFFFFFFC0] =	vst v9  }
0x1ce: {  	s23 =	simm.s32 $0x1D3C0;
	v16 =	vld [tilespmem:s22+$0xFFFFFFD0];
	v10 =	vadd.s32 v13, v10  }
0x1cf: {  	v14 =	vld [tilespmem:s23+$0x0];
	v12 =	vadd.s32 v13, v12;
	v17 =	vadd.s32 v7, v10  }
0x1d0: {  	v13 =	vld [tilespmem:s25+$0xFFFFFFD0];
	v18 =	vadd.s32 v7, v12  }
0x1d1: {  	s26 =	sadd.s32 $0x20, s18;
	v19 =	vshrl.u32 v11, $0x8;
	v22 =	vld [tilespmem:s21+$0x10];
	v21 =	vadd.s32 v6, v10  }
0x1d2: {  	v19 =	vand.u32 $0xFF, v19;
	v9 =	vld [tilespmem:s26+$0x0];
	v12 =	vadd.s32 v6, v12  }
0x1d3: {  	v24 =	vld [tilespmem:s21+$0xFFFFFFD0];
	v16 =	vadd.s32 v19, v16  }
0x1d4: {  	v23 =	vadd.s32 v7, v16;
	v17 =	vld.idx.msk [tilespmem:v17+s10+$0x0], $0xffff  }
0x1d5: {  	v16 =	vadd.s32 v6, v16;
	v13 =	vadd.s32 v19, v13;
	v18 =	vld.idx.msk [tilespmem:v18+s10+$0x0], $0xffff  }
0x1d6: {  	v19 =	vld.idx.msk [tilespmem:v21+s10+$0x0], $0xffff;
	v21 =	vadd.s32 v7, v13  }
0x1d7: {  	v12 =	vld.idx.msk [tilespmem:v12+s10+$0x0], $0xffff;
	v13 =	vadd.s32 v6, v13  }
0x1d8: {  	v10 =	vld [tilespmem:s26+$0xFFFFFFF0]  }
0x1d9: {  	v25 =	vsub.f32 $1.000000000e+00, v22;
	v23 =	vld.idx.msk [tilespmem:v23+s10+$0x0], $0xffff  }
0x1da: {  	v16 =	vld.idx.msk [tilespmem:v16+s10+$0x0], $0xffff  }
0x1db: {  	v17 =	vmul.f32 v17, v22;
	v18 =	vmul.f32 v18, v25;
	v21 =	vld.idx.msk [tilespmem:v21+s10+$0x0], $0xffff  }
0x1dc: {  	v27 =	vand.u32 $0xFF, v9;
	v13 =	vld.idx.msk [tilespmem:v13+s10+$0x0], $0xffff;
	v12 =	vmul.f32 v12, v25;
	v19 =	vmul.f32 v19, v22  }
0x1dd: {  	v20 =	vld [tilespmem:s23+$0xFFFFFFC0];
	v14 =	vadd.s32 v27, v14;
	v15 =	vadd.s32 v15, v27;
	v26 =	vand.u32 $0xFF, v10  }
0x1de: {  	v22 =	vadd.s32 v7, v14;
	v17 =	vadd.f32 v17, v18;
	v12 =	vadd.f32 v19, v12  }
0x1df: {  	v25 =	vld [tilespmem:s24+$0xFFFFFFC0];
	v19 =	vsub.f32 $1.000000000e+00, v24;
	v23 =	vmul.f32 v23, v24;
	v16 =	vmul.f32 v16, v24  }
0x1e0: {  	v14 =	vadd.s32 v6, v14;
	v17 =	vmul.f32 v17, v4;
	v12 =	vmul.f32 v12, v5  }
0x1e1: {  	s1 =	simm.s32 $0x1D5C0;
	v24 =	vadd.s32 v6, v15;
	v13 =	vmul.f32 v13, v19;
	v19 =	vmul.f32 v21, v19  }
0x1e2: {  	v27 =	vld [tilespmem:s1+$0xFFFFFFC0];
	v20 =	vadd.s32 v26, v20;
	v15 =	vadd.s32 v7, v15;
	v12 =	vadd.f32 v12, v17  }
0x1e3: {  	v18 =	vadd.s32 v7, v20;
	v21 =	vld [tilespmem:s1+$0x0];
	v13 =	vadd.f32 v16, v13;
	v16 =	vadd.f32 v23, v19  }
0x1e4: {  	v20 =	vadd.s32 v6, v20;
	v22 =	vld.idx.msk [tilespmem:v22+s10+$0x0], $0xffff;
	v17 =	vadd.s32 v25, v26;
	v12 =	vmul.f32 $3.921568860e-03, v12  }
0x1e5: {  	v14 =	vld.idx.msk [tilespmem:v14+s10+$0x0], $0xffff;
	v19 =	vadd.s32 v6, v17;
	v13 =	vmul.f32 v13, v5;
	v16 =	vmul.f32 v16, v4  }
0x1e6: {  	v23 =	vld.idx.msk [tilespmem:v24+s10+$0x0], $0xffff  }
0x1e7: {  	v17 =	vadd.s32 v7, v17;
	v15 =	vld.idx.msk [tilespmem:v15+s10+$0x0], $0xffff;
	v12 =	vmul.f32 $2.550000000e+02, v12;
	v13 =	vadd.f32 v13, v16  }
0x1e8: {  	v18 =	vld.idx.msk [tilespmem:v18+s10+$0x0], $0xffff  }
0x1e9: {  	v20 =	vld.idx.msk [tilespmem:v20+s10+$0x0], $0xffff;
	[tilespmem:s20+$0x10] =	vst v12;
	v12 =	vmul.f32 $3.921568860e-03, v13  }
0x1ea: {  	v22 =	vmul.f32 v22, v21;
	v16 =	vld.idx.msk [tilespmem:v19+s10+$0x0], $0xffff;
	v13 =	vsub.f32 $1.000000000e+00, v21  }
0x1eb: {  	v14 =	vmul.f32 v14, v21;
	v19 =	vld [tilespmem:s22+$0x20];
	v12 =	vmul.f32 $2.550000000e+02, v12  }
0x1ec: {  	v17 =	vld.idx.msk [tilespmem:v17+s10+$0x0], $0xffff;
	v23 =	vmul.f32 v23, v13;
	v13 =	vmul.f32 v15, v13  }
0x1ed: {  	s0 =	simm.s32 $0x1D440;
	v24 =	vshrl.u32 v8, $0x10  }
0x1ee: {  	v31 =	vld [tilespmem:s0+$0xFFFFFFC0];
	v24 =	vand.u32 $0xFF, v24;
	[tilespmem:s20+$0xFFFFFFD0] =	vst v12;
	v13 =	vadd.f32 v22, v13;
	v14 =	vadd.f32 v14, v23  }
0x1ef: {  	v20 =	vmul.f32 v20, v27;
	v15 =	vmul.f32 v18, v27;
	v12 =	vsub.f32 $1.000000000e+00, v27;
	v21 =	vld [tilespmem:s22+$0xFFFFFFE0]  }
0x1f0: {  	v26 =	vld [tilespmem:s21+$0x20];
	v19 =	vadd.s32 v24, v19;
	v13 =	vmul.f32 v13, v4;
	v14 =	vmul.f32 v14, v5  }
0x1f1: {  	v22 =	vld [tilespmem:s25+$0xFFFFFFE0];
	v17 =	vmul.f32 v17, v12;
	v12 =	vmul.f32 v16, v12;
	v16 =	vadd.s32 v6, v19  }
0x1f2: {  	v25 =	vshrl.u32 v11, $0x10;
	v18 =	vld [tilespmem:s0+$0x0];
	v19 =	vadd.s32 v7, v19;
	v13 =	vadd.f32 v14, v13  }
0x1f3: {  	v25 =	vand.u32 $0xFF, v25;
	v23 =	vld [tilespmem:s25+$0x20];
	v12 =	vadd.f32 v20, v12;
	v15 =	vadd.f32 v15, v17  }
0x1f4: {  	s28 =	simm.s32 $0x1D240;
	v27 =	vld [tilespmem:s21+$0xFFFFFFE0];
	v14 =	vadd.s32 v25, v21;
	v13 =	vmul.f32 $3.921568860e-03, v13  }
0x1f5: {  	v20 =	vld [tilespmem:s28+$0x0];
	v12 =	vmul.f32 v12, v5;
	v15 =	vmul.f32 v15, v4;
	v17 =	vadd.s32 v7, v14  }
0x1f6: {  	v21 =	vadd.s32 v25, v22;
	v16 =	vld.idx.msk [tilespmem:v16+s10+$0x0], $0xffff;
	v13 =	vmul.f32 $2.550000000e+02, v13  }
0x1f7: {  	s8 =	sadd.s32 $0x20, s26;
	s31 =	sadd.s32 $0x400, s20;
	v19 =	vld.idx.msk [tilespmem:v19+s10+$0x0], $0xffff;
	v22 =	vadd.s32 v6, v21;
	v15 =	vadd.f32 v12, v15  }
0x1f8: {  	v14 =	vadd.s32 v6, v14;
	v12 =	vld [tilespmem:s8+$0x0];
	[tilespmem:s31+$0x0] =	vst v13  }
0x1f9: {  	v15 =	vmul.f32 $3.921568860e-03, v15;
	v13 =	vadd.s32 v7, v21;
	v21 =	vadd.s32 v24, v23;
	v23 =	vld [tilespmem:s24+$0x10]  }
0x1fa: {  	v25 =	vld.idx.msk [tilespmem:v17+s10+$0x0], $0xffff  }
0x1fb: {  	v17 =	vld [tilespmem:s23+$0x10];
	v15 =	vmul.f32 $2.550000000e+02, v15  }
0x1fc: {  	v24 =	vadd.s32 v7, v21;
	v22 =	vld.idx.msk [tilespmem:v22+s10+$0x0], $0xffff  }
0x1fd: {  	v28 =	vld.idx.msk [tilespmem:v14+s10+$0x0], $0xffff;
	v14 =	vadd.s32 v6, v21;
	[tilespmem:s31+$0xFFFFFFC0] =	vst v15  }
0x1fe: {  	v15 =	vshrl.u32 v9, $0x8;
	v21 =	vld [tilespmem:s23+$0xFFFFFFD0]  }
0x1ff: {  	v36 =	vsub.f32 $1.000000000e+00, v26;
	v29 =	vand.u32 $0xFF, v15;
	v30 =	vld.idx.msk [tilespmem:v13+s10+$0x0], $0xffff  }
0x200: {  	v37 =	vmul.f32 v16, v26;
	v19 =	vmul.f32 v19, v26;
	v32 =	vld [tilespmem:s24+$0xFFFFFFD0];
	v23 =	vadd.s32 v29, v23  }
0x201: {  	v35 =	vld.idx.msk [tilespmem:v24+s10+$0x0], $0xffff;
	v24 =	vshrl.u32 v10, $0x8;
	v17 =	vadd.s32 v29, v17;
	v38 =	vadd.s32 v7, v23  }
0x202: {  	v29 =	vld.idx.msk [tilespmem:v14+s10+$0x0], $0xffff;
	v34 =	vand.u32 $0xFF, v24;
	v24 =	vsub.f32 $1.000000000e+00, v27;
	v33 =	vadd.s32 v7, v17  }
0x203: {  	v13 =	vshrl.u32 v9, $0x10;
	v14 =	vld [tilespmem:s8+$0xFFFFFFF0];
	v39 =	vadd.s32 v6, v17;
	v16 =	vadd.s32 v34, v21  }
0x204: {  	v26 =	vmul.f32 v25, v27;
	v21 =	vld [tilespmem:s1+$0x10];
	v30 =	vmul.f32 v30, v24;
	v40 =	vadd.s32 v6, v16  }
0x205: {  	v27 =	vmul.f32 v28, v27;
	v22 =	vmul.f32 v22, v24;
	v24 =	vld [tilespmem:s1+$0xFFFFFFD0];
	v41 =	vadd.s32 v7, v16  }
0x206: {  	v15 =	vshrl.u32 v10, $0x10;
	v26 =	vadd.f32 v26, v30;
	v28 =	vld.idx.msk [tilespmem:v38+s10+$0x0], $0xffff;
	v30 =	vadd.s32 v6, v23  }
0x207: {  	v17 =	vshrl.u32 v12, $0x8;
	v63 =	vmul.f32 v35, v36;
	v27 =	vadd.f32 v27, v22;
	v25 =	vld.idx.msk [tilespmem:v33+s10+$0x0], $0xffff  }
0x208: {  	v34 =	vadd.s32 v34, v32;
	v16 =	vshrl.u32 v12, $0x10;
	v36 =	vmul.f32 v29, v36;
	v22 =	vld.idx.msk [tilespmem:v39+s10+$0x0], $0xffff  }
0x209: {  	s29 =	simm.s32 $0x1D440;
	v35 =	vmul.f32 v27, v5;
	v33 =	vmul.f32 v26, v4;
	v26 =	vadd.f32 v19, v63;
	v29 =	vld.idx.msk [tilespmem:v40+s10+$0x0], $0xffff  }
0x20a: {  	s30 =	simm.s32 $0x1D5C0;
	s12 =	simm.s32 $0x4;
	s26 =	smov.u32 s31;
	v19 =	vshrl.u32 v14, $0x10;
	v27 =	vadd.f32 v37, v36;
	v23 =	vsub.f32 $1.000000000e+00, v21;
	v32 =	vld.idx.msk [tilespmem:v41+s10+$0x0], $0xffff  }
.LBB2_29:
0x20b: {  	s12 =	sadd.s32 $0x2, s12;
	s0 =	sadd.s32 $0x80, s0;
	v36 =	vadd.s32 v7, v34;
	v30 =	vld.idx.msk [tilespmem:v30+s10+$0x0], $0xffff;
	v33 =	vadd.f32 v35, v33;
	v26 =	vmul.f32 v26, v4  }
0x20c: {  	v34 =	vadd.s32 v6, v34;
	v25 =	vmul.f32 v25, v21;
	v27 =	vmul.f32 v27, v5;
	v35 =	vld [tilespmem:s0+$0x0];
	p0 =	slt.u32 s12, $0x6  }
0x20d: {  	v37 =	vand.u32 $0xFF, v14;
	v28 =	vmul.f32 v28, v23;
	v38 =	vld [tilespmem:s28+$0xFFFFFFC0];
	v33 =	vmul.f32 $3.921568860e-03, v33  }
0x20e: {  	v39 =	vand.u32 $0xFF, v12;
	s1 =	sadd.s32 $0x80, s1;
	v31 =	vadd.s32 v37, v31;
	v26 =	vadd.f32 v27, v26  }
0x20f: {  	v20 =	vadd.s32 v20, v39;
	v40 =	vadd.s32 v6, v31;
	v27 =	vld [tilespmem:s1+$0xFFFFFFC0];
	v33 =	vmul.f32 $2.550000000e+02, v33  }
0x210: {  	v44 =	vadd.s32 v39, v18;
	v39 =	vadd.s32 v7, v20;
	v26 =	vmul.f32 $3.921568860e-03, v26;
	v36 =	vld.idx.msk [tilespmem:v36+s10+$0x0], $0xffff  }
0x211: {  	v42 =	vadd.s32 v7, v44;
	v43 =	vadd.s32 v6, v44;
	v32 =	vmul.f32 v32, v24;
	v41 =	vld [tilespmem:s1+$0x0];
	[tilespmem:s20+$0xFFFFFFE0] =	vst v33  }
0x212: {  	v26 =	vmul.f32 $2.550000000e+02, v26;
	v18 =	vmovc v35;
	v33 =	vadd.s32 v38, v37;
	v37 =	vadd.s32 v6, v20;
	v34 =	vld.idx.msk [tilespmem:v34+s10+$0x0], $0xffff  }
0x213: {  	v31 =	vadd.s32 v7, v31;
	v21 =	vmul.f32 v22, v21;
	v23 =	vmul.f32 v30, v23;
	v20 =	vld [tilespmem:s21+$0xFFFFFFF0]  }
0x214: {  	v22 =	vmul.f32 v29, v24;
	v25 =	vadd.f32 v25, v28;
	v28 =	vld [tilespmem:s25+$0xFFFFFFF0];
	[tilespmem:s20+$0x20] =	vst v26  }
0x215: {  	v21 =	vadd.f32 v21, v23;
	v23 =	vld [tilespmem:s22+$0xFFFFFFF0]  }
0x216: {  	v24 =	vsub.f32 $1.000000000e+00, v24;
	v25 =	vmul.f32 v25, v4;
	v26 =	vld.idx.msk [tilespmem:v42+s10+$0x0], $0xffff  }
0x217: {  	v21 =	vmul.f32 v21, v5;
	v29 =	vld [tilespmem:s25+$0x30];
	s25 =	smov.u32 s24;
	s24 =	smov.u32 s28  }
0x218: {  	v35 =	vshrl.u32 v11, $0x18;
	v11 =	vmovc v10;
	v34 =	vmul.f32 v34, v24;
	v30 =	vld.idx.msk [tilespmem:v31+s10+$0x0], $0xffff;
	v31 =	vadd.s32 v6, v33  }
0x219: {  	v36 =	vmul.f32 v36, v24;
	v21 =	vadd.f32 v21, v25;
	v33 =	vadd.s32 v7, v33;
	v37 =	vld.idx.msk [tilespmem:v37+s10+$0x0], $0xffff  }
0x21a: {  	v22 =	vadd.f32 v22, v34;
	v25 =	vadd.s32 v35, v28;
	v24 =	vld.idx.msk [tilespmem:v39+s10+$0x0], $0xffff;
	v23 =	vadd.s32 v35, v23  }
0x21b: {  	v10 =	vmov v14;
	v21 =	vmul.f32 $3.921568860e-03, v21;
	v28 =	vadd.f32 v32, v36;
	v32 =	vld [tilespmem:s22+$0x30];
	s22 =	smov.u32 s23;
	s23 =	smov.u32 s29;
	s29 =	smov.u32 s0  }
0x21c: {  	v34 =	vsub.f32 $1.000000000e+00, v41;
	v22 =	vmul.f32 v22, v5;
	v14 =	vld.idx.msk [tilespmem:v40+s10+$0x0], $0xffff  }
0x21d: {  	v21 =	vmul.f32 $2.550000000e+02, v21;
	v28 =	vmul.f32 v28, v4;
	v36 =	vadd.s32 v7, v23;
	v35 =	vld.idx.msk [tilespmem:v43+s10+$0x0], $0xffff  }
0x21e: {  	v23 =	vadd.s32 v6, v23;
	v31 =	vld.idx.msk [tilespmem:v31+s10+$0x0], $0xffff  }
0x21f: {  	v22 =	vadd.f32 v22, v28;
	v37 =	vmul.f32 v37, v34;
	[tilespmem:s31+$0x10] =	vst v21;
	v21 =	vld [tilespmem:s21+$0x30];
	s21 =	smov.u32 s30;
	s30 =	smov.u32 s1  }
0x220: {  	v38 =	vadd.s32 v7, v25;
	v39 =	vshrl.u32 v8, $0x18;
	v8 =	vmovc v9;
	v9 =	vmovc v12;
	v28 =	vld.idx.msk [tilespmem:v33+s10+$0x0], $0xffff;
	v33 =	vand.u32 $0xFF, v13  }
0x221: {  	v12 =	vsub.f32 $1.000000000e+00, v27;
	v30 =	vmul.f32 v30, v27;
	v22 =	vmul.f32 $3.921568860e-03, v22;
	v13 =	vmovc v16;
	v40 =	vld [tilespmem:s25+$0x20]  }
0x222: {  	v29 =	vadd.s32 v39, v29;
	v16 =	vmul.f32 v26, v41;
	v32 =	vadd.s32 v39, v32;
	v26 =	vld.idx.msk [tilespmem:v36+s10+$0x0], $0xffff  }
0x223: {  	v24 =	vmul.f32 v24, v34;
	v34 =	vadd.s32 v6, v29;
	v22 =	vmul.f32 $2.550000000e+02, v22;
	v23 =	vld.idx.msk [tilespmem:v23+s10+$0x0], $0xffff  }
0x224: {  	v14 =	vmul.f32 v14, v27;
	v27 =	vmul.f32 v35, v41;
	v36 =	vadd.s32 v6, v32;
	v35 =	vld [tilespmem:s22+$0x20]  }
0x225: {  	s31 =	sadd.s32 $0x400, s31;
	v29 =	vadd.s32 v7, v29;
	v16 =	vadd.f32 v16, v24;
	v24 =	vand.u32 $0xFF, v15;
	[tilespmem:s26+$0xFFFFFFD0] =	vst v22;
	v22 =	vld.idx.msk [tilespmem:v38+s10+$0x0], $0xffff  }
0x226: {  	v32 =	vadd.s32 v7, v32;
	v15 =	vmovc v19;
	v28 =	vmul.f32 v28, v12;
	v12 =	vmul.f32 v31, v12;
	v31 =	vld [tilespmem:s25+$0xFFFFFFE0]  }
0x227: {  	v25 =	vadd.s32 v6, v25;
	v19 =	vadd.f32 v27, v37;
	v37 =	vsub.f32 $1.000000000e+00, v20;
	v27 =	vld [tilespmem:s22+$0xFFFFFFE0]  }
0x228: {  	v28 =	vadd.f32 v30, v28;
	v12 =	vadd.f32 v14, v12;
	v14 =	vmul.f32 v26, v20;
	v26 =	vld.idx.msk [tilespmem:v34+s10+$0x0], $0xffff  }
0x229: {  	v16 =	vmul.f32 v16, v4;
	v19 =	vmul.f32 v19, v5;
	v30 =	vadd.s32 v33, v35;
	v34 =	vld.idx.msk [tilespmem:v36+s10+$0x0], $0xffff  }
0x22a: {  	v12 =	vmul.f32 v12, v5;
	v36 =	vsub.f32 $1.000000000e+00, v21;
	v35 =	vadd.s32 v6, v30;
	v29 =	vld.idx.msk [tilespmem:v29+s10+$0x0], $0xffff  }
0x22b: {  	v16 =	vadd.f32 v19, v16;
	v28 =	vmul.f32 v28, v4;
	v19 =	vadd.s32 v7, v30;
	v30 =	vld.idx.msk [tilespmem:v32+s10+$0x0], $0xffff  }
0x22c: {  	s28 =	sadd.s32 $0x80, s28;
	v23 =	vmul.f32 v23, v20;
	v31 =	vadd.s32 v24, v31;
	v24 =	vadd.s32 v24, v27;
	v25 =	vld.idx.msk [tilespmem:v25+s10+$0x0], $0xffff  }
0x22d: {  	v16 =	vmul.f32 $3.921568860e-03, v16;
	v12 =	vadd.f32 v12, v28;
	v27 =	vadd.s32 v33, v40;
	v20 =	vld [tilespmem:s28+$0x0]  }
0x22e: {  	v22 =	vmul.f32 v22, v37;
	v28 =	vadd.s32 v7, v24;
	v26 =	vmul.f32 v26, v36;
	v32 =	vld [tilespmem:s21+$0x20]  }
0x22f: {  	v12 =	vmul.f32 $3.921568860e-03, v12;
	v34 =	vmul.f32 v34, v21;
	v33 =	vld.idx.msk [tilespmem:v35+s10+$0x0], $0xffff  }
0x230: {  	v16 =	vmul.f32 $2.550000000e+02, v16;
	v35 =	vadd.s32 v6, v31;
	v29 =	vmul.f32 v29, v36;
	v19 =	vld.idx.msk [tilespmem:v19+s10+$0x0], $0xffff  }
0x231: {  	s8 =	sadd.s32 $0x20, s8;
	v36 =	vmul.f32 $2.550000000e+02, v12;
	v21 =	vmul.f32 v30, v21;
	v26 =	vadd.f32 v34, v26;
	v38 =	vld [tilespmem:s21+$0xFFFFFFE0]  }
0x232: {  	v14 =	vadd.f32 v14, v22;
	v24 =	vadd.s32 v6, v24;
	v22 =	vmul.f32 v25, v37;
	v12 =	vld [tilespmem:s8+$0x0]  }
0x233: {  	v25 =	vadd.s32 v7, v31;
	[tilespmem:s31+$0x0] =	vst v16;
	v28 =	vld.idx.msk [tilespmem:v28+s10+$0x0], $0xffff;
	v37 =	vsub.f32 $1.000000000e+00, v32;
	v16 =	vadd.f32 v21, v29  }
0x234: {  	v14 =	vmul.f32 v14, v4;
	v22 =	vadd.f32 v23, v22;
	v23 =	vmul.f32 v26, v5;
	v21 =	vld [tilespmem:s23+$0x10]  }
0x235: {  	v29 =	vadd.s32 v7, v27;
	v39 =	vmul.f32 v33, v32;
	v26 =	vld [tilespmem:s24+$0x10];
	v16 =	vmul.f32 v16, v4  }
0x236: {  	v19 =	vmul.f32 v19, v32;
	v22 =	vmul.f32 v22, v5;
	[tilespmem:s31+$0xFFFFFFC0] =	vst v36;
	v30 =	vld.idx.msk [tilespmem:v35+s10+$0x0], $0xffff  }
0x237: {  	v27 =	vadd.s32 v6, v27;
	v31 =	vshrl.u32 v12, $0x8;
	v24 =	vld.idx.msk [tilespmem:v24+s10+$0x0], $0xffff;
	v23 =	vadd.f32 v23, v16  }
0x238: {  	v16 =	vshrl.u32 v12, $0x10;
	v14 =	vadd.f32 v22, v14;
	v32 =	vld [tilespmem:s23+$0xFFFFFFD0]  }
0x239: {  	v33 =	vand.u32 $0xFF, v17;
	v22 =	vshrl.u32 v10, $0x8;
	v17 =	vmovc v31;
	v25 =	vld.idx.msk [tilespmem:v25+s10+$0x0], $0xffff;
	v23 =	vmul.f32 $3.921568860e-03, v23  }
0x23a: {  	v36 =	vsub.f32 $1.000000000e+00, v38;
	v35 =	vadd.s32 v33, v21;
	v14 =	vmul.f32 $3.921568860e-03, v14;
	v34 =	vld [tilespmem:s24+$0xFFFFFFD0]  }
0x23b: {  	v22 =	vand.u32 $0xFF, v22;
	v40 =	vadd.s32 v7, v35;
	v29 =	vld.idx.msk [tilespmem:v29+s10+$0x0], $0xffff;
	v21 =	vmul.f32 $2.550000000e+02, v23  }
0x23c: {  	v23 =	vadd.s32 v33, v26;
	v26 =	vmul.f32 v30, v36;
	v14 =	vmul.f32 $2.550000000e+02, v14;
	v27 =	vld.idx.msk [tilespmem:v27+s10+$0x0], $0xffff  }
0x23d: {  	v31 =	vld [tilespmem:s0+$0xFFFFFFC0];
	v30 =	vadd.s32 v22, v32;
	v32 =	vadd.s32 v7, v23;
	[tilespmem:s20+$0x30] =	vst v21  }
0x23e: {  	v28 =	vmul.f32 v28, v38;
	v33 =	vadd.s32 v6, v35;
	v21 =	vld [tilespmem:s1+$0x10];
	[tilespmem:s20+$0xFFFFFFF0] =	vst v14;
	s20 =	smov.u32 s26;
	s26 =	smov.u32 s31  }
0x23f: {  	v35 =	vadd.s32 v6, v30;
	v36 =	vmul.f32 v25, v36;
	v14 =	vld [tilespmem:s8+$0xFFFFFFF0]  }
0x240: {  	v41 =	vadd.s32 v7, v30;
	v34 =	vadd.s32 v22, v34;
	v22 =	vmul.f32 v24, v38;
	v25 =	vld.idx.msk [tilespmem:v40+s10+$0x0], $0xffff  }
.Ltmp20:
0x241: {  	v30 =	vadd.s32 v6, v23;
	v36 =	vadd.f32 v28, v36;
	v29 =	vmul.f32 v29, v37;
	v24 =	vld [tilespmem:s1+$0xFFFFFFD0];
	(pc) =	sbr.rel @p0 .LBB2_29-.Ltmp20, $4  }
0x242: {  	v27 =	vmul.f32 v27, v37;
	v28 =	vld.idx.msk [tilespmem:v32+s10+$0x0], $0xffff;
	v32 =	vadd.f32 v22, v26  }
0x243: {  	v26 =	vadd.f32 v19, v29;
	v22 =	vld.idx.msk [tilespmem:v33+s10+$0x0], $0xffff;
	v23 =	vsub.f32 $1.000000000e+00, v21;
	v33 =	vmul.f32 v36, v4  }
0x244: {  	v27 =	vadd.f32 v39, v27;
	v19 =	vshrl.u32 v14, $0x10;
	v29 =	vld.idx.msk [tilespmem:v35+s10+$0x0], $0xffff;
	v35 =	vmul.f32 v32, v5  }
0x245: {  	v32 =	vld.idx.msk [tilespmem:v41+s10+$0x0], $0xffff  }
0x246: {  	v36 =	vand.u32 $0xFF, v12  }
0x247: {  	v37 =	vand.u32 $0xFF, v14;
	v18 =	vadd.s32 v36, v18  }
0x248: {  	v38 =	vld [tilespmem:s28+$0xFFFFFFC0];
	v31 =	vadd.s32 v37, v31;
	v39 =	vadd.s32 v7, v18  }
0x249: {  	v20 =	vadd.s32 v20, v36;
	v58 =	vadd.s32 v7, v31  }
0x24a: {  	s1 =	sadd.s32 $0x80, s1;
	v30 =	vld.idx.msk [tilespmem:v30+s10+$0x0], $0xffff;
	v40 =	vadd.s32 v6, v20  }
0x24b: {  	v41 =	vld [tilespmem:s1+$0xFFFFFFC0];
	v20 =	vadd.s32 v7, v20  }
0x24c: {  	v42 =	vld [tilespmem:s1+$0x0];
	v18 =	vadd.s32 v6, v18  }
0x24d: {  	v31 =	vadd.s32 v6, v31;
	v37 =	vadd.s32 v38, v37;
	v59 =	vld.idx.msk [tilespmem:v39+s10+$0x0], $0xffff  }
0x24e: {  	v60 =	vadd.s32 v6, v37;
	v36 =	vld.idx.msk [tilespmem:v58+s10+$0x0], $0xffff  }
0x24f: {  	v37 =	vadd.s32 v7, v37;
	v40 =	vld.idx.msk [tilespmem:v40+s10+$0x0], $0xffff  }
0x250: {  	v25 =	vmul.f32 v25, v21;
	v28 =	vmul.f32 v28, v23;
	v20 =	vld.idx.msk [tilespmem:v20+s10+$0x0], $0xffff  }
0x251: {  	v18 =	vld.idx.msk [tilespmem:v18+s10+$0x0], $0xffff  }
0x252: {  	v43 =	vadd.s32 v6, v34;
	v61 =	vadd.s32 v7, v34;
	v25 =	vadd.f32 v25, v28;
	v31 =	vld.idx.msk [tilespmem:v31+s10+$0x0], $0xffff  }
0x253: {  	v56 =	vmul.f32 v22, v21;
	v53 =	vmul.f32 v30, v23;
	v44 =	vsub.f32 $1.000000000e+00, v42;
	v39 =	vld.idx.msk [tilespmem:v60+s10+$0x0], $0xffff  }
0x254: {  	v45 =	vmul.f32 v29, v24;
	v25 =	vmul.f32 v25, v4;
	v37 =	vld.idx.msk [tilespmem:v37+s10+$0x0], $0xffff  }
0x255: {  	v21 =	vadd.f32 v56, v53;
	v40 =	vmul.f32 v40, v44;
	v20 =	vmul.f32 v20, v44  }
0x256: {  	v38 =	vmul.f32 v59, v42;
	v18 =	vmul.f32 v18, v42  }
0x257: {  	v62 =	vld.idx.msk [tilespmem:v43+s10+$0x0], $0xffff;
	v63 =	vsub.f32 $1.000000000e+00, v41;
	v21 =	vmul.f32 v21, v5;
	v36 =	vmul.f32 v36, v41  }
0x258: {  	v34 =	vld.idx.msk [tilespmem:v61+s10+$0x0], $0xffff;
	v31 =	vmul.f32 v31, v41;
	v20 =	vadd.f32 v38, v20;
	v18 =	vadd.f32 v18, v40  }
0x259: {  	v21 =	vadd.f32 v21, v25;
	v37 =	vmul.f32 v37, v63;
	v43 =	vmul.f32 v39, v63  }
0x25a: {  	v44 =	vsub.f32 $1.000000000e+00, v24;
	v20 =	vmul.f32 v20, v4;
	v18 =	vmul.f32 v18, v5  }
0x25b: {  	v32 =	vmul.f32 v32, v24;
	v21 =	vmul.f32 $3.921568860e-03, v21;
	v46 =	vadd.f32 v31, v43  }
0x25c: {  	v47 =	vmul.f32 v62, v44;
	v36 =	vadd.f32 v36, v37;
	v18 =	vadd.f32 v18, v20  }
0x25d: {  	v48 =	vmul.f32 v34, v44;
	v29 =	vmul.f32 v46, v5  }
0x25e: {  	v24 =	vadd.f32 v45, v47;
	v49 =	vmul.f32 v36, v4;
	v18 =	vmul.f32 $3.921568860e-03, v18  }
0x25f: {  	v50 =	vadd.f32 v35, v33;
	v21 =	vmul.f32 $2.550000000e+02, v21;
	v20 =	vadd.f32 v32, v48  }
0x260: {  	v24 =	vmul.f32 v24, v5;
	v29 =	vadd.f32 v29, v49;
	v18 =	vmul.f32 $2.550000000e+02, v18  }
0x261: {  	s0 =	sadd.s32 $0x400, s31;
	[tilespmem:s31+$0x10] =	vst v21;
	v31 =	vmul.f32 $3.921568860e-03, v50;
	v20 =	vmul.f32 v20, v4  }
0x262: {  	v47 =	vld [tilespmem:s24+$0x20];
	v29 =	vmul.f32 $3.921568860e-03, v29;
	[tilespmem:s0+$0x0] =	vst v18  }
0x263: {  	v31 =	vmul.f32 $2.550000000e+02, v31;
	v20 =	vadd.f32 v24, v20;
	v18 =	vld [tilespmem:s29+$0x10]  }
0x264: {  	v52 =	vld [tilespmem:s28+$0x10];
	v51 =	vmul.f32 $2.550000000e+02, v29  }
0x265: {  	v46 =	vld [tilespmem:s23+$0x20];
	[tilespmem:s20+$0xFFFFFFE0] =	vst v31;
	v20 =	vmul.f32 $3.921568860e-03, v20  }
0x266: {  	v54 =	vld [tilespmem:s22+$0xFFFFFFF0];
	[tilespmem:s0+$0xFFFFFFC0] =	vst v51  }
0x267: {  	v17 =	vand.u32 $0xFF, v17;
	v20 =	vmul.f32 $2.550000000e+02, v20;
	v24 =	vld [tilespmem:s29+$0xFFFFFFD0]  }
0x268: {  	v61 =	vld [tilespmem:s1+$0x10];
	v18 =	vadd.s32 v17, v18  }
0x269: {  	[tilespmem:s26+$0xFFFFFFD0] =	vst v20;
	v58 =	vld [tilespmem:s28+$0xFFFFFFD0];
	v17 =	vadd.s32 v17, v52;
	v55 =	vadd.s32 v7, v18  }
0x26a: {  	v57 =	vshrl.u32 v14, $0x8;
	v59 =	vld [tilespmem:s24+$0xFFFFFFE0];
	v29 =	vadd.s32 v7, v17  }
0x26b: {  	v20 =	vand.u32 $0xFF, v57;
	v60 =	vld [tilespmem:s23+$0xFFFFFFE0];
	v18 =	vadd.s32 v6, v18  }
0x26c: {  	v63 =	vld [tilespmem:s1+$0xFFFFFFD0];
	v17 =	vadd.s32 v6, v17;
	v24 =	vadd.s32 v20, v24  }
0x26d: {  	v48 =	vld [tilespmem:s30+$0xFFFFFFE0];
	v62 =	vadd.s32 v6, v24  }
0x26e: {  	v26 =	vmul.f32 v26, v4;
	v20 =	vadd.s32 v20, v58;
	v24 =	vadd.s32 v7, v24;
	v31 =	vld.idx.msk [tilespmem:v55+s10+$0x0], $0xffff  }
0x26f: {  	v27 =	vmul.f32 v27, v5;
	v15 =	vand.u32 $0xFF, v15;
	v40 =	vadd.s32 v7, v20;
	v39 =	vld.idx.msk [tilespmem:v29+s10+$0x0], $0xffff  }
0x270: {  	v23 =	vadd.s32 v15, v60;
	v20 =	vadd.s32 v6, v20;
	v18 =	vld.idx.msk [tilespmem:v18+s10+$0x0], $0xffff  }
0x271: {  	v26 =	vadd.f32 v27, v26;
	v15 =	vadd.s32 v15, v59;
	v41 =	vadd.s32 v7, v23;
	v17 =	vld.idx.msk [tilespmem:v17+s10+$0x0], $0xffff  }
0x272: {  	v44 =	vadd.s32 v6, v15;
	v33 =	vld.idx.msk [tilespmem:v62+s10+$0x0], $0xffff  }
0x273: {  	v26 =	vmul.f32 $3.921568860e-03, v26;
	v15 =	vadd.s32 v7, v15;
	v24 =	vld.idx.msk [tilespmem:v24+s10+$0x0], $0xffff  }
0x274: {  	v43 =	vshrl.u32 v11, $0x18;
	v45 =	vsub.f32 $1.000000000e+00, v61;
	v23 =	vadd.s32 v6, v23;
	v42 =	vld.idx.msk [tilespmem:v40+s10+$0x0], $0xffff  }
0x275: {  	v13 =	vand.u32 $0xFF, v13;
	v30 =	vadd.s32 v43, v54;
	v57 =	vmul.f32 $2.550000000e+02, v26;
	v20 =	vld.idx.msk [tilespmem:v20+s10+$0x0], $0xffff  }
0x276: {  	v54 =	vadd.s32 v7, v30;
	v27 =	vld.idx.msk [tilespmem:v41+s10+$0x0], $0xffff;
	v31 =	vmul.f32 v31, v61;
	v25 =	vmul.f32 v39, v45  }
0x277: {  	v49 =	vsub.f32 $1.000000000e+00, v63;
	v50 =	vld.idx.msk [tilespmem:v44+s10+$0x0], $0xffff;
	v17 =	vmul.f32 v17, v45;
	v18 =	vmul.f32 v18, v61  }
0x278: {  	v59 =	vsub.f32 $1.000000000e+00, v48;
	v55 =	vadd.s32 v13, v46;
	v15 =	vld.idx.msk [tilespmem:v15+s10+$0x0], $0xffff;
	v25 =	vadd.f32 v31, v25  }
0x279: {  	v23 =	vld.idx.msk [tilespmem:v23+s10+$0x0], $0xffff;
	v51 =	vadd.f32 v18, v17;
	v24 =	vmul.f32 v24, v63;
	v22 =	vmul.f32 v33, v63  }
0x27a: {  	v62 =	vadd.s32 v13, v47;
	v52 =	vmul.f32 v20, v49;
	v53 =	vmul.f32 v42, v49  }
0x27b: {  	v39 =	vadd.s32 v6, v62;
	v25 =	vmul.f32 v25, v4;
	v56 =	vmul.f32 v51, v5  }
0x27c: {  	v38 =	vld [tilespmem:s30+$0x20];
	v31 =	vmul.f32 v50, v59;
	v27 =	vmul.f32 v27, v48;
	v17 =	vadd.f32 v22, v52  }
0x27d: {  	v11 =	vld [tilespmem:s21+$0xFFFFFFF0];
	v15 =	vmul.f32 v15, v59;
	v18 =	vadd.f32 v24, v53;
	v25 =	vadd.f32 v56, v25  }
0x27e: {  	v60 =	vld [tilespmem:s25+$0xFFFFFFF0];
	v58 =	vadd.s32 v6, v55;
	v37 =	vmul.f32 v23, v48;
	v17 =	vmul.f32 v17, v5  }
0x27f: {  	[tilespmem:s20+$0x20] =	vst v57;
	v13 =	vld.idx.msk [tilespmem:v54+s10+$0x0], $0xffff;
	v18 =	vmul.f32 v18, v4;
	v25 =	vmul.f32 $3.921568860e-03, v25  }
0x280: {  	v47 =	vld [tilespmem:s22+$0x30];
	v61 =	vadd.s32 v7, v55;
	v15 =	vadd.f32 v27, v15  }
0x281: {  	v63 =	vld [tilespmem:s25+$0x30];
	v20 =	vadd.f32 v37, v31;
	v17 =	vadd.f32 v17, v18;
	v25 =	vmul.f32 $2.550000000e+02, v25  }
0x282: {  	v35 =	vadd.s32 v7, v62;
	v26 =	vld.idx.msk [tilespmem:v39+s10+$0x0], $0xffff;
	v15 =	vmul.f32 v15, v4  }
0x283: {  	v24 =	vld.idx.msk [tilespmem:v58+s10+$0x0], $0xffff;
	v20 =	vmul.f32 v20, v5;
	v17 =	vmul.f32 $3.921568860e-03, v17;
	[tilespmem:s0+$0x10] =	vst v25  }
0x284: {  	v21 =	vadd.s32 v43, v60;
	v41 =	vld [tilespmem:s29+$0x20]  }
0x285: {  	v42 =	vadd.s32 v7, v21;
	v22 =	vld.idx.msk [tilespmem:v61+s10+$0x0], $0xffff;
	v15 =	vadd.f32 v20, v15;
	v17 =	vmul.f32 $2.550000000e+02, v17  }
0x286: {  	v46 =	vld [tilespmem:s28+$0x20]  }
0x287: {  	v18 =	vld.idx.msk [tilespmem:v35+s10+$0x0], $0xffff;
	v15 =	vmul.f32 $3.921568860e-03, v15;
	[tilespmem:s0+$0xFFFFFFD0] =	vst v17  }
0x288: {  	v16 =	vand.u32 $0xFF, v16;
	v45 =	vsub.f32 $1.000000000e+00, v38;
	v17 =	vld [tilespmem:s29+$0xFFFFFFE0]  }
0x289: {  	v15 =	vmul.f32 $2.550000000e+02, v15;
	v43 =	vld [tilespmem:s28+$0xFFFFFFE0];
	v27 =	vadd.s32 v16, v41  }
0x28a: {  	v19 =	vand.u32 $0xFF, v19;
	v28 =	vld.idx.msk [tilespmem:v42+s10+$0x0], $0xffff;
	v50 =	vmul.f32 v26, v45;
	v44 =	vadd.s32 v6, v27  }
0x28b: {  	v24 =	vmul.f32 v24, v38;
	v53 =	vld [tilespmem:s1+$0x20];
	[tilespmem:s26+$0xFFFFFFE0] =	vst v15;
	v16 =	vadd.s32 v16, v46;
	v55 =	vadd.s32 v7, v27  }
0x28c: {  	v22 =	vmul.f32 v22, v38;
	v18 =	vmul.f32 v18, v45;
	v51 =	vld [tilespmem:s24+$0xFFFFFFF0];
	v57 =	vadd.s32 v7, v16  }
0x28d: {  	v20 =	vadd.f32 v24, v50;
	v56 =	vld [tilespmem:s1+$0xFFFFFFE0];
	v16 =	vadd.s32 v6, v16;
	v17 =	vadd.s32 v19, v17  }
0x28e: {  	v18 =	vadd.f32 v22, v18;
	v62 =	vld [tilespmem:s23+$0xFFFFFFF0];
	v48 =	vadd.s32 v19, v43;
	v49 =	vadd.s32 v7, v17  }
0x28f: {  	v52 =	vadd.s32 v6, v48;
	v54 =	vld.idx.msk [tilespmem:v44+s10+$0x0], $0xffff  }
0x290: {  	v20 =	vmul.f32 v20, v5;
	v18 =	vmul.f32 v18, v4;
	v17 =	vadd.s32 v6, v17;
	v24 =	vld.idx.msk [tilespmem:v55+s10+$0x0], $0xffff  }
0x291: {  	v15 =	vadd.s32 v7, v48;
	v29 =	vld.idx.msk [tilespmem:v57+s10+$0x0], $0xffff  }
0x292: {  	v40 =	vadd.s32 v6, v30;
	v18 =	vadd.f32 v20, v18;
	v16 =	vld.idx.msk [tilespmem:v16+s10+$0x0], $0xffff  }
0x293: {  	v8 =	vshrl.u32 v8, $0x18;
	v21 =	vadd.s32 v6, v21;
	v19 =	vld.idx.msk [tilespmem:v49+s10+$0x0], $0xffff  }
0x294: {  	v58 =	vadd.s32 v8, v63;
	v8 =	vadd.s32 v8, v47;
	v18 =	vmul.f32 $3.921568860e-03, v18;
	v26 =	vld.idx.msk [tilespmem:v52+s10+$0x0], $0xffff  }
0x295: {  	v60 =	vadd.s32 v6, v8;
	v36 =	vsub.f32 $1.000000000e+00, v53;
	v17 =	vld.idx.msk [tilespmem:v17+s10+$0x0], $0xffff  }
0x296: {  	v10 =	vshrl.u32 v10, $0x18;
	v8 =	vadd.s32 v7, v8;
	v18 =	vmul.f32 $2.550000000e+02, v18;
	v15 =	vld.idx.msk [tilespmem:v15+s10+$0x0], $0xffff  }
0x297: {  	v31 =	vadd.s32 v7, v58;
	v25 =	vld.idx.msk [tilespmem:v40+s10+$0x0], $0xffff;
	v38 =	vmul.f32 v24, v53;
	v40 =	vmul.f32 v29, v36  }
0x298: {  	v21 =	vld.idx.msk [tilespmem:v21+s10+$0x0], $0xffff;
	v61 =	vsub.f32 $1.000000000e+00, v56;
	v22 =	vmul.f32 v54, v53;
	v16 =	vmul.f32 v16, v36  }
0x299: {  	v37 =	vld [tilespmem:s21+$0x30];
	v59 =	vadd.s32 v6, v58;
	v23 =	vadd.s32 v10, v51;
	[tilespmem:s26+$0x20] =	vst v18;
	v18 =	vadd.f32 v38, v40  }
0x29a: {  	v63 =	vld.idx.msk [tilespmem:v60+s10+$0x0], $0xffff;
	v16 =	vadd.f32 v22, v16;
	v26 =	vmul.f32 v26, v61;
	v19 =	vmul.f32 v19, v56  }
0x29b: {  	v8 =	vld.idx.msk [tilespmem:v8+s10+$0x0], $0xffff;
	v10 =	vadd.s32 v10, v62;
	v15 =	vmul.f32 v15, v61;
	v17 =	vmul.f32 v17, v56  }
0x29c: {  	v41 =	vld.idx.msk [tilespmem:v31+s10+$0x0], $0xffff;
	v42 =	vadd.s32 v7, v10;
	v18 =	vmul.f32 v18, v4;
	v16 =	vmul.f32 v16, v5  }
0x29d: {  	v10 =	vadd.s32 v6, v10;
	v39 =	vld [tilespmem:s24+$0x30];
	v15 =	vadd.f32 v19, v15  }
0x29e: {  	v20 =	vld.idx.msk [tilespmem:v59+s10+$0x0], $0xffff;
	v43 =	vadd.s32 v7, v23;
	v17 =	vadd.f32 v17, v26;
	v16 =	vadd.f32 v16, v18  }
0x29f: {  	v23 =	vadd.s32 v6, v23;
	v44 =	vld [tilespmem:s23+$0x30];
	v15 =	vmul.f32 v15, v4  }
0x2a0: {  	v30 =	vld [tilespmem:s30+$0x30];
	v17 =	vmul.f32 v17, v5;
	v16 =	vmul.f32 $3.921568860e-03, v16  }
0x2a1: {  	v9 =	vshrl.u32 v9, $0x18;
	v46 =	vld.idx.msk [tilespmem:v42+s10+$0x0], $0xffff  }
0x2a2: {  	v10 =	vld.idx.msk [tilespmem:v10+s10+$0x0], $0xffff;
	v19 =	vadd.s32 v9, v39;
	v15 =	vadd.f32 v17, v15;
	v16 =	vmul.f32 $2.550000000e+02, v16  }
0x2a3: {  	v47 =	vld.idx.msk [tilespmem:v43+s10+$0x0], $0xffff;
	v45 =	vadd.s32 v6, v19  }
0x2a4: {  	v23 =	vld.idx.msk [tilespmem:v23+s10+$0x0], $0xffff;
	v9 =	vadd.s32 v9, v44;
	v15 =	vmul.f32 $3.921568860e-03, v15;
	[tilespmem:s0+$0x20] =	vst v16  }
0x2a5: {  	v49 =	vadd.s32 v6, v9;
	v56 =	vld [tilespmem:s28+$0x30]  }
0x2a6: {  	v58 =	vld [tilespmem:s29+$0x30];
	v15 =	vmul.f32 $2.550000000e+02, v15  }
0x2a7: {  	v13 =	vmul.f32 v13, v11;
	v8 =	vmul.f32 v8, v37;
	v24 =	vld [tilespmem:s30+$0xFFFFFFF0];
	v19 =	vadd.s32 v7, v19  }
0x2a8: {  	v51 =	vsub.f32 $1.000000000e+00, v37;
	v48 =	vsub.f32 $1.000000000e+00, v11;
	v9 =	vadd.s32 v7, v9;
	v31 =	vld.idx.msk [tilespmem:v45+s10+$0x0], $0xffff;
	[tilespmem:s0+$0xFFFFFFE0] =	vst v15  }
0x2a9: {  	v62 =	vshrl.u32 v12, $0x18;
	v11 =	vmul.f32 v25, v11;
	v55 =	vmul.f32 v63, v37;
	v50 =	vld [tilespmem:s29+$0xFFFFFFF0]  }
0x2aa: {  	v57 =	vshrl.u32 v14, $0x18;
	v52 =	vmul.f32 v28, v48;
	v59 =	vld.idx.msk [tilespmem:v49+s10+$0x0], $0xffff;
	v33 =	vadd.s32 v62, v56  }
0x2ab: {  	v26 =	vmul.f32 v41, v51;
	v53 =	vld [tilespmem:s28+$0xFFFFFFF0];
	v12 =	vadd.s32 v62, v58;
	v35 =	vadd.s32 v6, v33  }
0x2ac: {  	v54 =	vmul.f32 v20, v51;
	v42 =	vsub.f32 $1.000000000e+00, v30;
	v19 =	vld.idx.msk [tilespmem:v19+s10+$0x0], $0xffff;
	v37 =	vadd.s32 v6, v12  }
0x2ad: {  	v40 =	vsub.f32 $1.000000000e+00, v24;
	v8 =	vadd.f32 v8, v26;
	v9 =	vld.idx.msk [tilespmem:v9+s10+$0x0], $0xffff;
	v39 =	vadd.s32 v7, v33  }
0x2ae: {  	v10 =	vmul.f32 v10, v24;
	v36 =	vld [tilespmem:s1+$0x30];
	v41 =	vadd.s32 v7, v12;
	v60 =	vadd.s32 v57, v50  }
0x2af: {  	v44 =	vmul.f32 v46, v24;
	v8 =	vmul.f32 v8, v4;
	v34 =	vld [tilespmem:s1+$0xFFFFFFF0];
	v61 =	vadd.s32 v7, v60  }
0x2b0: {  	v16 =	vadd.f32 v55, v54;
	v14 =	vadd.s32 v57, v53;
	v22 =	vadd.s32 v6, v60;
	v46 =	vld.idx.msk [tilespmem:v35+s10+$0x0], $0xffff  }
0x2b1: {  	v45 =	vmul.f32 v47, v40;
	v15 =	vmul.f32 v21, v48;
	v63 =	vadd.s32 v7, v14;
	v48 =	vld.idx.msk [tilespmem:v37+s10+$0x0], $0xffff  }
0x2b2: {  	v49 =	vmul.f32 v23, v40;
	v16 =	vmul.f32 v16, v5;
	v43 =	vadd.s32 v6, v14;
	v21 =	vld.idx.msk [tilespmem:v39+s10+$0x0], $0xffff  }
0x2b3: {  	v13 =	vadd.f32 v13, v52;
	v47 =	vmul.f32 v31, v42;
	v20 =	vmul.f32 v59, v30;
	v7 =	vld.idx.msk [tilespmem:v41+s10+$0x0], $0xffff  }
0x2b4: {  	v10 =	vadd.f32 v10, v49;
	v9 =	vmul.f32 v9, v30;
	v12 =	vmul.f32 v19, v42;
	v38 =	vld.idx.msk [tilespmem:v61+s10+$0x0], $0xffff  }
0x2b5: {  	v13 =	vmul.f32 v13, v4;
	v8 =	vadd.f32 v16, v8;
	v11 =	vadd.f32 v11, v15;
	v22 =	vld.idx.msk [tilespmem:v22+s10+$0x0], $0xffff  }
0x2b6: {  	v10 =	vmul.f32 v10, v5;
	v18 =	vadd.f32 v20, v47;
	v9 =	vadd.f32 v9, v12;
	v25 =	vld.idx.msk [tilespmem:v63+s10+$0x0], $0xffff  }
0x2b7: {  	v8 =	vmul.f32 $3.921568860e-03, v8;
	v11 =	vmul.f32 v11, v5;
	v50 =	vsub.f32 $1.000000000e+00, v36;
	v6 =	vld.idx.msk [tilespmem:v43+s10+$0x0], $0xffff  }
0x2b8: {  	v18 =	vmul.f32 v18, v5;
	v9 =	vmul.f32 v9, v4  }
0x2b9: {  	v17 =	vmul.f32 v46, v50;
	v53 =	vmul.f32 v48, v36  }
0x2ba: {  	v52 =	vsub.f32 $1.000000000e+00, v34;
	v54 =	vmul.f32 v21, v50;
	v7 =	vmul.f32 v7, v36  }
0x2bb: {  	v11 =	vadd.f32 v11, v13;
	v16 =	vmul.f32 v38, v34;
	v51 =	vmul.f32 v22, v34  }
0x2bc: {  	v13 =	vadd.f32 v44, v45;
	v55 =	vmul.f32 v25, v52;
	v6 =	vmul.f32 v6, v52  }
0x2bd: {  	v11 =	vmul.f32 $3.921568860e-03, v11;
	v56 =	vadd.f32 v53, v17;
	v7 =	vadd.f32 v7, v54  }
0x2be: {  	v13 =	vmul.f32 v13, v4;
	v57 =	vadd.f32 v16, v55;
	v6 =	vadd.f32 v51, v6  }
0x2bf: {  	v9 =	vadd.f32 v18, v9;
	v58 =	vmul.f32 v56, v5;
	v7 =	vmul.f32 v7, v4  }
0x2c0: {  	v10 =	vadd.f32 v10, v13;
	v4 =	vmul.f32 v57, v4;
	v5 =	vmul.f32 v6, v5  }
0x2c1: {  	v59 =	vmul.f32 $2.550000000e+02, v8;
	v60 =	vmul.f32 $3.921568860e-03, v9;
	v7 =	vadd.f32 v58, v7  }
0x2c2: {  	s19 =	sadd.s32 $0x1, s19;
	v61 =	vmul.f32 $2.550000000e+02, v11;
	v10 =	vmul.f32 $3.921568860e-03, v10;
	v4 =	vadd.f32 v5, v4  }
0x2c3: {  	p0 =	sne.s32 s19, $0x20;
	[tilespmem:s20+$0x30] =	vst v59;
	v62 =	vmul.f32 $3.921568860e-03, v7;
	v5 =	vmul.f32 $2.550000000e+02, v60  }
.Ltmp21:
0x2c4: {  	[tilespmem:s20+$0xFFFFFFF0] =	vst v61;
	v63 =	vmul.f32 $2.550000000e+02, v10;
	v4 =	vmul.f32 $3.921568860e-03, v4;
	(pc) =	sbr.rel @p0 .LBB2_28-.Ltmp21, $4  }
0x2c5: {  	[tilespmem:s26+$0x30] =	vst v5;
	v5 =	vmul.f32 $2.550000000e+02, v62  }
0x2c6: {  	[tilespmem:s26+$0xFFFFFFF0] =	vst v63;
	v4 =	vmul.f32 $2.550000000e+02, v4  }
0x2c7: {  	[tilespmem:s0+$0x30] =	vst v5  }
0x2c8: {  	s18 =	sadd.s32 $0x80, s18;
	s17 =	sadd.s32 $0x200, s17;
	s16 =	sadd.s32 $0x1, s16;
	[tilespmem:s0+$0xFFFFFFF0] =	vst v4  }
0x2c9: {  	s0 =	sshll.u32 s13, $0xE  }
0x2ca: {  	s13 =	sadd.s32 $0x1, s13;
	s0 =	sadd.s32 s5, s0  }
0x2cb: {  	p0 =	sne.s32 s13, $0x10;
	s0 =	sshrl.u32 s0, $0x3  }
.Ltmp22:
0x2cc: {  	s1 =	sadd.s32 s3, s0;
	s0 =	simm.s32 $0x0;
	(pc) =	sbr.rel @p0 .LBB2_27-.Ltmp22, $4  }
0x2cd: {  	[hbm4b:s1+s0] =	stream.linear.scatter [tilespmem:s11], [sflag:$0x1], $0x4000, $0x38;
	[tilespmem:$0x1D700] =	vst v63  }
0x2ce: {  	_ =	swait.ge [sflag:s9], $0x4000  }
0x2cf: {  	[sflag:s9] =	ssyncset.done $0x0  }
0x2d0: {  	s14 =	sadd.s32 $0x1000, s14;
	[sflag:s9] =	ssyncadd.s32 $0xFFFFC000  }
0x2d1: {  	s1 =	simm.s32 $0x0  }
.LBB2_33:
0x2d2: {  	s12 =	sshll.u32 s1, $0xE  }
0x2d3: {  	s8 =	sadd.s32 s6, s12  }
0x2d4: {  	s8 =	sshrl.u32 s8, $0x3  }
0x2d5: {  	s24 =	simm.s32 $0x0;
	s14 =	sand.u32 $0xC00, s0;
	s8 =	sadd.s32 s2, s8  }
0x2d6: {  	[tilespmem:s0], [sflag:$0x1] =	stream.linear.gather [hbm4b:s8+s0], $0x4000, $0x38;
	[tilespmem:$0x1D700] =	vst v63  }
0x2d7: {  	s13 =	simm.s32 $0x0;
	s8 =	sand.u32 $0x3000, s24;
	_ =	swait.ge [sflag:s9], $0x4000  }
0x2d8: {  	s16 =	sand.u32 $0x380, s13;
	s14 =	sor.u32 s14, s8;
	[sflag:s9] =	ssyncset.done $0x0  }
0x2d9: {  	s14 =	sor.u32 s16, s14;
	[sflag:s9] =	ssyncadd.s32 $0xFFFFC000  }
0x2da: {  	v4 =	vld [tilespmem:s14+$0x70]  }
0x2db: {  	s25 =	simm.s32 $0x0;
	v5 =	vld [tilespmem:s14+$0x40]  }
0x2dc: {  	s15 =	sand.u32 $0x6, s25;
	v6 =	vld [tilespmem:s14+$0x50]  }
0x2dd: {  	v7 =	vld [tilespmem:s14+$0x60];
	s14 =	sshll.u32 s15, $0x9  }
0x2de: {  	s8 =	sor.u32 s14, s8  }
0x2df: {  	s8 =	sor.u32 s16, s8  }
0x2e0: {  	v8 =	vld [tilespmem:s8+$0x10]  }
0x2e1: {  	v9 =	vld [tilespmem:s8+$0x0]  }
0x2e2: {  	v10 =	vld [tilespmem:s8+$0x20];
	v4 =	vmul.f32 $3.921568860e-03, v4  }
0x2e3: {  	v5 =	vmul.f32 $3.921568860e-03, v5;
	v6 =	vmul.f32 $3.921568860e-03, v6  }
0x2e4: {  	v7 =	vmul.f32 $3.921568860e-03, v7;
	v4 =	vmul.f32 $2.560000000e+02, v4  }
0x2e5: {  	v5 =	vmul.f32 $2.560000000e+02, v5;
	v6 =	vmul.f32 $2.560000000e+02, v6  }
0x2e6: {  	v7 =	vmul.f32 $2.560000000e+02, v7;
	v8 =	vmul.f32 $3.921568860e-03, v8  }
0x2e7: {  	v9 =	vmul.f32 $3.921568860e-03, v9;
	v10 =	vmul.f32 $3.921568860e-03, v10  }
0x2e8: {  	v4 =	vtrunc.f32 v4;
	v5 =	vtrunc.f32 v5  }
0x2e9: {  	v6 =	vtrunc.f32 v6;
	v7 =	vtrunc.f32 v7  }
0x2ea: {  	v6 =	vcvt.f32.s32 v6;
	v4 =	vcvt.f32.s32 v4  }
0x2eb: {  	v5 =	vcvt.f32.s32 v5;
	v7 =	vcvt.f32.s32 v7  }
0x2ec: {  	v8 =	vmul.f32 $2.560000000e+02, v8;
	v10 =	vmul.f32 $2.560000000e+02, v10  }
0x2ed: {  	vm0 =	vgt.s32 v6, $0x0;
	vm1 =	vgt.s32 v5, $0x0;
	vm2 =	vgt.s32 v4, $0x0  }
0x2ee: {  	s26 =	simm.s32 $0x400;
	s28 =	simm.s32 $0x80;
	v11 =	vld [tilespmem:s8+$0x30];
	vm7 =	vgt.s32 v7, $0x0;
	v8 =	vtrunc.f32 v8;
	v10 =	vtrunc.f32 v10  }
0x2ef: {  	s29 =	sand.u32 $0xC00, s26;
	s17 =	sand.u32 $0x3000, s28;
	s8 =	simm.s32 $0x20;
	v6 =	vnsel vm0, $0x0, v6;
	v4 =	vnsel vm2, $0x0, v4;
	v5 =	vnsel vm1, $0x0, v5  }
0x2f0: {  	s14 =	sor.u32 s29, s17;
	s18 =	sand.u32 $0x380, s8;
	v7 =	vnsel vm7, $0x0, v7;
	v8 =	vcvt.f32.s32 v8;
	v10 =	vcvt.f32.s32 v10  }
0x2f1: {  	s14 =	sor.u32 s18, s14;
	v6 =	vmin.u32 v6, $0xFF;
	v5 =	vmin.u32 v5, $0xFF;
	v7 =	vmin.u32 v7, $0xFF  }
0x2f2: {  	v12 =	vld [tilespmem:s14+$0x60];
	v4 =	vmin.u32 v4, $0xFF;
	v6 =	vshll.u32 v6, $0x8;
	v7 =	vshll.u32 v7, $0x10  }
0x2f3: {  	v13 =	vld [tilespmem:s14+$0x50];
	v5 =	vor.u32 v5, v6;
	v6 =	vmul.f32 $2.560000000e+02, v9;
	v9 =	vmul.f32 $3.921568860e-03, v11  }
0x2f4: {  	v4 =	vshll.u32 v4, $0x18;
	vm8 =	vgt.s32 v8, $0x0;
	vm10 =	vgt.s32 v10, $0x0;
	v11 =	vld [tilespmem:s14+$0x70]  }
0x2f5: {  	v10 =	vnsel vm10, $0x0, v10;
	v5 =	vor.u32 v7, v5;
	v7 =	vld [tilespmem:s14+$0x40];
	v9 =	vmul.f32 $2.560000000e+02, v9  }
0x2f6: {  	s14 =	simm.s32 $0x2;
	v6 =	vtrunc.f32 v6;
	v14 =	vor.u32 v4, v5;
	v4 =	vnsel vm8, $0x0, v8  }
0x2f7: {  	s30 =	sand.u32 $0x6, s14;
	v6 =	vcvt.f32.s32 v6;
	v4 =	vmin.u32 v4, $0xFF;
	v5 =	vtrunc.f32 v9  }
0x2f8: {  	s19 =	sshll.u32 s30, $0x9;
	v9 =	vmul.f32 $3.921568860e-03, v12;
	v4 =	vshll.u32 v4, $0x8;
	v5 =	vcvt.f32.s32 v5  }
0x2f9: {  	s17 =	sor.u32 s19, s17;
	vm9 =	vgt.s32 v6, $0x0;
	v8 =	vmul.f32 $3.921568860e-03, v11;
	v11 =	vmul.f32 $3.921568860e-03, v13  }
0x2fa: {  	s17 =	sor.u32 s18, s17;
	v13 =	vmin.u32 v10, $0xFF;
	v7 =	vmul.f32 $3.921568860e-03, v7;
	v9 =	vmul.f32 $2.560000000e+02, v9  }
0x2fb: {  	v6 =	vnsel vm9, $0x0, v6;
	v12 =	vld [tilespmem:s17+$0x10];
	v8 =	vmul.f32 $2.560000000e+02, v8;
	v11 =	vmul.f32 $2.560000000e+02, v11  }
0x2fc: {  	vm11 =	vgt.s32 v5, $0x0;
	v7 =	vmul.f32 $2.560000000e+02, v7;
	v9 =	vtrunc.f32 v9  }
0x2fd: {  	v6 =	vmin.u32 v6, $0xFF;
	v8 =	vtrunc.f32 v8;
	v10 =	vtrunc.f32 v11  }
0x2fe: {  	s12 =	sshrl.u32 s12, $0x2;
	v5 =	vnsel vm11, $0x0, v5;
	v16 =	vcvt.f32.s32 v9;
	v7 =	vtrunc.f32 v7  }
0x2ff: {  	s31 =	sand.u32 $0x180, s0;
	s13 =	sand.u32 $0x3FFFFF80, s13;
	s12 =	sadd.s32 $0x8000, s12;
	v4 =	vor.u32 v6, v4;
	v8 =	vcvt.f32.s32 v8;
	v11 =	vcvt.f32.s32 v10  }
0x300: {  	s13 =	sadd.s32 s13, s12;
	s18 =	sshrl.u32 s31, $0x2;
	v15 =	vcvt.f32.s32 v7;
	v10 =	vmul.f32 $3.921568860e-03, v12;
	v7 =	vshll.u32 v13, $0x10  }
0x301: {  	s18 =	sadd.s32 s18, s13;
	v9 =	vld [tilespmem:s17+$0x0];
	vm15 =	vgt.s32 v16, $0x0;
	vm13 =	vgt.s32 v11, $0x0;
	vm14 =	vgt.s32 v8, $0x0  }
0x302: {  	s15 =	sshll.u32 s15, $0x4;
	s16 =	simm.s32 $0x80;
	[tilespmem:s18+$0x10] =	vst v14;
	v6 =	vld [tilespmem:s17+$0x20];
	v14 =	vnsel vm15, $0x0, v16;
	vm12 =	vgt.s32 v15, $0x0;
	v12 =	vnsel vm13, $0x0, v11  }
0x303: {  	s13 =	sadd.s32 s15, s13;
	s15 =	sshll.u32 s30, $0x4;
	v11 =	vnsel vm14, $0x0, v8;
	v8 =	vld [tilespmem:s17+$0x30];
	s17 =	simm.s32 $0x800;
	v13 =	vnsel vm12, $0x0, v15;
	v12 =	vmin.u32 v12, $0xFF  }
.LBB2_34:
0x304: {  	s14 =	sadd.s32 $0x2, s14;
	s18 =	sand.u32 $0xC00, s17;
	v13 =	vmin.u32 v13, $0xFF;
	v14 =	vmin.u32 v14, $0xFF;
	v12 =	vshll.u32 v12, $0x8;
	s19 =	sand.u32 $0x180, s16  }
0x305: {  	s21 =	sand.u32 $0x3FFFFF80, s8;
	v11 =	vmin.u32 v11, $0xFF;
	s20 =	sshll.u32 s14, $0x6;
	s8 =	sshll.u32 s14, $0x4;
	v12 =	vor.u32 v13, v12;
	v13 =	vshll.u32 v14, $0x10  }
0x306: {  	v9 =	vmul.f32 $3.921568860e-03, v9;
	s21 =	sadd.s32 s21, s12;
	v11 =	vshll.u32 v11, $0x18;
	s19 =	sshrl.u32 s19, $0x2;
	s20 =	sand.u32 $0x3000, s20;
	v12 =	vor.u32 v13, v12  }
0x307: {  	v10 =	vmul.f32 $2.560000000e+02, v10;
	v6 =	vmul.f32 $3.921568860e-03, v6;
	s22 =	sand.u32 $0x380, s8;
	s19 =	sadd.s32 s19, s21;
	s18 =	sor.u32 s18, s20;
	v11 =	vor.u32 v11, v12  }
0x308: {  	v8 =	vmul.f32 $3.921568860e-03, v8;
	v5 =	vmin.u32 v5, $0xFF;
	s23 =	sand.u32 $0x6, s14;
	v9 =	vmul.f32 $2.560000000e+02, v9;
	s21 =	sadd.s32 s15, s21;
	s18 =	sor.u32 s22, s18;
	[tilespmem:s19+$0x10] =	vst v11  }
0x309: {  	v4 =	vor.u32 v7, v4;
	p0 =	slt.u32 s14, $0xFE;
	s15 =	sshll.u32 s23, $0x4;
	v10 =	vtrunc.f32 v10;
	v6 =	vmul.f32 $2.560000000e+02, v6;
	s19 =	sshll.u32 s23, $0x9;
	v11 =	vld [tilespmem:s18+$0x70]  }
0x30a: {  	v5 =	vshll.u32 v5, $0x18;
	v8 =	vmul.f32 $2.560000000e+02, v8;
	v10 =	vcvt.f32.s32 v10;
	s19 =	sor.u32 s19, s20;
	v7 =	vld [tilespmem:s18+$0x40]  }
0x30b: {  	v4 =	vor.u32 v5, v4;
	v9 =	vtrunc.f32 v9;
	v6 =	vtrunc.f32 v6;
	s19 =	sor.u32 s22, s19;
	v12 =	vld [tilespmem:s18+$0x60]  }
0x30c: {  	v13 =	vcvt.f32.s32 v9;
	vm0 =	vgt.s32 v10, $0x0;
	v14 =	vcvt.f32.s32 v6;
	v5 =	vld [tilespmem:s18+$0x50];
	[tilespmem:s13+$0x0] =	vst v4;
	s13 =	smov.u32 s21  }
0x30d: {  	v6 =	vtrunc.f32 v8;
	v4 =	vnsel vm0, $0x0, v10;
	v15 =	vld [tilespmem:s19+$0x10]  }
0x30e: {  	vm1 =	vgt.s32 v14, $0x0;
	vm0 =	vgt.s32 v13, $0x0;
	v10 =	vcvt.f32.s32 v6;
	v9 =	vld [tilespmem:s19+$0x0]  }
0x30f: {  	v13 =	vnsel vm0, $0x0, v13;
	v4 =	vmin.u32 v4, $0xFF;
	v11 =	vmul.f32 $3.921568860e-03, v11;
	v6 =	vld [tilespmem:s19+$0x20]  }
0x310: {  	v14 =	vnsel vm1, $0x0, v14;
	v7 =	vmul.f32 $3.921568860e-03, v7;
	v8 =	vld [tilespmem:s19+$0x30];
	v12 =	vmul.f32 $3.921568860e-03, v12  }
0x311: {  	vm0 =	vgt.s32 v10, $0x0;
	v11 =	vmul.f32 $2.560000000e+02, v11;
	v5 =	vmul.f32 $3.921568860e-03, v5  }
0x312: {  	v4 =	vshll.u32 v4, $0x8;
	v7 =	vmul.f32 $2.560000000e+02, v7;
	v12 =	vmul.f32 $2.560000000e+02, v12  }
0x313: {  	v13 =	vmin.u32 v13, $0xFF;
	v11 =	vtrunc.f32 v11;
	v5 =	vmul.f32 $2.560000000e+02, v5  }
0x314: {  	v14 =	vmin.u32 v14, $0xFF;
	v7 =	vtrunc.f32 v7;
	v12 =	vtrunc.f32 v12  }
0x315: {  	v11 =	vcvt.f32.s32 v11;
	v16 =	vtrunc.f32 v5;
	v5 =	vnsel vm0, $0x0, v10  }
.Ltmp23:
0x316: {  	v4 =	vor.u32 v13, v4;
	v17 =	vcvt.f32.s32 v7;
	v16 =	vcvt.f32.s32 v16;
	(pc) =	sbr.rel @p0 .LBB2_34-.Ltmp23, $4  }
0x317: {  	v7 =	vshll.u32 v14, $0x10;
	v10 =	vmul.f32 $3.921568860e-03, v15;
	v15 =	vcvt.f32.s32 v12  }
0x318: {  	vm2 =	vgt.s32 v11, $0x0;
	vm0 =	vgt.s32 v17, $0x0;
	vm1 =	vgt.s32 v16, $0x0  }
0x319: {  	v11 =	vnsel vm2, $0x0, v11;
	v12 =	vnsel vm1, $0x0, v16;
	vm1 =	vgt.s32 v15, $0x0  }
0x31a: {  	s17 =	sadd.s32 $0x400, s17;
	s16 =	sadd.s32 $0x80, s16;
	v13 =	vnsel vm0, $0x0, v17;
	v12 =	vmin.u32 v12, $0xFF;
	v14 =	vnsel vm1, $0x0, v15  }
0x31b: {  	v13 =	vmin.u32 v13, $0xFF;
	v14 =	vmin.u32 v14, $0xFF;
	v12 =	vshll.u32 v12, $0x8  }
0x31c: {  	v9 =	vmul.f32 $3.921568860e-03, v9;
	v11 =	vmin.u32 v11, $0xFF;
	v10 =	vmul.f32 $2.560000000e+02, v10  }
0x31d: {  	v6 =	vmul.f32 $3.921568860e-03, v6;
	v8 =	vmul.f32 $3.921568860e-03, v8;
	v5 =	vmin.u32 v5, $0xFF  }
0x31e: {  	v4 =	vor.u32 v7, v4;
	v12 =	vor.u32 v13, v12;
	v9 =	vmul.f32 $2.560000000e+02, v9  }
0x31f: {  	v59 =	vshll.u32 v14, $0x10;
	v10 =	vtrunc.f32 v10;
	v6 =	vmul.f32 $2.560000000e+02, v6  }
0x320: {  	v11 =	vshll.u32 v11, $0x18;
	v60 =	vmul.f32 $2.560000000e+02, v8;
	v10 =	vcvt.f32.s32 v10  }
0x321: {  	v5 =	vshll.u32 v5, $0x18;
	v61 =	vtrunc.f32 v9;
	v6 =	vtrunc.f32 v6  }
0x322: {  	v12 =	vor.u32 v59, v12;
	v7 =	vtrunc.f32 v60;
	v8 =	vcvt.f32.s32 v61  }
0x323: {  	vm0 =	vgt.s32 v10, $0x0;
	v6 =	vcvt.f32.s32 v6;
	v7 =	vcvt.f32.s32 v7  }
0x324: {  	v4 =	vor.u32 v5, v4;
	v62 =	vnsel vm0, $0x0, v10;
	vm14 =	vgt.s32 v8, $0x0  }
0x325: {  	s1 =	sadd.s32 $0x1, s1;
	vm1 =	vgt.s32 v6, $0x0;
	v9 =	vmin.u32 v62, $0xFF;
	vm15 =	vgt.s32 v7, $0x0  }
0x326: {  	p0 =	sne.s32 s1, $0x10;
	v8 =	vnsel vm14, $0x0, v8;
	v6 =	vnsel vm1, $0x0, v6;
	v9 =	vshll.u32 v9, $0x8  }
.Ltmp24:
0x327: {  	s14 =	sand.u32 $0x180, s16;
	s8 =	sand.u32 $0x3FFFFF80, s8;
	v7 =	vnsel vm15, $0x0, v7;
	v8 =	vmin.u32 v8, $0xFF;
	v6 =	vmin.u32 v6, $0xFF;
	(pc) =	sbr.rel @p0 .LBB2_33-.Ltmp24, $4  }
0x328: {  	s8 =	sadd.s32 s8, s12;
	s31 =	sshrl.u32 s14, $0x2;
	v7 =	vmin.u32 v7, $0xFF;
	v8 =	vor.u32 v8, v9;
	v6 =	vshll.u32 v6, $0x10  }
0x329: {  	s12 =	sadd.s32 s31, s8;
	v11 =	vor.u32 v11, v12;
	[tilespmem:s13+$0x0] =	vst v4;
	v63 =	vshll.u32 v7, $0x18;
	v5 =	vor.u32 v6, v8  }
0x32a: {  	s8 =	sadd.s32 s15, s8;
	[tilespmem:s12+$0x10] =	vst v11;
	v4 =	vor.u32 v63, v5  }
0x32b: {  	[tilespmem:s8+$0x0] =	vst v4  }
.Ltmp25:
0x32c: {  	(pc) =	sbr.rel .LBB2_37-.Ltmp25, $2  }
0x32d: {  	_ =	sdelay $0x2  }
0x32e: {  	s13 =	simm.s32 $0x0;
	s14 =	simm.s32 $0x8080  }
.LBB2_52:
0x32f: {  	s13 =	sadd.s32 $0x1, s13  }
0x330: {  	p0 =	sne.s32 s13, $0x8  }
.Ltmp26:
0x331: {  	_ = 	snop;
	(pc) =	sbr.rel @!p0 .LBB2_53-.Ltmp26, $2  }
0x332: {  	_ =	sdelay $0x2  }
0x333: {  	s14 =	sadd.s32 $0x2000, s14  }
.LBB2_37:
0x334: {  	s0 =	sshll.u32 s13, $0xB  }
0x335: {  	s0 =	sand.u32 $0x3FFFF800, s0  }
0x336: {  	s16 =	smov.u32 s14;
	s17 =	simm.s32 $0x0;
	s15 =	sadd.s32 $0x19100, s0  }
.LBB2_38:
0x337: {  	v4 =	vld [tilespmem:s16+$0x0];
	_ =	sdelay $0x4  }
0x338: {  	v6 =	vshrl.u32 v4, $0x8;
	v7 =	vand.u32 $0xFF, v4  }
0x339: {  	v5 =	vld [tilespmem:s16+$0xFFFFFF80];
	v7 =	vor.u32 v2, v7;
	v6 =	vand.u32 $0xFF, v6  }
0x33a: {  	v8 =	vshrl.u32 v4, $0x10;
	v6 =	vor.u32 v2, v6  }
0x33b: {  	s1 =	sadd.s32 $0x100, s16;
	v8 =	vand.u32 $0xFF, v8  }
0x33c: {  	v10 =	vld [tilespmem:s1+$0x0];
	v4 =	vshrl.u32 v4, $0x18;
	v8 =	vor.u32 v2, v8  }
0x33d: {  	s0 =	simm.s32 $0x18000;
	v9 =	vor.u32 v2, v4  }
0x33e: {  	v11 =	vand.u32 $0xFF, v5;
	v4 =	vshrl.u32 v5, $0x8;
	[tilespmem:v7+s0+$0x0] =	vst.idx.add.f32.msk $0xffff, v3  }
0x33f: {  	v12 =	vshrl.u32 v5, $0x10;
	v11 =	vor.u32 v2, v11;
	v4 =	vand.u32 $0xFF, v4;
	[tilespmem:v6+s0+$0x0] =	vst.idx.add.f32.msk $0xffff, v3  }
0x340: {  	v63 =	vor.u32 v2, v4;
	v7 =	vand.u32 $0xFF, v12;
	v6 =	vld [tilespmem:s1+$0xFFFFFF80]  }
0x341: {  	v4 =	vor.u32 v2, v7;
	v7 =	vshrl.u32 v10, $0x8;
	[tilespmem:v8+s0+$0x0] =	vst.idx.add.f32.msk $0xffff, v3;
	v8 =	vand.u32 $0xFF, v10  }
0x342: {  	v7 =	vand.u32 $0xFF, v7;
	[tilespmem:v9+s0+$0x0] =	vst.idx.add.f32.msk $0xffff, v3;
	v9 =	vshrl.u32 v10, $0x10;
	v8 =	vor.u32 v2, v8  }
0x343: {  	v7 =	vor.u32 v2, v7;
	v9 =	vand.u32 $0xFF, v9  }
0x344: {  	v5 =	vshrl.u32 v5, $0x18;
	v13 =	vshrl.u32 v10, $0x18;
	[tilespmem:v11+s0+$0x0] =	vst.idx.add.f32.msk $0xffff, v3;
	v10 =	vor.u32 v2, v9  }
0x345: {  	s8 =	simm.s32 $0x2;
	s12 =	sadd.s32 $0x100, s1;
	v5 =	vor.u32 v2, v5;
	s1 =	simm.s32 $0x18000;
	[tilespmem:v63+s0+$0x0] =	vst.idx.add.f32.msk $0xffff, v3;
	v9 =	vor.u32 v2, v13  }
.LBB2_39:
0x346: {  	v11 =	vld [tilespmem:s12+$0x0];
	v12 =	vshrl.u32 v6, $0x8;
	v13 =	vshrl.u32 v6, $0x10;
	v14 =	vshrl.u32 v6, $0x18  }
0x347: {  	v6 =	vand.u32 $0xFF, v6;
	v12 =	vand.u32 $0xFF, v12;
	v13 =	vand.u32 $0xFF, v13;
	[tilespmem:v8+s0+$0x0] =	vst.idx.add.f32.msk $0xffff, v3  }
0x348: {  	s8 =	sadd.s32 $0x2, s8;
	v12 =	vor.u32 v2, v12;
	v13 =	vor.u32 v2, v13;
	[tilespmem:v7+s0+$0x0] =	vst.idx.add.f32.msk $0xffff, v3  }
0x349: {  	p0 =	slt.u32 s8, $0x3E;
	v15 =	vor.u32 v2, v6;
	v14 =	vor.u32 v2, v14;
	[tilespmem:v10+s0+$0x0] =	vst.idx.add.f32.msk $0xffff, v3  }
0x34a: {  	[tilespmem:v9+s0+$0x0] =	vst.idx.add.f32.msk $0xffff, v3  }
.Ltmp27:
0x34b: {  	v6 =	vld [tilespmem:s12+$0xFFFFFF80];
	v7 =	vshrl.u32 v11, $0x8;
	v8 =	vand.u32 $0xFF, v11;
	(pc) =	sbr.rel @p0 .LBB2_39-.Ltmp27, $4  }
0x34c: {  	v9 =	vshrl.u32 v11, $0x10;
	v8 =	vor.u32 v2, v8;
	v7 =	vand.u32 $0xFF, v7;
	[tilespmem:v4+s1+$0x0] =	vst.idx.add.f32.msk $0xffff, v3;
	v4 =	vmovc v13  }
0x34d: {  	v9 =	vand.u32 $0xFF, v9;
	v7 =	vor.u32 v2, v7;
	[tilespmem:v5+s1+$0x0] =	vst.idx.add.f32.msk $0xffff, v3;
	v5 =	vmov v14;
	s1 =	smov.u32 s0  }
0x34e: {  	v11 =	vshrl.u32 v11, $0x18;
	v10 =	vor.u32 v2, v9;
	[tilespmem:v15+s1+$0x0] =	vst.idx.add.f32.msk $0xffff, v3  }
0x34f: {  	s12 =	sadd.s32 $0x100, s12;
	v9 =	vor.u32 v2, v11;
	[tilespmem:v12+s1+$0x0] =	vst.idx.add.f32.msk $0xffff, v3  }
0x350: {  	_ =	sdelay $0x2  }
0x351: {  	s8 =	simm.s32 $0x18000  }
0x352: {  	v11 =	vshrl.u32 v6, $0x8;
	v12 =	vand.u32 $0xFF, v6;
	[tilespmem:v8+s8+$0x0] =	vst.idx.add.f32.msk $0xffff, v3  }
0x353: {  	v8 =	vshrl.u32 v6, $0x10;
	v11 =	vand.u32 $0xFF, v11;
	[tilespmem:v7+s8+$0x0] =	vst.idx.add.f32.msk $0xffff, v3;
	v7 =	vor.u32 v2, v12  }
0x354: {  	[tilespmem:v4+s1+$0x0] =	vst.idx.add.f32.msk $0xffff, v3;
	v8 =	vand.u32 $0xFF, v8;
	v11 =	vor.u32 v2, v11  }
0x355: {  	v6 =	vshrl.u32 v6, $0x18;
	[tilespmem:v5+s1+$0x0] =	vst.idx.add.f32.msk $0xffff, v3;
	v8 =	vor.u32 v2, v8  }
0x356: {  	v6 =	vor.u32 v2, v6;
	[tilespmem:v10+s8+$0x0] =	vst.idx.add.f32.msk $0xffff, v3  }
0x357: {  	p3 =	por $0x1, $0x1;
	[tilespmem:v9+s8+$0x0] =	vst.idx.add.f32.msk $0xffff, v3  }
.Ltmp28:
0x358: {  	[tilespmem:v7+s8+$0x0] =	vst.idx.add.f32.msk $0xffff, v3;
	(pc) =	sbr.rel @!p3 .LBB2_41-.Ltmp28, $4  }
0x359: {  	[tilespmem:v11+s8+$0x0] =	vst.idx.add.f32.msk $0xffff, v3  }
0x35a: {  	s19 =	simm.s32 $0x0;
	[tilespmem:v8+s8+$0x0] =	vst.idx.add.f32.msk $0xffff, v3  }
0x35b: {  	s0 =	simm.s32 $0x19000;
	s18 =	simm.s32 $0x10;
	p0 =	por $0x0, $0x0;
	[tilespmem:v6+s8+$0x0] =	vst.idx.add.f32.msk $0xffff, v3  }
0x35c: {  	v4 =	vimm.f32 $0.0e+00;
	p1 =	por $0x0, $0x0;
	p2 =	por $0x0, $0x0;
	s1 =	sand.u32 $0xF0, s19;
	v7 =	vld [tilespmem:s8+$0x0];
	[tilespmem:s8+$0x0] =	vst v1  }
0x35d: {  	v5 =	vld [tilespmem:s1+$0x18100];
	_ =	sdelay $0x1  }
0x35e: {  	v6 =	vld [tilespmem:s1+$0x18200];
	_ =	sdelay $0x1  }
0x35f: {  	v8 =	vld [tilespmem:s1+$0x18300]  }
0x360: {  	v5 =	vadd.f32 v5, v7  }
0x361: {  	v7 =	vld [tilespmem:s1+$0x18400]  }
0x362: {  	[tilespmem:s1+$0x18100] =	vst v1;
	v5 =	vadd.f32 v6, v5  }
0x363: {  	[tilespmem:s1+$0x18200] =	vst v1;
	v6 =	vld [tilespmem:s1+$0x18500]  }
0x364: {  	[tilespmem:s1+$0x18300] =	vst v1;
	v5 =	vadd.f32 v8, v5  }
0x365: {  	v10 =	vld [tilespmem:s1+$0x18600];
	[tilespmem:s1+$0x18600] =	vst v1;
	p3 =	por $0x1, $0x1  }
.Ltmp29:
0x366: {  	v9 =	vld [tilespmem:s1+$0x18800];
	[tilespmem:s1+$0x18800] =	vst v1;
	v5 =	vadd.f32 v7, v5;
	(pc) =	sbr.rel @!p3 .LBB2_43-.Ltmp29, $4  }
0x367: {  	[tilespmem:s1+$0x18400] =	vst v1  }
0x368: {  	s8 =	simm.s32 $0x18010;
	[tilespmem:s1+$0x18500] =	vst v1;
	v8 =	vld [tilespmem:s1+$0x18700];
	v5 =	vadd.f32 v6, v5  }
0x369: {  	[tilespmem:s1+$0x18700] =	vst v1;
	v7 =	vld [tilespmem:s8+$0x0]  }
0x36a: {  	s12 =	sand.u32 $0xF0, s18;
	p0 =	por $0x1, $0x1;
	[tilespmem:s8+$0x0] =	vst v1;
	s8 =	simm.s32 $0x20;
	v12 =	vadd.f32 v10, v5;
	v10 =	vld [tilespmem:s1+$0x18900]  }
0x36b: {  	v5 =	vld [tilespmem:s12+$0x18100]  }
0x36c: {  	v11 =	vld [tilespmem:s12+$0x18200]  }
0x36d: {  	v13 =	vld [tilespmem:s1+$0x18D00];
	v6 =	vadd.f32 v8, v12  }
0x36e: {  	[tilespmem:s1+$0x18900] =	vst v1;
	v8 =	vld [tilespmem:s1+$0x18A00]  }
0x36f: {  	[tilespmem:s12+$0x18100] =	vst v1;
	v14 =	vld [tilespmem:s1+$0x18E00];
	v6 =	vadd.f32 v9, v6  }
0x370: {  	[tilespmem:s12+$0x18200] =	vst v1;
	v9 =	vld [tilespmem:s1+$0x18B00]  }
0x371: {  	[tilespmem:s1+$0x18D00] =	vst v1;
	v12 =	vld [tilespmem:s12+$0x18300];
	v6 =	vadd.f32 v10, v6  }
0x372: {  	[tilespmem:s1+$0x18E00] =	vst v1;
	v10 =	vld [tilespmem:s1+$0x18C00]  }
0x373: {  	v15 =	vld [tilespmem:s1+$0x18F00];
	[tilespmem:s1+$0x18F00] =	vst v1;
	v5 =	vadd.f32 v5, v7;
	v6 =	vadd.f32 v8, v6  }
0x374: {  	[tilespmem:s1+$0x18A00] =	vst v1;
	v7 =	vld [tilespmem:s12+$0x18400]  }
0x375: {  	[tilespmem:s12+$0x18300] =	vst v1;
	v5 =	vadd.f32 v11, v5;
	v6 =	vadd.f32 v9, v6  }
0x376: {  	[tilespmem:s1+$0x18B00] =	vst v1;
	v11 =	vld [tilespmem:s12+$0x18500]  }
0x377: {  	[tilespmem:s12+$0x18400] =	vst v1;
	v5 =	vadd.f32 v12, v5;
	v6 =	vadd.f32 v10, v6  }
0x378: {  	p3 =	por $0x1, $0x1;
	[tilespmem:s1+$0x18C00] =	vst v1;
	v12 =	vld [tilespmem:s12+$0x18600]  }
.Ltmp30:
0x379: {  	[tilespmem:s12+$0x18500] =	vst v1;
	v5 =	vadd.f32 v7, v5;
	v6 =	vadd.f32 v13, v6;
	(pc) =	sbr.rel @!p3 .LBB2_45-.Ltmp30, $4  }
0x37a: {  	v8 =	vld [tilespmem:s12+$0x18700];
	[tilespmem:s12+$0x18700] =	vst v1  }
0x37b: {  	s31 =	simm.s32 $0x18020;
	[tilespmem:s12+$0x18600] =	vst v1;
	v9 =	vld [tilespmem:s12+$0x18800];
	v5 =	vadd.f32 v11, v5;
	v6 =	vadd.f32 v14, v6  }
0x37c: {  	[tilespmem:s12+$0x18800] =	vst v1;
	v7 =	vld [tilespmem:s31+$0x0]  }
0x37d: {  	p1 =	por $0x1, $0x1;
	s1 =	sand.u32 $0xF0, s8;
	s8 =	simm.s32 $0x30;
	[tilespmem:s31+$0x0] =	vst v1;
	v10 =	vld [tilespmem:s12+$0x18900];
	v12 =	vadd.f32 v12, v5;
	v5 =	vadd.f32 v15, v6  }
0x37e: {  	v6 =	vld [tilespmem:s1+$0x18100]  }
0x37f: {  	v11 =	vld [tilespmem:s12+$0x18A00]  }
0x380: {  	[tilespmem:s1+$0x18100] =	vst v1;
	v13 =	vld [tilespmem:s1+$0x18300];
	v8 =	vadd.f32 v8, v12  }
0x381: {  	[tilespmem:s12+$0x18900] =	vst v1;
	v14 =	vld [tilespmem:s1+$0x18400]  }
0x382: {  	[tilespmem:s12+$0x18A00] =	vst v1;
	v12 =	vld [tilespmem:s1+$0x18200];
	v8 =	vadd.f32 v9, v8  }
0x383: {  	[tilespmem:s1+$0x18300] =	vst v1;
	v9 =	vld [tilespmem:s12+$0x18B00]  }
0x384: {  	[tilespmem:s1+$0x18400] =	vst v1;
	v15 =	vld [tilespmem:s1+$0x18500];
	v8 =	vadd.f32 v10, v8  }
0x385: {  	[tilespmem:s1+$0x18500] =	vst v1;
	v10 =	vld [tilespmem:s12+$0x18C00];
	v6 =	vadd.f32 v6, v7  }
0x386: {  	v16 =	vld [tilespmem:s1+$0x18600];
	[tilespmem:s1+$0x18600] =	vst v1;
	v7 =	vadd.f32 v11, v8  }
0x387: {  	[tilespmem:s1+$0x18200] =	vst v1;
	v11 =	vld [tilespmem:s12+$0x18D00];
	v6 =	vadd.f32 v12, v6  }
0x388: {  	[tilespmem:s12+$0x18B00] =	vst v1;
	v7 =	vadd.f32 v9, v7  }
0x389: {  	[tilespmem:s12+$0x18C00] =	vst v1;
	v12 =	vld [tilespmem:s12+$0x18E00];
	v6 =	vadd.f32 v13, v6  }
0x38a: {  	[tilespmem:s12+$0x18D00] =	vst v1;
	v7 =	vadd.f32 v10, v7  }
0x38b: {  	p3 =	por $0x1, $0x1;
	[tilespmem:s12+$0x18E00] =	vst v1;
	v13 =	vld [tilespmem:s12+$0x18F00];
	v6 =	vadd.f32 v14, v6  }
.Ltmp31:
0x38c: {  	v8 =	vld [tilespmem:s1+$0x18700];
	[tilespmem:s1+$0x18700] =	vst v1;
	v7 =	vadd.f32 v11, v7;
	(pc) =	sbr.rel @!p3 .LBB2_47-.Ltmp31, $4  }
0x38d: {  	[tilespmem:s12+$0x18F00] =	vst v1;
	v11 =	vadd.f32 v15, v6  }
0x38e: {  	v9 =	vld [tilespmem:s1+$0x18800];
	[tilespmem:s1+$0x18800] =	vst v1;
	v10 =	vmin.f32 v5, $6.400000000e+01;
	v14 =	vadd.f32 v12, v7  }
0x38f: {  	s20 =	simm.s32 $0x18030;
	s8 =	sand.u32 $0xF0, s8;
	[tilespmem:s0+$0x0] =	vst v10;
	v6 =	vadd.f32 v10, v4;
	v10 =	vld [tilespmem:s1+$0x18900];
	v12 =	vadd.f32 v16, v11  }
0x390: {  	s21 =	simm.s32 $0x40;
	p2 =	por $0x1, $0x1;
	s12 =	simm.s32 $0x19000;
	v7 =	vld [tilespmem:s20+$0x0];
	[tilespmem:s20+$0x0] =	vst v1;
	v11 =	vadd.f32 v13, v14  }
.LBB2_48:
0x391: {  	p3 =	sne.s32 s21, $0xF0;
	v13 =	vld [tilespmem:s8+$0x18100];
	[tilespmem:s8+$0x18100] =	vst v1;
	v8 =	vadd.f32 v8, v12  }
0x392: {  	[tilespmem:s1+$0x18900] =	vst v1;
	v12 =	vld [tilespmem:s1+$0x18A00];
	v11 =	vmin.f32 v11, $6.400000000e+01  }
0x393: {  	v14 =	vld [tilespmem:s8+$0x18200];
	[tilespmem:s8+$0x18200] =	vst v1;
	v8 =	vadd.f32 v9, v8;
	v6 =	vadd.f32 v11, v6  }
0x394: {  	[tilespmem:s1+$0x18A00] =	vst v1;
	v9 =	vld [tilespmem:s1+$0x18B00]  }
0x395: {  	v15 =	vld [tilespmem:s8+$0x18300];
	[tilespmem:s8+$0x18300] =	vst v1;
	v8 =	vadd.f32 v10, v8  }
0x396: {  	v7 =	vadd.f32 v13, v7;
	[tilespmem:s1+$0x18B00] =	vst v1;
	v10 =	vld [tilespmem:s1+$0x18C00]  }
0x397: {  	v13 =	vld [tilespmem:s8+$0x18400];
	[tilespmem:s8+$0x18400] =	vst v1;
	v8 =	vadd.f32 v12, v8  }
0x398: {  	v7 =	vadd.f32 v14, v7;
	[tilespmem:s1+$0x18C00] =	vst v1;
	v12 =	vld [tilespmem:s1+$0x18D00]  }
0x399: {  	v14 =	vld [tilespmem:s8+$0x18500];
	[tilespmem:s8+$0x18500] =	vst v1;
	v8 =	vadd.f32 v9, v8  }
0x39a: {  	v7 =	vadd.f32 v15, v7;
	[tilespmem:s1+$0x18D00] =	vst v1;
	v15 =	vld [tilespmem:s1+$0x18E00]  }
0x39b: {  	v16 =	vld [tilespmem:s8+$0x18600];
	[tilespmem:s8+$0x18600] =	vst v1;
	v9 =	vadd.f32 v10, v8  }
0x39c: {  	v7 =	vadd.f32 v13, v7;
	[tilespmem:s1+$0x18E00] =	vst v1;
	v13 =	vld [tilespmem:s1+$0x18F00]  }
.Ltmp32:
0x39d: {  	v8 =	vld [tilespmem:s8+$0x18700];
	[tilespmem:s8+$0x18700] =	vst v1;
	v10 =	vadd.f32 v12, v9;
	(pc) =	sbr.rel @p3 .LBB2_48-.Ltmp32, $4  }
0x39e: {  	v12 =	vadd.f32 v14, v7;
	[tilespmem:s1+$0x18F00] =	vst v1;
	s1 =	smov.u32 s8  }
0x39f: {  	s20 =	sadd.s32 $0x10, s20;
	s12 =	sadd.s32 $0x10, s12;
	v9 =	vld [tilespmem:s1+$0x18800];
	[tilespmem:s1+$0x18800] =	vst v1;
	v14 =	vadd.f32 v15, v10  }
0x3a0: {  	v7 =	vld [tilespmem:s20+$0x0];
	v12 =	vadd.f32 v16, v12;
	[tilespmem:s12+$0x0] =	vst v11  }
0x3a1: {  	s8 =	sand.u32 $0xF0, s21;
	s21 =	sadd.s32 $0x10, s21;
	[tilespmem:s20+$0x0] =	vst v1;
	v10 =	vld [tilespmem:s1+$0x18900];
	v11 =	vadd.f32 v13, v14  }
.LBB2_49:
0x3a2: {  	v13 =	vld [tilespmem:s8+$0x18100];
	_ =	sdelay $0x1  }
0x3a3: {  	v14 =	vld [tilespmem:s8+$0x18200];
	_ =	sdelay $0x1  }
0x3a4: {  	v15 =	vld [tilespmem:s8+$0x18300]  }
0x3a5: {  	v7 =	vadd.f32 v13, v7  }
0x3a6: {  	v53 =	vld [tilespmem:s8+$0x18400]  }
0x3a7: {  	v7 =	vadd.f32 v14, v7  }
0x3a8: {  	v54 =	vld [tilespmem:s8+$0x18500]  }
0x3a9: {  	v7 =	vadd.f32 v15, v7  }
0x3aa: {  	v55 =	vld [tilespmem:s8+$0x18600]  }
0x3ab: {  	v7 =	vadd.f32 v53, v7  }
0x3ac: {  	v56 =	vld [tilespmem:s8+$0x18700]  }
0x3ad: {  	v8 =	vadd.f32 @p0 v8, v12;
	v12 =	vld @p0 [tilespmem:s1+$0x18A00];
	v7 =	vadd.f32 v54, v7  }
0x3ae: {  	v57 =	vld [tilespmem:s8+$0x18800]  }
0x3af: {  	v58 =	vld [tilespmem:s8+$0x18900];
	v8 =	vadd.f32 @p0 v9, v8;
	v7 =	vadd.f32 v55, v7  }
0x3b0: {  	v9 =	vld @p0 [tilespmem:s1+$0x18B00]  }
0x3b1: {  	v59 =	vld [tilespmem:s8+$0x18A00];
	v8 =	vadd.f32 @p0 v10, v8;
	v7 =	vadd.f32 v56, v7  }
0x3b2: {  	v10 =	vld @p0 [tilespmem:s1+$0x18C00]  }
0x3b3: {  	v60 =	vld [tilespmem:s8+$0x18B00];
	v8 =	vadd.f32 @p0 v12, v8;
	v7 =	vadd.f32 v57, v7  }
0x3b4: {  	v12 =	vld @p0 [tilespmem:s1+$0x18D00]  }
0x3b5: {  	v61 =	vld [tilespmem:s8+$0x18C00];
	v8 =	vadd.f32 @p0 v9, v8;
	v7 =	vadd.f32 v58, v7  }
0x3b6: {  	v9 =	vld @p0 [tilespmem:s1+$0x18E00]  }
0x3b7: {  	v62 =	vld [tilespmem:s8+$0x18D00];
	v8 =	vadd.f32 @p0 v10, v8;
	v7 =	vadd.f32 v59, v7  }
0x3b8: {  	v10 =	vld @p0 [tilespmem:s1+$0x18F00]  }
0x3b9: {  	v8 =	vadd.f32 @p0 v12, v8;
	v7 =	vadd.f32 v60, v7  }
0x3ba: {  	v63 =	vld [tilespmem:s8+$0x18E00]  }
0x3bb: {  	v8 =	vadd.f32 @p0 v9, v8;
	v7 =	vadd.f32 v61, v7  }
0x3bc: {  	v9 =	vld [tilespmem:s8+$0x18F00]  }
0x3bd: {  	v11 =	vmin.f32 @p1 v11, $6.400000000e+01;
	v8 =	vadd.f32 @p0 v10, v8;
	v7 =	vadd.f32 v62, v7  }
0x3be: {  	v6 =	vadd.f32 @p1 v11, v6  }
0x3bf: {  	v5 =	vpsel p0, v8, v5;
	v7 =	vadd.f32 v63, v7  }
0x3c0: {  	v6 =	vpsel p1, v6, v4;
	v5 =	vmin.f32 @p0 v5, $6.400000000e+01  }
0x3c1: {  	v6 =	vadd.f32 @p0 v5, v6;
	v7 =	vadd.f32 v9, v7;
	_ =	sdelay $0x1  }
0x3c2: {  	v4 =	vpsel p0, v6, v4;
	v6 =	vmin.f32 v7, $6.400000000e+01  }
0x3c3: {  	v4 =	vadd.f32 v6, v4;
	_ =	sdelay $0x1  }
0x3c4: {  	(xrf2) =	vadd.scan.msk.f32 $0xffff, v4;
	_ =	sdelay $0x1  }
0x3c5: {  	[tilespmem:s8+$0x18100] =	vst v1  }
0x3c6: {  	[tilespmem:s8+$0x18200] =	vst v1  }
0x3c7: {  	[tilespmem:s8+$0x18300] =	vst v1  }
0x3c8: {  	[tilespmem:s8+$0x18400] =	vst v1  }
0x3c9: {  	[tilespmem:s8+$0x18500] =	vst v1  }
0x3ca: {  	[tilespmem:s8+$0x18600] =	vst v1  }
0x3cb: {  	[tilespmem:s1+$0x18900] =	vst @p0 v1  }
0x3cc: {  	[tilespmem:s8+$0x18700] =	vst v1  }
0x3cd: {  	[tilespmem:s1+$0x18A00] =	vst @p0 v1;
	v4, _, _ =	vpop (xrf2)  }
0x3ce: {  	[tilespmem:s8+$0x18800] =	vst v1;
	(v2sf) =	vpush v4, $0xF  }
0x3cf: {  	[tilespmem:s8+$0x18900] =	vst v1  }
0x3d0: {  	[tilespmem:s8+$0x18A00] =	vst v1  }
0x3d1: {  	[tilespmem:s8+$0x18B00] =	vst v1  }
0x3d2: {  	[tilespmem:s8+$0x18C00] =	vst v1  }
0x3d3: {  	[tilespmem:s8+$0x18D00] =	vst v1  }
0x3d4: {  	[tilespmem:s8+$0x18E00] =	vst v1  }
0x3d5: {  	[tilespmem:s1+$0x18B00] =	vst @p0 v1  }
0x3d6: {  	[tilespmem:s1+$0x18C00] =	vst @p0 v1  }
0x3d7: {  	s12 =	sadd.s32 @p2 $0x10, s12;
	s20 =	simm.s32 $0x19000;
	[tilespmem:s1+$0x18D00] =	vst @p0 v1  }
0x3d8: {  	s20 =	smov.u32 @p2 s12;
	[tilespmem:s1+$0x18E00] =	vst @p0 v1  }
0x3d9: {  	s12 =	simm.s32 $0x19000;
	[tilespmem:s1+$0x18F00] =	vst @p0 v1;
	s1 =	sadd.s32 @p1 $0x10, s20  }
0x3da: {  	[tilespmem:s20+$0x0] =	vst @p1 v11;
	s12 =	smov.u32 @p1 s1  }
0x3db: {  	s1 =	sadd.s32 @p0 $0x10, s12;
	[tilespmem:s8+$0x18F00] =	vst v1;
	s8 =	simm.s32 $0x19000  }
0x3dc: {  	s8 =	smov.u32 @p0 s1;
	[tilespmem:s12+$0x0] =	vst @p0 v5  }
0x3dd: {  	[tilespmem:s8+$0x0] =	vst v6;
	s24 =	spop (v2sf)  }
0x3de: {  	v5 =	vld [tilespmem:s0+$0x0];
	s1 =	ssub.f32 $4.096000000e+03, s24;
	_ =	sdelay $0x1  }
0x3df: {  	s25 =	smul.f32 $3.906250000e-03, s1;
	_ =	sdelay $0x1  }
0x3e0: {  	v4 =	vmov s25  }
0x3e1: {  	v5 =	vadd.f32 v5, v4;
	_ =	sdelay $0x1  }
0x3e2: {  	(xrf2) =	vadd.scan.msk.f32 $0xffff, v5;
	_ =	sdelay $0x4  }
0x3e3: {  	s26 =	simm.s32 $0x19010  }
0x3e4: {  	v5 =	vld [tilespmem:s26+$0x0]  }
0x3e5: {  	s28 =	simm.s32 $0x19020  }
0x3e6: {  	v6 =	vld [tilespmem:s28+$0x0];
	_ =	sdelay $0x1  }
0x3e7: {  	v7, _, _ =	vpop (xrf2)  }
0x3e8: {  	v5 =	vadd.f32 v5, v4;
	(v2sf) =	vpush v7, $0xF;
	_ =	sdelay $0x1  }
0x3e9: {  	v6 =	vadd.f32 v6, v4;
	(xrf2) =	vadd.scan.msk.f32 $0xffff, v5;
	_ =	sdelay $0x1  }
0x3ea: {  	(xrf2) =	vadd.scan.msk.f32 $0xffff, v6;
	_ =	sdelay $0x1  }
0x3eb: {  	s29 =	simm.s32 $0x19030  }
0x3ec: {  	v5 =	vld [tilespmem:s29+$0x0]  }
0x3ed: {  	s30 =	simm.s32 $0x19040  }
0x3ee: {  	v6 =	vld [tilespmem:s30+$0x0];
	_ =	sdelay $0x2  }
0x3ef: {  	v8 =	vadd.f32 v5, v4;
	v5, _, _ =	vpop (xrf2)  }
0x3f0: {  	(v2sf) =	vpush v5, $0xF  }
0x3f1: {  	v9 =	vadd.f32 v6, v4;
	v6, _, _ =	vpop (xrf2)  }
0x3f2: {  	s23 =	spop (v2sf);
	(v2sf) =	vpush v6, $0xF  }
0x3f3: {  	s21 =	simm.f32 $0.0e+00;
	(xrf2) =	vadd.scan.msk.f32 $0xffff, v8  }
0x3f4: {  	v7 =	vadd.f32 s21, v7;
	_ =	sdelay $0x1  }
0x3f5: {  	v7 =	vmul.f32 $2.550000000e+02, v7  }
0x3f6: {  	s31 =	sshll.u32 s17, $0x8;
	(xrf2) =	vadd.scan.msk.f32 $0xffff, v9  }
0x3f7: {  	s22 =	simm.s32 $0x19050;
	s20 =	simm.s32 $0x20;
	s12 =	simm.s32 $0x30;
	v10 =	vmul.f32 $2.441406250e-04, v7  }
0x3f8: {  	s8 =	simm.s32 $0x40;
	s0 =	sand.u32 $0x3FFFFF00, s31;
	s21 =	sadd.f32 s23, s21  }
0x3f9: {  	s0 =	sadd.s32 s0, s15;
	s1 =	simm.s32 $0x50;
	v7 =	vld [tilespmem:s22+$0x0];
	v8 =	vtrunc.f32 v10;
	s23 =	simm.s32 $0x60  }
.LBB2_50:
0x3fa: {  	p0 =	sne.s32 s23, $0xF0;
	v9 =	vadd.f32 s21, v5;
	v8 =	vcvt.f32.s32 v8;
	v5 =	vmov v6;
	s24 =	smov.u32 s20;
	s20 =	smov.u32 s12  }
0x3fb: {  	s12 =	smov.u32 s8;
	s8 =	smov.u32 s1;
	s1 =	smov.u32 s23  }
.Ltmp33:
0x3fc: {  	v6, _, _ =	vpop (xrf2);
	v9 =	vmul.f32 $2.550000000e+02, v9;
	v8 =	vcvt.s32.f32 v8;
	(pc) =	sbr.rel @p0 .LBB2_50-.Ltmp33, $4  }
0x3fd: {  	s25 =	sand.u32 $0x80, s19;
	(v2sf) =	vpush v6, $0xF  }
0x3fe: {  	s19 =	sand.u32 $0x70, s19;
	s25 =	sadd.s32 s25, s0;
	v10 =	vadd.f32 v7, v4;
	v9 =	vmul.f32 $2.441406250e-04, v9;
	s26 =	spop (v2sf);
	v7 =	vmax.f32 v8, $0.0e+00  }
0x3ff: {  	s22 =	sadd.s32 $0x10, s22;
	s19 =	sadd.s32 s19, s25;
	s21 =	sadd.f32 s26, s21;
	v11 =	vmin.f32 v7, $2.550000000e+02  }
0x400: {  	s23 =	sadd.s32 $0x10, s23;
	v7 =	vld [tilespmem:s22+$0x0];
	(xrf2) =	vadd.scan.msk.f32 $0xffff, v10;
	v8 =	vtrunc.f32 v9;
	[tilespmem:s19+$0x0] =	vst v11;
	s19 =	smov.u32 s18;
	s18 =	smov.u32 s24  }
0x401: {  	_ =	sdelay $0x6  }
0x402: {  	v9, _, _ =	vpop (xrf2)  }
0x403: {  	(v2sf) =	vpush v9, $0xF  }
0x404: {  	v10, _, _ =	vpop (xrf2)  }
0x405: {  	(v2sf) =	vpush v10, $0xF;
	_ =	sdelay $0x2  }
0x406: {  	v4 =	vadd.f32 v7, v4;
	_ =	sdelay $0x1  }
0x407: {  	(xrf2) =	vadd.scan.msk.f32 $0xffff, v4;
	_ =	sdelay $0x2  }
0x408: {  	s22 =	spop (v2sf)  }
0x409: {  	s30 =	sadd.f32 s22, s21  }
0x40a: {  	v4 =	vadd.f32 s21, v5  }
0x40b: {  	v5 =	vadd.f32 s30, v6;
	s31 =	spop (v2sf)  }
0x40c: {  	v4 =	vmul.f32 $2.550000000e+02, v4;
	s21 =	sadd.f32 s31, s30  }
0x40d: {  	v59 =	vcvt.f32.s32 v8;
	v5 =	vmul.f32 $2.550000000e+02, v5;
	s23 =	spop (v2sf)  }
0x40e: {  	v4 =	vmul.f32 $2.441406250e-04, v4;
	s22 =	sadd.f32 s23, s21  }
0x40f: {  	v6 =	vcvt.s32.f32 v59;
	v5 =	vmul.f32 $2.441406250e-04, v5;
	v60, _, _ =	vpop (xrf2);
	s23 =	spop (v2sf)  }
0x410: {  	v4 =	vtrunc.f32 v4;
	v61 =	vadd.f32 s21, v9;
	(v2sf) =	vpush v60, $0xF;
	s24 =	sadd.f32 s23, s22  }
0x411: {  	v5 =	vtrunc.f32 v5;
	v4 =	vcvt.f32.s32 v4;
	v62 =	vadd.f32 s22, v10  }
0x412: {  	v5 =	vcvt.f32.s32 v5;
	v8 =	vmul.f32 $2.550000000e+02, v61;
	v7 =	vadd.f32 s24, v60  }
0x413: {  	v4 =	vcvt.s32.f32 v4;
	v9 =	vmul.f32 $2.550000000e+02, v62  }
0x414: {  	v8 =	vmul.f32 $2.441406250e-04, v8;
	v7 =	vmul.f32 $2.550000000e+02, v7  }
0x415: {  	s25 =	sand.u32 $0x80, s19;
	s26 =	sand.u32 $0x70, s19;
	s17 =	sadd.s32 $0x1, s17;
	v5 =	vcvt.s32.f32 v5;
	v9 =	vmul.f32 $2.441406250e-04, v9  }
0x416: {  	s28 =	sand.u32 $0x80, s18;
	s29 =	sand.u32 $0x70, s18;
	p0 =	sne.s32 s17, $0x8;
	v8 =	vtrunc.f32 v8;
	v7 =	vmul.f32 $2.441406250e-04, v7  }
0x417: {  	v6 =	vmax.f32 v6, $0.0e+00;
	s30 =	sand.u32 $0x80, s20;
	s31 =	sand.u32 $0x70, s20;
	s21 =	sadd.s32 s25, s0;
	v8 =	vcvt.f32.s32 v8;
	v9 =	vtrunc.f32 v9  }
0x418: {  	v6 =	vmin.f32 v6, $2.550000000e+02;
	s25 =	sand.u32 $0x70, s8;
	s19 =	sadd.s32 s26, s21;
	s21 =	sand.u32 $0x80, s12;
	v9 =	vcvt.f32.s32 v9;
	v7 =	vtrunc.f32 v7  }
0x419: {  	v4 =	vmax.f32 v4, $0.0e+00;
	v8 =	vcvt.s32.f32 v8;
	s22 =	sadd.s32 s28, s0;
	s23 =	sadd.s32 s30, s0;
	s28 =	sand.u32 $0x80, s1;
	v7 =	vcvt.f32.s32 v7  }
0x41a: {  	v5 =	vmax.f32 v5, $0.0e+00;
	v4 =	vmin.f32 v4, $2.550000000e+02;
	[tilespmem:s19+$0x0] =	vst v6;
	s18 =	sadd.s32 s29, s22;
	s20 =	sadd.s32 s31, s23;
	s22 =	sand.u32 $0x70, s12;
	v63 =	vcvt.s32.f32 v9  }
.Ltmp34:
0x41b: {  	s23 =	sand.u32 $0x80, s8;
	[tilespmem:s18+$0x0] =	vst v4;
	v4 =	vmin.f32 v5, $2.550000000e+02;
	v5 =	vmax.f32 v8, $0.0e+00;
	s24 =	sadd.s32 s21, s0;
	v7 =	vcvt.s32.f32 v7;
	(pc) =	sbr.rel @p0 .LBB2_38-.Ltmp34, $4  }
.Ltmp35:
0x41c: {  	s26 =	sadd.s32 s23, s0;
	[tilespmem:s20+$0x0] =	vst v4;
	v4 =	vmin.f32 v5, $2.550000000e+02;
	s12 =	sadd.s32 s22, s24;
	v5 =	vmax.f32 v63, $0.0e+00;
	(pc) =	sbr.rel @!p0 .LBB2_52-.Ltmp35, $4  }
0x41d: {  	s29 =	sand.u32 $0x70, s1;
	s30 =	sadd.s32 s28, s0;
	s8 =	sadd.s32 s25, s26;
	[tilespmem:s12+$0x0] =	vst v4;
	v4 =	vmin.f32 v5, $2.550000000e+02;
	v5 =	vmax.f32 v7, $0.0e+00  }
0x41e: {  	s0 =	sadd.s32 s29, s30;
	[tilespmem:s8+$0x0] =	vst v4;
	v4 =	vmin.f32 v5, $2.550000000e+02  }
0x41f: {  	s16 =	sadd.s32 $0x10, s16;
	s31 =	spop (v2sf);
	[tilespmem:s0+$0x0] =	vst v4  }
0x420: {  	_ = 	snop  }
.LBB2_41:
.Ltmp36:
0x421: {  	(pc) =	sbr.rel .LBB2_49-.Ltmp36, $2  }
0x422: {  	_ =	sdelay $0x2  }
0x423: {  	s8 =	smov.u32 s1;
	v6 =	vimm.f32 $0.0e+00;
	s12 =	simm.s32 $0x19000  }
.LBB2_43:
.Ltmp37:
0x424: {  	(pc) =	sbr.rel .LBB2_49-.Ltmp37, $2  }
0x425: {  	_ =	sdelay $0x2  }
0x426: {  	s8 =	smov.u32 s12;
	v6 =	vimm.f32 $0.0e+00;
	s12 =	simm.s32 $0x19000  }
.LBB2_45:
.Ltmp38:
0x427: {  	(pc) =	sbr.rel .LBB2_49-.Ltmp38, $2  }
0x428: {  	_ =	sdelay $0x2  }
0x429: {  	s8 =	smov.u32 s1;
	s1 =	smov.u32 s12;
	v6 =	vimm.f32 $0.0e+00;
	s12 =	simm.s32 $0x19000;
	v11 =	vmov v5  }
.LBB2_47:
.Ltmp39:
0x42a: {  	(pc) =	sbr.rel .LBB2_49-.Ltmp39, $2  }
0x42b: {  	_ =	sdelay $0x2  }
0x42c: {  	s12 =	simm.s32 $0x19000  }
.LBB2_53:
0x42d: {  	s13 =	simm.s32 $0x0;
	s14 =	simm.s32 $0x8010  }
.LBB2_54:
0x42e: {  	s15 =	sshll.u32 s13, $0x5;
	s16 =	simm.s32 $0x0  }
0x42f: {  	s17 =	simm.s32 $0x0;
	s18 =	smov.u32 s14;
	s19 =	simm.s32 $0x0  }
.LBB2_55:
0x430: {  	s0 =	sadd.s32 s15, s19  }
0x431: {  	s0 =	scvt.s32.f32 s0;
	_ =	sdelay $0x1  }
0x432: {  	s0 =	sadd.f32 $5.000000000e-01, s0;
	_ =	sdelay $0x1  }
0x433: {  	s0 =	smul.f32 $1.562500000e-02, s0;
	_ =	sdelay $0x1  }
0x434: {  	s0 =	sadd.f32 $-5.000000000e-01, s0;
	_ =	sdelay $0x1  }
0x435: {  	s1 =	sadd.f32 $1.000000000e+00, s0;
	_ =	sdelay $0x1  }
0x436: {  	s1 =	scvt.f32.s32 s1  }
0x437: {  	s22 =	simm.s32 $0x1D340;
	v8 =	vld [tilespmem:s18+$0x0]  }
0x438: {  	s25 =	simm.s32 $0x1D140;
	v4 =	vld [tilespmem:s22+$0x0];
	s8 =	sadd.s32 $0xFFFFFFFF, s1  }
0x439: {  	v5 =	vld [tilespmem:s25+$0x0];
	p0 =	sgt.s32 s8, $0x0  }
0x43a: {  	s12 =	scvt.s32.f32 s8;
	s8 =	simm.s32 @!p0 $0x0;
	p0 =	sgt.s32 s1, $0x0  }
0x43b: {  	v11 =	vld [tilespmem:s18+$0xFFFFFFF0];
	s8 =	smin.u32 s8, $0x7;
	s1 =	simm.s32 @!p0 $0x0  }
0x43c: {  	v10 =	vld [tilespmem:s22+$0xFFFFFFC0];
	v9 =	vand.u32 $0xFF, v8;
	s1 =	smin.u32 s1, $0x7;
	s8 =	sshll.u32 s8, $0xB  }
0x43d: {  	v4 =	vadd.s32 v9, v4;
	s1 =	sshll.u32 s1, $0xB;
	v7 =	vmov s8  }
0x43e: {  	v5 =	vadd.s32 v5, v9;
	v6 =	vmov s1;
	v9 =	vadd.s32 v7, v4  }
0x43f: {  	v12 =	vld [tilespmem:s25+$0xFFFFFFC0];
	v13 =	vadd.s32 v6, v5  }
0x440: {  	s21 =	simm.s32 $0x1D540;
	v14 =	vand.u32 $0xFF, v11;
	v5 =	vadd.s32 v7, v5  }
0x441: {  	v15 =	vld [tilespmem:s21+$0x0];
	v10 =	vadd.s32 v14, v10;
	v4 =	vadd.s32 v6, v4  }
0x442: {  	v17 =	vld [tilespmem:s21+$0xFFFFFFC0];
	v16 =	vadd.s32 v7, v10  }
0x443: {  	v9 =	vld.idx.msk [tilespmem:v9+s10+$0x0], $0xffff  }
0x444: {  	v12 =	vadd.s32 v12, v14;
	v10 =	vadd.s32 v6, v10;
	v13 =	vld.idx.msk [tilespmem:v13+s10+$0x0], $0xffff  }
0x445: {  	v14 =	vadd.s32 v6, v12;
	v5 =	vld.idx.msk [tilespmem:v5+s10+$0x0], $0xffff  }
0x446: {  	v12 =	vadd.s32 v7, v12;
	v4 =	vld.idx.msk [tilespmem:v4+s10+$0x0], $0xffff  }
0x447: {  	v16 =	vld.idx.msk [tilespmem:v16+s10+$0x0], $0xffff  }
0x448: {  	v18 =	vsub.f32 $1.000000000e+00, v15  }
0x449: {  	s0 =	ssub.f32 s0, s12;
	v10 =	vld.idx.msk [tilespmem:v10+s10+$0x0], $0xffff  }
0x44a: {  	v14 =	vld.idx.msk [tilespmem:v14+s10+$0x0], $0xffff;
	v9 =	vmul.f32 v9, v15;
	v13 =	vmul.f32 v13, v18  }
0x44b: {  	s20 =	ssub.f32 $1.000000000e+00, s0;
	v12 =	vld.idx.msk [tilespmem:v12+s10+$0x0], $0xffff;
	v18 =	vmul.f32 v5, v18;
	v15 =	vmul.f32 v4, v15  }
0x44c: {  	v16 =	vmul.f32 v16, v17  }
0x44d: {  	v4 =	vmov s20;
	v9 =	vadd.f32 v9, v18;
	v13 =	vadd.f32 v15, v13  }
0x44e: {  	v5 =	vmov s0;
	v10 =	vmul.f32 v10, v17;
	v15 =	vsub.f32 $1.000000000e+00, v17  }
0x44f: {  	v9 =	vmul.f32 v9, v4;
	v13 =	vmul.f32 v13, v5  }
0x450: {  	v12 =	vmul.f32 v12, v15;
	v14 =	vmul.f32 v14, v15  }
0x451: {  	v9 =	vadd.f32 v13, v9  }
0x452: {  	s23 =	sshll.u32 s17, $0x2;
	s24 =	sand.u32 $0x7, s16;
	v12 =	vadd.f32 v16, v12;
	v10 =	vadd.f32 v10, v14  }
0x453: {  	s1 =	sshll.u32 s24, $0x9;
	s0 =	sand.u32 $0xFFFFC000, s23;
	v9 =	vmul.f32 $3.921568860e-03, v9  }
0x454: {  	s0 =	sor.u32 s1, s0;
	v10 =	vmul.f32 v10, v5;
	v12 =	vmul.f32 v12, v4  }
0x455: {  	s0 =	sshrl.u32 s0, $0x2;
	v9 =	vmul.f32 $2.550000000e+02, v9  }
0x456: {  	s20 =	sadd.s32 $0x4040, s0;
	v10 =	vadd.f32 v10, v12  }
0x457: {  	[tilespmem:s20+$0x0] =	vst v9  }
0x458: {  	v9 =	vmul.f32 $3.921568860e-03, v10;
	v10 =	vld [tilespmem:s22+$0x10]  }
0x459: {  	v12 =	vld [tilespmem:s25+$0x10]  }
0x45a: {  	v9 =	vmul.f32 $2.550000000e+02, v9  }
0x45b: {  	s24 =	simm.s32 $0x1D1C0;
	v13 =	vshrl.u32 v8, $0x8  }
0x45c: {  	v15 =	vld [tilespmem:s24+$0x0];
	v13 =	vand.u32 $0xFF, v13;
	[tilespmem:s20+$0xFFFFFFC0] =	vst v9  }
0x45d: {  	s23 =	simm.s32 $0x1D3C0;
	v16 =	vld [tilespmem:s22+$0xFFFFFFD0];
	v10 =	vadd.s32 v13, v10  }
0x45e: {  	v14 =	vld [tilespmem:s23+$0x0];
	v12 =	vadd.s32 v13, v12;
	v17 =	vadd.s32 v7, v10  }
0x45f: {  	v13 =	vld [tilespmem:s25+$0xFFFFFFD0];
	v18 =	vadd.s32 v7, v12  }
0x460: {  	s26 =	sadd.s32 $0x20, s18;
	v19 =	vshrl.u32 v11, $0x8;
	v22 =	vld [tilespmem:s21+$0x10];
	v21 =	vadd.s32 v6, v10  }
0x461: {  	v19 =	vand.u32 $0xFF, v19;
	v9 =	vld [tilespmem:s26+$0x0];
	v12 =	vadd.s32 v6, v12  }
0x462: {  	v24 =	vld [tilespmem:s21+$0xFFFFFFD0];
	v16 =	vadd.s32 v19, v16  }
0x463: {  	v23 =	vadd.s32 v7, v16;
	v17 =	vld.idx.msk [tilespmem:v17+s10+$0x0], $0xffff  }
0x464: {  	v16 =	vadd.s32 v6, v16;
	v13 =	vadd.s32 v19, v13;
	v18 =	vld.idx.msk [tilespmem:v18+s10+$0x0], $0xffff  }
0x465: {  	v19 =	vld.idx.msk [tilespmem:v21+s10+$0x0], $0xffff;
	v21 =	vadd.s32 v7, v13  }
0x466: {  	v12 =	vld.idx.msk [tilespmem:v12+s10+$0x0], $0xffff;
	v13 =	vadd.s32 v6, v13  }
0x467: {  	v10 =	vld [tilespmem:s26+$0xFFFFFFF0]  }
0x468: {  	v25 =	vsub.f32 $1.000000000e+00, v22;
	v23 =	vld.idx.msk [tilespmem:v23+s10+$0x0], $0xffff  }
0x469: {  	v16 =	vld.idx.msk [tilespmem:v16+s10+$0x0], $0xffff  }
0x46a: {  	v17 =	vmul.f32 v17, v22;
	v18 =	vmul.f32 v18, v25;
	v21 =	vld.idx.msk [tilespmem:v21+s10+$0x0], $0xffff  }
0x46b: {  	v27 =	vand.u32 $0xFF, v9;
	v13 =	vld.idx.msk [tilespmem:v13+s10+$0x0], $0xffff;
	v12 =	vmul.f32 v12, v25;
	v19 =	vmul.f32 v19, v22  }
0x46c: {  	v20 =	vld [tilespmem:s23+$0xFFFFFFC0];
	v14 =	vadd.s32 v27, v14;
	v15 =	vadd.s32 v15, v27;
	v26 =	vand.u32 $0xFF, v10  }
0x46d: {  	v22 =	vadd.s32 v7, v14;
	v17 =	vadd.f32 v17, v18;
	v12 =	vadd.f32 v19, v12  }
0x46e: {  	v25 =	vld [tilespmem:s24+$0xFFFFFFC0];
	v19 =	vsub.f32 $1.000000000e+00, v24;
	v23 =	vmul.f32 v23, v24;
	v16 =	vmul.f32 v16, v24  }
0x46f: {  	v14 =	vadd.s32 v6, v14;
	v17 =	vmul.f32 v17, v4;
	v12 =	vmul.f32 v12, v5  }
0x470: {  	s1 =	simm.s32 $0x1D5C0;
	v24 =	vadd.s32 v6, v15;
	v13 =	vmul.f32 v13, v19;
	v19 =	vmul.f32 v21, v19  }
0x471: {  	v27 =	vld [tilespmem:s1+$0xFFFFFFC0];
	v20 =	vadd.s32 v26, v20;
	v15 =	vadd.s32 v7, v15;
	v12 =	vadd.f32 v12, v17  }
0x472: {  	v18 =	vadd.s32 v7, v20;
	v21 =	vld [tilespmem:s1+$0x0];
	v13 =	vadd.f32 v16, v13;
	v16 =	vadd.f32 v23, v19  }
0x473: {  	v20 =	vadd.s32 v6, v20;
	v22 =	vld.idx.msk [tilespmem:v22+s10+$0x0], $0xffff;
	v17 =	vadd.s32 v25, v26;
	v12 =	vmul.f32 $3.921568860e-03, v12  }
0x474: {  	v14 =	vld.idx.msk [tilespmem:v14+s10+$0x0], $0xffff;
	v19 =	vadd.s32 v6, v17;
	v13 =	vmul.f32 v13, v5;
	v16 =	vmul.f32 v16, v4  }
0x475: {  	v23 =	vld.idx.msk [tilespmem:v24+s10+$0x0], $0xffff  }
0x476: {  	v17 =	vadd.s32 v7, v17;
	v15 =	vld.idx.msk [tilespmem:v15+s10+$0x0], $0xffff;
	v12 =	vmul.f32 $2.550000000e+02, v12;
	v13 =	vadd.f32 v13, v16  }
0x477: {  	v18 =	vld.idx.msk [tilespmem:v18+s10+$0x0], $0xffff  }
0x478: {  	v20 =	vld.idx.msk [tilespmem:v20+s10+$0x0], $0xffff;
	[tilespmem:s20+$0x10] =	vst v12;
	v12 =	vmul.f32 $3.921568860e-03, v13  }
0x479: {  	v22 =	vmul.f32 v22, v21;
	v16 =	vld.idx.msk [tilespmem:v19+s10+$0x0], $0xffff;
	v13 =	vsub.f32 $1.000000000e+00, v21  }
0x47a: {  	v14 =	vmul.f32 v14, v21;
	v19 =	vld [tilespmem:s22+$0x20];
	v12 =	vmul.f32 $2.550000000e+02, v12  }
0x47b: {  	v17 =	vld.idx.msk [tilespmem:v17+s10+$0x0], $0xffff;
	v23 =	vmul.f32 v23, v13;
	v13 =	vmul.f32 v15, v13  }
0x47c: {  	s0 =	simm.s32 $0x1D440;
	v24 =	vshrl.u32 v8, $0x10  }
0x47d: {  	v31 =	vld [tilespmem:s0+$0xFFFFFFC0];
	v24 =	vand.u32 $0xFF, v24;
	[tilespmem:s20+$0xFFFFFFD0] =	vst v12;
	v13 =	vadd.f32 v22, v13;
	v14 =	vadd.f32 v14, v23  }
0x47e: {  	v20 =	vmul.f32 v20, v27;
	v15 =	vmul.f32 v18, v27;
	v12 =	vsub.f32 $1.000000000e+00, v27;
	v21 =	vld [tilespmem:s22+$0xFFFFFFE0]  }
0x47f: {  	v26 =	vld [tilespmem:s21+$0x20];
	v19 =	vadd.s32 v24, v19;
	v13 =	vmul.f32 v13, v4;
	v14 =	vmul.f32 v14, v5  }
0x480: {  	v22 =	vld [tilespmem:s25+$0xFFFFFFE0];
	v17 =	vmul.f32 v17, v12;
	v12 =	vmul.f32 v16, v12;
	v16 =	vadd.s32 v6, v19  }
0x481: {  	v25 =	vshrl.u32 v11, $0x10;
	v18 =	vld [tilespmem:s0+$0x0];
	v19 =	vadd.s32 v7, v19;
	v13 =	vadd.f32 v14, v13  }
0x482: {  	v25 =	vand.u32 $0xFF, v25;
	v23 =	vld [tilespmem:s25+$0x20];
	v12 =	vadd.f32 v20, v12;
	v15 =	vadd.f32 v15, v17  }
0x483: {  	s28 =	simm.s32 $0x1D240;
	v27 =	vld [tilespmem:s21+$0xFFFFFFE0];
	v14 =	vadd.s32 v25, v21;
	v13 =	vmul.f32 $3.921568860e-03, v13  }
0x484: {  	v20 =	vld [tilespmem:s28+$0x0];
	v12 =	vmul.f32 v12, v5;
	v15 =	vmul.f32 v15, v4;
	v17 =	vadd.s32 v7, v14  }
0x485: {  	v21 =	vadd.s32 v25, v22;
	v16 =	vld.idx.msk [tilespmem:v16+s10+$0x0], $0xffff;
	v13 =	vmul.f32 $2.550000000e+02, v13  }
0x486: {  	s8 =	sadd.s32 $0x20, s26;
	s31 =	sadd.s32 $0x400, s20;
	v19 =	vld.idx.msk [tilespmem:v19+s10+$0x0], $0xffff;
	v22 =	vadd.s32 v6, v21;
	v15 =	vadd.f32 v12, v15  }
0x487: {  	v14 =	vadd.s32 v6, v14;
	v12 =	vld [tilespmem:s8+$0x0];
	[tilespmem:s31+$0x0] =	vst v13  }
0x488: {  	v15 =	vmul.f32 $3.921568860e-03, v15;
	v13 =	vadd.s32 v7, v21;
	v21 =	vadd.s32 v24, v23;
	v23 =	vld [tilespmem:s24+$0x10]  }
0x489: {  	v25 =	vld.idx.msk [tilespmem:v17+s10+$0x0], $0xffff  }
0x48a: {  	v17 =	vld [tilespmem:s23+$0x10];
	v15 =	vmul.f32 $2.550000000e+02, v15  }
0x48b: {  	v24 =	vadd.s32 v7, v21;
	v22 =	vld.idx.msk [tilespmem:v22+s10+$0x0], $0xffff  }
0x48c: {  	v28 =	vld.idx.msk [tilespmem:v14+s10+$0x0], $0xffff;
	v14 =	vadd.s32 v6, v21;
	[tilespmem:s31+$0xFFFFFFC0] =	vst v15  }
0x48d: {  	v15 =	vshrl.u32 v9, $0x8;
	v21 =	vld [tilespmem:s23+$0xFFFFFFD0]  }
0x48e: {  	v36 =	vsub.f32 $1.000000000e+00, v26;
	v29 =	vand.u32 $0xFF, v15;
	v30 =	vld.idx.msk [tilespmem:v13+s10+$0x0], $0xffff  }
0x48f: {  	v37 =	vmul.f32 v16, v26;
	v19 =	vmul.f32 v19, v26;
	v32 =	vld [tilespmem:s24+$0xFFFFFFD0];
	v23 =	vadd.s32 v29, v23  }
0x490: {  	v35 =	vld.idx.msk [tilespmem:v24+s10+$0x0], $0xffff;
	v24 =	vshrl.u32 v10, $0x8;
	v17 =	vadd.s32 v29, v17;
	v38 =	vadd.s32 v7, v23  }
0x491: {  	v29 =	vld.idx.msk [tilespmem:v14+s10+$0x0], $0xffff;
	v34 =	vand.u32 $0xFF, v24;
	v24 =	vsub.f32 $1.000000000e+00, v27;
	v33 =	vadd.s32 v7, v17  }
0x492: {  	v13 =	vshrl.u32 v9, $0x10;
	v14 =	vld [tilespmem:s8+$0xFFFFFFF0];
	v39 =	vadd.s32 v6, v17;
	v16 =	vadd.s32 v34, v21  }
0x493: {  	v26 =	vmul.f32 v25, v27;
	v21 =	vld [tilespmem:s1+$0x10];
	v30 =	vmul.f32 v30, v24;
	v40 =	vadd.s32 v6, v16  }
0x494: {  	v27 =	vmul.f32 v28, v27;
	v22 =	vmul.f32 v22, v24;
	v24 =	vld [tilespmem:s1+$0xFFFFFFD0];
	v41 =	vadd.s32 v7, v16  }
0x495: {  	v15 =	vshrl.u32 v10, $0x10;
	v26 =	vadd.f32 v26, v30;
	v28 =	vld.idx.msk [tilespmem:v38+s10+$0x0], $0xffff;
	v30 =	vadd.s32 v6, v23  }
0x496: {  	v17 =	vshrl.u32 v12, $0x8;
	v63 =	vmul.f32 v35, v36;
	v27 =	vadd.f32 v27, v22;
	v25 =	vld.idx.msk [tilespmem:v33+s10+$0x0], $0xffff  }
0x497: {  	v34 =	vadd.s32 v34, v32;
	v16 =	vshrl.u32 v12, $0x10;
	v36 =	vmul.f32 v29, v36;
	v22 =	vld.idx.msk [tilespmem:v39+s10+$0x0], $0xffff  }
0x498: {  	s29 =	simm.s32 $0x1D440;
	v35 =	vmul.f32 v27, v5;
	v33 =	vmul.f32 v26, v4;
	v26 =	vadd.f32 v19, v63;
	v29 =	vld.idx.msk [tilespmem:v40+s10+$0x0], $0xffff  }
0x499: {  	s30 =	simm.s32 $0x1D5C0;
	s12 =	simm.s32 $0x4;
	s26 =	smov.u32 s31;
	v19 =	vshrl.u32 v14, $0x10;
	v27 =	vadd.f32 v37, v36;
	v23 =	vsub.f32 $1.000000000e+00, v21;
	v32 =	vld.idx.msk [tilespmem:v41+s10+$0x0], $0xffff  }
.LBB2_56:
0x49a: {  	s12 =	sadd.s32 $0x2, s12;
	s0 =	sadd.s32 $0x80, s0;
	v36 =	vadd.s32 v7, v34;
	v30 =	vld.idx.msk [tilespmem:v30+s10+$0x0], $0xffff;
	v33 =	vadd.f32 v35, v33;
	v26 =	vmul.f32 v26, v4  }
0x49b: {  	v34 =	vadd.s32 v6, v34;
	v25 =	vmul.f32 v25, v21;
	v27 =	vmul.f32 v27, v5;
	v35 =	vld [tilespmem:s0+$0x0];
	p0 =	slt.u32 s12, $0x6  }
0x49c: {  	v37 =	vand.u32 $0xFF, v14;
	v28 =	vmul.f32 v28, v23;
	v38 =	vld [tilespmem:s28+$0xFFFFFFC0];
	v33 =	vmul.f32 $3.921568860e-03, v33  }
0x49d: {  	v39 =	vand.u32 $0xFF, v12;
	s1 =	sadd.s32 $0x80, s1;
	v31 =	vadd.s32 v37, v31;
	v26 =	vadd.f32 v27, v26  }
0x49e: {  	v20 =	vadd.s32 v20, v39;
	v40 =	vadd.s32 v6, v31;
	v27 =	vld [tilespmem:s1+$0xFFFFFFC0];
	v33 =	vmul.f32 $2.550000000e+02, v33  }
0x49f: {  	v44 =	vadd.s32 v39, v18;
	v39 =	vadd.s32 v7, v20;
	v26 =	vmul.f32 $3.921568860e-03, v26;
	v36 =	vld.idx.msk [tilespmem:v36+s10+$0x0], $0xffff  }
0x4a0: {  	v42 =	vadd.s32 v7, v44;
	v43 =	vadd.s32 v6, v44;
	v32 =	vmul.f32 v32, v24;
	v41 =	vld [tilespmem:s1+$0x0];
	[tilespmem:s20+$0xFFFFFFE0] =	vst v33  }
0x4a1: {  	v26 =	vmul.f32 $2.550000000e+02, v26;
	v18 =	vmovc v35;
	v33 =	vadd.s32 v38, v37;
	v37 =	vadd.s32 v6, v20;
	v34 =	vld.idx.msk [tilespmem:v34+s10+$0x0], $0xffff  }
0x4a2: {  	v31 =	vadd.s32 v7, v31;
	v21 =	vmul.f32 v22, v21;
	v23 =	vmul.f32 v30, v23;
	v20 =	vld [tilespmem:s21+$0xFFFFFFF0]  }
0x4a3: {  	v22 =	vmul.f32 v29, v24;
	v25 =	vadd.f32 v25, v28;
	v28 =	vld [tilespmem:s25+$0xFFFFFFF0];
	[tilespmem:s20+$0x20] =	vst v26  }
0x4a4: {  	v21 =	vadd.f32 v21, v23;
	v23 =	vld [tilespmem:s22+$0xFFFFFFF0]  }
0x4a5: {  	v24 =	vsub.f32 $1.000000000e+00, v24;
	v25 =	vmul.f32 v25, v4;
	v26 =	vld.idx.msk [tilespmem:v42+s10+$0x0], $0xffff  }
0x4a6: {  	v21 =	vmul.f32 v21, v5;
	v29 =	vld [tilespmem:s25+$0x30];
	s25 =	smov.u32 s24;
	s24 =	smov.u32 s28  }
0x4a7: {  	v35 =	vshrl.u32 v11, $0x18;
	v11 =	vmovc v10;
	v34 =	vmul.f32 v34, v24;
	v30 =	vld.idx.msk [tilespmem:v31+s10+$0x0], $0xffff;
	v31 =	vadd.s32 v6, v33  }
0x4a8: {  	v36 =	vmul.f32 v36, v24;
	v21 =	vadd.f32 v21, v25;
	v33 =	vadd.s32 v7, v33;
	v37 =	vld.idx.msk [tilespmem:v37+s10+$0x0], $0xffff  }
0x4a9: {  	v22 =	vadd.f32 v22, v34;
	v25 =	vadd.s32 v35, v28;
	v24 =	vld.idx.msk [tilespmem:v39+s10+$0x0], $0xffff;
	v23 =	vadd.s32 v35, v23  }
0x4aa: {  	v10 =	vmov v14;
	v21 =	vmul.f32 $3.921568860e-03, v21;
	v28 =	vadd.f32 v32, v36;
	v32 =	vld [tilespmem:s22+$0x30];
	s22 =	smov.u32 s23;
	s23 =	smov.u32 s29;
	s29 =	smov.u32 s0  }
0x4ab: {  	v34 =	vsub.f32 $1.000000000e+00, v41;
	v22 =	vmul.f32 v22, v5;
	v14 =	vld.idx.msk [tilespmem:v40+s10+$0x0], $0xffff  }
0x4ac: {  	v21 =	vmul.f32 $2.550000000e+02, v21;
	v28 =	vmul.f32 v28, v4;
	v36 =	vadd.s32 v7, v23;
	v35 =	vld.idx.msk [tilespmem:v43+s10+$0x0], $0xffff  }
0x4ad: {  	v23 =	vadd.s32 v6, v23;
	v31 =	vld.idx.msk [tilespmem:v31+s10+$0x0], $0xffff  }
0x4ae: {  	v22 =	vadd.f32 v22, v28;
	v37 =	vmul.f32 v37, v34;
	[tilespmem:s31+$0x10] =	vst v21;
	v21 =	vld [tilespmem:s21+$0x30];
	s21 =	smov.u32 s30;
	s30 =	smov.u32 s1  }
0x4af: {  	v38 =	vadd.s32 v7, v25;
	v39 =	vshrl.u32 v8, $0x18;
	v8 =	vmovc v9;
	v9 =	vmovc v12;
	v28 =	vld.idx.msk [tilespmem:v33+s10+$0x0], $0xffff;
	v33 =	vand.u32 $0xFF, v13  }
0x4b0: {  	v12 =	vsub.f32 $1.000000000e+00, v27;
	v30 =	vmul.f32 v30, v27;
	v22 =	vmul.f32 $3.921568860e-03, v22;
	v13 =	vmovc v16;
	v40 =	vld [tilespmem:s25+$0x20]  }
0x4b1: {  	v29 =	vadd.s32 v39, v29;
	v16 =	vmul.f32 v26, v41;
	v32 =	vadd.s32 v39, v32;
	v26 =	vld.idx.msk [tilespmem:v36+s10+$0x0], $0xffff  }
0x4b2: {  	v24 =	vmul.f32 v24, v34;
	v34 =	vadd.s32 v6, v29;
	v22 =	vmul.f32 $2.550000000e+02, v22;
	v23 =	vld.idx.msk [tilespmem:v23+s10+$0x0], $0xffff  }
0x4b3: {  	v14 =	vmul.f32 v14, v27;
	v27 =	vmul.f32 v35, v41;
	v36 =	vadd.s32 v6, v32;
	v35 =	vld [tilespmem:s22+$0x20]  }
0x4b4: {  	s31 =	sadd.s32 $0x400, s31;
	v29 =	vadd.s32 v7, v29;
	v16 =	vadd.f32 v16, v24;
	v24 =	vand.u32 $0xFF, v15;
	[tilespmem:s26+$0xFFFFFFD0] =	vst v22;
	v22 =	vld.idx.msk [tilespmem:v38+s10+$0x0], $0xffff  }
0x4b5: {  	v32 =	vadd.s32 v7, v32;
	v15 =	vmovc v19;
	v28 =	vmul.f32 v28, v12;
	v12 =	vmul.f32 v31, v12;
	v31 =	vld [tilespmem:s25+$0xFFFFFFE0]  }
0x4b6: {  	v25 =	vadd.s32 v6, v25;
	v19 =	vadd.f32 v27, v37;
	v37 =	vsub.f32 $1.000000000e+00, v20;
	v27 =	vld [tilespmem:s22+$0xFFFFFFE0]  }
0x4b7: {  	v28 =	vadd.f32 v30, v28;
	v12 =	vadd.f32 v14, v12;
	v14 =	vmul.f32 v26, v20;
	v26 =	vld.idx.msk [tilespmem:v34+s10+$0x0], $0xffff  }
0x4b8: {  	v16 =	vmul.f32 v16, v4;
	v19 =	vmul.f32 v19, v5;
	v30 =	vadd.s32 v33, v35;
	v34 =	vld.idx.msk [tilespmem:v36+s10+$0x0], $0xffff  }
0x4b9: {  	v12 =	vmul.f32 v12, v5;
	v36 =	vsub.f32 $1.000000000e+00, v21;
	v35 =	vadd.s32 v6, v30;
	v29 =	vld.idx.msk [tilespmem:v29+s10+$0x0], $0xffff  }
0x4ba: {  	v16 =	vadd.f32 v19, v16;
	v28 =	vmul.f32 v28, v4;
	v19 =	vadd.s32 v7, v30;
	v30 =	vld.idx.msk [tilespmem:v32+s10+$0x0], $0xffff  }
0x4bb: {  	s28 =	sadd.s32 $0x80, s28;
	v23 =	vmul.f32 v23, v20;
	v31 =	vadd.s32 v24, v31;
	v24 =	vadd.s32 v24, v27;
	v25 =	vld.idx.msk [tilespmem:v25+s10+$0x0], $0xffff  }
0x4bc: {  	v16 =	vmul.f32 $3.921568860e-03, v16;
	v12 =	vadd.f32 v12, v28;
	v27 =	vadd.s32 v33, v40;
	v20 =	vld [tilespmem:s28+$0x0]  }
0x4bd: {  	v22 =	vmul.f32 v22, v37;
	v28 =	vadd.s32 v7, v24;
	v26 =	vmul.f32 v26, v36;
	v32 =	vld [tilespmem:s21+$0x20]  }
0x4be: {  	v12 =	vmul.f32 $3.921568860e-03, v12;
	v34 =	vmul.f32 v34, v21;
	v33 =	vld.idx.msk [tilespmem:v35+s10+$0x0], $0xffff  }
0x4bf: {  	v16 =	vmul.f32 $2.550000000e+02, v16;
	v35 =	vadd.s32 v6, v31;
	v29 =	vmul.f32 v29, v36;
	v19 =	vld.idx.msk [tilespmem:v19+s10+$0x0], $0xffff  }
0x4c0: {  	s8 =	sadd.s32 $0x20, s8;
	v36 =	vmul.f32 $2.550000000e+02, v12;
	v21 =	vmul.f32 v30, v21;
	v26 =	vadd.f32 v34, v26;
	v38 =	vld [tilespmem:s21+$0xFFFFFFE0]  }
0x4c1: {  	v14 =	vadd.f32 v14, v22;
	v24 =	vadd.s32 v6, v24;
	v22 =	vmul.f32 v25, v37;
	v12 =	vld [tilespmem:s8+$0x0]  }
0x4c2: {  	v25 =	vadd.s32 v7, v31;
	[tilespmem:s31+$0x0] =	vst v16;
	v28 =	vld.idx.msk [tilespmem:v28+s10+$0x0], $0xffff;
	v37 =	vsub.f32 $1.000000000e+00, v32;
	v16 =	vadd.f32 v21, v29  }
0x4c3: {  	v14 =	vmul.f32 v14, v4;
	v22 =	vadd.f32 v23, v22;
	v23 =	vmul.f32 v26, v5;
	v21 =	vld [tilespmem:s23+$0x10]  }
0x4c4: {  	v29 =	vadd.s32 v7, v27;
	v39 =	vmul.f32 v33, v32;
	v26 =	vld [tilespmem:s24+$0x10];
	v16 =	vmul.f32 v16, v4  }
0x4c5: {  	v19 =	vmul.f32 v19, v32;
	v22 =	vmul.f32 v22, v5;
	[tilespmem:s31+$0xFFFFFFC0] =	vst v36;
	v30 =	vld.idx.msk [tilespmem:v35+s10+$0x0], $0xffff  }
0x4c6: {  	v27 =	vadd.s32 v6, v27;
	v31 =	vshrl.u32 v12, $0x8;
	v24 =	vld.idx.msk [tilespmem:v24+s10+$0x0], $0xffff;
	v23 =	vadd.f32 v23, v16  }
0x4c7: {  	v16 =	vshrl.u32 v12, $0x10;
	v14 =	vadd.f32 v22, v14;
	v32 =	vld [tilespmem:s23+$0xFFFFFFD0]  }
0x4c8: {  	v33 =	vand.u32 $0xFF, v17;
	v22 =	vshrl.u32 v10, $0x8;
	v17 =	vmovc v31;
	v25 =	vld.idx.msk [tilespmem:v25+s10+$0x0], $0xffff;
	v23 =	vmul.f32 $3.921568860e-03, v23  }
0x4c9: {  	v36 =	vsub.f32 $1.000000000e+00, v38;
	v35 =	vadd.s32 v33, v21;
	v14 =	vmul.f32 $3.921568860e-03, v14;
	v34 =	vld [tilespmem:s24+$0xFFFFFFD0]  }
0x4ca: {  	v22 =	vand.u32 $0xFF, v22;
	v40 =	vadd.s32 v7, v35;
	v29 =	vld.idx.msk [tilespmem:v29+s10+$0x0], $0xffff;
	v21 =	vmul.f32 $2.550000000e+02, v23  }
0x4cb: {  	v23 =	vadd.s32 v33, v26;
	v26 =	vmul.f32 v30, v36;
	v14 =	vmul.f32 $2.550000000e+02, v14;
	v27 =	vld.idx.msk [tilespmem:v27+s10+$0x0], $0xffff  }
0x4cc: {  	v31 =	vld [tilespmem:s0+$0xFFFFFFC0];
	v30 =	vadd.s32 v22, v32;
	v32 =	vadd.s32 v7, v23;
	[tilespmem:s20+$0x30] =	vst v21  }
0x4cd: {  	v28 =	vmul.f32 v28, v38;
	v33 =	vadd.s32 v6, v35;
	v21 =	vld [tilespmem:s1+$0x10];
	[tilespmem:s20+$0xFFFFFFF0] =	vst v14;
	s20 =	smov.u32 s26;
	s26 =	smov.u32 s31  }
0x4ce: {  	v35 =	vadd.s32 v6, v30;
	v36 =	vmul.f32 v25, v36;
	v14 =	vld [tilespmem:s8+$0xFFFFFFF0]  }
0x4cf: {  	v41 =	vadd.s32 v7, v30;
	v34 =	vadd.s32 v22, v34;
	v22 =	vmul.f32 v24, v38;
	v25 =	vld.idx.msk [tilespmem:v40+s10+$0x0], $0xffff  }
.Ltmp40:
0x4d0: {  	v30 =	vadd.s32 v6, v23;
	v36 =	vadd.f32 v28, v36;
	v29 =	vmul.f32 v29, v37;
	v24 =	vld [tilespmem:s1+$0xFFFFFFD0];
	(pc) =	sbr.rel @p0 .LBB2_56-.Ltmp40, $4  }
0x4d1: {  	v27 =	vmul.f32 v27, v37;
	v28 =	vld.idx.msk [tilespmem:v32+s10+$0x0], $0xffff;
	v32 =	vadd.f32 v22, v26  }
0x4d2: {  	v26 =	vadd.f32 v19, v29;
	v22 =	vld.idx.msk [tilespmem:v33+s10+$0x0], $0xffff;
	v23 =	vsub.f32 $1.000000000e+00, v21;
	v33 =	vmul.f32 v36, v4  }
0x4d3: {  	v27 =	vadd.f32 v39, v27;
	v19 =	vshrl.u32 v14, $0x10;
	v29 =	vld.idx.msk [tilespmem:v35+s10+$0x0], $0xffff;
	v35 =	vmul.f32 v32, v5  }
0x4d4: {  	v32 =	vld.idx.msk [tilespmem:v41+s10+$0x0], $0xffff  }
0x4d5: {  	v36 =	vand.u32 $0xFF, v12  }
0x4d6: {  	v37 =	vand.u32 $0xFF, v14;
	v18 =	vadd.s32 v36, v18  }
0x4d7: {  	v38 =	vld [tilespmem:s28+$0xFFFFFFC0];
	v31 =	vadd.s32 v37, v31;
	v39 =	vadd.s32 v7, v18  }
0x4d8: {  	v20 =	vadd.s32 v20, v36;
	v58 =	vadd.s32 v7, v31  }
0x4d9: {  	s1 =	sadd.s32 $0x80, s1;
	v30 =	vld.idx.msk [tilespmem:v30+s10+$0x0], $0xffff;
	v40 =	vadd.s32 v6, v20  }
0x4da: {  	v41 =	vld [tilespmem:s1+$0xFFFFFFC0];
	v20 =	vadd.s32 v7, v20  }
0x4db: {  	v42 =	vld [tilespmem:s1+$0x0];
	v18 =	vadd.s32 v6, v18  }
0x4dc: {  	v31 =	vadd.s32 v6, v31;
	v37 =	vadd.s32 v38, v37;
	v59 =	vld.idx.msk [tilespmem:v39+s10+$0x0], $0xffff  }
0x4dd: {  	v60 =	vadd.s32 v6, v37;
	v36 =	vld.idx.msk [tilespmem:v58+s10+$0x0], $0xffff  }
0x4de: {  	v37 =	vadd.s32 v7, v37;
	v40 =	vld.idx.msk [tilespmem:v40+s10+$0x0], $0xffff  }
0x4df: {  	v25 =	vmul.f32 v25, v21;
	v28 =	vmul.f32 v28, v23;
	v20 =	vld.idx.msk [tilespmem:v20+s10+$0x0], $0xffff  }
0x4e0: {  	v18 =	vld.idx.msk [tilespmem:v18+s10+$0x0], $0xffff  }
0x4e1: {  	v43 =	vadd.s32 v6, v34;
	v61 =	vadd.s32 v7, v34;
	v25 =	vadd.f32 v25, v28;
	v31 =	vld.idx.msk [tilespmem:v31+s10+$0x0], $0xffff  }
0x4e2: {  	v56 =	vmul.f32 v22, v21;
	v53 =	vmul.f32 v30, v23;
	v44 =	vsub.f32 $1.000000000e+00, v42;
	v39 =	vld.idx.msk [tilespmem:v60+s10+$0x0], $0xffff  }
0x4e3: {  	v45 =	vmul.f32 v29, v24;
	v25 =	vmul.f32 v25, v4;
	v37 =	vld.idx.msk [tilespmem:v37+s10+$0x0], $0xffff  }
0x4e4: {  	v21 =	vadd.f32 v56, v53;
	v40 =	vmul.f32 v40, v44;
	v20 =	vmul.f32 v20, v44  }
0x4e5: {  	v38 =	vmul.f32 v59, v42;
	v18 =	vmul.f32 v18, v42  }
0x4e6: {  	v62 =	vld.idx.msk [tilespmem:v43+s10+$0x0], $0xffff;
	v63 =	vsub.f32 $1.000000000e+00, v41;
	v21 =	vmul.f32 v21, v5;
	v36 =	vmul.f32 v36, v41  }
0x4e7: {  	v34 =	vld.idx.msk [tilespmem:v61+s10+$0x0], $0xffff;
	v31 =	vmul.f32 v31, v41;
	v20 =	vadd.f32 v38, v20;
	v18 =	vadd.f32 v18, v40  }
0x4e8: {  	v21 =	vadd.f32 v21, v25;
	v37 =	vmul.f32 v37, v63;
	v43 =	vmul.f32 v39, v63  }
0x4e9: {  	v44 =	vsub.f32 $1.000000000e+00, v24;
	v20 =	vmul.f32 v20, v4;
	v18 =	vmul.f32 v18, v5  }
0x4ea: {  	v32 =	vmul.f32 v32, v24;
	v21 =	vmul.f32 $3.921568860e-03, v21;
	v46 =	vadd.f32 v31, v43  }
0x4eb: {  	v47 =	vmul.f32 v62, v44;
	v36 =	vadd.f32 v36, v37;
	v18 =	vadd.f32 v18, v20  }
0x4ec: {  	v48 =	vmul.f32 v34, v44;
	v29 =	vmul.f32 v46, v5  }
0x4ed: {  	v24 =	vadd.f32 v45, v47;
	v49 =	vmul.f32 v36, v4;
	v18 =	vmul.f32 $3.921568860e-03, v18  }
0x4ee: {  	v50 =	vadd.f32 v35, v33;
	v21 =	vmul.f32 $2.550000000e+02, v21;
	v20 =	vadd.f32 v32, v48  }
0x4ef: {  	v24 =	vmul.f32 v24, v5;
	v29 =	vadd.f32 v29, v49;
	v18 =	vmul.f32 $2.550000000e+02, v18  }
0x4f0: {  	s0 =	sadd.s32 $0x400, s31;
	[tilespmem:s31+$0x10] =	vst v21;
	v31 =	vmul.f32 $3.921568860e-03, v50;
	v20 =	vmul.f32 v20, v4  }
0x4f1: {  	v47 =	vld [tilespmem:s24+$0x20];
	v29 =	vmul.f32 $3.921568860e-03, v29;
	[tilespmem:s0+$0x0] =	vst v18  }
0x4f2: {  	v31 =	vmul.f32 $2.550000000e+02, v31;
	v20 =	vadd.f32 v24, v20;
	v18 =	vld [tilespmem:s29+$0x10]  }
0x4f3: {  	v52 =	vld [tilespmem:s28+$0x10];
	v51 =	vmul.f32 $2.550000000e+02, v29  }
0x4f4: {  	v46 =	vld [tilespmem:s23+$0x20];
	[tilespmem:s20+$0xFFFFFFE0] =	vst v31;
	v20 =	vmul.f32 $3.921568860e-03, v20  }
0x4f5: {  	v54 =	vld [tilespmem:s22+$0xFFFFFFF0];
	[tilespmem:s0+$0xFFFFFFC0] =	vst v51  }
0x4f6: {  	v17 =	vand.u32 $0xFF, v17;
	v20 =	vmul.f32 $2.550000000e+02, v20;
	v24 =	vld [tilespmem:s29+$0xFFFFFFD0]  }
0x4f7: {  	v61 =	vld [tilespmem:s1+$0x10];
	v18 =	vadd.s32 v17, v18  }
0x4f8: {  	[tilespmem:s26+$0xFFFFFFD0] =	vst v20;
	v58 =	vld [tilespmem:s28+$0xFFFFFFD0];
	v17 =	vadd.s32 v17, v52;
	v55 =	vadd.s32 v7, v18  }
0x4f9: {  	v57 =	vshrl.u32 v14, $0x8;
	v59 =	vld [tilespmem:s24+$0xFFFFFFE0];
	v29 =	vadd.s32 v7, v17  }
0x4fa: {  	v20 =	vand.u32 $0xFF, v57;
	v60 =	vld [tilespmem:s23+$0xFFFFFFE0];
	v18 =	vadd.s32 v6, v18  }
0x4fb: {  	v63 =	vld [tilespmem:s1+$0xFFFFFFD0];
	v17 =	vadd.s32 v6, v17;
	v24 =	vadd.s32 v20, v24  }
0x4fc: {  	v48 =	vld [tilespmem:s30+$0xFFFFFFE0];
	v62 =	vadd.s32 v6, v24  }
0x4fd: {  	v26 =	vmul.f32 v26, v4;
	v20 =	vadd.s32 v20, v58;
	v24 =	vadd.s32 v7, v24;
	v31 =	vld.idx.msk [tilespmem:v55+s10+$0x0], $0xffff  }
0x4fe: {  	v27 =	vmul.f32 v27, v5;
	v15 =	vand.u32 $0xFF, v15;
	v40 =	vadd.s32 v7, v20;
	v39 =	vld.idx.msk [tilespmem:v29+s10+$0x0], $0xffff  }
0x4ff: {  	v23 =	vadd.s32 v15, v60;
	v20 =	vadd.s32 v6, v20;
	v18 =	vld.idx.msk [tilespmem:v18+s10+$0x0], $0xffff  }
0x500: {  	v26 =	vadd.f32 v27, v26;
	v15 =	vadd.s32 v15, v59;
	v41 =	vadd.s32 v7, v23;
	v17 =	vld.idx.msk [tilespmem:v17+s10+$0x0], $0xffff  }
0x501: {  	v44 =	vadd.s32 v6, v15;
	v33 =	vld.idx.msk [tilespmem:v62+s10+$0x0], $0xffff  }
0x502: {  	v26 =	vmul.f32 $3.921568860e-03, v26;
	v15 =	vadd.s32 v7, v15;
	v24 =	vld.idx.msk [tilespmem:v24+s10+$0x0], $0xffff  }
0x503: {  	v43 =	vshrl.u32 v11, $0x18;
	v45 =	vsub.f32 $1.000000000e+00, v61;
	v23 =	vadd.s32 v6, v23;
	v42 =	vld.idx.msk [tilespmem:v40+s10+$0x0], $0xffff  }
0x504: {  	v13 =	vand.u32 $0xFF, v13;
	v30 =	vadd.s32 v43, v54;
	v57 =	vmul.f32 $2.550000000e+02, v26;
	v20 =	vld.idx.msk [tilespmem:v20+s10+$0x0], $0xffff  }
0x505: {  	v54 =	vadd.s32 v7, v30;
	v27 =	vld.idx.msk [tilespmem:v41+s10+$0x0], $0xffff;
	v31 =	vmul.f32 v31, v61;
	v25 =	vmul.f32 v39, v45  }
0x506: {  	v49 =	vsub.f32 $1.000000000e+00, v63;
	v50 =	vld.idx.msk [tilespmem:v44+s10+$0x0], $0xffff;
	v17 =	vmul.f32 v17, v45;
	v18 =	vmul.f32 v18, v61  }
0x507: {  	v59 =	vsub.f32 $1.000000000e+00, v48;
	v55 =	vadd.s32 v13, v46;
	v15 =	vld.idx.msk [tilespmem:v15+s10+$0x0], $0xffff;
	v25 =	vadd.f32 v31, v25  }
0x508: {  	v23 =	vld.idx.msk [tilespmem:v23+s10+$0x0], $0xffff;
	v51 =	vadd.f32 v18, v17;
	v24 =	vmul.f32 v24, v63;
	v22 =	vmul.f32 v33, v63  }
0x509: {  	v62 =	vadd.s32 v13, v47;
	v52 =	vmul.f32 v20, v49;
	v53 =	vmul.f32 v42, v49  }
0x50a: {  	v39 =	vadd.s32 v6, v62;
	v25 =	vmul.f32 v25, v4;
	v56 =	vmul.f32 v51, v5  }
0x50b: {  	v38 =	vld [tilespmem:s30+$0x20];
	v31 =	vmul.f32 v50, v59;
	v27 =	vmul.f32 v27, v48;
	v17 =	vadd.f32 v22, v52  }
0x50c: {  	v11 =	vld [tilespmem:s21+$0xFFFFFFF0];
	v15 =	vmul.f32 v15, v59;
	v18 =	vadd.f32 v24, v53;
	v25 =	vadd.f32 v56, v25  }
0x50d: {  	v60 =	vld [tilespmem:s25+$0xFFFFFFF0];
	v58 =	vadd.s32 v6, v55;
	v37 =	vmul.f32 v23, v48;
	v17 =	vmul.f32 v17, v5  }
0x50e: {  	[tilespmem:s20+$0x20] =	vst v57;
	v13 =	vld.idx.msk [tilespmem:v54+s10+$0x0], $0xffff;
	v18 =	vmul.f32 v18, v4;
	v25 =	vmul.f32 $3.921568860e-03, v25  }
0x50f: {  	v47 =	vld [tilespmem:s22+$0x30];
	v61 =	vadd.s32 v7, v55;
	v15 =	vadd.f32 v27, v15  }
0x510: {  	v63 =	vld [tilespmem:s25+$0x30];
	v20 =	vadd.f32 v37, v31;
	v17 =	vadd.f32 v17, v18;
	v25 =	vmul.f32 $2.550000000e+02, v25  }
0x511: {  	v35 =	vadd.s32 v7, v62;
	v26 =	vld.idx.msk [tilespmem:v39+s10+$0x0], $0xffff;
	v15 =	vmul.f32 v15, v4  }
0x512: {  	v24 =	vld.idx.msk [tilespmem:v58+s10+$0x0], $0xffff;
	v20 =	vmul.f32 v20, v5;
	v17 =	vmul.f32 $3.921568860e-03, v17;
	[tilespmem:s0+$0x10] =	vst v25  }
0x513: {  	v21 =	vadd.s32 v43, v60;
	v41 =	vld [tilespmem:s29+$0x20]  }
0x514: {  	v42 =	vadd.s32 v7, v21;
	v22 =	vld.idx.msk [tilespmem:v61+s10+$0x0], $0xffff;
	v15 =	vadd.f32 v20, v15;
	v17 =	vmul.f32 $2.550000000e+02, v17  }
0x515: {  	v46 =	vld [tilespmem:s28+$0x20]  }
0x516: {  	v18 =	vld.idx.msk [tilespmem:v35+s10+$0x0], $0xffff;
	v15 =	vmul.f32 $3.921568860e-03, v15;
	[tilespmem:s0+$0xFFFFFFD0] =	vst v17  }
0x517: {  	v16 =	vand.u32 $0xFF, v16;
	v45 =	vsub.f32 $1.000000000e+00, v38;
	v17 =	vld [tilespmem:s29+$0xFFFFFFE0]  }
0x518: {  	v15 =	vmul.f32 $2.550000000e+02, v15;
	v43 =	vld [tilespmem:s28+$0xFFFFFFE0];
	v27 =	vadd.s32 v16, v41  }
0x519: {  	v19 =	vand.u32 $0xFF, v19;
	v28 =	vld.idx.msk [tilespmem:v42+s10+$0x0], $0xffff;
	v50 =	vmul.f32 v26, v45;
	v44 =	vadd.s32 v6, v27  }
0x51a: {  	v24 =	vmul.f32 v24, v38;
	v53 =	vld [tilespmem:s1+$0x20];
	[tilespmem:s26+$0xFFFFFFE0] =	vst v15;
	v16 =	vadd.s32 v16, v46;
	v55 =	vadd.s32 v7, v27  }
0x51b: {  	v22 =	vmul.f32 v22, v38;
	v18 =	vmul.f32 v18, v45;
	v51 =	vld [tilespmem:s24+$0xFFFFFFF0];
	v57 =	vadd.s32 v7, v16  }
0x51c: {  	v20 =	vadd.f32 v24, v50;
	v56 =	vld [tilespmem:s1+$0xFFFFFFE0];
	v16 =	vadd.s32 v6, v16;
	v17 =	vadd.s32 v19, v17  }
0x51d: {  	v18 =	vadd.f32 v22, v18;
	v62 =	vld [tilespmem:s23+$0xFFFFFFF0];
	v48 =	vadd.s32 v19, v43;
	v49 =	vadd.s32 v7, v17  }
0x51e: {  	v52 =	vadd.s32 v6, v48;
	v54 =	vld.idx.msk [tilespmem:v44+s10+$0x0], $0xffff  }
0x51f: {  	v20 =	vmul.f32 v20, v5;
	v18 =	vmul.f32 v18, v4;
	v17 =	vadd.s32 v6, v17;
	v24 =	vld.idx.msk [tilespmem:v55+s10+$0x0], $0xffff  }
0x520: {  	v15 =	vadd.s32 v7, v48;
	v29 =	vld.idx.msk [tilespmem:v57+s10+$0x0], $0xffff  }
0x521: {  	v40 =	vadd.s32 v6, v30;
	v18 =	vadd.f32 v20, v18;
	v16 =	vld.idx.msk [tilespmem:v16+s10+$0x0], $0xffff  }
0x522: {  	v8 =	vshrl.u32 v8, $0x18;
	v21 =	vadd.s32 v6, v21;
	v19 =	vld.idx.msk [tilespmem:v49+s10+$0x0], $0xffff  }
0x523: {  	v58 =	vadd.s32 v8, v63;
	v8 =	vadd.s32 v8, v47;
	v18 =	vmul.f32 $3.921568860e-03, v18;
	v26 =	vld.idx.msk [tilespmem:v52+s10+$0x0], $0xffff  }
0x524: {  	v60 =	vadd.s32 v6, v8;
	v36 =	vsub.f32 $1.000000000e+00, v53;
	v17 =	vld.idx.msk [tilespmem:v17+s10+$0x0], $0xffff  }
0x525: {  	v10 =	vshrl.u32 v10, $0x18;
	v8 =	vadd.s32 v7, v8;
	v18 =	vmul.f32 $2.550000000e+02, v18;
	v15 =	vld.idx.msk [tilespmem:v15+s10+$0x0], $0xffff  }
0x526: {  	v31 =	vadd.s32 v7, v58;
	v25 =	vld.idx.msk [tilespmem:v40+s10+$0x0], $0xffff;
	v38 =	vmul.f32 v24, v53;
	v40 =	vmul.f32 v29, v36  }
0x527: {  	v21 =	vld.idx.msk [tilespmem:v21+s10+$0x0], $0xffff;
	v61 =	vsub.f32 $1.000000000e+00, v56;
	v22 =	vmul.f32 v54, v53;
	v16 =	vmul.f32 v16, v36  }
0x528: {  	v37 =	vld [tilespmem:s21+$0x30];
	v59 =	vadd.s32 v6, v58;
	v23 =	vadd.s32 v10, v51;
	[tilespmem:s26+$0x20] =	vst v18;
	v18 =	vadd.f32 v38, v40  }
0x529: {  	v63 =	vld.idx.msk [tilespmem:v60+s10+$0x0], $0xffff;
	v16 =	vadd.f32 v22, v16;
	v26 =	vmul.f32 v26, v61;
	v19 =	vmul.f32 v19, v56  }
0x52a: {  	v8 =	vld.idx.msk [tilespmem:v8+s10+$0x0], $0xffff;
	v10 =	vadd.s32 v10, v62;
	v15 =	vmul.f32 v15, v61;
	v17 =	vmul.f32 v17, v56  }
0x52b: {  	v41 =	vld.idx.msk [tilespmem:v31+s10+$0x0], $0xffff;
	v42 =	vadd.s32 v7, v10;
	v18 =	vmul.f32 v18, v4;
	v16 =	vmul.f32 v16, v5  }
0x52c: {  	v10 =	vadd.s32 v6, v10;
	v39 =	vld [tilespmem:s24+$0x30];
	v15 =	vadd.f32 v19, v15  }
0x52d: {  	v20 =	vld.idx.msk [tilespmem:v59+s10+$0x0], $0xffff;
	v43 =	vadd.s32 v7, v23;
	v17 =	vadd.f32 v17, v26;
	v16 =	vadd.f32 v16, v18  }
0x52e: {  	v23 =	vadd.s32 v6, v23;
	v44 =	vld [tilespmem:s23+$0x30];
	v15 =	vmul.f32 v15, v4  }
0x52f: {  	v30 =	vld [tilespmem:s30+$0x30];
	v17 =	vmul.f32 v17, v5;
	v16 =	vmul.f32 $3.921568860e-03, v16  }
0x530: {  	v9 =	vshrl.u32 v9, $0x18;
	v46 =	vld.idx.msk [tilespmem:v42+s10+$0x0], $0xffff  }
0x531: {  	v10 =	vld.idx.msk [tilespmem:v10+s10+$0x0], $0xffff;
	v19 =	vadd.s32 v9, v39;
	v15 =	vadd.f32 v17, v15;
	v16 =	vmul.f32 $2.550000000e+02, v16  }
0x532: {  	v47 =	vld.idx.msk [tilespmem:v43+s10+$0x0], $0xffff;
	v45 =	vadd.s32 v6, v19  }
0x533: {  	v23 =	vld.idx.msk [tilespmem:v23+s10+$0x0], $0xffff;
	v9 =	vadd.s32 v9, v44;
	v15 =	vmul.f32 $3.921568860e-03, v15;
	[tilespmem:s0+$0x20] =	vst v16  }
0x534: {  	v49 =	vadd.s32 v6, v9;
	v56 =	vld [tilespmem:s28+$0x30]  }
0x535: {  	v58 =	vld [tilespmem:s29+$0x30];
	v15 =	vmul.f32 $2.550000000e+02, v15  }
0x536: {  	v13 =	vmul.f32 v13, v11;
	v8 =	vmul.f32 v8, v37;
	v24 =	vld [tilespmem:s30+$0xFFFFFFF0];
	v19 =	vadd.s32 v7, v19  }
0x537: {  	v51 =	vsub.f32 $1.000000000e+00, v37;
	v48 =	vsub.f32 $1.000000000e+00, v11;
	v9 =	vadd.s32 v7, v9;
	v31 =	vld.idx.msk [tilespmem:v45+s10+$0x0], $0xffff;
	[tilespmem:s0+$0xFFFFFFE0] =	vst v15  }
0x538: {  	v62 =	vshrl.u32 v12, $0x18;
	v11 =	vmul.f32 v25, v11;
	v55 =	vmul.f32 v63, v37;
	v50 =	vld [tilespmem:s29+$0xFFFFFFF0]  }
0x539: {  	v57 =	vshrl.u32 v14, $0x18;
	v52 =	vmul.f32 v28, v48;
	v59 =	vld.idx.msk [tilespmem:v49+s10+$0x0], $0xffff;
	v33 =	vadd.s32 v62, v56  }
0x53a: {  	v26 =	vmul.f32 v41, v51;
	v53 =	vld [tilespmem:s28+$0xFFFFFFF0];
	v12 =	vadd.s32 v62, v58;
	v35 =	vadd.s32 v6, v33  }
0x53b: {  	v54 =	vmul.f32 v20, v51;
	v42 =	vsub.f32 $1.000000000e+00, v30;
	v19 =	vld.idx.msk [tilespmem:v19+s10+$0x0], $0xffff;
	v37 =	vadd.s32 v6, v12  }
0x53c: {  	v40 =	vsub.f32 $1.000000000e+00, v24;
	v8 =	vadd.f32 v8, v26;
	v9 =	vld.idx.msk [tilespmem:v9+s10+$0x0], $0xffff;
	v39 =	vadd.s32 v7, v33  }
0x53d: {  	v10 =	vmul.f32 v10, v24;
	v36 =	vld [tilespmem:s1+$0x30];
	v41 =	vadd.s32 v7, v12;
	v60 =	vadd.s32 v57, v50  }
0x53e: {  	v44 =	vmul.f32 v46, v24;
	v8 =	vmul.f32 v8, v4;
	v34 =	vld [tilespmem:s1+$0xFFFFFFF0];
	v61 =	vadd.s32 v7, v60  }
0x53f: {  	v16 =	vadd.f32 v55, v54;
	v14 =	vadd.s32 v57, v53;
	v22 =	vadd.s32 v6, v60;
	v46 =	vld.idx.msk [tilespmem:v35+s10+$0x0], $0xffff  }
0x540: {  	v45 =	vmul.f32 v47, v40;
	v15 =	vmul.f32 v21, v48;
	v63 =	vadd.s32 v7, v14;
	v48 =	vld.idx.msk [tilespmem:v37+s10+$0x0], $0xffff  }
0x541: {  	v49 =	vmul.f32 v23, v40;
	v16 =	vmul.f32 v16, v5;
	v43 =	vadd.s32 v6, v14;
	v21 =	vld.idx.msk [tilespmem:v39+s10+$0x0], $0xffff  }
0x542: {  	v13 =	vadd.f32 v13, v52;
	v47 =	vmul.f32 v31, v42;
	v20 =	vmul.f32 v59, v30;
	v7 =	vld.idx.msk [tilespmem:v41+s10+$0x0], $0xffff  }
0x543: {  	v10 =	vadd.f32 v10, v49;
	v9 =	vmul.f32 v9, v30;
	v12 =	vmul.f32 v19, v42;
	v38 =	vld.idx.msk [tilespmem:v61+s10+$0x0], $0xffff  }
0x544: {  	v13 =	vmul.f32 v13, v4;
	v8 =	vadd.f32 v16, v8;
	v11 =	vadd.f32 v11, v15;
	v22 =	vld.idx.msk [tilespmem:v22+s10+$0x0], $0xffff  }
0x545: {  	v10 =	vmul.f32 v10, v5;
	v18 =	vadd.f32 v20, v47;
	v9 =	vadd.f32 v9, v12;
	v25 =	vld.idx.msk [tilespmem:v63+s10+$0x0], $0xffff  }
0x546: {  	v8 =	vmul.f32 $3.921568860e-03, v8;
	v11 =	vmul.f32 v11, v5;
	v50 =	vsub.f32 $1.000000000e+00, v36;
	v6 =	vld.idx.msk [tilespmem:v43+s10+$0x0], $0xffff  }
0x547: {  	v18 =	vmul.f32 v18, v5;
	v9 =	vmul.f32 v9, v4  }
0x548: {  	v17 =	vmul.f32 v46, v50;
	v53 =	vmul.f32 v48, v36  }
0x549: {  	v52 =	vsub.f32 $1.000000000e+00, v34;
	v54 =	vmul.f32 v21, v50;
	v7 =	vmul.f32 v7, v36  }
0x54a: {  	v11 =	vadd.f32 v11, v13;
	v16 =	vmul.f32 v38, v34;
	v51 =	vmul.f32 v22, v34  }
0x54b: {  	v13 =	vadd.f32 v44, v45;
	v55 =	vmul.f32 v25, v52;
	v6 =	vmul.f32 v6, v52  }
0x54c: {  	v11 =	vmul.f32 $3.921568860e-03, v11;
	v56 =	vadd.f32 v53, v17;
	v7 =	vadd.f32 v7, v54  }
0x54d: {  	v13 =	vmul.f32 v13, v4;
	v57 =	vadd.f32 v16, v55;
	v6 =	vadd.f32 v51, v6  }
0x54e: {  	v9 =	vadd.f32 v18, v9;
	v58 =	vmul.f32 v56, v5;
	v7 =	vmul.f32 v7, v4  }
0x54f: {  	v10 =	vadd.f32 v10, v13;
	v4 =	vmul.f32 v57, v4;
	v5 =	vmul.f32 v6, v5  }
0x550: {  	v59 =	vmul.f32 $2.550000000e+02, v8;
	v60 =	vmul.f32 $3.921568860e-03, v9;
	v7 =	vadd.f32 v58, v7  }
0x551: {  	s19 =	sadd.s32 $0x1, s19;
	v61 =	vmul.f32 $2.550000000e+02, v11;
	v10 =	vmul.f32 $3.921568860e-03, v10;
	v4 =	vadd.f32 v5, v4  }
0x552: {  	p0 =	sne.s32 s19, $0x20;
	[tilespmem:s20+$0x30] =	vst v59;
	v62 =	vmul.f32 $3.921568860e-03, v7;
	v5 =	vmul.f32 $2.550000000e+02, v60  }
.Ltmp41:
0x553: {  	[tilespmem:s20+$0xFFFFFFF0] =	vst v61;
	v63 =	vmul.f32 $2.550000000e+02, v10;
	v4 =	vmul.f32 $3.921568860e-03, v4;
	(pc) =	sbr.rel @p0 .LBB2_55-.Ltmp41, $4  }
0x554: {  	[tilespmem:s26+$0x30] =	vst v5;
	v5 =	vmul.f32 $2.550000000e+02, v62  }
0x555: {  	[tilespmem:s26+$0xFFFFFFF0] =	vst v63;
	v4 =	vmul.f32 $2.550000000e+02, v4  }
0x556: {  	[tilespmem:s0+$0x30] =	vst v5  }
0x557: {  	s18 =	sadd.s32 $0x80, s18;
	s17 =	sadd.s32 $0x200, s17;
	s16 =	sadd.s32 $0x1, s16;
	[tilespmem:s0+$0xFFFFFFF0] =	vst v4  }
0x558: {  	s0 =	sshll.u32 s13, $0xE  }
0x559: {  	s13 =	sadd.s32 $0x1, s13;
	s0 =	sadd.s32 s6, s0  }
0x55a: {  	p0 =	sne.s32 s13, $0x10;
	s0 =	sshrl.u32 s0, $0x3  }
.Ltmp42:
0x55b: {  	s1 =	sadd.s32 s3, s0;
	s0 =	simm.s32 $0x0;
	(pc) =	sbr.rel @p0 .LBB2_54-.Ltmp42, $4  }
0x55c: {  	[hbm4b:s1+s0] =	stream.linear.scatter [tilespmem:s11], [sflag:$0x1], $0x4000, $0x38;
	[tilespmem:$0x1D700] =	vst v63  }
0x55d: {  	_ =	swait.ge [sflag:s9], $0x4000  }
0x55e: {  	[sflag:s9] =	ssyncset.done $0x0  }
0x55f: {  	s14 =	sadd.s32 $0x1000, s14;
	[sflag:s9] =	ssyncadd.s32 $0xFFFFC000  }
0x560: {  	s1 =	simm.s32 $0x0  }
.LBB2_60:
0x561: {  	s12 =	sshll.u32 s1, $0xE  }
0x562: {  	s8 =	sadd.s32 s7, s12  }
0x563: {  	s8 =	sshrl.u32 s8, $0x3  }
0x564: {  	s24 =	simm.s32 $0x0;
	s14 =	sand.u32 $0xC00, s0;
	s8 =	sadd.s32 s2, s8  }
0x565: {  	[tilespmem:s0], [sflag:$0x1] =	stream.linear.gather [hbm4b:s8+s0], $0x4000, $0x38;
	[tilespmem:$0x1D700] =	vst v63  }
0x566: {  	s13 =	simm.s32 $0x0;
	s8 =	sand.u32 $0x3000, s24;
	_ =	swait.ge [sflag:s9], $0x4000  }
0x567: {  	s16 =	sand.u32 $0x380, s13;
	s14 =	sor.u32 s14, s8;
	[sflag:s9] =	ssyncset.done $0x0  }
0x568: {  	s14 =	sor.u32 s16, s14;
	[sflag:s9] =	ssyncadd.s32 $0xFFFFC000  }
0x569: {  	v4 =	vld [tilespmem:s14+$0x70]  }
0x56a: {  	s25 =	simm.s32 $0x0;
	v5 =	vld [tilespmem:s14+$0x40]  }
0x56b: {  	s15 =	sand.u32 $0x6, s25;
	v6 =	vld [tilespmem:s14+$0x50]  }
0x56c: {  	v7 =	vld [tilespmem:s14+$0x60];
	s14 =	sshll.u32 s15, $0x9  }
0x56d: {  	s8 =	sor.u32 s14, s8  }
0x56e: {  	s8 =	sor.u32 s16, s8  }
0x56f: {  	v8 =	vld [tilespmem:s8+$0x10]  }
0x570: {  	v9 =	vld [tilespmem:s8+$0x0]  }
0x571: {  	v10 =	vld [tilespmem:s8+$0x20];
	v4 =	vmul.f32 $3.921568860e-03, v4  }
0x572: {  	v5 =	vmul.f32 $3.921568860e-03, v5;
	v6 =	vmul.f32 $3.921568860e-03, v6  }
0x573: {  	v7 =	vmul.f32 $3.921568860e-03, v7;
	v4 =	vmul.f32 $2.560000000e+02, v4  }
0x574: {  	v5 =	vmul.f32 $2.560000000e+02, v5;
	v6 =	vmul.f32 $2.560000000e+02, v6  }
0x575: {  	v7 =	vmul.f32 $2.560000000e+02, v7;
	v8 =	vmul.f32 $3.921568860e-03, v8  }
0x576: {  	v9 =	vmul.f32 $3.921568860e-03, v9;
	v10 =	vmul.f32 $3.921568860e-03, v10  }
0x577: {  	v4 =	vtrunc.f32 v4;
	v5 =	vtrunc.f32 v5  }
0x578: {  	v6 =	vtrunc.f32 v6;
	v7 =	vtrunc.f32 v7  }
0x579: {  	v6 =	vcvt.f32.s32 v6;
	v4 =	vcvt.f32.s32 v4  }
0x57a: {  	v5 =	vcvt.f32.s32 v5;
	v7 =	vcvt.f32.s32 v7  }
0x57b: {  	v8 =	vmul.f32 $2.560000000e+02, v8;
	v10 =	vmul.f32 $2.560000000e+02, v10  }
0x57c: {  	vm0 =	vgt.s32 v6, $0x0;
	vm1 =	vgt.s32 v5, $0x0;
	vm2 =	vgt.s32 v4, $0x0  }
0x57d: {  	s26 =	simm.s32 $0x400;
	s28 =	simm.s32 $0x80;
	v11 =	vld [tilespmem:s8+$0x30];
	vm7 =	vgt.s32 v7, $0x0;
	v8 =	vtrunc.f32 v8;
	v10 =	vtrunc.f32 v10  }
0x57e: {  	s29 =	sand.u32 $0xC00, s26;
	s17 =	sand.u32 $0x3000, s28;
	s8 =	simm.s32 $0x20;
	v6 =	vnsel vm0, $0x0, v6;
	v4 =	vnsel vm2, $0x0, v4;
	v5 =	vnsel vm1, $0x0, v5  }
0x57f: {  	s14 =	sor.u32 s29, s17;
	s18 =	sand.u32 $0x380, s8;
	v7 =	vnsel vm7, $0x0, v7;
	v8 =	vcvt.f32.s32 v8;
	v10 =	vcvt.f32.s32 v10  }
0x580: {  	s14 =	sor.u32 s18, s14;
	v6 =	vmin.u32 v6, $0xFF;
	v5 =	vmin.u32 v5, $0xFF;
	v7 =	vmin.u32 v7, $0xFF  }
0x581: {  	v12 =	vld [tilespmem:s14+$0x60];
	v4 =	vmin.u32 v4, $0xFF;
	v6 =	vshll.u32 v6, $0x8;
	v7 =	vshll.u32 v7, $0x10  }
0x582: {  	v13 =	vld [tilespmem:s14+$0x50];
	v5 =	vor.u32 v5, v6;
	v6 =	vmul.f32 $2.560000000e+02, v9;
	v9 =	vmul.f32 $3.921568860e-03, v11  }
0x583: {  	v4 =	vshll.u32 v4, $0x18;
	vm8 =	vgt.s32 v8, $0x0;
	vm10 =	vgt.s32 v10, $0x0;
	v11 =	vld [tilespmem:s14+$0x70]  }
0x584: {  	v10 =	vnsel vm10, $0x0, v10;
	v5 =	vor.u32 v7, v5;
	v7 =	vld [tilespmem:s14+$0x40];
	v9 =	vmul.f32 $2.560000000e+02, v9  }
0x585: {  	s14 =	simm.s32 $0x2;
	v6 =	vtrunc.f32 v6;
	v14 =	vor.u32 v4, v5;
	v4 =	vnsel vm8, $0x0, v8  }
0x586: {  	s30 =	sand.u32 $0x6, s14;
	v6 =	vcvt.f32.s32 v6;
	v4 =	vmin.u32 v4, $0xFF;
	v5 =	vtrunc.f32 v9  }
0x587: {  	s19 =	sshll.u32 s30, $0x9;
	v9 =	vmul.f32 $3.921568860e-03, v12;
	v4 =	vshll.u32 v4, $0x8;
	v5 =	vcvt.f32.s32 v5  }
0x588: {  	s17 =	sor.u32 s19, s17;
	vm9 =	vgt.s32 v6, $0x0;
	v8 =	vmul.f32 $3.921568860e-03, v11;
	v11 =	vmul.f32 $3.921568860e-03, v13  }
0x589: {  	s17 =	sor.u32 s18, s17;
	v13 =	vmin.u32 v10, $0xFF;
	v7 =	vmul.f32 $3.921568860e-03, v7;
	v9 =	vmul.f32 $2.560000000e+02, v9  }
0x58a: {  	v6 =	vnsel vm9, $0x0, v6;
	v12 =	vld [tilespmem:s17+$0x10];
	v8 =	vmul.f32 $2.560000000e+02, v8;
	v11 =	vmul.f32 $2.560000000e+02, v11  }
0x58b: {  	vm11 =	vgt.s32 v5, $0x0;
	v7 =	vmul.f32 $2.560000000e+02, v7;
	v9 =	vtrunc.f32 v9  }
0x58c: {  	v6 =	vmin.u32 v6, $0xFF;
	v8 =	vtrunc.f32 v8;
	v10 =	vtrunc.f32 v11  }
0x58d: {  	s12 =	sshrl.u32 s12, $0x2;
	v5 =	vnsel vm11, $0x0, v5;
	v16 =	vcvt.f32.s32 v9;
	v7 =	vtrunc.f32 v7  }
0x58e: {  	s31 =	sand.u32 $0x180, s0;
	s13 =	sand.u32 $0x3FFFFF80, s13;
	s12 =	sadd.s32 $0x8000, s12;
	v4 =	vor.u32 v6, v4;
	v8 =	vcvt.f32.s32 v8;
	v11 =	vcvt.f32.s32 v10  }
0x58f: {  	s13 =	sadd.s32 s13, s12;
	s18 =	sshrl.u32 s31, $0x2;
	v15 =	vcvt.f32.s32 v7;
	v10 =	vmul.f32 $3.921568860e-03, v12;
	v7 =	vshll.u32 v13, $0x10  }
0x590: {  	s18 =	sadd.s32 s18, s13;
	v9 =	vld [tilespmem:s17+$0x0];
	vm15 =	vgt.s32 v16, $0x0;
	vm13 =	vgt.s32 v11, $0x0;
	vm14 =	vgt.s32 v8, $0x0  }
0x591: {  	s15 =	sshll.u32 s15, $0x4;
	s16 =	simm.s32 $0x80;
	[tilespmem:s18+$0x10] =	vst v14;
	v6 =	vld [tilespmem:s17+$0x20];
	v14 =	vnsel vm15, $0x0, v16;
	vm12 =	vgt.s32 v15, $0x0;
	v12 =	vnsel vm13, $0x0, v11  }
0x592: {  	s13 =	sadd.s32 s15, s13;
	s15 =	sshll.u32 s30, $0x4;
	v11 =	vnsel vm14, $0x0, v8;
	v8 =	vld [tilespmem:s17+$0x30];
	s17 =	simm.s32 $0x800;
	v13 =	vnsel vm12, $0x0, v15;
	v12 =	vmin.u32 v12, $0xFF  }
.LBB2_61:
0x593: {  	s14 =	sadd.s32 $0x2, s14;
	s18 =	sand.u32 $0xC00, s17;
	v13 =	vmin.u32 v13, $0xFF;
	v14 =	vmin.u32 v14, $0xFF;
	v12 =	vshll.u32 v12, $0x8;
	s19 =	sand.u32 $0x180, s16  }
0x594: {  	s21 =	sand.u32 $0x3FFFFF80, s8;
	v11 =	vmin.u32 v11, $0xFF;
	s20 =	sshll.u32 s14, $0x6;
	s8 =	sshll.u32 s14, $0x4;
	v12 =	vor.u32 v13, v12;
	v13 =	vshll.u32 v14, $0x10  }
0x595: {  	v9 =	vmul.f32 $3.921568860e-03, v9;
	s21 =	sadd.s32 s21, s12;
	v11 =	vshll.u32 v11, $0x18;
	s19 =	sshrl.u32 s19, $0x2;
	s20 =	sand.u32 $0x3000, s20;
	v12 =	vor.u32 v13, v12  }
0x596: {  	v10 =	vmul.f32 $2.560000000e+02, v10;
	v6 =	vmul.f32 $3.921568860e-03, v6;
	s22 =	sand.u32 $0x380, s8;
	s19 =	sadd.s32 s19, s21;
	s18 =	sor.u32 s18, s20;
	v11 =	vor.u32 v11, v12  }
0x597: {  	v8 =	vmul.f32 $3.921568860e-03, v8;
	v5 =	vmin.u32 v5, $0xFF;
	s23 =	sand.u32 $0x6, s14;
	v9 =	vmul.f32 $2.560000000e+02, v9;
	s21 =	sadd.s32 s15, s21;
	s18 =	sor.u32 s22, s18;
	[tilespmem:s19+$0x10] =	vst v11  }
0x598: {  	v4 =	vor.u32 v7, v4;
	p0 =	slt.u32 s14, $0xFE;
	s15 =	sshll.u32 s23, $0x4;
	v10 =	vtrunc.f32 v10;
	v6 =	vmul.f32 $2.560000000e+02, v6;
	s19 =	sshll.u32 s23, $0x9;
	v11 =	vld [tilespmem:s18+$0x70]  }
0x599: {  	v5 =	vshll.u32 v5, $0x18;
	v8 =	vmul.f32 $2.560000000e+02, v8;
	v10 =	vcvt.f32.s32 v10;
	s19 =	sor.u32 s19, s20;
	v7 =	vld [tilespmem:s18+$0x40]  }
0x59a: {  	v4 =	vor.u32 v5, v4;
	v9 =	vtrunc.f32 v9;
	v6 =	vtrunc.f32 v6;
	s19 =	sor.u32 s22, s19;
	v12 =	vld [tilespmem:s18+$0x60]  }
0x59b: {  	v13 =	vcvt.f32.s32 v9;
	vm0 =	vgt.s32 v10, $0x0;
	v14 =	vcvt.f32.s32 v6;
	v5 =	vld [tilespmem:s18+$0x50];
	[tilespmem:s13+$0x0] =	vst v4;
	s13 =	smov.u32 s21  }
0x59c: {  	v6 =	vtrunc.f32 v8;
	v4 =	vnsel vm0, $0x0, v10;
	v15 =	vld [tilespmem:s19+$0x10]  }
0x59d: {  	vm1 =	vgt.s32 v14, $0x0;
	vm0 =	vgt.s32 v13, $0x0;
	v10 =	vcvt.f32.s32 v6;
	v9 =	vld [tilespmem:s19+$0x0]  }
0x59e: {  	v13 =	vnsel vm0, $0x0, v13;
	v4 =	vmin.u32 v4, $0xFF;
	v11 =	vmul.f32 $3.921568860e-03, v11;
	v6 =	vld [tilespmem:s19+$0x20]  }
0x59f: {  	v14 =	vnsel vm1, $0x0, v14;
	v7 =	vmul.f32 $3.921568860e-03, v7;
	v8 =	vld [tilespmem:s19+$0x30];
	v12 =	vmul.f32 $3.921568860e-03, v12  }
0x5a0: {  	vm0 =	vgt.s32 v10, $0x0;
	v11 =	vmul.f32 $2.560000000e+02, v11;
	v5 =	vmul.f32 $3.921568860e-03, v5  }
0x5a1: {  	v4 =	vshll.u32 v4, $0x8;
	v7 =	vmul.f32 $2.560000000e+02, v7;
	v12 =	vmul.f32 $2.560000000e+02, v12  }
0x5a2: {  	v13 =	vmin.u32 v13, $0xFF;
	v11 =	vtrunc.f32 v11;
	v5 =	vmul.f32 $2.560000000e+02, v5  }
0x5a3: {  	v14 =	vmin.u32 v14, $0xFF;
	v7 =	vtrunc.f32 v7;
	v12 =	vtrunc.f32 v12  }
0x5a4: {  	v11 =	vcvt.f32.s32 v11;
	v16 =	vtrunc.f32 v5;
	v5 =	vnsel vm0, $0x0, v10  }
.Ltmp43:
0x5a5: {  	v4 =	vor.u32 v13, v4;
	v17 =	vcvt.f32.s32 v7;
	v16 =	vcvt.f32.s32 v16;
	(pc) =	sbr.rel @p0 .LBB2_61-.Ltmp43, $4  }
0x5a6: {  	v7 =	vshll.u32 v14, $0x10;
	v10 =	vmul.f32 $3.921568860e-03, v15;
	v15 =	vcvt.f32.s32 v12  }
0x5a7: {  	vm2 =	vgt.s32 v11, $0x0;
	vm0 =	vgt.s32 v17, $0x0;
	vm1 =	vgt.s32 v16, $0x0  }
0x5a8: {  	v11 =	vnsel vm2, $0x0, v11;
	v12 =	vnsel vm1, $0x0, v16;
	vm1 =	vgt.s32 v15, $0x0  }
0x5a9: {  	s17 =	sadd.s32 $0x400, s17;
	s16 =	sadd.s32 $0x80, s16;
	v13 =	vnsel vm0, $0x0, v17;
	v12 =	vmin.u32 v12, $0xFF;
	v14 =	vnsel vm1, $0x0, v15  }
0x5aa: {  	v13 =	vmin.u32 v13, $0xFF;
	v14 =	vmin.u32 v14, $0xFF;
	v12 =	vshll.u32 v12, $0x8  }
0x5ab: {  	v9 =	vmul.f32 $3.921568860e-03, v9;
	v11 =	vmin.u32 v11, $0xFF;
	v10 =	vmul.f32 $2.560000000e+02, v10  }
0x5ac: {  	v6 =	vmul.f32 $3.921568860e-03, v6;
	v8 =	vmul.f32 $3.921568860e-03, v8;
	v5 =	vmin.u32 v5, $0xFF  }
0x5ad: {  	v4 =	vor.u32 v7, v4;
	v12 =	vor.u32 v13, v12;
	v9 =	vmul.f32 $2.560000000e+02, v9  }
0x5ae: {  	v59 =	vshll.u32 v14, $0x10;
	v10 =	vtrunc.f32 v10;
	v6 =	vmul.f32 $2.560000000e+02, v6  }
0x5af: {  	v11 =	vshll.u32 v11, $0x18;
	v60 =	vmul.f32 $2.560000000e+02, v8;
	v10 =	vcvt.f32.s32 v10  }
0x5b0: {  	v5 =	vshll.u32 v5, $0x18;
	v61 =	vtrunc.f32 v9;
	v6 =	vtrunc.f32 v6  }
0x5b1: {  	v12 =	vor.u32 v59, v12;
	v7 =	vtrunc.f32 v60;
	v8 =	vcvt.f32.s32 v61  }
0x5b2: {  	vm0 =	vgt.s32 v10, $0x0;
	v6 =	vcvt.f32.s32 v6;
	v7 =	vcvt.f32.s32 v7  }
0x5b3: {  	v4 =	vor.u32 v5, v4;
	v62 =	vnsel vm0, $0x0, v10;
	vm14 =	vgt.s32 v8, $0x0  }
0x5b4: {  	s1 =	sadd.s32 $0x1, s1;
	vm1 =	vgt.s32 v6, $0x0;
	v9 =	vmin.u32 v62, $0xFF;
	vm15 =	vgt.s32 v7, $0x0  }
0x5b5: {  	p0 =	sne.s32 s1, $0x10;
	v8 =	vnsel vm14, $0x0, v8;
	v6 =	vnsel vm1, $0x0, v6;
	v9 =	vshll.u32 v9, $0x8  }
.Ltmp44:
0x5b6: {  	s14 =	sand.u32 $0x180, s16;
	s8 =	sand.u32 $0x3FFFFF80, s8;
	v7 =	vnsel vm15, $0x0, v7;
	v8 =	vmin.u32 v8, $0xFF;
	v6 =	vmin.u32 v6, $0xFF;
	(pc) =	sbr.rel @p0 .LBB2_60-.Ltmp44, $4  }
0x5b7: {  	s8 =	sadd.s32 s8, s12;
	s31 =	sshrl.u32 s14, $0x2;
	v7 =	vmin.u32 v7, $0xFF;
	v8 =	vor.u32 v8, v9;
	v6 =	vshll.u32 v6, $0x10  }
0x5b8: {  	s12 =	sadd.s32 s31, s8;
	v11 =	vor.u32 v11, v12;
	[tilespmem:s13+$0x0] =	vst v4;
	v63 =	vshll.u32 v7, $0x18;
	v5 =	vor.u32 v6, v8  }
0x5b9: {  	s8 =	sadd.s32 s15, s8;
	[tilespmem:s12+$0x10] =	vst v11;
	v4 =	vor.u32 v63, v5  }
0x5ba: {  	[tilespmem:s8+$0x0] =	vst v4  }
.Ltmp45:
0x5bb: {  	(pc) =	sbr.rel .LBB2_64-.Ltmp45, $2  }
0x5bc: {  	_ =	sdelay $0x2  }
0x5bd: {  	s13 =	simm.s32 $0x0;
	s14 =	simm.s32 $0x8080  }
.LBB2_79:
0x5be: {  	s13 =	sadd.s32 $0x1, s13  }
0x5bf: {  	p0 =	sne.s32 s13, $0x8  }
.Ltmp46:
0x5c0: {  	_ = 	snop;
	(pc) =	sbr.rel @!p0 .LBB2_80-.Ltmp46, $2  }
0x5c1: {  	_ =	sdelay $0x2  }
0x5c2: {  	s14 =	sadd.s32 $0x2000, s14  }
.LBB2_64:
0x5c3: {  	s0 =	sshll.u32 s13, $0xB  }
0x5c4: {  	s0 =	sand.u32 $0x3FFFF800, s0  }
0x5c5: {  	s16 =	smov.u32 s14;
	s17 =	simm.s32 $0x0;
	s15 =	sadd.s32 $0x19100, s0  }
.LBB2_65:
0x5c6: {  	v4 =	vld [tilespmem:s16+$0x0];
	_ =	sdelay $0x4  }
0x5c7: {  	v6 =	vshrl.u32 v4, $0x8;
	v7 =	vand.u32 $0xFF, v4  }
0x5c8: {  	v5 =	vld [tilespmem:s16+$0xFFFFFF80];
	v7 =	vor.u32 v2, v7;
	v6 =	vand.u32 $0xFF, v6  }
0x5c9: {  	v8 =	vshrl.u32 v4, $0x10;
	v6 =	vor.u32 v2, v6  }
0x5ca: {  	s1 =	sadd.s32 $0x100, s16;
	v8 =	vand.u32 $0xFF, v8  }
0x5cb: {  	v10 =	vld [tilespmem:s1+$0x0];
	v4 =	vshrl.u32 v4, $0x18;
	v8 =	vor.u32 v2, v8  }
0x5cc: {  	s0 =	simm.s32 $0x18000;
	v9 =	vor.u32 v2, v4  }
0x5cd: {  	v11 =	vand.u32 $0xFF, v5;
	v4 =	vshrl.u32 v5, $0x8;
	[tilespmem:v7+s0+$0x0] =	vst.idx.add.f32.msk $0xffff, v3  }
0x5ce: {  	v12 =	vshrl.u32 v5, $0x10;
	v11 =	vor.u32 v2, v11;
	v4 =	vand.u32 $0xFF, v4;
	[tilespmem:v6+s0+$0x0] =	vst.idx.add.f32.msk $0xffff, v3  }
0x5cf: {  	v63 =	vor.u32 v2, v4;
	v7 =	vand.u32 $0xFF, v12;
	v6 =	vld [tilespmem:s1+$0xFFFFFF80]  }
0x5d0: {  	v4 =	vor.u32 v2, v7;
	v7 =	vshrl.u32 v10, $0x8;
	[tilespmem:v8+s0+$0x0] =	vst.idx.add.f32.msk $0xffff, v3;
	v8 =	vand.u32 $0xFF, v10  }
0x5d1: {  	v7 =	vand.u32 $0xFF, v7;
	[tilespmem:v9+s0+$0x0] =	vst.idx.add.f32.msk $0xffff, v3;
	v9 =	vshrl.u32 v10, $0x10;
	v8 =	vor.u32 v2, v8  }
0x5d2: {  	v7 =	vor.u32 v2, v7;
	v9 =	vand.u32 $0xFF, v9  }
0x5d3: {  	v5 =	vshrl.u32 v5, $0x18;
	v13 =	vshrl.u32 v10, $0x18;
	[tilespmem:v11+s0+$0x0] =	vst.idx.add.f32.msk $0xffff, v3;
	v10 =	vor.u32 v2, v9  }
0x5d4: {  	s8 =	simm.s32 $0x2;
	s12 =	sadd.s32 $0x100, s1;
	v5 =	vor.u32 v2, v5;
	s1 =	simm.s32 $0x18000;
	[tilespmem:v63+s0+$0x0] =	vst.idx.add.f32.msk $0xffff, v3;
	v9 =	vor.u32 v2, v13  }
.LBB2_66:
0x5d5: {  	v11 =	vld [tilespmem:s12+$0x0];
	v12 =	vshrl.u32 v6, $0x8;
	v13 =	vshrl.u32 v6, $0x10;
	v14 =	vshrl.u32 v6, $0x18  }
0x5d6: {  	v6 =	vand.u32 $0xFF, v6;
	v12 =	vand.u32 $0xFF, v12;
	v13 =	vand.u32 $0xFF, v13;
	[tilespmem:v8+s0+$0x0] =	vst.idx.add.f32.msk $0xffff, v3  }
0x5d7: {  	s8 =	sadd.s32 $0x2, s8;
	v12 =	vor.u32 v2, v12;
	v13 =	vor.u32 v2, v13;
	[tilespmem:v7+s0+$0x0] =	vst.idx.add.f32.msk $0xffff, v3  }
0x5d8: {  	p0 =	slt.u32 s8, $0x3E;
	v15 =	vor.u32 v2, v6;
	v14 =	vor.u32 v2, v14;
	[tilespmem:v10+s0+$0x0] =	vst.idx.add.f32.msk $0xffff, v3  }
0x5d9: {  	[tilespmem:v9+s0+$0x0] =	vst.idx.add.f32.msk $0xffff, v3  }
.Ltmp47:
0x5da: {  	v6 =	vld [tilespmem:s12+$0xFFFFFF80];
	v7 =	vshrl.u32 v11, $0x8;
	v8 =	vand.u32 $0xFF, v11;
	(pc) =	sbr.rel @p0 .LBB2_66-.Ltmp47, $4  }
0x5db: {  	v9 =	vshrl.u32 v11, $0x10;
	v8 =	vor.u32 v2, v8;
	v7 =	vand.u32 $0xFF, v7;
	[tilespmem:v4+s1+$0x0] =	vst.idx.add.f32.msk $0xffff, v3;
	v4 =	vmovc v13  }
0x5dc: {  	v9 =	vand.u32 $0xFF, v9;
	v7 =	vor.u32 v2, v7;
	[tilespmem:v5+s1+$0x0] =	vst.idx.add.f32.msk $0xffff, v3;
	v5 =	vmov v14;
	s1 =	smov.u32 s0  }
0x5dd: {  	v11 =	vshrl.u32 v11, $0x18;
	v10 =	vor.u32 v2, v9;
	[tilespmem:v15+s1+$0x0] =	vst.idx.add.f32.msk $0xffff, v3  }
0x5de: {  	s12 =	sadd.s32 $0x100, s12;
	v9 =	vor.u32 v2, v11;
	[tilespmem:v12+s1+$0x0] =	vst.idx.add.f32.msk $0xffff, v3  }
0x5df: {  	_ =	sdelay $0x2  }
0x5e0: {  	s8 =	simm.s32 $0x18000  }
0x5e1: {  	v11 =	vshrl.u32 v6, $0x8;
	v12 =	vand.u32 $0xFF, v6;
	[tilespmem:v8+s8+$0x0] =	vst.idx.add.f32.msk $0xffff, v3  }
0x5e2: {  	v8 =	vshrl.u32 v6, $0x10;
	v11 =	vand.u32 $0xFF, v11;
	[tilespmem:v7+s8+$0x0] =	vst.idx.add.f32.msk $0xffff, v3;
	v7 =	vor.u32 v2, v12  }
0x5e3: {  	[tilespmem:v4+s1+$0x0] =	vst.idx.add.f32.msk $0xffff, v3;
	v8 =	vand.u32 $0xFF, v8;
	v11 =	vor.u32 v2, v11  }
0x5e4: {  	v6 =	vshrl.u32 v6, $0x18;
	[tilespmem:v5+s1+$0x0] =	vst.idx.add.f32.msk $0xffff, v3;
	v8 =	vor.u32 v2, v8  }
0x5e5: {  	v6 =	vor.u32 v2, v6;
	[tilespmem:v10+s8+$0x0] =	vst.idx.add.f32.msk $0xffff, v3  }
0x5e6: {  	p3 =	por $0x1, $0x1;
	[tilespmem:v9+s8+$0x0] =	vst.idx.add.f32.msk $0xffff, v3  }
.Ltmp48:
0x5e7: {  	[tilespmem:v7+s8+$0x0] =	vst.idx.add.f32.msk $0xffff, v3;
	(pc) =	sbr.rel @!p3 .LBB2_68-.Ltmp48, $4  }
0x5e8: {  	[tilespmem:v11+s8+$0x0] =	vst.idx.add.f32.msk $0xffff, v3  }
0x5e9: {  	s19 =	simm.s32 $0x0;
	[tilespmem:v8+s8+$0x0] =	vst.idx.add.f32.msk $0xffff, v3  }
0x5ea: {  	s0 =	simm.s32 $0x19000;
	s18 =	simm.s32 $0x10;
	p0 =	por $0x0, $0x0;
	[tilespmem:v6+s8+$0x0] =	vst.idx.add.f32.msk $0xffff, v3  }
0x5eb: {  	v4 =	vimm.f32 $0.0e+00;
	p1 =	por $0x0, $0x0;
	p2 =	por $0x0, $0x0;
	s1 =	sand.u32 $0xF0, s19;
	v7 =	vld [tilespmem:s8+$0x0];
	[tilespmem:s8+$0x0] =	vst v1  }
0x5ec: {  	v5 =	vld [tilespmem:s1+$0x18100];
	_ =	sdelay $0x1  }
0x5ed: {  	v6 =	vld [tilespmem:s1+$0x18200];
	_ =	sdelay $0x1  }
0x5ee: {  	v8 =	vld [tilespmem:s1+$0x18300]  }
0x5ef: {  	v5 =	vadd.f32 v5, v7  }
0x5f0: {  	v7 =	vld [tilespmem:s1+$0x18400]  }
0x5f1: {  	[tilespmem:s1+$0x18100] =	vst v1;
	v5 =	vadd.f32 v6, v5  }
0x5f2: {  	[tilespmem:s1+$0x18200] =	vst v1;
	v6 =	vld [tilespmem:s1+$0x18500]  }
0x5f3: {  	[tilespmem:s1+$0x18300] =	vst v1;
	v5 =	vadd.f32 v8, v5  }
0x5f4: {  	v10 =	vld [tilespmem:s1+$0x18600];
	[tilespmem:s1+$0x18600] =	vst v1;
	p3 =	por $0x1, $0x1  }
.Ltmp49:
0x5f5: {  	v9 =	vld [tilespmem:s1+$0x18800];
	[tilespmem:s1+$0x18800] =	vst v1;
	v5 =	vadd.f32 v7, v5;
	(pc) =	sbr.rel @!p3 .LBB2_70-.Ltmp49, $4  }
0x5f6: {  	[tilespmem:s1+$0x18400] =	vst v1  }
0x5f7: {  	s8 =	simm.s32 $0x18010;
	[tilespmem:s1+$0x18500] =	vst v1;
	v8 =	vld [tilespmem:s1+$0x18700];
	v5 =	vadd.f32 v6, v5  }
0x5f8: {  	[tilespmem:s1+$0x18700] =	vst v1;
	v7 =	vld [tilespmem:s8+$0x0]  }
0x5f9: {  	s12 =	sand.u32 $0xF0, s18;
	p0 =	por $0x1, $0x1;
	[tilespmem:s8+$0x0] =	vst v1;
	s8 =	simm.s32 $0x20;
	v12 =	vadd.f32 v10, v5;
	v10 =	vld [tilespmem:s1+$0x18900]  }
0x5fa: {  	v5 =	vld [tilespmem:s12+$0x18100]  }
0x5fb: {  	v11 =	vld [tilespmem:s12+$0x18200]  }
0x5fc: {  	v13 =	vld [tilespmem:s1+$0x18D00];
	v6 =	vadd.f32 v8, v12  }
0x5fd: {  	[tilespmem:s1+$0x18900] =	vst v1;
	v8 =	vld [tilespmem:s1+$0x18A00]  }
0x5fe: {  	[tilespmem:s12+$0x18100] =	vst v1;
	v14 =	vld [tilespmem:s1+$0x18E00];
	v6 =	vadd.f32 v9, v6  }
0x5ff: {  	[tilespmem:s12+$0x18200] =	vst v1;
	v9 =	vld [tilespmem:s1+$0x18B00]  }
0x600: {  	[tilespmem:s1+$0x18D00] =	vst v1;
	v12 =	vld [tilespmem:s12+$0x18300];
	v6 =	vadd.f32 v10, v6  }
0x601: {  	[tilespmem:s1+$0x18E00] =	vst v1;
	v10 =	vld [tilespmem:s1+$0x18C00]  }
0x602: {  	v15 =	vld [tilespmem:s1+$0x18F00];
	[tilespmem:s1+$0x18F00] =	vst v1;
	v5 =	vadd.f32 v5, v7;
	v6 =	vadd.f32 v8, v6  }
0x603: {  	[tilespmem:s1+$0x18A00] =	vst v1;
	v7 =	vld [tilespmem:s12+$0x18400]  }
0x604: {  	[tilespmem:s12+$0x18300] =	vst v1;
	v5 =	vadd.f32 v11, v5;
	v6 =	vadd.f32 v9, v6  }
0x605: {  	[tilespmem:s1+$0x18B00] =	vst v1;
	v11 =	vld [tilespmem:s12+$0x18500]  }
0x606: {  	[tilespmem:s12+$0x18400] =	vst v1;
	v5 =	vadd.f32 v12, v5;
	v6 =	vadd.f32 v10, v6  }
0x607: {  	p3 =	por $0x1, $0x1;
	[tilespmem:s1+$0x18C00] =	vst v1;
	v12 =	vld [tilespmem:s12+$0x18600]  }
.Ltmp50:
0x608: {  	[tilespmem:s12+$0x18500] =	vst v1;
	v5 =	vadd.f32 v7, v5;
	v6 =	vadd.f32 v13, v6;
	(pc) =	sbr.rel @!p3 .LBB2_72-.Ltmp50, $4  }
0x609: {  	v8 =	vld [tilespmem:s12+$0x18700];
	[tilespmem:s12+$0x18700] =	vst v1  }
0x60a: {  	s31 =	simm.s32 $0x18020;
	[tilespmem:s12+$0x18600] =	vst v1;
	v9 =	vld [tilespmem:s12+$0x18800];
	v5 =	vadd.f32 v11, v5;
	v6 =	vadd.f32 v14, v6  }
0x60b: {  	[tilespmem:s12+$0x18800] =	vst v1;
	v7 =	vld [tilespmem:s31+$0x0]  }
0x60c: {  	p1 =	por $0x1, $0x1;
	s1 =	sand.u32 $0xF0, s8;
	s8 =	simm.s32 $0x30;
	[tilespmem:s31+$0x0] =	vst v1;
	v10 =	vld [tilespmem:s12+$0x18900];
	v12 =	vadd.f32 v12, v5;
	v5 =	vadd.f32 v15, v6  }
0x60d: {  	v6 =	vld [tilespmem:s1+$0x18100]  }
0x60e: {  	v11 =	vld [tilespmem:s12+$0x18A00]  }
0x60f: {  	[tilespmem:s1+$0x18100] =	vst v1;
	v13 =	vld [tilespmem:s1+$0x18300];
	v8 =	vadd.f32 v8, v12  }
0x610: {  	[tilespmem:s12+$0x18900] =	vst v1;
	v14 =	vld [tilespmem:s1+$0x18400]  }
0x611: {  	[tilespmem:s12+$0x18A00] =	vst v1;
	v12 =	vld [tilespmem:s1+$0x18200];
	v8 =	vadd.f32 v9, v8  }
0x612: {  	[tilespmem:s1+$0x18300] =	vst v1;
	v9 =	vld [tilespmem:s12+$0x18B00]  }
0x613: {  	[tilespmem:s1+$0x18400] =	vst v1;
	v15 =	vld [tilespmem:s1+$0x18500];
	v8 =	vadd.f32 v10, v8  }
0x614: {  	[tilespmem:s1+$0x18500] =	vst v1;
	v10 =	vld [tilespmem:s12+$0x18C00];
	v6 =	vadd.f32 v6, v7  }
0x615: {  	v16 =	vld [tilespmem:s1+$0x18600];
	[tilespmem:s1+$0x18600] =	vst v1;
	v7 =	vadd.f32 v11, v8  }
0x616: {  	[tilespmem:s1+$0x18200] =	vst v1;
	v11 =	vld [tilespmem:s12+$0x18D00];
	v6 =	vadd.f32 v12, v6  }
0x617: {  	[tilespmem:s12+$0x18B00] =	vst v1;
	v7 =	vadd.f32 v9, v7  }
0x618: {  	[tilespmem:s12+$0x18C00] =	vst v1;
	v12 =	vld [tilespmem:s12+$0x18E00];
	v6 =	vadd.f32 v13, v6  }
0x619: {  	[tilespmem:s12+$0x18D00] =	vst v1;
	v7 =	vadd.f32 v10, v7  }
0x61a: {  	p3 =	por $0x1, $0x1;
	[tilespmem:s12+$0x18E00] =	vst v1;
	v13 =	vld [tilespmem:s12+$0x18F00];
	v6 =	vadd.f32 v14, v6  }
.Ltmp51:
0x61b: {  	v8 =	vld [tilespmem:s1+$0x18700];
	[tilespmem:s1+$0x18700] =	vst v1;
	v7 =	vadd.f32 v11, v7;
	(pc) =	sbr.rel @!p3 .LBB2_74-.Ltmp51, $4  }
0x61c: {  	[tilespmem:s12+$0x18F00] =	vst v1;
	v11 =	vadd.f32 v15, v6  }
0x61d: {  	v9 =	vld [tilespmem:s1+$0x18800];
	[tilespmem:s1+$0x18800] =	vst v1;
	v10 =	vmin.f32 v5, $6.400000000e+01;
	v14 =	vadd.f32 v12, v7  }
0x61e: {  	s20 =	simm.s32 $0x18030;
	s8 =	sand.u32 $0xF0, s8;
	[tilespmem:s0+$0x0] =	vst v10;
	v6 =	vadd.f32 v10, v4;
	v10 =	vld [tilespmem:s1+$0x18900];
	v12 =	vadd.f32 v16, v11  }
0x61f: {  	s21 =	simm.s32 $0x40;
	p2 =	por $0x1, $0x1;
	s12 =	simm.s32 $0x19000;
	v7 =	vld [tilespmem:s20+$0x0];
	[tilespmem:s20+$0x0] =	vst v1;
	v11 =	vadd.f32 v13, v14  }
.LBB2_75:
0x620: {  	p3 =	sne.s32 s21, $0xF0;
	v13 =	vld [tilespmem:s8+$0x18100];
	[tilespmem:s8+$0x18100] =	vst v1;
	v8 =	vadd.f32 v8, v12  }
0x621: {  	[tilespmem:s1+$0x18900] =	vst v1;
	v12 =	vld [tilespmem:s1+$0x18A00];
	v11 =	vmin.f32 v11, $6.400000000e+01  }
0x622: {  	v14 =	vld [tilespmem:s8+$0x18200];
	[tilespmem:s8+$0x18200] =	vst v1;
	v8 =	vadd.f32 v9, v8;
	v6 =	vadd.f32 v11, v6  }
0x623: {  	[tilespmem:s1+$0x18A00] =	vst v1;
	v9 =	vld [tilespmem:s1+$0x18B00]  }
0x624: {  	v15 =	vld [tilespmem:s8+$0x18300];
	[tilespmem:s8+$0x18300] =	vst v1;
	v8 =	vadd.f32 v10, v8  }
0x625: {  	v7 =	vadd.f32 v13, v7;
	[tilespmem:s1+$0x18B00] =	vst v1;
	v10 =	vld [tilespmem:s1+$0x18C00]  }
0x626: {  	v13 =	vld [tilespmem:s8+$0x18400];
	[tilespmem:s8+$0x18400] =	vst v1;
	v8 =	vadd.f32 v12, v8  }
0x627: {  	v7 =	vadd.f32 v14, v7;
	[tilespmem:s1+$0x18C00] =	vst v1;
	v12 =	vld [tilespmem:s1+$0x18D00]  }
0x628: {  	v14 =	vld [tilespmem:s8+$0x18500];
	[tilespmem:s8+$0x18500] =	vst v1;
	v8 =	vadd.f32 v9, v8  }
0x629: {  	v7 =	vadd.f32 v15, v7;
	[tilespmem:s1+$0x18D00] =	vst v1;
	v15 =	vld [tilespmem:s1+$0x18E00]  }
0x62a: {  	v16 =	vld [tilespmem:s8+$0x18600];
	[tilespmem:s8+$0x18600] =	vst v1;
	v9 =	vadd.f32 v10, v8  }
0x62b: {  	v7 =	vadd.f32 v13, v7;
	[tilespmem:s1+$0x18E00] =	vst v1;
	v13 =	vld [tilespmem:s1+$0x18F00]  }
.Ltmp52:
0x62c: {  	v8 =	vld [tilespmem:s8+$0x18700];
	[tilespmem:s8+$0x18700] =	vst v1;
	v10 =	vadd.f32 v12, v9;
	(pc) =	sbr.rel @p3 .LBB2_75-.Ltmp52, $4  }
0x62d: {  	v12 =	vadd.f32 v14, v7;
	[tilespmem:s1+$0x18F00] =	vst v1;
	s1 =	smov.u32 s8  }
0x62e: {  	s20 =	sadd.s32 $0x10, s20;
	s12 =	sadd.s32 $0x10, s12;
	v9 =	vld [tilespmem:s1+$0x18800];
	[tilespmem:s1+$0x18800] =	vst v1;
	v14 =	vadd.f32 v15, v10  }
0x62f: {  	v7 =	vld [tilespmem:s20+$0x0];
	v12 =	vadd.f32 v16, v12;
	[tilespmem:s12+$0x0] =	vst v11  }
0x630: {  	s8 =	sand.u32 $0xF0, s21;
	s21 =	sadd.s32 $0x10, s21;
	[tilespmem:s20+$0x0] =	vst v1;
	v10 =	vld [tilespmem:s1+$0x18900];
	v11 =	vadd.f32 v13, v14  }
.LBB2_76:
0x631: {  	v13 =	vld [tilespmem:s8+$0x18100];
	_ =	sdelay $0x1  }
0x632: {  	v14 =	vld [tilespmem:s8+$0x18200];
	_ =	sdelay $0x1  }
0x633: {  	v15 =	vld [tilespmem:s8+$0x18300]  }
0x634: {  	v7 =	vadd.f32 v13, v7  }
0x635: {  	v53 =	vld [tilespmem:s8+$0x18400]  }
0x636: {  	v7 =	vadd.f32 v14, v7  }
0x637: {  	v54 =	vld [tilespmem:s8+$0x18500]  }
0x638: {  	v7 =	vadd.f32 v15, v7  }
0x639: {  	v55 =	vld [tilespmem:s8+$0x18600]  }
0x63a: {  	v7 =	vadd.f32 v53, v7  }
0x63b: {  	v56 =	vld [tilespmem:s8+$0x18700]  }
0x63c: {  	v8 =	vadd.f32 @p0 v8, v12;
	v12 =	vld @p0 [tilespmem:s1+$0x18A00];
	v7 =	vadd.f32 v54, v7  }
0x63d: {  	v57 =	vld [tilespmem:s8+$0x18800]  }
0x63e: {  	v58 =	vld [tilespmem:s8+$0x18900];
	v8 =	vadd.f32 @p0 v9, v8;
	v7 =	vadd.f32 v55, v7  }
0x63f: {  	v9 =	vld @p0 [tilespmem:s1+$0x18B00]  }
0x640: {  	v59 =	vld [tilespmem:s8+$0x18A00];
	v8 =	vadd.f32 @p0 v10, v8;
	v7 =	vadd.f32 v56, v7  }
0x641: {  	v10 =	vld @p0 [tilespmem:s1+$0x18C00]  }
0x642: {  	v60 =	vld [tilespmem:s8+$0x18B00];
	v8 =	vadd.f32 @p0 v12, v8;
	v7 =	vadd.f32 v57, v7  }
0x643: {  	v12 =	vld @p0 [tilespmem:s1+$0x18D00]  }
0x644: {  	v61 =	vld [tilespmem:s8+$0x18C00];
	v8 =	vadd.f32 @p0 v9, v8;
	v7 =	vadd.f32 v58, v7  }
0x645: {  	v9 =	vld @p0 [tilespmem:s1+$0x18E00]  }
0x646: {  	v62 =	vld [tilespmem:s8+$0x18D00];
	v8 =	vadd.f32 @p0 v10, v8;
	v7 =	vadd.f32 v59, v7  }
0x647: {  	v10 =	vld @p0 [tilespmem:s1+$0x18F00]  }
0x648: {  	v8 =	vadd.f32 @p0 v12, v8;
	v7 =	vadd.f32 v60, v7  }
0x649: {  	v63 =	vld [tilespmem:s8+$0x18E00]  }
0x64a: {  	v8 =	vadd.f32 @p0 v9, v8;
	v7 =	vadd.f32 v61, v7  }
0x64b: {  	v9 =	vld [tilespmem:s8+$0x18F00]  }
0x64c: {  	v11 =	vmin.f32 @p1 v11, $6.400000000e+01;
	v8 =	vadd.f32 @p0 v10, v8;
	v7 =	vadd.f32 v62, v7  }
0x64d: {  	v6 =	vadd.f32 @p1 v11, v6  }
0x64e: {  	v5 =	vpsel p0, v8, v5;
	v7 =	vadd.f32 v63, v7  }
0x64f: {  	v6 =	vpsel p1, v6, v4;
	v5 =	vmin.f32 @p0 v5, $6.400000000e+01  }
0x650: {  	v6 =	vadd.f32 @p0 v5, v6;
	v7 =	vadd.f32 v9, v7;
	_ =	sdelay $0x1  }
0x651: {  	v4 =	vpsel p0, v6, v4;
	v6 =	vmin.f32 v7, $6.400000000e+01  }
0x652: {  	v4 =	vadd.f32 v6, v4;
	_ =	sdelay $0x1  }
0x653: {  	(xrf2) =	vadd.scan.msk.f32 $0xffff, v4;
	_ =	sdelay $0x1  }
0x654: {  	[tilespmem:s8+$0x18100] =	vst v1  }
0x655: {  	[tilespmem:s8+$0x18200] =	vst v1  }
0x656: {  	[tilespmem:s8+$0x18300] =	vst v1  }
0x657: {  	[tilespmem:s8+$0x18400] =	vst v1  }
0x658: {  	[tilespmem:s8+$0x18500] =	vst v1  }
0x659: {  	[tilespmem:s8+$0x18600] =	vst v1  }
0x65a: {  	[tilespmem:s1+$0x18900] =	vst @p0 v1  }
0x65b: {  	[tilespmem:s8+$0x18700] =	vst v1  }
0x65c: {  	[tilespmem:s1+$0x18A00] =	vst @p0 v1;
	v4, _, _ =	vpop (xrf2)  }
0x65d: {  	[tilespmem:s8+$0x18800] =	vst v1;
	(v2sf) =	vpush v4, $0xF  }
0x65e: {  	[tilespmem:s8+$0x18900] =	vst v1  }
0x65f: {  	[tilespmem:s8+$0x18A00] =	vst v1  }
0x660: {  	[tilespmem:s8+$0x18B00] =	vst v1  }
0x661: {  	[tilespmem:s8+$0x18C00] =	vst v1  }
0x662: {  	[tilespmem:s8+$0x18D00] =	vst v1  }
0x663: {  	[tilespmem:s8+$0x18E00] =	vst v1  }
0x664: {  	[tilespmem:s1+$0x18B00] =	vst @p0 v1  }
0x665: {  	[tilespmem:s1+$0x18C00] =	vst @p0 v1  }
0x666: {  	s12 =	sadd.s32 @p2 $0x10, s12;
	s20 =	simm.s32 $0x19000;
	[tilespmem:s1+$0x18D00] =	vst @p0 v1  }
0x667: {  	s20 =	smov.u32 @p2 s12;
	[tilespmem:s1+$0x18E00] =	vst @p0 v1  }
0x668: {  	s12 =	simm.s32 $0x19000;
	[tilespmem:s1+$0x18F00] =	vst @p0 v1;
	s1 =	sadd.s32 @p1 $0x10, s20  }
0x669: {  	[tilespmem:s20+$0x0] =	vst @p1 v11;
	s12 =	smov.u32 @p1 s1  }
0x66a: {  	s1 =	sadd.s32 @p0 $0x10, s12;
	[tilespmem:s8+$0x18F00] =	vst v1;
	s8 =	simm.s32 $0x19000  }
0x66b: {  	s8 =	smov.u32 @p0 s1;
	[tilespmem:s12+$0x0] =	vst @p0 v5  }
0x66c: {  	[tilespmem:s8+$0x0] =	vst v6;
	s24 =	spop (v2sf)  }
0x66d: {  	v5 =	vld [tilespmem:s0+$0x0];
	s1 =	ssub.f32 $4.096000000e+03, s24;
	_ =	sdelay $0x1  }
0x66e: {  	s25 =	smul.f32 $3.906250000e-03, s1;
	_ =	sdelay $0x1  }
0x66f: {  	v4 =	vmov s25  }
0x670: {  	v5 =	vadd.f32 v5, v4;
	_ =	sdelay $0x1  }
0x671: {  	(xrf2) =	vadd.scan.msk.f32 $0xffff, v5;
	_ =	sdelay $0x4  }
0x672: {  	s26 =	simm.s32 $0x19010  }
0x673: {  	v5 =	vld [tilespmem:s26+$0x0]  }
0x674: {  	s28 =	simm.s32 $0x19020  }
0x675: {  	v6 =	vld [tilespmem:s28+$0x0];
	_ =	sdelay $0x1  }
0x676: {  	v7, _, _ =	vpop (xrf2)  }
0x677: {  	v5 =	vadd.f32 v5, v4;
	(v2sf) =	vpush v7, $0xF;
	_ =	sdelay $0x1  }
0x678: {  	v6 =	vadd.f32 v6, v4;
	(xrf2) =	vadd.scan.msk.f32 $0xffff, v5;
	_ =	sdelay $0x1  }
0x679: {  	(xrf2) =	vadd.scan.msk.f32 $0xffff, v6;
	_ =	sdelay $0x1  }
0x67a: {  	s29 =	simm.s32 $0x19030  }
0x67b: {  	v5 =	vld [tilespmem:s29+$0x0]  }
0x67c: {  	s30 =	simm.s32 $0x19040  }
0x67d: {  	v6 =	vld [tilespmem:s30+$0x0];
	_ =	sdelay $0x2  }
0x67e: {  	v8 =	vadd.f32 v5, v4;
	v5, _, _ =	vpop (xrf2)  }
0x67f: {  	(v2sf) =	vpush v5, $0xF  }
0x680: {  	v9 =	vadd.f32 v6, v4;
	v6, _, _ =	vpop (xrf2)  }
0x681: {  	s23 =	spop (v2sf);
	(v2sf) =	vpush v6, $0xF  }
0x682: {  	s21 =	simm.f32 $0.0e+00;
	(xrf2) =	vadd.scan.msk.f32 $0xffff, v8  }
0x683: {  	v7 =	vadd.f32 s21, v7;
	_ =	sdelay $0x1  }
0x684: {  	v7 =	vmul.f32 $2.550000000e+02, v7  }
0x685: {  	s31 =	sshll.u32 s17, $0x8;
	(xrf2) =	vadd.scan.msk.f32 $0xffff, v9  }
0x686: {  	s22 =	simm.s32 $0x19050;
	s20 =	simm.s32 $0x20;
	s12 =	simm.s32 $0x30;
	v10 =	vmul.f32 $2.441406250e-04, v7  }
0x687: {  	s8 =	simm.s32 $0x40;
	s0 =	sand.u32 $0x3FFFFF00, s31;
	s21 =	sadd.f32 s23, s21  }
0x688: {  	s0 =	sadd.s32 s0, s15;
	s1 =	simm.s32 $0x50;
	v7 =	vld [tilespmem:s22+$0x0];
	v8 =	vtrunc.f32 v10;
	s23 =	simm.s32 $0x60  }
.LBB2_77:
0x689: {  	p0 =	sne.s32 s23, $0xF0;
	v9 =	vadd.f32 s21, v5;
	v8 =	vcvt.f32.s32 v8;
	v5 =	vmov v6;
	s24 =	smov.u32 s20;
	s20 =	smov.u32 s12  }
0x68a: {  	s12 =	smov.u32 s8;
	s8 =	smov.u32 s1;
	s1 =	smov.u32 s23  }
.Ltmp53:
0x68b: {  	v6, _, _ =	vpop (xrf2);
	v9 =	vmul.f32 $2.550000000e+02, v9;
	v8 =	vcvt.s32.f32 v8;
	(pc) =	sbr.rel @p0 .LBB2_77-.Ltmp53, $4  }
0x68c: {  	s25 =	sand.u32 $0x80, s19;
	(v2sf) =	vpush v6, $0xF  }
0x68d: {  	s19 =	sand.u32 $0x70, s19;
	s25 =	sadd.s32 s25, s0;
	v10 =	vadd.f32 v7, v4;
	v9 =	vmul.f32 $2.441406250e-04, v9;
	s26 =	spop (v2sf);
	v7 =	vmax.f32 v8, $0.0e+00  }
0x68e: {  	s22 =	sadd.s32 $0x10, s22;
	s19 =	sadd.s32 s19, s25;
	s21 =	sadd.f32 s26, s21;
	v11 =	vmin.f32 v7, $2.550000000e+02  }
0x68f: {  	s23 =	sadd.s32 $0x10, s23;
	v7 =	vld [tilespmem:s22+$0x0];
	(xrf2) =	vadd.scan.msk.f32 $0xffff, v10;
	v8 =	vtrunc.f32 v9;
	[tilespmem:s19+$0x0] =	vst v11;
	s19 =	smov.u32 s18;
	s18 =	smov.u32 s24  }
0x690: {  	_ =	sdelay $0x6  }
0x691: {  	v9, _, _ =	vpop (xrf2)  }
0x692: {  	(v2sf) =	vpush v9, $0xF  }
0x693: {  	v10, _, _ =	vpop (xrf2)  }
0x694: {  	(v2sf) =	vpush v10, $0xF;
	_ =	sdelay $0x2  }
0x695: {  	v4 =	vadd.f32 v7, v4;
	_ =	sdelay $0x1  }
0x696: {  	(xrf2) =	vadd.scan.msk.f32 $0xffff, v4;
	_ =	sdelay $0x2  }
0x697: {  	s22 =	spop (v2sf)  }
0x698: {  	s30 =	sadd.f32 s22, s21  }
0x699: {  	v4 =	vadd.f32 s21, v5  }
0x69a: {  	v5 =	vadd.f32 s30, v6;
	s31 =	spop (v2sf)  }
0x69b: {  	v4 =	vmul.f32 $2.550000000e+02, v4;
	s21 =	sadd.f32 s31, s30  }
0x69c: {  	v59 =	vcvt.f32.s32 v8;
	v5 =	vmul.f32 $2.550000000e+02, v5;
	s23 =	spop (v2sf)  }
0x69d: {  	v4 =	vmul.f32 $2.441406250e-04, v4;
	s22 =	sadd.f32 s23, s21  }
0x69e: {  	v6 =	vcvt.s32.f32 v59;
	v5 =	vmul.f32 $2.441406250e-04, v5;
	v60, _, _ =	vpop (xrf2);
	s23 =	spop (v2sf)  }
0x69f: {  	v4 =	vtrunc.f32 v4;
	v61 =	vadd.f32 s21, v9;
	(v2sf) =	vpush v60, $0xF;
	s24 =	sadd.f32 s23, s22  }
0x6a0: {  	v5 =	vtrunc.f32 v5;
	v4 =	vcvt.f32.s32 v4;
	v62 =	vadd.f32 s22, v10  }
0x6a1: {  	v5 =	vcvt.f32.s32 v5;
	v8 =	vmul.f32 $2.550000000e+02, v61;
	v7 =	vadd.f32 s24, v60  }
0x6a2: {  	v4 =	vcvt.s32.f32 v4;
	v9 =	vmul.f32 $2.550000000e+02, v62  }
0x6a3: {  	v8 =	vmul.f32 $2.441406250e-04, v8;
	v7 =	vmul.f32 $2.550000000e+02, v7  }
0x6a4: {  	s25 =	sand.u32 $0x80, s19;
	s26 =	sand.u32 $0x70, s19;
	s17 =	sadd.s32 $0x1, s17;
	v5 =	vcvt.s32.f32 v5;
	v9 =	vmul.f32 $2.441406250e-04, v9  }
0x6a5: {  	s28 =	sand.u32 $0x80, s18;
	s29 =	sand.u32 $0x70, s18;
	p0 =	sne.s32 s17, $0x8;
	v8 =	vtrunc.f32 v8;
	v7 =	vmul.f32 $2.441406250e-04, v7  }
0x6a6: {  	v6 =	vmax.f32 v6, $0.0e+00;
	s30 =	sand.u32 $0x80, s20;
	s31 =	sand.u32 $0x70, s20;
	s21 =	sadd.s32 s25, s0;
	v8 =	vcvt.f32.s32 v8;
	v9 =	vtrunc.f32 v9  }
0x6a7: {  	v6 =	vmin.f32 v6, $2.550000000e+02;
	s25 =	sand.u32 $0x70, s8;
	s19 =	sadd.s32 s26, s21;
	s21 =	sand.u32 $0x80, s12;
	v9 =	vcvt.f32.s32 v9;
	v7 =	vtrunc.f32 v7  }
0x6a8: {  	v4 =	vmax.f32 v4, $0.0e+00;
	v8 =	vcvt.s32.f32 v8;
	s22 =	sadd.s32 s28, s0;
	s23 =	sadd.s32 s30, s0;
	s28 =	sand.u32 $0x80, s1;
	v7 =	vcvt.f32.s32 v7  }
0x6a9: {  	v5 =	vmax.f32 v5, $0.0e+00;
	v4 =	vmin.f32 v4, $2.550000000e+02;
	[tilespmem:s19+$0x0] =	vst v6;
	s18 =	sadd.s32 s29, s22;
	s20 =	sadd.s32 s31, s23;
	s22 =	sand.u32 $0x70, s12;
	v63 =	vcvt.s32.f32 v9  }
.Ltmp54:
0x6aa: {  	s23 =	sand.u32 $0x80, s8;
	[tilespmem:s18+$0x0] =	vst v4;
	v4 =	vmin.f32 v5, $2.550000000e+02;
	v5 =	vmax.f32 v8, $0.0e+00;
	s24 =	sadd.s32 s21, s0;
	v7 =	vcvt.s32.f32 v7;
	(pc) =	sbr.rel @p0 .LBB2_65-.Ltmp54, $4  }
.Ltmp55:
0x6ab: {  	s26 =	sadd.s32 s23, s0;
	[tilespmem:s20+$0x0] =	vst v4;
	v4 =	vmin.f32 v5, $2.550000000e+02;
	s12 =	sadd.s32 s22, s24;
	v5 =	vmax.f32 v63, $0.0e+00;
	(pc) =	sbr.rel @!p0 .LBB2_79-.Ltmp55, $4  }
0x6ac: {  	s29 =	sand.u32 $0x70, s1;
	s30 =	sadd.s32 s28, s0;
	s8 =	sadd.s32 s25, s26;
	[tilespmem:s12+$0x0] =	vst v4;
	v4 =	vmin.f32 v5, $2.550000000e+02;
	v5 =	vmax.f32 v7, $0.0e+00  }
0x6ad: {  	s0 =	sadd.s32 s29, s30;
	[tilespmem:s8+$0x0] =	vst v4;
	v4 =	vmin.f32 v5, $2.550000000e+02  }
0x6ae: {  	s16 =	sadd.s32 $0x10, s16;
	s31 =	spop (v2sf);
	[tilespmem:s0+$0x0] =	vst v4  }
0x6af: {  	_ = 	snop  }
.LBB2_68:
.Ltmp56:
0x6b0: {  	(pc) =	sbr.rel .LBB2_76-.Ltmp56, $2  }
0x6b1: {  	_ =	sdelay $0x2  }
0x6b2: {  	s8 =	smov.u32 s1;
	v6 =	vimm.f32 $0.0e+00;
	s12 =	simm.s32 $0x19000  }
.LBB2_70:
.Ltmp57:
0x6b3: {  	(pc) =	sbr.rel .LBB2_76-.Ltmp57, $2  }
0x6b4: {  	_ =	sdelay $0x2  }
0x6b5: {  	s8 =	smov.u32 s12;
	v6 =	vimm.f32 $0.0e+00;
	s12 =	simm.s32 $0x19000  }
.LBB2_72:
.Ltmp58:
0x6b6: {  	(pc) =	sbr.rel .LBB2_76-.Ltmp58, $2  }
0x6b7: {  	_ =	sdelay $0x2  }
0x6b8: {  	s8 =	smov.u32 s1;
	s1 =	smov.u32 s12;
	v6 =	vimm.f32 $0.0e+00;
	s12 =	simm.s32 $0x19000;
	v11 =	vmov v5  }
.LBB2_74:
.Ltmp59:
0x6b9: {  	(pc) =	sbr.rel .LBB2_76-.Ltmp59, $2  }
0x6ba: {  	_ =	sdelay $0x2  }
0x6bb: {  	s12 =	simm.s32 $0x19000  }
.LBB2_80:
0x6bc: {  	s13 =	simm.s32 $0x0;
	s14 =	simm.s32 $0x8010  }
.LBB2_81:
0x6bd: {  	s15 =	sshll.u32 s13, $0x5;
	s16 =	simm.s32 $0x0  }
0x6be: {  	s17 =	simm.s32 $0x0;
	s18 =	smov.u32 s14;
	s19 =	simm.s32 $0x0  }
.LBB2_82:
0x6bf: {  	s0 =	sadd.s32 s15, s19  }
0x6c0: {  	s0 =	scvt.s32.f32 s0;
	_ =	sdelay $0x1  }
0x6c1: {  	s0 =	sadd.f32 $5.000000000e-01, s0;
	_ =	sdelay $0x1  }
0x6c2: {  	s0 =	smul.f32 $1.562500000e-02, s0;
	_ =	sdelay $0x1  }
0x6c3: {  	s0 =	sadd.f32 $-5.000000000e-01, s0;
	_ =	sdelay $0x1  }
0x6c4: {  	s1 =	sadd.f32 $1.000000000e+00, s0;
	_ =	sdelay $0x1  }
0x6c5: {  	s1 =	scvt.f32.s32 s1  }
0x6c6: {  	s22 =	simm.s32 $0x1D340;
	v8 =	vld [tilespmem:s18+$0x0]  }
0x6c7: {  	s25 =	simm.s32 $0x1D140;
	v4 =	vld [tilespmem:s22+$0x0];
	s8 =	sadd.s32 $0xFFFFFFFF, s1  }
0x6c8: {  	v5 =	vld [tilespmem:s25+$0x0];
	p0 =	sgt.s32 s8, $0x0  }
0x6c9: {  	s12 =	scvt.s32.f32 s8;
	s8 =	simm.s32 @!p0 $0x0;
	p0 =	sgt.s32 s1, $0x0  }
0x6ca: {  	v11 =	vld [tilespmem:s18+$0xFFFFFFF0];
	s8 =	smin.u32 s8, $0x7;
	s1 =	simm.s32 @!p0 $0x0  }
0x6cb: {  	v10 =	vld [tilespmem:s22+$0xFFFFFFC0];
	v9 =	vand.u32 $0xFF, v8;
	s1 =	smin.u32 s1, $0x7;
	s8 =	sshll.u32 s8, $0xB  }
0x6cc: {  	v4 =	vadd.s32 v9, v4;
	s1 =	sshll.u32 s1, $0xB;
	v7 =	vmov s8  }
0x6cd: {  	v5 =	vadd.s32 v5, v9;
	v6 =	vmov s1;
	v9 =	vadd.s32 v7, v4  }
0x6ce: {  	v12 =	vld [tilespmem:s25+$0xFFFFFFC0];
	v13 =	vadd.s32 v6, v5  }
0x6cf: {  	s21 =	simm.s32 $0x1D540;
	v14 =	vand.u32 $0xFF, v11;
	v5 =	vadd.s32 v7, v5  }
0x6d0: {  	v15 =	vld [tilespmem:s21+$0x0];
	v10 =	vadd.s32 v14, v10;
	v4 =	vadd.s32 v6, v4  }
0x6d1: {  	v17 =	vld [tilespmem:s21+$0xFFFFFFC0];
	v16 =	vadd.s32 v7, v10  }
0x6d2: {  	v9 =	vld.idx.msk [tilespmem:v9+s10+$0x0], $0xffff  }
0x6d3: {  	v12 =	vadd.s32 v12, v14;
	v10 =	vadd.s32 v6, v10;
	v13 =	vld.idx.msk [tilespmem:v13+s10+$0x0], $0xffff  }
0x6d4: {  	v14 =	vadd.s32 v6, v12;
	v5 =	vld.idx.msk [tilespmem:v5+s10+$0x0], $0xffff  }
0x6d5: {  	v12 =	vadd.s32 v7, v12;
	v4 =	vld.idx.msk [tilespmem:v4+s10+$0x0], $0xffff  }
0x6d6: {  	v16 =	vld.idx.msk [tilespmem:v16+s10+$0x0], $0xffff  }
0x6d7: {  	v18 =	vsub.f32 $1.000000000e+00, v15  }
0x6d8: {  	s0 =	ssub.f32 s0, s12;
	v10 =	vld.idx.msk [tilespmem:v10+s10+$0x0], $0xffff  }
0x6d9: {  	v14 =	vld.idx.msk [tilespmem:v14+s10+$0x0], $0xffff;
	v9 =	vmul.f32 v9, v15;
	v13 =	vmul.f32 v13, v18  }
0x6da: {  	s20 =	ssub.f32 $1.000000000e+00, s0;
	v12 =	vld.idx.msk [tilespmem:v12+s10+$0x0], $0xffff;
	v18 =	vmul.f32 v5, v18;
	v15 =	vmul.f32 v4, v15  }
0x6db: {  	v16 =	vmul.f32 v16, v17  }
0x6dc: {  	v4 =	vmov s20;
	v9 =	vadd.f32 v9, v18;
	v13 =	vadd.f32 v15, v13  }
0x6dd: {  	v5 =	vmov s0;
	v10 =	vmul.f32 v10, v17;
	v15 =	vsub.f32 $1.000000000e+00, v17  }
0x6de: {  	v9 =	vmul.f32 v9, v4;
	v13 =	vmul.f32 v13, v5  }
0x6df: {  	v12 =	vmul.f32 v12, v15;
	v14 =	vmul.f32 v14, v15  }
0x6e0: {  	v9 =	vadd.f32 v13, v9  }
0x6e1: {  	s23 =	sshll.u32 s17, $0x2;
	s24 =	sand.u32 $0x7, s16;
	v12 =	vadd.f32 v16, v12;
	v10 =	vadd.f32 v10, v14  }
0x6e2: {  	s1 =	sshll.u32 s24, $0x9;
	s0 =	sand.u32 $0xFFFFC000, s23;
	v9 =	vmul.f32 $3.921568860e-03, v9  }
0x6e3: {  	s0 =	sor.u32 s1, s0;
	v10 =	vmul.f32 v10, v5;
	v12 =	vmul.f32 v12, v4  }
0x6e4: {  	s0 =	sshrl.u32 s0, $0x2;
	v9 =	vmul.f32 $2.550000000e+02, v9  }
0x6e5: {  	s20 =	sadd.s32 $0x4040, s0;
	v10 =	vadd.f32 v10, v12  }
0x6e6: {  	[tilespmem:s20+$0x0] =	vst v9  }
0x6e7: {  	v9 =	vmul.f32 $3.921568860e-03, v10;
	v10 =	vld [tilespmem:s22+$0x10]  }
0x6e8: {  	v12 =	vld [tilespmem:s25+$0x10]  }
0x6e9: {  	v9 =	vmul.f32 $2.550000000e+02, v9  }
0x6ea: {  	s24 =	simm.s32 $0x1D1C0;
	v13 =	vshrl.u32 v8, $0x8  }
0x6eb: {  	v15 =	vld [tilespmem:s24+$0x0];
	v13 =	vand.u32 $0xFF, v13;
	[tilespmem:s20+$0xFFFFFFC0] =	vst v9  }
0x6ec: {  	s23 =	simm.s32 $0x1D3C0;
	v16 =	vld [tilespmem:s22+$0xFFFFFFD0];
	v10 =	vadd.s32 v13, v10  }
0x6ed: {  	v14 =	vld [tilespmem:s23+$0x0];
	v12 =	vadd.s32 v13, v12;
	v17 =	vadd.s32 v7, v10  }
0x6ee: {  	v13 =	vld [tilespmem:s25+$0xFFFFFFD0];
	v18 =	vadd.s32 v7, v12  }
0x6ef: {  	s26 =	sadd.s32 $0x20, s18;
	v19 =	vshrl.u32 v11, $0x8;
	v22 =	vld [tilespmem:s21+$0x10];
	v21 =	vadd.s32 v6, v10  }
0x6f0: {  	v19 =	vand.u32 $0xFF, v19;
	v9 =	vld [tilespmem:s26+$0x0];
	v12 =	vadd.s32 v6, v12  }
0x6f1: {  	v24 =	vld [tilespmem:s21+$0xFFFFFFD0];
	v16 =	vadd.s32 v19, v16  }
0x6f2: {  	v23 =	vadd.s32 v7, v16;
	v17 =	vld.idx.msk [tilespmem:v17+s10+$0x0], $0xffff  }
0x6f3: {  	v16 =	vadd.s32 v6, v16;
	v13 =	vadd.s32 v19, v13;
	v18 =	vld.idx.msk [tilespmem:v18+s10+$0x0], $0xffff  }
0x6f4: {  	v19 =	vld.idx.msk [tilespmem:v21+s10+$0x0], $0xffff;
	v21 =	vadd.s32 v7, v13  }
0x6f5: {  	v12 =	vld.idx.msk [tilespmem:v12+s10+$0x0], $0xffff;
	v13 =	vadd.s32 v6, v13  }
0x6f6: {  	v10 =	vld [tilespmem:s26+$0xFFFFFFF0]  }
0x6f7: {  	v25 =	vsub.f32 $1.000000000e+00, v22;
	v23 =	vld.idx.msk [tilespmem:v23+s10+$0x0], $0xffff  }
0x6f8: {  	v16 =	vld.idx.msk [tilespmem:v16+s10+$0x0], $0xffff  }
0x6f9: {  	v17 =	vmul.f32 v17, v22;
	v18 =	vmul.f32 v18, v25;
	v21 =	vld.idx.msk [tilespmem:v21+s10+$0x0], $0xffff  }
0x6fa: {  	v27 =	vand.u32 $0xFF, v9;
	v13 =	vld.idx.msk [tilespmem:v13+s10+$0x0], $0xffff;
	v12 =	vmul.f32 v12, v25;
	v19 =	vmul.f32 v19, v22  }
0x6fb: {  	v20 =	vld [tilespmem:s23+$0xFFFFFFC0];
	v14 =	vadd.s32 v27, v14;
	v15 =	vadd.s32 v15, v27;
	v26 =	vand.u32 $0xFF, v10  }
0x6fc: {  	v22 =	vadd.s32 v7, v14;
	v17 =	vadd.f32 v17, v18;
	v12 =	vadd.f32 v19, v12  }
0x6fd: {  	v25 =	vld [tilespmem:s24+$0xFFFFFFC0];
	v19 =	vsub.f32 $1.000000000e+00, v24;
	v23 =	vmul.f32 v23, v24;
	v16 =	vmul.f32 v16, v24  }
0x6fe: {  	v14 =	vadd.s32 v6, v14;
	v17 =	vmul.f32 v17, v4;
	v12 =	vmul.f32 v12, v5  }
0x6ff: {  	s1 =	simm.s32 $0x1D5C0;
	v24 =	vadd.s32 v6, v15;
	v13 =	vmul.f32 v13, v19;
	v19 =	vmul.f32 v21, v19  }
0x700: {  	v27 =	vld [tilespmem:s1+$0xFFFFFFC0];
	v20 =	vadd.s32 v26, v20;
	v15 =	vadd.s32 v7, v15;
	v12 =	vadd.f32 v12, v17  }
0x701: {  	v18 =	vadd.s32 v7, v20;
	v21 =	vld [tilespmem:s1+$0x0];
	v13 =	vadd.f32 v16, v13;
	v16 =	vadd.f32 v23, v19  }
0x702: {  	v20 =	vadd.s32 v6, v20;
	v22 =	vld.idx.msk [tilespmem:v22+s10+$0x0], $0xffff;
	v17 =	vadd.s32 v25, v26;
	v12 =	vmul.f32 $3.921568860e-03, v12  }
0x703: {  	v14 =	vld.idx.msk [tilespmem:v14+s10+$0x0], $0xffff;
	v19 =	vadd.s32 v6, v17;
	v13 =	vmul.f32 v13, v5;
	v16 =	vmul.f32 v16, v4  }
0x704: {  	v23 =	vld.idx.msk [tilespmem:v24+s10+$0x0], $0xffff  }
0x705: {  	v17 =	vadd.s32 v7, v17;
	v15 =	vld.idx.msk [tilespmem:v15+s10+$0x0], $0xffff;
	v12 =	vmul.f32 $2.550000000e+02, v12;
	v13 =	vadd.f32 v13, v16  }
0x706: {  	v18 =	vld.idx.msk [tilespmem:v18+s10+$0x0], $0xffff  }
0x707: {  	v20 =	vld.idx.msk [tilespmem:v20+s10+$0x0], $0xffff;
	[tilespmem:s20+$0x10] =	vst v12;
	v12 =	vmul.f32 $3.921568860e-03, v13  }
0x708: {  	v22 =	vmul.f32 v22, v21;
	v16 =	vld.idx.msk [tilespmem:v19+s10+$0x0], $0xffff;
	v13 =	vsub.f32 $1.000000000e+00, v21  }
0x709: {  	v14 =	vmul.f32 v14, v21;
	v19 =	vld [tilespmem:s22+$0x20];
	v12 =	vmul.f32 $2.550000000e+02, v12  }
0x70a: {  	v17 =	vld.idx.msk [tilespmem:v17+s10+$0x0], $0xffff;
	v23 =	vmul.f32 v23, v13;
	v13 =	vmul.f32 v15, v13  }
0x70b: {  	s0 =	simm.s32 $0x1D440;
	v24 =	vshrl.u32 v8, $0x10  }
0x70c: {  	v31 =	vld [tilespmem:s0+$0xFFFFFFC0];
	v24 =	vand.u32 $0xFF, v24;
	[tilespmem:s20+$0xFFFFFFD0] =	vst v12;
	v13 =	vadd.f32 v22, v13;
	v14 =	vadd.f32 v14, v23  }
0x70d: {  	v20 =	vmul.f32 v20, v27;
	v15 =	vmul.f32 v18, v27;
	v12 =	vsub.f32 $1.000000000e+00, v27;
	v21 =	vld [tilespmem:s22+$0xFFFFFFE0]  }
0x70e: {  	v26 =	vld [tilespmem:s21+$0x20];
	v19 =	vadd.s32 v24, v19;
	v13 =	vmul.f32 v13, v4;
	v14 =	vmul.f32 v14, v5  }
0x70f: {  	v22 =	vld [tilespmem:s25+$0xFFFFFFE0];
	v17 =	vmul.f32 v17, v12;
	v12 =	vmul.f32 v16, v12;
	v16 =	vadd.s32 v6, v19  }
0x710: {  	v25 =	vshrl.u32 v11, $0x10;
	v18 =	vld [tilespmem:s0+$0x0];
	v19 =	vadd.s32 v7, v19;
	v13 =	vadd.f32 v14, v13  }
0x711: {  	v25 =	vand.u32 $0xFF, v25;
	v23 =	vld [tilespmem:s25+$0x20];
	v12 =	vadd.f32 v20, v12;
	v15 =	vadd.f32 v15, v17  }
0x712: {  	s28 =	simm.s32 $0x1D240;
	v27 =	vld [tilespmem:s21+$0xFFFFFFE0];
	v14 =	vadd.s32 v25, v21;
	v13 =	vmul.f32 $3.921568860e-03, v13  }
0x713: {  	v20 =	vld [tilespmem:s28+$0x0];
	v12 =	vmul.f32 v12, v5;
	v15 =	vmul.f32 v15, v4;
	v17 =	vadd.s32 v7, v14  }
0x714: {  	v21 =	vadd.s32 v25, v22;
	v16 =	vld.idx.msk [tilespmem:v16+s10+$0x0], $0xffff;
	v13 =	vmul.f32 $2.550000000e+02, v13  }
0x715: {  	s8 =	sadd.s32 $0x20, s26;
	s31 =	sadd.s32 $0x400, s20;
	v19 =	vld.idx.msk [tilespmem:v19+s10+$0x0], $0xffff;
	v22 =	vadd.s32 v6, v21;
	v15 =	vadd.f32 v12, v15  }
0x716: {  	v14 =	vadd.s32 v6, v14;
	v12 =	vld [tilespmem:s8+$0x0];
	[tilespmem:s31+$0x0] =	vst v13  }
0x717: {  	v15 =	vmul.f32 $3.921568860e-03, v15;
	v13 =	vadd.s32 v7, v21;
	v21 =	vadd.s32 v24, v23;
	v23 =	vld [tilespmem:s24+$0x10]  }
0x718: {  	v25 =	vld.idx.msk [tilespmem:v17+s10+$0x0], $0xffff  }
0x719: {  	v17 =	vld [tilespmem:s23+$0x10];
	v15 =	vmul.f32 $2.550000000e+02, v15  }
0x71a: {  	v24 =	vadd.s32 v7, v21;
	v22 =	vld.idx.msk [tilespmem:v22+s10+$0x0], $0xffff  }
0x71b: {  	v28 =	vld.idx.msk [tilespmem:v14+s10+$0x0], $0xffff;
	v14 =	vadd.s32 v6, v21;
	[tilespmem:s31+$0xFFFFFFC0] =	vst v15  }
0x71c: {  	v15 =	vshrl.u32 v9, $0x8;
	v21 =	vld [tilespmem:s23+$0xFFFFFFD0]  }
0x71d: {  	v36 =	vsub.f32 $1.000000000e+00, v26;
	v29 =	vand.u32 $0xFF, v15;
	v30 =	vld.idx.msk [tilespmem:v13+s10+$0x0], $0xffff  }
0x71e: {  	v37 =	vmul.f32 v16, v26;
	v19 =	vmul.f32 v19, v26;
	v32 =	vld [tilespmem:s24+$0xFFFFFFD0];
	v23 =	vadd.s32 v29, v23  }
0x71f: {  	v35 =	vld.idx.msk [tilespmem:v24+s10+$0x0], $0xffff;
	v24 =	vshrl.u32 v10, $0x8;
	v17 =	vadd.s32 v29, v17;
	v38 =	vadd.s32 v7, v23  }
0x720: {  	v29 =	vld.idx.msk [tilespmem:v14+s10+$0x0], $0xffff;
	v34 =	vand.u32 $0xFF, v24;
	v24 =	vsub.f32 $1.000000000e+00, v27;
	v33 =	vadd.s32 v7, v17  }
0x721: {  	v13 =	vshrl.u32 v9, $0x10;
	v14 =	vld [tilespmem:s8+$0xFFFFFFF0];
	v39 =	vadd.s32 v6, v17;
	v16 =	vadd.s32 v34, v21  }
0x722: {  	v26 =	vmul.f32 v25, v27;
	v21 =	vld [tilespmem:s1+$0x10];
	v30 =	vmul.f32 v30, v24;
	v40 =	vadd.s32 v6, v16  }
0x723: {  	v27 =	vmul.f32 v28, v27;
	v22 =	vmul.f32 v22, v24;
	v24 =	vld [tilespmem:s1+$0xFFFFFFD0];
	v41 =	vadd.s32 v7, v16  }
0x724: {  	v15 =	vshrl.u32 v10, $0x10;
	v26 =	vadd.f32 v26, v30;
	v28 =	vld.idx.msk [tilespmem:v38+s10+$0x0], $0xffff;
	v30 =	vadd.s32 v6, v23  }
0x725: {  	v17 =	vshrl.u32 v12, $0x8;
	v63 =	vmul.f32 v35, v36;
	v27 =	vadd.f32 v27, v22;
	v25 =	vld.idx.msk [tilespmem:v33+s10+$0x0], $0xffff  }
0x726: {  	v34 =	vadd.s32 v34, v32;
	v16 =	vshrl.u32 v12, $0x10;
	v36 =	vmul.f32 v29, v36;
	v22 =	vld.idx.msk [tilespmem:v39+s10+$0x0], $0xffff  }
0x727: {  	s29 =	simm.s32 $0x1D440;
	v35 =	vmul.f32 v27, v5;
	v33 =	vmul.f32 v26, v4;
	v26 =	vadd.f32 v19, v63;
	v29 =	vld.idx.msk [tilespmem:v40+s10+$0x0], $0xffff  }
0x728: {  	s30 =	simm.s32 $0x1D5C0;
	s12 =	simm.s32 $0x4;
	s26 =	smov.u32 s31;
	v19 =	vshrl.u32 v14, $0x10;
	v27 =	vadd.f32 v37, v36;
	v23 =	vsub.f32 $1.000000000e+00, v21;
	v32 =	vld.idx.msk [tilespmem:v41+s10+$0x0], $0xffff  }
.LBB2_83:
0x729: {  	s12 =	sadd.s32 $0x2, s12;
	s0 =	sadd.s32 $0x80, s0;
	v36 =	vadd.s32 v7, v34;
	v30 =	vld.idx.msk [tilespmem:v30+s10+$0x0], $0xffff;
	v33 =	vadd.f32 v35, v33;
	v26 =	vmul.f32 v26, v4  }
0x72a: {  	v34 =	vadd.s32 v6, v34;
	v25 =	vmul.f32 v25, v21;
	v27 =	vmul.f32 v27, v5;
	v35 =	vld [tilespmem:s0+$0x0];
	p0 =	slt.u32 s12, $0x6  }
0x72b: {  	v37 =	vand.u32 $0xFF, v14;
	v28 =	vmul.f32 v28, v23;
	v38 =	vld [tilespmem:s28+$0xFFFFFFC0];
	v33 =	vmul.f32 $3.921568860e-03, v33  }
0x72c: {  	v39 =	vand.u32 $0xFF, v12;
	s1 =	sadd.s32 $0x80, s1;
	v31 =	vadd.s32 v37, v31;
	v26 =	vadd.f32 v27, v26  }
0x72d: {  	v20 =	vadd.s32 v20, v39;
	v40 =	vadd.s32 v6, v31;
	v27 =	vld [tilespmem:s1+$0xFFFFFFC0];
	v33 =	vmul.f32 $2.550000000e+02, v33  }
0x72e: {  	v44 =	vadd.s32 v39, v18;
	v39 =	vadd.s32 v7, v20;
	v26 =	vmul.f32 $3.921568860e-03, v26;
	v36 =	vld.idx.msk [tilespmem:v36+s10+$0x0], $0xffff  }
0x72f: {  	v42 =	vadd.s32 v7, v44;
	v43 =	vadd.s32 v6, v44;
	v32 =	vmul.f32 v32, v24;
	v41 =	vld [tilespmem:s1+$0x0];
	[tilespmem:s20+$0xFFFFFFE0] =	vst v33  }
0x730: {  	v26 =	vmul.f32 $2.550000000e+02, v26;
	v18 =	vmovc v35;
	v33 =	vadd.s32 v38, v37;
	v37 =	vadd.s32 v6, v20;
	v34 =	vld.idx.msk [tilespmem:v34+s10+$0x0], $0xffff  }
0x731: {  	v31 =	vadd.s32 v7, v31;
	v21 =	vmul.f32 v22, v21;
	v23 =	vmul.f32 v30, v23;
	v20 =	vld [tilespmem:s21+$0xFFFFFFF0]  }
0x732: {  	v22 =	vmul.f32 v29, v24;
	v25 =	vadd.f32 v25, v28;
	v28 =	vld [tilespmem:s25+$0xFFFFFFF0];
	[tilespmem:s20+$0x20] =	vst v26  }
0x733: {  	v21 =	vadd.f32 v21, v23;
	v23 =	vld [tilespmem:s22+$0xFFFFFFF0]  }
0x734: {  	v24 =	vsub.f32 $1.000000000e+00, v24;
	v25 =	vmul.f32 v25, v4;
	v26 =	vld.idx.msk [tilespmem:v42+s10+$0x0], $0xffff  }
0x735: {  	v21 =	vmul.f32 v21, v5;
	v29 =	vld [tilespmem:s25+$0x30];
	s25 =	smov.u32 s24;
	s24 =	smov.u32 s28  }
0x736: {  	v35 =	vshrl.u32 v11, $0x18;
	v11 =	vmovc v10;
	v34 =	vmul.f32 v34, v24;
	v30 =	vld.idx.msk [tilespmem:v31+s10+$0x0], $0xffff;
	v31 =	vadd.s32 v6, v33  }
0x737: {  	v36 =	vmul.f32 v36, v24;
	v21 =	vadd.f32 v21, v25;
	v33 =	vadd.s32 v7, v33;
	v37 =	vld.idx.msk [tilespmem:v37+s10+$0x0], $0xffff  }
0x738: {  	v22 =	vadd.f32 v22, v34;
	v25 =	vadd.s32 v35, v28;
	v24 =	vld.idx.msk [tilespmem:v39+s10+$0x0], $0xffff;
	v23 =	vadd.s32 v35, v23  }
0x739: {  	v10 =	vmov v14;
	v21 =	vmul.f32 $3.921568860e-03, v21;
	v28 =	vadd.f32 v32, v36;
	v32 =	vld [tilespmem:s22+$0x30];
	s22 =	smov.u32 s23;
	s23 =	smov.u32 s29;
	s29 =	smov.u32 s0  }
0x73a: {  	v34 =	vsub.f32 $1.000000000e+00, v41;
	v22 =	vmul.f32 v22, v5;
	v14 =	vld.idx.msk [tilespmem:v40+s10+$0x0], $0xffff  }
0x73b: {  	v21 =	vmul.f32 $2.550000000e+02, v21;
	v28 =	vmul.f32 v28, v4;
	v36 =	vadd.s32 v7, v23;
	v35 =	vld.idx.msk [tilespmem:v43+s10+$0x0], $0xffff  }
0x73c: {  	v23 =	vadd.s32 v6, v23;
	v31 =	vld.idx.msk [tilespmem:v31+s10+$0x0], $0xffff  }
0x73d: {  	v22 =	vadd.f32 v22, v28;
	v37 =	vmul.f32 v37, v34;
	[tilespmem:s31+$0x10] =	vst v21;
	v21 =	vld [tilespmem:s21+$0x30];
	s21 =	smov.u32 s30;
	s30 =	smov.u32 s1  }
0x73e: {  	v38 =	vadd.s32 v7, v25;
	v39 =	vshrl.u32 v8, $0x18;
	v8 =	vmovc v9;
	v9 =	vmovc v12;
	v28 =	vld.idx.msk [tilespmem:v33+s10+$0x0], $0xffff;
	v33 =	vand.u32 $0xFF, v13  }
0x73f: {  	v12 =	vsub.f32 $1.000000000e+00, v27;
	v30 =	vmul.f32 v30, v27;
	v22 =	vmul.f32 $3.921568860e-03, v22;
	v13 =	vmovc v16;
	v40 =	vld [tilespmem:s25+$0x20]  }
0x740: {  	v29 =	vadd.s32 v39, v29;
	v16 =	vmul.f32 v26, v41;
	v32 =	vadd.s32 v39, v32;
	v26 =	vld.idx.msk [tilespmem:v36+s10+$0x0], $0xffff  }
0x741: {  	v24 =	vmul.f32 v24, v34;
	v34 =	vadd.s32 v6, v29;
	v22 =	vmul.f32 $2.550000000e+02, v22;
	v23 =	vld.idx.msk [tilespmem:v23+s10+$0x0], $0xffff  }
0x742: {  	v14 =	vmul.f32 v14, v27;
	v27 =	vmul.f32 v35, v41;
	v36 =	vadd.s32 v6, v32;
	v35 =	vld [tilespmem:s22+$0x20]  }
0x743: {  	s31 =	sadd.s32 $0x400, s31;
	v29 =	vadd.s32 v7, v29;
	v16 =	vadd.f32 v16, v24;
	v24 =	vand.u32 $0xFF, v15;
	[tilespmem:s26+$0xFFFFFFD0] =	vst v22;
	v22 =	vld.idx.msk [tilespmem:v38+s10+$0x0], $0xffff  }
0x744: {  	v32 =	vadd.s32 v7, v32;
	v15 =	vmovc v19;
	v28 =	vmul.f32 v28, v12;
	v12 =	vmul.f32 v31, v12;
	v31 =	vld [tilespmem:s25+$0xFFFFFFE0]  }
0x745: {  	v25 =	vadd.s32 v6, v25;
	v19 =	vadd.f32 v27, v37;
	v37 =	vsub.f32 $1.000000000e+00, v20;
	v27 =	vld [tilespmem:s22+$0xFFFFFFE0]  }
0x746: {  	v28 =	vadd.f32 v30, v28;
	v12 =	vadd.f32 v14, v12;
	v14 =	vmul.f32 v26, v20;
	v26 =	vld.idx.msk [tilespmem:v34+s10+$0x0], $0xffff  }
0x747: {  	v16 =	vmul.f32 v16, v4;
	v19 =	vmul.f32 v19, v5;
	v30 =	vadd.s32 v33, v35;
	v34 =	vld.idx.msk [tilespmem:v36+s10+$0x0], $0xffff  }
0x748: {  	v12 =	vmul.f32 v12, v5;
	v36 =	vsub.f32 $1.000000000e+00, v21;
	v35 =	vadd.s32 v6, v30;
	v29 =	vld.idx.msk [tilespmem:v29+s10+$0x0], $0xffff  }
0x749: {  	v16 =	vadd.f32 v19, v16;
	v28 =	vmul.f32 v28, v4;
	v19 =	vadd.s32 v7, v30;
	v30 =	vld.idx.msk [tilespmem:v32+s10+$0x0], $0xffff  }
0x74a: {  	s28 =	sadd.s32 $0x80, s28;
	v23 =	vmul.f32 v23, v20;
	v31 =	vadd.s32 v24, v31;
	v24 =	vadd.s32 v24, v27;
	v25 =	vld.idx.msk [tilespmem:v25+s10+$0x0], $0xffff  }
0x74b: {  	v16 =	vmul.f32 $3.921568860e-03, v16;
	v12 =	vadd.f32 v12, v28;
	v27 =	vadd.s32 v33, v40;
	v20 =	vld [tilespmem:s28+$0x0]  }
0x74c: {  	v22 =	vmul.f32 v22, v37;
	v28 =	vadd.s32 v7, v24;
	v26 =	vmul.f32 v26, v36;
	v32 =	vld [tilespmem:s21+$0x20]  }
0x74d: {  	v12 =	vmul.f32 $3.921568860e-03, v12;
	v34 =	vmul.f32 v34, v21;
	v33 =	vld.idx.msk [tilespmem:v35+s10+$0x0], $0xffff  }
0x74e: {  	v16 =	vmul.f32 $2.550000000e+02, v16;
	v35 =	vadd.s32 v6, v31;
	v29 =	vmul.f32 v29, v36;
	v19 =	vld.idx.msk [tilespmem:v19+s10+$0x0], $0xffff  }
0x74f: {  	s8 =	sadd.s32 $0x20, s8;
	v36 =	vmul.f32 $2.550000000e+02, v12;
	v21 =	vmul.f32 v30, v21;
	v26 =	vadd.f32 v34, v26;
	v38 =	vld [tilespmem:s21+$0xFFFFFFE0]  }
0x750: {  	v14 =	vadd.f32 v14, v22;
	v24 =	vadd.s32 v6, v24;
	v22 =	vmul.f32 v25, v37;
	v12 =	vld [tilespmem:s8+$0x0]  }
0x751: {  	v25 =	vadd.s32 v7, v31;
	[tilespmem:s31+$0x0] =	vst v16;
	v28 =	vld.idx.msk [tilespmem:v28+s10+$0x0], $0xffff;
	v37 =	vsub.f32 $1.000000000e+00, v32;
	v16 =	vadd.f32 v21, v29  }
0x752: {  	v14 =	vmul.f32 v14, v4;
	v22 =	vadd.f32 v23, v22;
	v23 =	vmul.f32 v26, v5;
	v21 =	vld [tilespmem:s23+$0x10]  }
0x753: {  	v29 =	vadd.s32 v7, v27;
	v39 =	vmul.f32 v33, v32;
	v26 =	vld [tilespmem:s24+$0x10];
	v16 =	vmul.f32 v16, v4  }
0x754: {  	v19 =	vmul.f32 v19, v32;
	v22 =	vmul.f32 v22, v5;
	[tilespmem:s31+$0xFFFFFFC0] =	vst v36;
	v30 =	vld.idx.msk [tilespmem:v35+s10+$0x0], $0xffff  }
0x755: {  	v27 =	vadd.s32 v6, v27;
	v31 =	vshrl.u32 v12, $0x8;
	v24 =	vld.idx.msk [tilespmem:v24+s10+$0x0], $0xffff;
	v23 =	vadd.f32 v23, v16  }
0x756: {  	v16 =	vshrl.u32 v12, $0x10;
	v14 =	vadd.f32 v22, v14;
	v32 =	vld [tilespmem:s23+$0xFFFFFFD0]  }
0x757: {  	v33 =	vand.u32 $0xFF, v17;
	v22 =	vshrl.u32 v10, $0x8;
	v17 =	vmovc v31;
	v25 =	vld.idx.msk [tilespmem:v25+s10+$0x0], $0xffff;
	v23 =	vmul.f32 $3.921568860e-03, v23  }
0x758: {  	v36 =	vsub.f32 $1.000000000e+00, v38;
	v35 =	vadd.s32 v33, v21;
	v14 =	vmul.f32 $3.921568860e-03, v14;
	v34 =	vld [tilespmem:s24+$0xFFFFFFD0]  }
0x759: {  	v22 =	vand.u32 $0xFF, v22;
	v40 =	vadd.s32 v7, v35;
	v29 =	vld.idx.msk [tilespmem:v29+s10+$0x0], $0xffff;
	v21 =	vmul.f32 $2.550000000e+02, v23  }
0x75a: {  	v23 =	vadd.s32 v33, v26;
	v26 =	vmul.f32 v30, v36;
	v14 =	vmul.f32 $2.550000000e+02, v14;
	v27 =	vld.idx.msk [tilespmem:v27+s10+$0x0], $0xffff  }
0x75b: {  	v31 =	vld [tilespmem:s0+$0xFFFFFFC0];
	v30 =	vadd.s32 v22, v32;
	v32 =	vadd.s32 v7, v23;
	[tilespmem:s20+$0x30] =	vst v21  }
0x75c: {  	v28 =	vmul.f32 v28, v38;
	v33 =	vadd.s32 v6, v35;
	v21 =	vld [tilespmem:s1+$0x10];
	[tilespmem:s20+$0xFFFFFFF0] =	vst v14;
	s20 =	smov.u32 s26;
	s26 =	smov.u32 s31  }
0x75d: {  	v35 =	vadd.s32 v6, v30;
	v36 =	vmul.f32 v25, v36;
	v14 =	vld [tilespmem:s8+$0xFFFFFFF0]  }
0x75e: {  	v41 =	vadd.s32 v7, v30;
	v34 =	vadd.s32 v22, v34;
	v22 =	vmul.f32 v24, v38;
	v25 =	vld.idx.msk [tilespmem:v40+s10+$0x0], $0xffff  }
.Ltmp60:
0x75f: {  	v30 =	vadd.s32 v6, v23;
	v36 =	vadd.f32 v28, v36;
	v29 =	vmul.f32 v29, v37;
	v24 =	vld [tilespmem:s1+$0xFFFFFFD0];
	(pc) =	sbr.rel @p0 .LBB2_83-.Ltmp60, $4  }
0x760: {  	v27 =	vmul.f32 v27, v37;
	v28 =	vld.idx.msk [tilespmem:v32+s10+$0x0], $0xffff;
	v32 =	vadd.f32 v22, v26  }
0x761: {  	v26 =	vadd.f32 v19, v29;
	v22 =	vld.idx.msk [tilespmem:v33+s10+$0x0], $0xffff;
	v23 =	vsub.f32 $1.000000000e+00, v21;
	v33 =	vmul.f32 v36, v4  }
0x762: {  	v27 =	vadd.f32 v39, v27;
	v19 =	vshrl.u32 v14, $0x10;
	v29 =	vld.idx.msk [tilespmem:v35+s10+$0x0], $0xffff;
	v35 =	vmul.f32 v32, v5  }
0x763: {  	v32 =	vld.idx.msk [tilespmem:v41+s10+$0x0], $0xffff  }
0x764: {  	v36 =	vand.u32 $0xFF, v12  }
0x765: {  	v37 =	vand.u32 $0xFF, v14;
	v18 =	vadd.s32 v36, v18  }
0x766: {  	v38 =	vld [tilespmem:s28+$0xFFFFFFC0];
	v31 =	vadd.s32 v37, v31;
	v39 =	vadd.s32 v7, v18  }
0x767: {  	v20 =	vadd.s32 v20, v36;
	v58 =	vadd.s32 v7, v31  }
0x768: {  	s1 =	sadd.s32 $0x80, s1;
	v30 =	vld.idx.msk [tilespmem:v30+s10+$0x0], $0xffff;
	v40 =	vadd.s32 v6, v20  }
0x769: {  	v41 =	vld [tilespmem:s1+$0xFFFFFFC0];
	v20 =	vadd.s32 v7, v20  }
0x76a: {  	v42 =	vld [tilespmem:s1+$0x0];
	v18 =	vadd.s32 v6, v18  }
0x76b: {  	v31 =	vadd.s32 v6, v31;
	v37 =	vadd.s32 v38, v37;
	v59 =	vld.idx.msk [tilespmem:v39+s10+$0x0], $0xffff  }
0x76c: {  	v60 =	vadd.s32 v6, v37;
	v36 =	vld.idx.msk [tilespmem:v58+s10+$0x0], $0xffff  }
0x76d: {  	v37 =	vadd.s32 v7, v37;
	v40 =	vld.idx.msk [tilespmem:v40+s10+$0x0], $0xffff  }
0x76e: {  	v25 =	vmul.f32 v25, v21;
	v28 =	vmul.f32 v28, v23;
	v20 =	vld.idx.msk [tilespmem:v20+s10+$0x0], $0xffff  }
0x76f: {  	v18 =	vld.idx.msk [tilespmem:v18+s10+$0x0], $0xffff  }
0x770: {  	v43 =	vadd.s32 v6, v34;
	v61 =	vadd.s32 v7, v34;
	v25 =	vadd.f32 v25, v28;
	v31 =	vld.idx.msk [tilespmem:v31+s10+$0x0], $0xffff  }
0x771: {  	v56 =	vmul.f32 v22, v21;
	v53 =	vmul.f32 v30, v23;
	v44 =	vsub.f32 $1.000000000e+00, v42;
	v39 =	vld.idx.msk [tilespmem:v60+s10+$0x0], $0xffff  }
0x772: {  	v45 =	vmul.f32 v29, v24;
	v25 =	vmul.f32 v25, v4;
	v37 =	vld.idx.msk [tilespmem:v37+s10+$0x0], $0xffff  }
0x773: {  	v21 =	vadd.f32 v56, v53;
	v40 =	vmul.f32 v40, v44;
	v20 =	vmul.f32 v20, v44  }
0x774: {  	v38 =	vmul.f32 v59, v42;
	v18 =	vmul.f32 v18, v42  }
0x775: {  	v62 =	vld.idx.msk [tilespmem:v43+s10+$0x0], $0xffff;
	v63 =	vsub.f32 $1.000000000e+00, v41;
	v21 =	vmul.f32 v21, v5;
	v36 =	vmul.f32 v36, v41  }
0x776: {  	v34 =	vld.idx.msk [tilespmem:v61+s10+$0x0], $0xffff;
	v31 =	vmul.f32 v31, v41;
	v20 =	vadd.f32 v38, v20;
	v18 =	vadd.f32 v18, v40  }
0x777: {  	v21 =	vadd.f32 v21, v25;
	v37 =	vmul.f32 v37, v63;
	v43 =	vmul.f32 v39, v63  }
0x778: {  	v44 =	vsub.f32 $1.000000000e+00, v24;
	v20 =	vmul.f32 v20, v4;
	v18 =	vmul.f32 v18, v5  }
0x779: {  	v32 =	vmul.f32 v32, v24;
	v21 =	vmul.f32 $3.921568860e-03, v21;
	v46 =	vadd.f32 v31, v43  }
0x77a: {  	v47 =	vmul.f32 v62, v44;
	v36 =	vadd.f32 v36, v37;
	v18 =	vadd.f32 v18, v20  }
0x77b: {  	v48 =	vmul.f32 v34, v44;
	v29 =	vmul.f32 v46, v5  }
0x77c: {  	v24 =	vadd.f32 v45, v47;
	v49 =	vmul.f32 v36, v4;
	v18 =	vmul.f32 $3.921568860e-03, v18  }
0x77d: {  	v50 =	vadd.f32 v35, v33;
	v21 =	vmul.f32 $2.550000000e+02, v21;
	v20 =	vadd.f32 v32, v48  }
0x77e: {  	v24 =	vmul.f32 v24, v5;
	v29 =	vadd.f32 v29, v49;
	v18 =	vmul.f32 $2.550000000e+02, v18  }
0x77f: {  	s0 =	sadd.s32 $0x400, s31;
	[tilespmem:s31+$0x10] =	vst v21;
	v31 =	vmul.f32 $3.921568860e-03, v50;
	v20 =	vmul.f32 v20, v4  }
0x780: {  	v47 =	vld [tilespmem:s24+$0x20];
	v29 =	vmul.f32 $3.921568860e-03, v29;
	[tilespmem:s0+$0x0] =	vst v18  }
0x781: {  	v31 =	vmul.f32 $2.550000000e+02, v31;
	v20 =	vadd.f32 v24, v20;
	v18 =	vld [tilespmem:s29+$0x10]  }
0x782: {  	v52 =	vld [tilespmem:s28+$0x10];
	v51 =	vmul.f32 $2.550000000e+02, v29  }
0x783: {  	v46 =	vld [tilespmem:s23+$0x20];
	[tilespmem:s20+$0xFFFFFFE0] =	vst v31;
	v20 =	vmul.f32 $3.921568860e-03, v20  }
0x784: {  	v54 =	vld [tilespmem:s22+$0xFFFFFFF0];
	[tilespmem:s0+$0xFFFFFFC0] =	vst v51  }
0x785: {  	v17 =	vand.u32 $0xFF, v17;
	v20 =	vmul.f32 $2.550000000e+02, v20;
	v24 =	vld [tilespmem:s29+$0xFFFFFFD0]  }
0x786: {  	v61 =	vld [tilespmem:s1+$0x10];
	v18 =	vadd.s32 v17, v18  }
0x787: {  	[tilespmem:s26+$0xFFFFFFD0] =	vst v20;
	v58 =	vld [tilespmem:s28+$0xFFFFFFD0];
	v17 =	vadd.s32 v17, v52;
	v55 =	vadd.s32 v7, v18  }
0x788: {  	v57 =	vshrl.u32 v14, $0x8;
	v59 =	vld [tilespmem:s24+$0xFFFFFFE0];
	v29 =	vadd.s32 v7, v17  }
0x789: {  	v20 =	vand.u32 $0xFF, v57;
	v60 =	vld [tilespmem:s23+$0xFFFFFFE0];
	v18 =	vadd.s32 v6, v18  }
0x78a: {  	v63 =	vld [tilespmem:s1+$0xFFFFFFD0];
	v17 =	vadd.s32 v6, v17;
	v24 =	vadd.s32 v20, v24  }
0x78b: {  	v48 =	vld [tilespmem:s30+$0xFFFFFFE0];
	v62 =	vadd.s32 v6, v24  }
0x78c: {  	v26 =	vmul.f32 v26, v4;
	v20 =	vadd.s32 v20, v58;
	v24 =	vadd.s32 v7, v24;
	v31 =	vld.idx.msk [tilespmem:v55+s10+$0x0], $0xffff  }
0x78d: {  	v27 =	vmul.f32 v27, v5;
	v15 =	vand.u32 $0xFF, v15;
	v40 =	vadd.s32 v7, v20;
	v39 =	vld.idx.msk [tilespmem:v29+s10+$0x0], $0xffff  }
0x78e: {  	v23 =	vadd.s32 v15, v60;
	v20 =	vadd.s32 v6, v20;
	v18 =	vld.idx.msk [tilespmem:v18+s10+$0x0], $0xffff  }
0x78f: {  	v26 =	vadd.f32 v27, v26;
	v15 =	vadd.s32 v15, v59;
	v41 =	vadd.s32 v7, v23;
	v17 =	vld.idx.msk [tilespmem:v17+s10+$0x0], $0xffff  }
0x790: {  	v44 =	vadd.s32 v6, v15;
	v33 =	vld.idx.msk [tilespmem:v62+s10+$0x0], $0xffff  }
0x791: {  	v26 =	vmul.f32 $3.921568860e-03, v26;
	v15 =	vadd.s32 v7, v15;
	v24 =	vld.idx.msk [tilespmem:v24+s10+$0x0], $0xffff  }
0x792: {  	v43 =	vshrl.u32 v11, $0x18;
	v45 =	vsub.f32 $1.000000000e+00, v61;
	v23 =	vadd.s32 v6, v23;
	v42 =	vld.idx.msk [tilespmem:v40+s10+$0x0], $0xffff  }
0x793: {  	v13 =	vand.u32 $0xFF, v13;
	v30 =	vadd.s32 v43, v54;
	v57 =	vmul.f32 $2.550000000e+02, v26;
	v20 =	vld.idx.msk [tilespmem:v20+s10+$0x0], $0xffff  }
0x794: {  	v54 =	vadd.s32 v7, v30;
	v27 =	vld.idx.msk [tilespmem:v41+s10+$0x0], $0xffff;
	v31 =	vmul.f32 v31, v61;
	v25 =	vmul.f32 v39, v45  }
0x795: {  	v49 =	vsub.f32 $1.000000000e+00, v63;
	v50 =	vld.idx.msk [tilespmem:v44+s10+$0x0], $0xffff;
	v17 =	vmul.f32 v17, v45;
	v18 =	vmul.f32 v18, v61  }
0x796: {  	v59 =	vsub.f32 $1.000000000e+00, v48;
	v55 =	vadd.s32 v13, v46;
	v15 =	vld.idx.msk [tilespmem:v15+s10+$0x0], $0xffff;
	v25 =	vadd.f32 v31, v25  }
0x797: {  	v23 =	vld.idx.msk [tilespmem:v23+s10+$0x0], $0xffff;
	v51 =	vadd.f32 v18, v17;
	v24 =	vmul.f32 v24, v63;
	v22 =	vmul.f32 v33, v63  }
0x798: {  	v62 =	vadd.s32 v13, v47;
	v52 =	vmul.f32 v20, v49;
	v53 =	vmul.f32 v42, v49  }
0x799: {  	v39 =	vadd.s32 v6, v62;
	v25 =	vmul.f32 v25, v4;
	v56 =	vmul.f32 v51, v5  }
0x79a: {  	v38 =	vld [tilespmem:s30+$0x20];
	v31 =	vmul.f32 v50, v59;
	v27 =	vmul.f32 v27, v48;
	v17 =	vadd.f32 v22, v52  }
0x79b: {  	v11 =	vld [tilespmem:s21+$0xFFFFFFF0];
	v15 =	vmul.f32 v15, v59;
	v18 =	vadd.f32 v24, v53;
	v25 =	vadd.f32 v56, v25  }
0x79c: {  	v60 =	vld [tilespmem:s25+$0xFFFFFFF0];
	v58 =	vadd.s32 v6, v55;
	v37 =	vmul.f32 v23, v48;
	v17 =	vmul.f32 v17, v5  }
0x79d: {  	[tilespmem:s20+$0x20] =	vst v57;
	v13 =	vld.idx.msk [tilespmem:v54+s10+$0x0], $0xffff;
	v18 =	vmul.f32 v18, v4;
	v25 =	vmul.f32 $3.921568860e-03, v25  }
0x79e: {  	v47 =	vld [tilespmem:s22+$0x30];
	v61 =	vadd.s32 v7, v55;
	v15 =	vadd.f32 v27, v15  }
0x79f: {  	v63 =	vld [tilespmem:s25+$0x30];
	v20 =	vadd.f32 v37, v31;
	v17 =	vadd.f32 v17, v18;
	v25 =	vmul.f32 $2.550000000e+02, v25  }
0x7a0: {  	v35 =	vadd.s32 v7, v62;
	v26 =	vld.idx.msk [tilespmem:v39+s10+$0x0], $0xffff;
	v15 =	vmul.f32 v15, v4  }
0x7a1: {  	v24 =	vld.idx.msk [tilespmem:v58+s10+$0x0], $0xffff;
	v20 =	vmul.f32 v20, v5;
	v17 =	vmul.f32 $3.921568860e-03, v17;
	[tilespmem:s0+$0x10] =	vst v25  }
0x7a2: {  	v21 =	vadd.s32 v43, v60;
	v41 =	vld [tilespmem:s29+$0x20]  }
0x7a3: {  	v42 =	vadd.s32 v7, v21;
	v22 =	vld.idx.msk [tilespmem:v61+s10+$0x0], $0xffff;
	v15 =	vadd.f32 v20, v15;
	v17 =	vmul.f32 $2.550000000e+02, v17  }
0x7a4: {  	v46 =	vld [tilespmem:s28+$0x20]  }
0x7a5: {  	v18 =	vld.idx.msk [tilespmem:v35+s10+$0x0], $0xffff;
	v15 =	vmul.f32 $3.921568860e-03, v15;
	[tilespmem:s0+$0xFFFFFFD0] =	vst v17  }
0x7a6: {  	v16 =	vand.u32 $0xFF, v16;
	v45 =	vsub.f32 $1.000000000e+00, v38;
	v17 =	vld [tilespmem:s29+$0xFFFFFFE0]  }
0x7a7: {  	v15 =	vmul.f32 $2.550000000e+02, v15;
	v43 =	vld [tilespmem:s28+$0xFFFFFFE0];
	v27 =	vadd.s32 v16, v41  }
0x7a8: {  	v19 =	vand.u32 $0xFF, v19;
	v28 =	vld.idx.msk [tilespmem:v42+s10+$0x0], $0xffff;
	v50 =	vmul.f32 v26, v45;
	v44 =	vadd.s32 v6, v27  }
0x7a9: {  	v24 =	vmul.f32 v24, v38;
	v53 =	vld [tilespmem:s1+$0x20];
	[tilespmem:s26+$0xFFFFFFE0] =	vst v15;
	v16 =	vadd.s32 v16, v46;
	v55 =	vadd.s32 v7, v27  }
0x7aa: {  	v22 =	vmul.f32 v22, v38;
	v18 =	vmul.f32 v18, v45;
	v51 =	vld [tilespmem:s24+$0xFFFFFFF0];
	v57 =	vadd.s32 v7, v16  }
0x7ab: {  	v20 =	vadd.f32 v24, v50;
	v56 =	vld [tilespmem:s1+$0xFFFFFFE0];
	v16 =	vadd.s32 v6, v16;
	v17 =	vadd.s32 v19, v17  }
0x7ac: {  	v18 =	vadd.f32 v22, v18;
	v62 =	vld [tilespmem:s23+$0xFFFFFFF0];
	v48 =	vadd.s32 v19, v43;
	v49 =	vadd.s32 v7, v17  }
0x7ad: {  	v52 =	vadd.s32 v6, v48;
	v54 =	vld.idx.msk [tilespmem:v44+s10+$0x0], $0xffff  }
0x7ae: {  	v20 =	vmul.f32 v20, v5;
	v18 =	vmul.f32 v18, v4;
	v17 =	vadd.s32 v6, v17;
	v24 =	vld.idx.msk [tilespmem:v55+s10+$0x0], $0xffff  }
0x7af: {  	v15 =	vadd.s32 v7, v48;
	v29 =	vld.idx.msk [tilespmem:v57+s10+$0x0], $0xffff  }
0x7b0: {  	v40 =	vadd.s32 v6, v30;
	v18 =	vadd.f32 v20, v18;
	v16 =	vld.idx.msk [tilespmem:v16+s10+$0x0], $0xffff  }
0x7b1: {  	v8 =	vshrl.u32 v8, $0x18;
	v21 =	vadd.s32 v6, v21;
	v19 =	vld.idx.msk [tilespmem:v49+s10+$0x0], $0xffff  }
0x7b2: {  	v58 =	vadd.s32 v8, v63;
	v8 =	vadd.s32 v8, v47;
	v18 =	vmul.f32 $3.921568860e-03, v18;
	v26 =	vld.idx.msk [tilespmem:v52+s10+$0x0], $0xffff  }
0x7b3: {  	v60 =	vadd.s32 v6, v8;
	v36 =	vsub.f32 $1.000000000e+00, v53;
	v17 =	vld.idx.msk [tilespmem:v17+s10+$0x0], $0xffff  }
0x7b4: {  	v10 =	vshrl.u32 v10, $0x18;
	v8 =	vadd.s32 v7, v8;
	v18 =	vmul.f32 $2.550000000e+02, v18;
	v15 =	vld.idx.msk [tilespmem:v15+s10+$0x0], $0xffff  }
0x7b5: {  	v31 =	vadd.s32 v7, v58;
	v25 =	vld.idx.msk [tilespmem:v40+s10+$0x0], $0xffff;
	v38 =	vmul.f32 v24, v53;
	v40 =	vmul.f32 v29, v36  }
0x7b6: {  	v21 =	vld.idx.msk [tilespmem:v21+s10+$0x0], $0xffff;
	v61 =	vsub.f32 $1.000000000e+00, v56;
	v22 =	vmul.f32 v54, v53;
	v16 =	vmul.f32 v16, v36  }
0x7b7: {  	v37 =	vld [tilespmem:s21+$0x30];
	v59 =	vadd.s32 v6, v58;
	v23 =	vadd.s32 v10, v51;
	[tilespmem:s26+$0x20] =	vst v18;
	v18 =	vadd.f32 v38, v40  }
0x7b8: {  	v63 =	vld.idx.msk [tilespmem:v60+s10+$0x0], $0xffff;
	v16 =	vadd.f32 v22, v16;
	v26 =	vmul.f32 v26, v61;
	v19 =	vmul.f32 v19, v56  }
0x7b9: {  	v8 =	vld.idx.msk [tilespmem:v8+s10+$0x0], $0xffff;
	v10 =	vadd.s32 v10, v62;
	v15 =	vmul.f32 v15, v61;
	v17 =	vmul.f32 v17, v56  }
0x7ba: {  	v41 =	vld.idx.msk [tilespmem:v31+s10+$0x0], $0xffff;
	v42 =	vadd.s32 v7, v10;
	v18 =	vmul.f32 v18, v4;
	v16 =	vmul.f32 v16, v5  }
0x7bb: {  	v10 =	vadd.s32 v6, v10;
	v39 =	vld [tilespmem:s24+$0x30];
	v15 =	vadd.f32 v19, v15  }
0x7bc: {  	v20 =	vld.idx.msk [tilespmem:v59+s10+$0x0], $0xffff;
	v43 =	vadd.s32 v7, v23;
	v17 =	vadd.f32 v17, v26;
	v16 =	vadd.f32 v16, v18  }
0x7bd: {  	v23 =	vadd.s32 v6, v23;
	v44 =	vld [tilespmem:s23+$0x30];
	v15 =	vmul.f32 v15, v4  }
0x7be: {  	v30 =	vld [tilespmem:s30+$0x30];
	v17 =	vmul.f32 v17, v5;
	v16 =	vmul.f32 $3.921568860e-03, v16  }
0x7bf: {  	v9 =	vshrl.u32 v9, $0x18;
	v46 =	vld.idx.msk [tilespmem:v42+s10+$0x0], $0xffff  }
0x7c0: {  	v10 =	vld.idx.msk [tilespmem:v10+s10+$0x0], $0xffff;
	v19 =	vadd.s32 v9, v39;
	v15 =	vadd.f32 v17, v15;
	v16 =	vmul.f32 $2.550000000e+02, v16  }
0x7c1: {  	v47 =	vld.idx.msk [tilespmem:v43+s10+$0x0], $0xffff;
	v45 =	vadd.s32 v6, v19  }
0x7c2: {  	v23 =	vld.idx.msk [tilespmem:v23+s10+$0x0], $0xffff;
	v9 =	vadd.s32 v9, v44;
	v15 =	vmul.f32 $3.921568860e-03, v15;
	[tilespmem:s0+$0x20] =	vst v16  }
0x7c3: {  	v49 =	vadd.s32 v6, v9;
	v56 =	vld [tilespmem:s28+$0x30]  }
0x7c4: {  	v58 =	vld [tilespmem:s29+$0x30];
	v15 =	vmul.f32 $2.550000000e+02, v15  }
0x7c5: {  	v13 =	vmul.f32 v13, v11;
	v8 =	vmul.f32 v8, v37;
	v24 =	vld [tilespmem:s30+$0xFFFFFFF0];
	v19 =	vadd.s32 v7, v19  }
0x7c6: {  	v51 =	vsub.f32 $1.000000000e+00, v37;
	v48 =	vsub.f32 $1.000000000e+00, v11;
	v9 =	vadd.s32 v7, v9;
	v31 =	vld.idx.msk [tilespmem:v45+s10+$0x0], $0xffff;
	[tilespmem:s0+$0xFFFFFFE0] =	vst v15  }
0x7c7: {  	v62 =	vshrl.u32 v12, $0x18;
	v11 =	vmul.f32 v25, v11;
	v55 =	vmul.f32 v63, v37;
	v50 =	vld [tilespmem:s29+$0xFFFFFFF0]  }
0x7c8: {  	v57 =	vshrl.u32 v14, $0x18;
	v52 =	vmul.f32 v28, v48;
	v59 =	vld.idx.msk [tilespmem:v49+s10+$0x0], $0xffff;
	v33 =	vadd.s32 v62, v56  }
0x7c9: {  	v26 =	vmul.f32 v41, v51;
	v53 =	vld [tilespmem:s28+$0xFFFFFFF0];
	v12 =	vadd.s32 v62, v58;
	v35 =	vadd.s32 v6, v33  }
0x7ca: {  	v54 =	vmul.f32 v20, v51;
	v42 =	vsub.f32 $1.000000000e+00, v30;
	v19 =	vld.idx.msk [tilespmem:v19+s10+$0x0], $0xffff;
	v37 =	vadd.s32 v6, v12  }
0x7cb: {  	v40 =	vsub.f32 $1.000000000e+00, v24;
	v8 =	vadd.f32 v8, v26;
	v9 =	vld.idx.msk [tilespmem:v9+s10+$0x0], $0xffff;
	v39 =	vadd.s32 v7, v33  }
0x7cc: {  	v10 =	vmul.f32 v10, v24;
	v36 =	vld [tilespmem:s1+$0x30];
	v41 =	vadd.s32 v7, v12;
	v60 =	vadd.s32 v57, v50  }
0x7cd: {  	v44 =	vmul.f32 v46, v24;
	v8 =	vmul.f32 v8, v4;
	v34 =	vld [tilespmem:s1+$0xFFFFFFF0];
	v61 =	vadd.s32 v7, v60  }
0x7ce: {  	v16 =	vadd.f32 v55, v54;
	v14 =	vadd.s32 v57, v53;
	v22 =	vadd.s32 v6, v60;
	v46 =	vld.idx.msk [tilespmem:v35+s10+$0x0], $0xffff  }
0x7cf: {  	v45 =	vmul.f32 v47, v40;
	v15 =	vmul.f32 v21, v48;
	v63 =	vadd.s32 v7, v14;
	v48 =	vld.idx.msk [tilespmem:v37+s10+$0x0], $0xffff  }
0x7d0: {  	v49 =	vmul.f32 v23, v40;
	v16 =	vmul.f32 v16, v5;
	v43 =	vadd.s32 v6, v14;
	v21 =	vld.idx.msk [tilespmem:v39+s10+$0x0], $0xffff  }
0x7d1: {  	v13 =	vadd.f32 v13, v52;
	v47 =	vmul.f32 v31, v42;
	v20 =	vmul.f32 v59, v30;
	v7 =	vld.idx.msk [tilespmem:v41+s10+$0x0], $0xffff  }
0x7d2: {  	v10 =	vadd.f32 v10, v49;
	v9 =	vmul.f32 v9, v30;
	v12 =	vmul.f32 v19, v42;
	v38 =	vld.idx.msk [tilespmem:v61+s10+$0x0], $0xffff  }
0x7d3: {  	v13 =	vmul.f32 v13, v4;
	v8 =	vadd.f32 v16, v8;
	v11 =	vadd.f32 v11, v15;
	v22 =	vld.idx.msk [tilespmem:v22+s10+$0x0], $0xffff  }
0x7d4: {  	v10 =	vmul.f32 v10, v5;
	v18 =	vadd.f32 v20, v47;
	v9 =	vadd.f32 v9, v12;
	v25 =	vld.idx.msk [tilespmem:v63+s10+$0x0], $0xffff  }
0x7d5: {  	v8 =	vmul.f32 $3.921568860e-03, v8;
	v11 =	vmul.f32 v11, v5;
	v50 =	vsub.f32 $1.000000000e+00, v36;
	v6 =	vld.idx.msk [tilespmem:v43+s10+$0x0], $0xffff  }
0x7d6: {  	v18 =	vmul.f32 v18, v5;
	v9 =	vmul.f32 v9, v4  }
0x7d7: {  	v17 =	vmul.f32 v46, v50;
	v53 =	vmul.f32 v48, v36  }
0x7d8: {  	v52 =	vsub.f32 $1.000000000e+00, v34;
	v54 =	vmul.f32 v21, v50;
	v7 =	vmul.f32 v7, v36  }
0x7d9: {  	v11 =	vadd.f32 v11, v13;
	v16 =	vmul.f32 v38, v34;
	v51 =	vmul.f32 v22, v34  }
0x7da: {  	v13 =	vadd.f32 v44, v45;
	v55 =	vmul.f32 v25, v52;
	v6 =	vmul.f32 v6, v52  }
0x7db: {  	v11 =	vmul.f32 $3.921568860e-03, v11;
	v56 =	vadd.f32 v53, v17;
	v7 =	vadd.f32 v7, v54  }
0x7dc: {  	v13 =	vmul.f32 v13, v4;
	v57 =	vadd.f32 v16, v55;
	v6 =	vadd.f32 v51, v6  }
0x7dd: {  	v9 =	vadd.f32 v18, v9;
	v58 =	vmul.f32 v56, v5;
	v7 =	vmul.f32 v7, v4  }
0x7de: {  	v10 =	vadd.f32 v10, v13;
	v4 =	vmul.f32 v57, v4;
	v5 =	vmul.f32 v6, v5  }
0x7df: {  	v59 =	vmul.f32 $2.550000000e+02, v8;
	v60 =	vmul.f32 $3.921568860e-03, v9;
	v7 =	vadd.f32 v58, v7  }
0x7e0: {  	s19 =	sadd.s32 $0x1, s19;
	v61 =	vmul.f32 $2.550000000e+02, v11;
	v10 =	vmul.f32 $3.921568860e-03, v10;
	v4 =	vadd.f32 v5, v4  }
0x7e1: {  	p0 =	sne.s32 s19, $0x20;
	[tilespmem:s20+$0x30] =	vst v59;
	v62 =	vmul.f32 $3.921568860e-03, v7;
	v5 =	vmul.f32 $2.550000000e+02, v60  }
.Ltmp61:
0x7e2: {  	[tilespmem:s20+$0xFFFFFFF0] =	vst v61;
	v63 =	vmul.f32 $2.550000000e+02, v10;
	v4 =	vmul.f32 $3.921568860e-03, v4;
	(pc) =	sbr.rel @p0 .LBB2_82-.Ltmp61, $4  }
0x7e3: {  	[tilespmem:s26+$0x30] =	vst v5;
	v5 =	vmul.f32 $2.550000000e+02, v62  }
0x7e4: {  	[tilespmem:s26+$0xFFFFFFF0] =	vst v63;
	v4 =	vmul.f32 $2.550000000e+02, v4  }
0x7e5: {  	[tilespmem:s0+$0x30] =	vst v5  }
0x7e6: {  	s18 =	sadd.s32 $0x80, s18;
	s17 =	sadd.s32 $0x200, s17;
	s16 =	sadd.s32 $0x1, s16;
	[tilespmem:s0+$0xFFFFFFF0] =	vst v4  }
0x7e7: {  	s0 =	sshll.u32 s13, $0xE  }
0x7e8: {  	s13 =	sadd.s32 $0x1, s13;
	s0 =	sadd.s32 s7, s0  }
0x7e9: {  	p0 =	sne.s32 s13, $0x10;
	s0 =	sshrl.u32 s0, $0x3  }
.Ltmp62:
0x7ea: {  	s0 =	sadd.s32 s3, s0;
	(pc) =	sbr.rel @p0 .LBB2_81-.Ltmp62, $4  }
0x7eb: {  	[hbm4b:s0+s4] =	stream.linear.scatter [tilespmem:s11], [sflag:$0x1], $0x4000, $0x38;
	[tilespmem:$0x1D700] =	vst v63  }
0x7ec: {  	_ =	swait.ge [sflag:s9], $0x4000  }
0x7ed: {  	[sflag:s9] =	ssyncset.done $0x0  }
0x7ee: {  	s14 =	sadd.s32 $0x1000, s14;
	[sflag:s9] =	ssyncadd.s32 $0xFFFFC000  }
0x7ef: {  	s1 =	rddreg [dreg:$0x4]  }
0x7f0: {  	s0 =	rddreg [dreg:$0x3];
	s1 =	sadd.s32 $0x1, s1  }
0x7f1: {  	p0 =	sne.s32 s1, s0  }
.Ltmp63:
0x7f2: {  	_ = 	snop;
	(pc) =	sbr.rel @p0 .LBB2_1-.Ltmp63, $1  }
0x7f3: {  	_ =	sdelay $0x3  }
0x7f4: {  	_ =	sfence.sel $0x180000  }
0x7f5: {  	[bflag:$0x0] =	sbarrier.arrive $0xFFFF  }
0x7f6: {  	_ =	strace $0x90000047  }
0x7f7: {  	s0 =	stileid.u32;
	[bflag:$0x2] =	sbarrier.arrive $0xFFFF  }
0x7f8: {  	p0 =	sne.s32 s0, $0x0;
	s0 =	rddreg [dreg:$0x2]  }
0x7f9: {  	s0 =	sadd.s32 @!p0 $0x100000, s0  }
0x7fa: {  	[sflag:s0] =	ssyncadd.tile.s32 @!p0 $0x1;
	_ =	shalt  }
.Lfunc_end2:
_tile_overlayer_lowered:
.L_overlay_start_2:
0x7fb: {  	(tag) =	ssettag $0x2  }
0x7fc: {  	s0 =	rddreg [dreg:$0x0];
	s2 =	stileid.u32  }
0x7fd: {  	s1 =	rddreg [dreg:$0x1];
	p0 =	sne.s32 s2, $0x0  }
0x7fe: {  	s3 =	rddreg [dreg:$0x2];
	[bflag:$0x3] =	sbarrier.arrive $0xFFFF;
	s2 =	simm.s32 @!p0 $0x1C01  }
0x7ff: {  	[timem:s3], [sflag:s2] =	dma.local @!p0 [hbm:s0], s1  }
0x800: {  	s0 =	simm.s32 @!p0 $0x1  }
0x801: {  	_ =	swait.ge @!p0 [sflag:s0], s1  }
0x802: {  	s1 =	ssub.s32 @!p0 $0x0, s1;
	[sflag:s0] =	ssyncset.done @!p0 $0x0  }
0x803: {  	[sflag:s0] =	ssyncadd.s32 @!p0 s1  }
0x804: {  	[bflag:$0x3] =	sbarrier.arrive $0xFFFF  }
0x805: {  	_ =	shalt  }

</sc_bundles>
